<compile_context>
chip_gen: v7x
topology: tpu7x:2x2x1
jax: 0.10.2.dev20260603
libtpu: 0.0.44.dev20260713+nightly
codegen_flags: <defaults>
</compile_context>

<pallas_src>
import functools

import jax
import jax.numpy as jnp
import numpy as np
from jax import lax
from jax.experimental import pallas as pl
from jax.experimental.pallas import tpu as pltpu
from jax.experimental.pallas import tpu_sc as plsc

G = 64
G3 = G ** 3
NW = 32


def _make_offs():
    return np.array([[dx, dy, dz]
                     for dx in range(-1, 2)
                     for dy in range(-1, 2)
                     for dz in range(-1, 2)], dtype=np.int32)


_OFFS = _make_offs()
_CHILD = np.array([[a, b, c] for a in (0, 1) for b in (0, 1) for c in (0, 1)],
                  dtype=np.int32)


def _pick_cs(per_w, width, stage_bytes_per_tile=0):
    budget = 505_000 - stage_bytes_per_tile
    cap = min(budget // (8 * width + 12), 1100)
    best = 8
    for d in range(8, cap + 1, 8):
        if per_w % (2 * d) == 0:
            best = d
    return best


def _sc_gather(lut, keys, table, width):
    kd = keys.shape[0]
    per_w = kd // NW
    tr = table.shape[0]
    lr = lut.shape[0]
    stage = width == 32 and tr % 128 == 0
    tbytes = (tr * width * 4) // 16 if stage else 0
    stage_lut = stage and _pick_cs(per_w, width,
                                   stage_bytes_per_tile=tbytes + 4 * lr // 16
                                   ) >= 200
    cs = _pick_cs(per_w, width,
                  stage_bytes_per_tile=tbytes + (4 * lr // 16 if stage_lut
                                                 else 0))
    nch = per_w // cs
    if stage:
        rps = tr // 16
        scs = max(d for d in range(8, cs + 1, 8) if rps % d == 0)
        snch = rps // scs
    if stage_lut:
        lps = lr // 16
        lnch = lps // 1024
    mesh = plsc.VectorSubcoreMesh(core_axis_name="c", subcore_axis_name="s")

    scratch = [
        pltpu.VMEM((cs,), jnp.int32),
        pltpu.VMEM((cs,), jnp.int32),
        pltpu.VMEM((cs,), jnp.int32),
        pltpu.VMEM((cs, width), jnp.float32),
        pltpu.VMEM((cs, width), jnp.float32),
        pltpu.SemaphoreType.DMA,
        pltpu.SemaphoreType.DMA,
        pltpu.SemaphoreType.DMA,
    ]
    if stage:
        scratch.append(pltpu.VMEM_SHARED((tr, width), jnp.float32))
    if stage_lut:
        scratch.append(pltpu.VMEM((1024,), jnp.int32))
        scratch.append(pltpu.VMEM_SHARED((lr,), jnp.int32))

    @functools.partial(
        pl.kernel,
        out_type=jax.ShapeDtypeStruct((kd, width), jnp.float32),
        mesh=mesh,
        scratch_types=scratch,
        name=f"sc_double_gather_w{width}_{'sp' if stage else 'hbm'}",
        compiler_params=pltpu.CompilerParams(use_tc_tiling_on_sc=False),
    )
    def run(lut_hbm, keys_hbm, table_hbm, out_hbm, keys_v, idx0_v, idx1_v,
            rows0_v, rows1_v, sem_l, sem0, sem1, *sp):
        wid = lax.axis_index("s") * 2 + lax.axis_index("c")
        base = wid * per_w
        lut_src = lut_hbm
        if stage:
            table_src = sp[0]
            sid = lax.axis_index("s")

            def sbody(t, carry):
                r0 = sid * rps + t * scs
                pltpu.sync_copy(table_hbm.at[pl.ds(r0, scs), :],
                                rows0_v.at[pl.ds(0, scs), :])
                pltpu.sync_copy(rows0_v.at[pl.ds(0, scs), :],
                                table_src.at[pl.ds(r0, scs), :])
                return carry

            lax.fori_loop(0, snch, sbody, 0)
            if stage_lut:
                lbuf_v, lut_sp = sp[1], sp[2]

                def lbody(t, carry):
                    w0 = sid * lps + t * 1024
                    pltpu.sync_copy(lut_hbm.at[pl.ds(w0, 1024)], lbuf_v)
                    pltpu.sync_copy(lbuf_v, lut_sp.at[pl.ds(w0, 1024)])
                    return carry

                lax.fori_loop(0, lnch, lbody, 0)
                lut_src = lut_sp
            plsc.subcore_barrier()
        else:
            table_src = table_hbm

        def body(i, carry):
            off0 = base + 2 * i * cs
            off1 = off0 + cs
            pltpu.sync_copy(keys_hbm.at[pl.ds(off0, cs)], keys_v)
            pltpu.async_copy(lut_src.at[keys_v], idx0_v, sem_l).wait()
            g0 = pltpu.async_copy(table_src.at[idx0_v], rows0_v, sem0)
            pltpu.sync_copy(keys_hbm.at[pl.ds(off1, cs)], keys_v)
            pltpu.async_copy(lut_src.at[keys_v], idx1_v, sem_l).wait()
            g1 = pltpu.async_copy(table_src.at[idx1_v], rows1_v, sem1)
            g0.wait()
            pltpu.sync_copy(rows0_v, out_hbm.at[pl.ds(off0, cs), :])
            g1.wait()
            pltpu.sync_copy(rows1_v, out_hbm.at[pl.ds(off1, cs), :])
            return carry

        lax.fori_loop(0, nch // 2, body, 0)

    return run(lut, keys, table)


def _tc_conv(xg, w, b, n_valid=None, blk=512):
    k, d, c = xg.shape
    co = w.shape[-1]

    def body(xg_ref, w_ref, b_ref, o_ref):
        acc = jnp.zeros((blk, co), jnp.float32)
        for kk in range(k):
            acc = acc + jnp.dot(xg_ref[kk], w_ref[kk],
                                preferred_element_type=jnp.float32)
        acc = jnp.maximum(acc + b_ref[:], 0.0)
        if n_valid is not None:
            rows = (pl.program_id(0) * blk
                    + lax.broadcasted_iota(jnp.int32, (blk, 1), 0))
            acc = jnp.where(rows < n_valid, acc, 0.0)
        o_ref[...] = acc

    return pl.pallas_call(
        body,
        grid=(d // blk,),
        in_specs=[
            pl.BlockSpec((k, blk, c), lambda i: (0, i, 0)),
            pl.BlockSpec((k, c, co), lambda i: (0, 0, 0)),
            pl.BlockSpec((1, co), lambda i: (0, 0)),
        ],
        out_specs=pl.BlockSpec((blk, co), lambda i: (i, 0)),
        out_shape=jax.ShapeDtypeStruct((d, co), jnp.float32),
    )(xg, w, b.reshape(1, -1))


def _tc_childmean(xgc, cnt_inv, blk=512):
    k, d, c = xgc.shape

    def body(xg_ref, ci_ref, o_ref):
        acc = jnp.zeros((blk, c), jnp.float32)
        for j in range(k):
            acc = acc + xg_ref[j]
        o_ref[...] = acc * ci_ref[:]

    return pl.pallas_call(
        body,
        grid=(d // blk,),
        in_specs=[
            pl.BlockSpec((k, blk, c), lambda i: (0, i, 0)),
            pl.BlockSpec((blk, 1), lambda i: (i, 0)),
        ],
        out_specs=pl.BlockSpec((blk, c), lambda i: (i, 0)),
        out_shape=jax.ShapeDtypeStruct((d, c), jnp.float32),
    )(xgc, cnt_inv)


def _tc_conv2_heads(xg, w2, b2, wup, bup, wc, bc, filmw, filmb, blk=512):
    k, d, c = xg.shape
    co = w2.shape[-1]

    def body(xg_ref, w2_ref, b2_ref, wup_ref, bup_ref, wc_ref, bc_ref,
             fw_ref, fb_ref, o_ref):
        acc = jnp.zeros((blk, co), jnp.float32)
        for kk in range(k):
            acc = acc + jnp.dot(xg_ref[kk], w2_ref[kk],
                                preferred_element_type=jnp.float32)
        x2 = jnp.maximum(acc + b2_ref[:], 0.0)
        up = jnp.dot(x2, wup_ref[...],
                     preferred_element_type=jnp.float32) + bup_ref[:]
        cond = jnp.dot(x2, wc_ref[...],
                       preferred_element_type=jnp.float32) + bc_ref[:]
        gb = jnp.dot(cond, fw_ref[...],
                     preferred_element_type=jnp.float32) + fb_ref[:]
        o_ref[...] = jnp.concatenate([up, gb], axis=1)

    return pl.pallas_call(
        body,
        grid=(d // blk,),
        in_specs=[
            pl.BlockSpec((k, blk, c), lambda i: (0, i, 0)),
            pl.BlockSpec((k, c, co), lambda i: (0, 0, 0)),
            pl.BlockSpec((1, co), lambda i: (0, 0)),
            pl.BlockSpec((co, c), lambda i: (0, 0)),
            pl.BlockSpec((1, c), lambda i: (0, 0)),
            pl.BlockSpec((co, c), lambda i: (0, 0)),
            pl.BlockSpec((1, c), lambda i: (0, 0)),
            pl.BlockSpec((c, co), lambda i: (0, 0)),
            pl.BlockSpec((1, co), lambda i: (0, 0)),
        ],
        out_specs=pl.BlockSpec((blk, 3 * c), lambda i: (i, 0)),
        out_shape=jax.ShapeDtypeStruct((d, 3 * c), jnp.float32),
    )(xg, w2, b2.reshape(1, -1), wup, bup.reshape(1, -1), wc,
      bc.reshape(1, -1), filmw, filmb.reshape(1, -1))


def _tc_add_mask(x1, u, n_valid, blk=512):
    d, c = x1.shape

    def body(x_ref, u_ref, o_ref):
        rows = (pl.program_id(0) * blk
                + lax.broadcasted_iota(jnp.int32, (blk, 1), 0))
        s = x_ref[...] + u_ref[:, :c]
        o_ref[...] = jnp.where(rows < n_valid, s, 0.0)

    return pl.pallas_call(
        body,
        grid=(d // blk,),
        in_specs=[
            pl.BlockSpec((blk, c), lambda i: (i, 0)),
            pl.BlockSpec((blk, 3 * c), lambda i: (i, 0)),
        ],
        out_specs=pl.BlockSpec((blk, c), lambda i: (i, 0)),
        out_shape=jax.ShapeDtypeStruct((d, c), jnp.float32),
    )(x1, u)


def _tc_fuse(xg, wf, bf, u, wsem, bsem, n_valid, blk=512):
    k, d, c = xg.shape
    ns = wsem.shape[-1]

    def body(xg_ref, wf_ref, bf_ref, u_ref, ws_ref, bs_ref, sem_ref, ps_ref):
        acc = jnp.zeros((blk, c), jnp.float32)
        for kk in range(k):
            acc = acc + jnp.dot(xg_ref[kk], wf_ref[kk],
                                preferred_element_type=jnp.float32)
        acc = acc + bf_ref[:]
        gamma = u_ref[:, c:2 * c]
        beta = u_ref[:, 2 * c:3 * c]
        xr = jnp.maximum(acc * (1.0 + gamma) + beta, 0.0)
        rows = (pl.program_id(0) * blk
                + lax.broadcasted_iota(jnp.int32, (blk, 1), 0))
        xr = jnp.where(rows < n_valid, xr, 0.0)
        sem_ref[...] = jnp.dot(xr, ws_ref[...],
                               preferred_element_type=jnp.float32) + bs_ref[:]

        @pl.when(pl.program_id(0) == 0)
        def _():
            ps_ref[...] = jnp.zeros((1, c), jnp.float32)

        ps_ref[...] += jnp.sum(xr, axis=0, keepdims=True)

    return pl.pallas_call(
        body,
        grid=(d // blk,),
        in_specs=[
            pl.BlockSpec((k, blk, c), lambda i: (0, i, 0)),
            pl.BlockSpec((k, c, c), lambda i: (0, 0, 0)),
            pl.BlockSpec((1, c), lambda i: (0, 0)),
            pl.BlockSpec((blk, 3 * c), lambda i: (i, 0)),
            pl.BlockSpec((c, ns), lambda i: (0, 0)),
            pl.BlockSpec((1, ns), lambda i: (0, 0)),
        ],
        out_specs=[
            pl.BlockSpec((blk, ns), lambda i: (i, 0)),
            pl.BlockSpec((1, c), lambda i: (0, 0)),
        ],
        out_shape=[
            jax.ShapeDtypeStruct((d, ns), jnp.float32),
            jax.ShapeDtypeStruct((1, c), jnp.float32),
        ],
    )(xg, wf, bf.reshape(1, -1), u, wsem, bsem.reshape(1, -1))


def _tc_heads(psum, n, wcls, bcls, wemb, bemb, wkp, bkp):
    nk = wkp.shape[0]

    def body(ps_ref, wcls_ref, bcls_ref, wemb_ref, bemb_ref, wkp_ref, bkp_ref,
             cls_ref, emb_ref, kp_ref):
        pooled = ps_ref[...] * (1.0 / n)
        cls_ref[...] = jnp.dot(pooled, wcls_ref[...],
                               preferred_element_type=jnp.float32) + bcls_ref[:]
        e = jnp.dot(pooled, wemb_ref[...],
                    preferred_element_type=jnp.float32) + bemb_ref[:]
        nrm = jnp.sqrt(jnp.sum(e * e))
        emb_ref[...] = e / jnp.maximum(nrm, 1e-12)
        rows = [jnp.dot(pooled, wkp_ref[j],
                        preferred_element_type=jnp.float32) + bkp_ref[j:j + 1]
                for j in range(nk)]
        kp_ref[...] = jnp.concatenate(rows, axis=0)

    c = psum.shape[-1]
    return pl.pallas_call(
        body,
        out_shape=[
            jax.ShapeDtypeStruct((1, wcls.shape[-1]), jnp.float32),
            jax.ShapeDtypeStruct((1, wemb.shape[-1]), jnp.float32),
            jax.ShapeDtypeStruct((nk, wkp.shape[-1]), jnp.float32),
        ],
    )(psum, wcls, bcls.reshape(1, -1), wemb, bemb.reshape(1, -1), wkp, bkp)


def _encode3(x, y, z):
    return (x * G + y) * G + z


def kernel(coords, feats, sk, ip, params):
    n, c = feats.shape
    npad = 50176
    m2 = 32768
    m2p = 33280
    dump_f = n
    dump_c = m2
    offs = jnp.asarray(_OFFS)
    child = jnp.asarray(_CHILD)

    keys = _encode3(coords[:, 0], coords[:, 1], coords[:, 2])
    lut_f = jnp.full((G3,), dump_f, jnp.int32).at[keys].set(
        jnp.arange(n, dtype=jnp.int32))
    sent_f = jnp.argmin(lut_f != dump_f).astype(jnp.int32)

    nb = coords[None, :, :] + offs[:, None, :]
    inb = jnp.all((nb >= 0) & (nb < G), axis=2)
    keyn = _encode3(nb[..., 0], nb[..., 1], nb[..., 2])
    keys_a = jnp.where(inb, keyn, sent_f).astype(jnp.int32)
    keys_a = jnp.concatenate(
        [keys_a, jnp.broadcast_to(sent_f, (27, npad - n))], axis=1).reshape(-1)

    ck = _encode3(coords[:, 0] // 2, coords[:, 1] // 2, coords[:, 2] // 2)
    pfine = (lut_f != dump_f).astype(jnp.int32)
    p3 = pfine.reshape(32, 2, 32, 2, 32, 2).max(axis=(1, 3, 5))
    present = jnp.pad(p3, ((0, 32),) * 3).reshape(-1)
    rank = jnp.cumsum(present) - present
    invc = rank[ck]
    uk = jnp.full((m2,), G3, jnp.int32).at[invc].min(ck)
    uk = jnp.concatenate([uk, jnp.full((m2p - m2,), G3, jnp.int32)])
    lut_c = jnp.where(present == 1, rank, dump_c).astype(jnp.int32)
    sent_c = jnp.argmin(lut_c != dump_c).astype(jnp.int32)

    ucx, ucy, ucz = uk // (G * G), (uk // G) % G, uk % G
    keyc = _encode3(2 * ucx[None] + child[:, 0:1],
                    2 * ucy[None] + child[:, 1:2],
                    2 * ucz[None] + child[:, 2:3])
    keys_c = jnp.where(uk[None] < G3, keyc,
                       sent_f).astype(jnp.int32).reshape(-1)

    nbc = jnp.stack([ucx, ucy, ucz], 1)[None, :, :] + offs[:, None, :]
    inbc = jnp.all((nbc >= 0) & (nbc < G), axis=2) & (uk[None] < G3)
    keync = _encode3(nbc[..., 0], nbc[..., 1], nbc[..., 2])
    keys_b = jnp.where(inbc, keync, sent_c).astype(jnp.int32).reshape(-1)

    keys_u = jnp.concatenate([
        ck.astype(jnp.int32),
        jnp.broadcast_to(sent_c, (npad - n,)).astype(jnp.int32)])

    cnt = jnp.zeros((m2p,), jnp.float32).at[invc].add(1.0)
    cnt_inv = (1.0 / jnp.clip(cnt, 1.0, None)).reshape(-1, 1)

    p = params
    feats_pad = jnp.zeros((npad, c), jnp.float32).at[:n].set(feats)

    xg1 = _sc_gather(lut_f, keys_a, feats_pad, c).reshape(27, npad, c)
    x1 = _tc_conv(xg1, p['conv1']['W'], p['conv1']['b'], n_valid=n)

    xgc = _sc_gather(lut_f, keys_c, x1, c).reshape(8, m2p, c)
    xc = _tc_childmean(xgc, cnt_inv)

    xg2 = _sc_gather(lut_c, keys_b, xc, c).reshape(27, m2p, c)
    t = _tc_conv2_heads(xg2, p['conv2']['W'], p['conv2']['b'],
                        p['up']['W'], p['up']['b'],
                        p['cond']['W'], p['cond']['b'],
                        p['fuse']['film_W'], p['fuse']['film_b'])

    u = _sc_gather(lut_c, keys_u, t, 3 * c)

    xf = _tc_add_mask(x1, u, n)
    xg3 = _sc_gather(lut_f, keys_a, xf, c).reshape(27, npad, c)
    sem_pad, psum = _tc_fuse(xg3, p['fuse']['W'], p['fuse']['b'], u,
                             p['sem']['W'], p['sem']['b'], n)

    cls2, emb, kp = _tc_heads(psum, n, p['cls']['W'], p['cls']['b'],
                              p['emb']['W'], p['emb']['b'],
                              p['kp']['W'], p['kp']['b'])

    return (sem_pad[:n], cls2[0], emb, kp)

# --- scband reference (transcript-rebuilt; emitter-appended) ---
"""Pipeline reference for scband-sparse-unet-multi-task-8065948582438 (READ-ONLY COPY).

The authoritative reference and input builder live on the scoring server;
editing this copy changes nothing except your own understanding.
"""

import jax, jax.numpy as jnp
import numpy as np

G = 64

def make_offsets():
    offs = []
    for dx in range(-1, 2):
        for dy in range(-1, 2):
            for dz in range(-1, 2):
                offs.append((dx, dy, dz))
    return jnp.array(offs, dtype=jnp.int32)

OFFS = make_offsets()

def encode(c):
    return (c[:, 0] * G + c[:, 1]) * G + c[:, 2]

def build_sorted_key_index(coords):
    keys = encode(coords)
    order = jnp.argsort(keys)
    return keys, keys[order], order

def sparse_conv(feats, coords, sk, ip, W, b, film=None, cond=None):
    out = jnp.zeros((feats.shape[0], W.shape[-1]), feats.dtype)
    n = sk.shape[0]
    for k in range(OFFS.shape[0]):
        nb = coords + OFFS[k][None, :]
        inb = jnp.all((nb >= 0) & (nb < G), axis=1)
        key = encode(jnp.clip(nb, 0, G - 1))
        pos = jnp.clip(jnp.searchsorted(sk, key), 0, n - 1)
        match = inb & (sk[pos] == key)
        g = feats[ip[pos]] * match[:, None].astype(feats.dtype)
        out = out + g @ W[k]
    out = out + b
    if film is not None:
        gb = cond @ film[0] + film[1]
        gamma, beta = jnp.split(gb, 2, axis=-1)
        out = out * (1.0 + gamma) + beta
    return jax.nn.relu(out)

def scatter_mean(src, index, num_segments):
    sums = jax.ops.segment_sum(src, index, num_segments=num_segments)
    cnt = jax.ops.segment_sum(jnp.ones((src.shape[0],), src.dtype), index, num_segments=num_segments)
    return sums / jnp.clip(cnt, 1.0, None)[:, None]

def _forward(coords, feats, sk, ip, params):
    x1 = sparse_conv(feats, coords, sk, ip, params['conv1']['W'], params['conv1']['b'])
    coarse = coords // 2
    ck = encode(coarse)
    uk, invc = jnp.unique(ck, return_inverse=True, size=ck.shape[0], fill_value=G ** 3)
    invc = invc.reshape(-1)
    uc = jnp.stack([uk // (G * G), (uk // G) % G, uk % G], axis=1).astype(coords.dtype)
    _, skc, ipc = build_sorted_key_index(uc)
    M = int(uk.shape[0])
    x2 = sparse_conv(scatter_mean(x1, invc, M), uc, skc, ipc, params['conv2']['W'], params['conv2']['b'])
    up = (x2 @ params['up']['W'] + params['up']['b'])[invc]
    cond = (x2 @ params['cond']['W'] + params['cond']['b'])[invc]
    xr = sparse_conv(x1 + up, coords, sk, ip, params['fuse']['W'], params['fuse']['b'], film=(params['fuse']['film_W'], params['fuse']['film_b']), cond=cond)
    sem_logits = xr @ params['sem']['W'] + params['sem']['b']
    pooled = jnp.mean(xr, axis=0, keepdims=True)
    cls_logits = (pooled @ params['cls']['W'] + params['cls']['b'])[0]
    e = pooled @ params['emb']['W'] + params['emb']['b']
    embed = e / jnp.clip(jnp.linalg.norm(e, axis=-1, keepdims=True), 1e-12, None)
    kp = jnp.stack([(pooled @ params['kp']['W'][j] + params['kp']['b'][j])[0] for j in range(params['kp']['W'].shape[0])], axis=0)
    return (sem_logits, cls_logits, embed, kp)

def setup_inputs(seed: int = 0):
    key = jax.random.key(seed)
    N, C = 50000, 32
    lin = (jnp.arange(N, dtype=jnp.int32) * 5) % (G ** 3)
    coords = jnp.stack([lin // (G * G), (lin // G) % G, lin % G], axis=1)
    _, sk, ip = build_sorted_key_index(coords)
    ks = jax.random.split(key, 12)
    def w(k, shape, scale=0.05):
        return jax.random.normal(k, shape, jnp.float32) * scale
    feats = jax.random.normal(ks[0], (N, C), jnp.float32)
    params = {
        'conv1': {'W': w(ks[1], (27, C, C)), 'b': jnp.zeros((C,), jnp.float32)},
        'conv2': {'W': w(ks[2], (27, C, 2 * C)), 'b': jnp.zeros((2 * C,), jnp.float32)},
        'up': {'W': w(ks[3], (2 * C, C)), 'b': jnp.zeros((C,), jnp.float32)},
        'cond': {'W': w(ks[4], (2 * C, C)), 'b': jnp.zeros((C,), jnp.float32)},
        'fuse': {'W': w(ks[5], (27, C, C)), 'b': jnp.zeros((C,), jnp.float32), 'film_W': w(ks[6], (C, 2 * C)), 'film_b': jnp.zeros((2 * C,), jnp.float32)},
        'sem': {'W': w(ks[7], (C, 8)), 'b': jnp.zeros((8,), jnp.float32)},
        'cls': {'W': w(ks[8], (C, 4)), 'b': jnp.zeros((4,), jnp.float32)},
        'emb': {'W': w(ks[9], (C, C)), 'b': jnp.zeros((C,), jnp.float32)},
        'kp': {'W': w(ks[10], (6, C, 3)), 'b': jnp.zeros((6, 3), jnp.float32)},
    }
    return {'coords': coords, 'feats': feats, 'sk': sk, 'ip': ip, 'params': params}

def reference(coords, feats, sk, ip, params):
    return _forward(coords, feats, sk, ip, params)

if __name__ == "__main__":
    import jax
    _d = setup_inputs()
    print(jax.jit(kernel)(*tuple(_d.values())))

</pallas_src>

<mosaic_0001>
#map = affine_map<(d0, d1) -> (0)>
#map1 = affine_map<(d0, d1) -> (0, 0)>
module attributes {stable_mosaic.version = 14 : i64} {
  func.func @sc_double_gather_w32_sp(%arg0: i32, %arg1: i32, %arg2: memref<262144xi32, #tpu.memory_space<hbm>>, %arg3: memref<1354752xi32, #tpu.memory_space<hbm>>, %arg4: memref<50176x32xf32, #tpu.memory_space<hbm>>, %arg5: memref<1354752x32xf32, #tpu.memory_space<hbm>>, %arg6: memref<336xi32, #tpu.memory_space<vmem>>, %arg7: memref<336xi32, #tpu.memory_space<vmem>>, %arg8: memref<336xi32, #tpu.memory_space<vmem>>, %arg9: memref<336x32xf32, #tpu.memory_space<vmem>>, %arg10: memref<336x32xf32, #tpu.memory_space<vmem>>, %arg11: memref<!tpu.dma_semaphore, #tpu.memory_space<semaphore_mem>>, %arg12: memref<!tpu.dma_semaphore, #tpu.memory_space<semaphore_mem>>, %arg13: memref<!tpu.dma_semaphore, #tpu.memory_space<semaphore_mem>>, %arg14: memref<50176x32xf32, #tpu.memory_space<vmem_shared>>) attributes {dimension_semantics = [#tpu.dimension_semantics<core_parallel>, #tpu.dimension_semantics<subcore_parallel>], iteration_bounds = array<i64: 2, 16>, scalar_prefetch = 0 : i64, scratch_operands = 9 : i64, tpu.core_type = #tpu.core_type<sc_vector_subcore>, window_params = [{transform_indices = #map}, {transform_indices = #map}, {transform_indices = #map1}, {transform_indices = #map1}]} {
    %mul3A = arith.constant 2 : i32
    %mul3A_0 = arith.muli %arg1, %mul3A : i32
    %add3A = arith.addi %mul3A_0, %arg0 : i32
    %mul3A_1 = arith.constant 42336 : i32
    %mul3A_2 = arith.muli %add3A, %mul3A_1 : i32
    %scan3A = arith.constant 0 : i32
    %scan3A_3 = arith.constant 0 : i32
    %scan3A_4 = arith.constant 14 : i32
    %scan3A_5 = arith.addi %scan3A_3, %scan3A_4 : i32
    %scan3A_6 = arith.constant 1 : i32
    scf.for %scan3A_14 = %scan3A_3 to %scan3A_5 step %scan3A_6  : i32 {
      %mul3A_15 = arith.constant 3136 : i32
      %mul3A_16 = arith.muli %arg1, %mul3A_15 : i32
      %mul3A_17 = arith.constant 224 : i32
      %mul3A_18 = arith.muli %scan3A_14, %mul3A_17 : i32
      %add3A_19 = arith.addi %mul3A_16, %mul3A_18 : i32
      "tpu.region"() ({
        %run_scoped3A = tpu.sem_alloc : memref<!tpu.dma_semaphore, #tpu.memory_space<semaphore_mem>>
        %dma_start3A = arith.constant 0 : i32
        %dma_start3A_20 = arith.constant 0 : i32
        %dma_start3A_21 = tpu.memref_slice %arg9[%dma_start3A, %dma_start3A_20] : memref<336x32xf32, #tpu.memory_space<vmem>> -> memref<224x32xf32, #tpu.memory_space<vmem>>
        %dma_start3A_22 = arith.constant 0 : i32
        %dma_start3A_23 = tpu.memref_slice %arg4[%add3A_19, %dma_start3A_22] : memref<50176x32xf32, #tpu.memory_space<hbm>> -> memref<224x32xf32, #tpu.memory_space<hbm>>
        %dma_start3A_24 = arith.constant 0 : i32
        %dma_start3A_25 = arith.constant 0 : i32
        %dma_start3A_26 = tpu.memref_slice %arg9[%dma_start3A_24, %dma_start3A_25] : memref<336x32xf32, #tpu.memory_space<vmem>> -> memref<224x32xf32, #tpu.memory_space<vmem>>
        %dma_start3A_27 = arith.constant 0 : i32
        %dma_start3A_28 = tpu.memref_slice %arg4[%add3A_19, %dma_start3A_27] : memref<50176x32xf32, #tpu.memory_space<hbm>> -> memref<224x32xf32, #tpu.memory_space<hbm>>
        tpu.enqueue_dma source(%dma_start3A_28 : memref<224x32xf32, #tpu.memory_space<hbm>>) target(%dma_start3A_26 : memref<224x32xf32, #tpu.memory_space<vmem>>) target_semaphore(%run_scoped3A : memref<!tpu.dma_semaphore, #tpu.memory_space<semaphore_mem>>)
        %dma_wait3A = arith.constant 0 : i32
        %dma_wait3A_29 = arith.constant 0 : i32
        %dma_wait3A_30 = tpu.memref_slice %arg9[%dma_wait3A, %dma_wait3A_29] : memref<336x32xf32, #tpu.memory_space<vmem>> -> memref<224x32xf32, #tpu.memory_space<vmem>>
        %dma_wait3A_31 = arith.constant 0 : i32
        %dma_wait3A_32 = tpu.memref_slice %arg4[%add3A_19, %dma_wait3A_31] : memref<50176x32xf32, #tpu.memory_space<hbm>> -> memref<224x32xf32, #tpu.memory_space<hbm>>
        %dma_wait3A_33 = arith.constant 0 : i32
        %dma_wait3A_34 = arith.constant 0 : i32
        %dma_wait3A_35 = tpu.memref_slice %arg9[%dma_wait3A_33, %dma_wait3A_34] : memref<336x32xf32, #tpu.memory_space<vmem>> -> memref<224x32xf32, #tpu.memory_space<vmem>>
        %dma_wait3A_36 = arith.constant 0 : i32
        %dma_wait3A_37 = tpu.memref_slice %arg4[%add3A_19, %dma_wait3A_36] : memref<50176x32xf32, #tpu.memory_space<hbm>> -> memref<224x32xf32, #tpu.memory_space<hbm>>
        tpu.wait_dma2 semaphore(%run_scoped3A : memref<!tpu.dma_semaphore, #tpu.memory_space<semaphore_mem>>) src(%dma_wait3A_37 : memref<224x32xf32, #tpu.memory_space<hbm>>) dst(%dma_wait3A_35 : memref<224x32xf32, #tpu.memory_space<vmem>>)
        tpu.yield
      }) : () -> ()
      "tpu.region"() ({
        %run_scoped3A = tpu.sem_alloc : memref<!tpu.dma_semaphore, #tpu.memory_space<semaphore_mem>>
        %dma_start3A = arith.constant 0 : i32
        %dma_start3A_20 = arith.constant 0 : i32
        %dma_start3A_21 = tpu.memref_slice %arg9[%dma_start3A, %dma_start3A_20] : memref<336x32xf32, #tpu.memory_space<vmem>> -> memref<224x32xf32, #tpu.memory_space<vmem>>
        %dma_start3A_22 = arith.constant 0 : i32
        %dma_start3A_23 = tpu.memref_slice %arg14[%add3A_19, %dma_start3A_22] : memref<50176x32xf32, #tpu.memory_space<vmem_shared>> -> memref<224x32xf32, #tpu.memory_space<vmem_shared>>
        %dma_start3A_24 = arith.constant 0 : i32
        %dma_start3A_25 = tpu.memref_slice %arg14[%add3A_19, %dma_start3A_24] : memref<50176x32xf32, #tpu.memory_space<vmem_shared>> -> memref<224x32xf32, #tpu.memory_space<vmem_shared>>
        %dma_start3A_26 = arith.constant 0 : i32
        %dma_start3A_27 = arith.constant 0 : i32
        %dma_start3A_28 = tpu.memref_slice %arg9[%dma_start3A_26, %dma_start3A_27] : memref<336x32xf32, #tpu.memory_space<vmem>> -> memref<224x32xf32, #tpu.memory_space<vmem>>
        tpu.enqueue_dma source(%dma_start3A_28 : memref<224x32xf32, #tpu.memory_space<vmem>>) target(%dma_start3A_25 : memref<224x32xf32, #tpu.memory_space<vmem_shared>>) target_semaphore(%run_scoped3A : memref<!tpu.dma_semaphore, #tpu.memory_space<semaphore_mem>>)
        %dma_wait3A = arith.constant 0 : i32
        %dma_wait3A_29 = arith.constant 0 : i32
        %dma_wait3A_30 = tpu.memref_slice %arg9[%dma_wait3A, %dma_wait3A_29] : memref<336x32xf32, #tpu.memory_space<vmem>> -> memref<224x32xf32, #tpu.memory_space<vmem>>
        %dma_wait3A_31 = arith.constant 0 : i32
        %dma_wait3A_32 = tpu.memref_slice %arg14[%add3A_19, %dma_wait3A_31] : memref<50176x32xf32, #tpu.memory_space<vmem_shared>> -> memref<224x32xf32, #tpu.memory_space<vmem_shared>>
        %dma_wait3A_33 = arith.constant 0 : i32
        %dma_wait3A_34 = tpu.memref_slice %arg14[%add3A_19, %dma_wait3A_33] : memref<50176x32xf32, #tpu.memory_space<vmem_shared>> -> memref<224x32xf32, #tpu.memory_space<vmem_shared>>
        %dma_wait3A_35 = arith.constant 0 : i32
        %dma_wait3A_36 = arith.constant 0 : i32
        %dma_wait3A_37 = tpu.memref_slice %arg9[%dma_wait3A_35, %dma_wait3A_36] : memref<336x32xf32, #tpu.memory_space<vmem>> -> memref<224x32xf32, #tpu.memory_space<vmem>>
        tpu.wait_dma2 semaphore(%run_scoped3A : memref<!tpu.dma_semaphore, #tpu.memory_space<semaphore_mem>>) src(%dma_wait3A_37 : memref<224x32xf32, #tpu.memory_space<vmem>>) dst(%dma_wait3A_34 : memref<224x32xf32, #tpu.memory_space<vmem_shared>>)
        tpu.yield
      }) : () -> ()
    }
    %scan3A_7 = arith.constant 14 : i32
    %barrier3A = arith.constant 0 : index
    tpu.barrier barrier_id(%barrier3A)
    %scan3A_8 = arith.constant 0 : i32
    %scan3A_9 = arith.constant 0 : i32
    %scan3A_10 = arith.constant 63 : i32
    %scan3A_11 = arith.addi %scan3A_9, %scan3A_10 : i32
    %scan3A_12 = arith.constant 1 : i32
    scf.for %scan3A_14 = %scan3A_9 to %scan3A_11 step %scan3A_12  : i32 {
      %mul3A_15 = arith.constant 2 : i32
      %mul3A_16 = arith.muli %mul3A_15, %scan3A_14 : i32
      %mul3A_17 = arith.constant 336 : i32
      %mul3A_18 = arith.muli %mul3A_16, %mul3A_17 : i32
      %add3A_19 = arith.addi %mul3A_2, %mul3A_18 : i32
      %add3A_20 = arith.constant 336 : i32
      %add3A_21 = arith.addi %add3A_19, %add3A_20 : i32
      "tpu.region"() ({
        %run_scoped3A = tpu.sem_alloc : memref<!tpu.dma_semaphore, #tpu.memory_space<semaphore_mem>>
        %dma_start3A_40 = tpu.memref_slice %arg3[%add3A_19] : memref<1354752xi32, #tpu.memory_space<hbm>> -> memref<336xi32, #tpu.memory_space<hbm>>
        %dma_start3A_41 = tpu.memref_slice %arg3[%add3A_19] : memref<1354752xi32, #tpu.memory_space<hbm>> -> memref<336xi32, #tpu.memory_space<hbm>>
        tpu.enqueue_dma source(%dma_start3A_41 : memref<336xi32, #tpu.memory_space<hbm>>) target(%arg6 : memref<336xi32, #tpu.memory_space<vmem>>) target_semaphore(%run_scoped3A : memref<!tpu.dma_semaphore, #tpu.memory_space<semaphore_mem>>)
        %dma_wait3A_42 = tpu.memref_slice %arg3[%add3A_19] : memref<1354752xi32, #tpu.memory_space<hbm>> -> memref<336xi32, #tpu.memory_space<hbm>>
        %dma_wait3A_43 = tpu.memref_slice %arg3[%add3A_19] : memref<1354752xi32, #tpu.memory_space<hbm>> -> memref<336xi32, #tpu.memory_space<hbm>>
        tpu.wait_dma2 semaphore(%run_scoped3A : memref<!tpu.dma_semaphore, #tpu.memory_space<semaphore_mem>>) src(%dma_wait3A_43 : memref<336xi32, #tpu.memory_space<hbm>>) dst(%arg6 : memref<336xi32, #tpu.memory_space<vmem>>)
        tpu.yield
      }) : () -> ()
      %dma_start3A = arith.constant 0 : i32
      %dma_start3A_22 = tpu.memref_slice %arg2[%dma_start3A] : memref<262144xi32, #tpu.memory_space<hbm>> -> memref<262144xi32, #tpu.memory_space<hbm>>
      tpu.enqueue_indirect_dma source(%dma_start3A_22 : memref<262144xi32, #tpu.memory_space<hbm>>) target(%arg7 : memref<336xi32, #tpu.memory_space<vmem>>) offsets(%arg6 : memref<336xi32, #tpu.memory_space<vmem>>) semaphore(%arg11 : memref<!tpu.dma_semaphore, #tpu.memory_space<semaphore_mem>>)
      %dma_wait3A = arith.constant 0 : i32
      %dma_wait3A_23 = tpu.memref_slice %arg2[%dma_wait3A] : memref<262144xi32, #tpu.memory_space<hbm>> -> memref<262144xi32, #tpu.memory_space<hbm>>
      tpu.wait_indirect_dma semaphore(%arg11 : memref<!tpu.dma_semaphore, #tpu.memory_space<semaphore_mem>>) src(%dma_wait3A_23 : memref<262144xi32, #tpu.memory_space<hbm>>) dst(%arg7 : memref<336xi32, #tpu.memory_space<vmem>>)
      %dma_start3A_24 = arith.constant 0 : i32
      %dma_start3A_25 = arith.constant 0 : i32
      %dma_start3A_26 = tpu.memref_slice %arg14[%dma_start3A_24, %dma_start3A_25] : memref<50176x32xf32, #tpu.memory_space<vmem_shared>> -> memref<50176x32xf32, #tpu.memory_space<vmem_shared>>
      tpu.enqueue_indirect_dma source(%dma_start3A_26 : memref<50176x32xf32, #tpu.memory_space<vmem_shared>>) target(%arg9 : memref<336x32xf32, #tpu.memory_space<vmem>>) offsets(%arg7 : memref<336xi32, #tpu.memory_space<vmem>>) semaphore(%arg12 : memref<!tpu.dma_semaphore, #tpu.memory_space<semaphore_mem>>)
      "tpu.region"() ({
        %run_scoped3A = tpu.sem_alloc : memref<!tpu.dma_semaphore, #tpu.memory_space<semaphore_mem>>
        %dma_start3A_40 = tpu.memref_slice %arg3[%add3A_21] : memref<1354752xi32, #tpu.memory_space<hbm>> -> memref<336xi32, #tpu.memory_space<hbm>>
        %dma_start3A_41 = tpu.memref_slice %arg3[%add3A_21] : memref<1354752xi32, #tpu.memory_space<hbm>> -> memref<336xi32, #tpu.memory_space<hbm>>
        tpu.enqueue_dma source(%dma_start3A_41 : memref<336xi32, #tpu.memory_space<hbm>>) target(%arg6 : memref<336xi32, #tpu.memory_space<vmem>>) target_semaphore(%run_scoped3A : memref<!tpu.dma_semaphore, #tpu.memory_space<semaphore_mem>>)
        %dma_wait3A_42 = tpu.memref_slice %arg3[%add3A_21] : memref<1354752xi32, #tpu.memory_space<hbm>> -> memref<336xi32, #tpu.memory_space<hbm>>
        %dma_wait3A_43 = tpu.memref_slice %arg3[%add3A_21] : memref<1354752xi32, #tpu.memory_space<hbm>> -> memref<336xi32, #tpu.memory_space<hbm>>
        tpu.wait_dma2 semaphore(%run_scoped3A : memref<!tpu.dma_semaphore, #tpu.memory_space<semaphore_mem>>) src(%dma_wait3A_43 : memref<336xi32, #tpu.memory_space<hbm>>) dst(%arg6 : memref<336xi32, #tpu.memory_space<vmem>>)
        tpu.yield
      }) : () -> ()
      %dma_start3A_27 = arith.constant 0 : i32
      %dma_start3A_28 = tpu.memref_slice %arg2[%dma_start3A_27] : memref<262144xi32, #tpu.memory_space<hbm>> -> memref<262144xi32, #tpu.memory_space<hbm>>
      tpu.enqueue_indirect_dma source(%dma_start3A_28 : memref<262144xi32, #tpu.memory_space<hbm>>) target(%arg8 : memref<336xi32, #tpu.memory_space<vmem>>) offsets(%arg6 : memref<336xi32, #tpu.memory_space<vmem>>) semaphore(%arg11 : memref<!tpu.dma_semaphore, #tpu.memory_space<semaphore_mem>>)
      %dma_wait3A_29 = arith.constant 0 : i32
      %dma_wait3A_30 = tpu.memref_slice %arg2[%dma_wait3A_29] : memref<262144xi32, #tpu.memory_space<hbm>> -> memref<262144xi32, #tpu.memory_space<hbm>>
      tpu.wait_indirect_dma semaphore(%arg11 : memref<!tpu.dma_semaphore, #tpu.memory_space<semaphore_mem>>) src(%dma_wait3A_30 : memref<262144xi32, #tpu.memory_space<hbm>>) dst(%arg8 : memref<336xi32, #tpu.memory_space<vmem>>)
      %dma_start3A_31 = arith.constant 0 : i32
      %dma_start3A_32 = arith.constant 0 : i32
      %dma_start3A_33 = tpu.memref_slice %arg14[%dma_start3A_31, %dma_start3A_32] : memref<50176x32xf32, #tpu.memory_space<vmem_shared>> -> memref<50176x32xf32, #tpu.memory_space<vmem_shared>>
      tpu.enqueue_indirect_dma source(%dma_start3A_33 : memref<50176x32xf32, #tpu.memory_space<vmem_shared>>) target(%arg10 : memref<336x32xf32, #tpu.memory_space<vmem>>) offsets(%arg8 : memref<336xi32, #tpu.memory_space<vmem>>) semaphore(%arg13 : memref<!tpu.dma_semaphore, #tpu.memory_space<semaphore_mem>>)
      %dma_wait3A_34 = arith.constant 0 : i32
      %dma_wait3A_35 = arith.constant 0 : i32
      %dma_wait3A_36 = tpu.memref_slice %arg14[%dma_wait3A_34, %dma_wait3A_35] : memref<50176x32xf32, #tpu.memory_space<vmem_shared>> -> memref<50176x32xf32, #tpu.memory_space<vmem_shared>>
      tpu.wait_indirect_dma semaphore(%arg12 : memref<!tpu.dma_semaphore, #tpu.memory_space<semaphore_mem>>) src(%dma_wait3A_36 : memref<50176x32xf32, #tpu.memory_space<vmem_shared>>) dst(%arg9 : memref<336x32xf32, #tpu.memory_space<vmem>>)
      "tpu.region"() ({
        %run_scoped3A = tpu.sem_alloc : memref<!tpu.dma_semaphore, #tpu.memory_space<semaphore_mem>>
        %dma_start3A_40 = arith.constant 0 : i32
        %dma_start3A_41 = tpu.memref_slice %arg5[%add3A_19, %dma_start3A_40] : memref<1354752x32xf32, #tpu.memory_space<hbm>> -> memref<336x32xf32, #tpu.memory_space<hbm>>
        %dma_start3A_42 = arith.constant 0 : i32
        %dma_start3A_43 = tpu.memref_slice %arg5[%add3A_19, %dma_start3A_42] : memref<1354752x32xf32, #tpu.memory_space<hbm>> -> memref<336x32xf32, #tpu.memory_space<hbm>>
        tpu.enqueue_dma source(%arg9 : memref<336x32xf32, #tpu.memory_space<vmem>>) target(%dma_start3A_43 : memref<336x32xf32, #tpu.memory_space<hbm>>) target_semaphore(%run_scoped3A : memref<!tpu.dma_semaphore, #tpu.memory_space<semaphore_mem>>)
        %dma_wait3A_44 = arith.constant 0 : i32
        %dma_wait3A_45 = tpu.memref_slice %arg5[%add3A_19, %dma_wait3A_44] : memref<1354752x32xf32, #tpu.memory_space<hbm>> -> memref<336x32xf32, #tpu.memory_space<hbm>>
        %dma_wait3A_46 = arith.constant 0 : i32
        %dma_wait3A_47 = tpu.memref_slice %arg5[%add3A_19, %dma_wait3A_46] : memref<1354752x32xf32, #tpu.memory_space<hbm>> -> memref<336x32xf32, #tpu.memory_space<hbm>>
        tpu.wait_dma2 semaphore(%run_scoped3A : memref<!tpu.dma_semaphore, #tpu.memory_space<semaphore_mem>>) src(%arg9 : memref<336x32xf32, #tpu.memory_space<vmem>>) dst(%dma_wait3A_47 : memref<336x32xf32, #tpu.memory_space<hbm>>)
        tpu.yield
      }) : () -> ()
      %dma_wait3A_37 = arith.constant 0 : i32
      %dma_wait3A_38 = arith.constant 0 : i32
      %dma_wait3A_39 = tpu.memref_slice %arg14[%dma_wait3A_37, %dma_wait3A_38] : memref<50176x32xf32, #tpu.memory_space<vmem_shared>> -> memref<50176x32xf32, #tpu.memory_space<vmem_shared>>
      tpu.wait_indirect_dma semaphore(%arg13 : memref<!tpu.dma_semaphore, #tpu.memory_space<semaphore_mem>>) src(%dma_wait3A_39 : memref<50176x32xf32, #tpu.memory_space<vmem_shared>>) dst(%arg10 : memref<336x32xf32, #tpu.memory_space<vmem>>)
      "tpu.region"() ({
        %run_scoped3A = tpu.sem_alloc : memref<!tpu.dma_semaphore, #tpu.memory_space<semaphore_mem>>
        %dma_start3A_40 = arith.constant 0 : i32
        %dma_start3A_41 = tpu.memref_slice %arg5[%add3A_21, %dma_start3A_40] : memref<1354752x32xf32, #tpu.memory_space<hbm>> -> memref<336x32xf32, #tpu.memory_space<hbm>>
        %dma_start3A_42 = arith.constant 0 : i32
        %dma_start3A_43 = tpu.memref_slice %arg5[%add3A_21, %dma_start3A_42] : memref<1354752x32xf32, #tpu.memory_space<hbm>> -> memref<336x32xf32, #tpu.memory_space<hbm>>
        tpu.enqueue_dma source(%arg10 : memref<336x32xf32, #tpu.memory_space<vmem>>) target(%dma_start3A_43 : memref<336x32xf32, #tpu.memory_space<hbm>>) target_semaphore(%run_scoped3A : memref<!tpu.dma_semaphore, #tpu.memory_space<semaphore_mem>>)
        %dma_wait3A_44 = arith.constant 0 : i32
        %dma_wait3A_45 = tpu.memref_slice %arg5[%add3A_21, %dma_wait3A_44] : memref<1354752x32xf32, #tpu.memory_space<hbm>> -> memref<336x32xf32, #tpu.memory_space<hbm>>
        %dma_wait3A_46 = arith.constant 0 : i32
        %dma_wait3A_47 = tpu.memref_slice %arg5[%add3A_21, %dma_wait3A_46] : memref<1354752x32xf32, #tpu.memory_space<hbm>> -> memref<336x32xf32, #tpu.memory_space<hbm>>
        tpu.wait_dma2 semaphore(%run_scoped3A : memref<!tpu.dma_semaphore, #tpu.memory_space<semaphore_mem>>) src(%arg10 : memref<336x32xf32, #tpu.memory_space<vmem>>) dst(%dma_wait3A_47 : memref<336x32xf32, #tpu.memory_space<hbm>>)
        tpu.yield
      }) : () -> ()
    }
    %scan3A_13 = arith.constant 63 : i32
    return
  }
}

#map = affine_map<(d0, d1) -> (0)>
#map1 = affine_map<(d0, d1) -> (0, 0)>
module attributes {stable_mosaic.version = 14 : i64} {
  func.func @sc_double_gather_w32_sp(%arg0: i32, %arg1: i32, %arg2: memref<262144xi32, #tpu.memory_space<hbm>>, %arg3: memref<266240xi32, #tpu.memory_space<hbm>>, %arg4: memref<50176x32xf32, #tpu.memory_space<hbm>>, %arg5: memref<266240x32xf32, #tpu.memory_space<hbm>>, %arg6: memref<320xi32, #tpu.memory_space<vmem>>, %arg7: memref<320xi32, #tpu.memory_space<vmem>>, %arg8: memref<320xi32, #tpu.memory_space<vmem>>, %arg9: memref<320x32xf32, #tpu.memory_space<vmem>>, %arg10: memref<320x32xf32, #tpu.memory_space<vmem>>, %arg11: memref<!tpu.dma_semaphore, #tpu.memory_space<semaphore_mem>>, %arg12: memref<!tpu.dma_semaphore, #tpu.memory_space<semaphore_mem>>, %arg13: memref<!tpu.dma_semaphore, #tpu.memory_space<semaphore_mem>>, %arg14: memref<50176x32xf32, #tpu.memory_space<vmem_shared>>) attributes {dimension_semantics = [#tpu.dimension_semantics<core_parallel>, #tpu.dimension_semantics<subcore_parallel>], iteration_bounds = array<i64: 2, 16>, scalar_prefetch = 0 : i64, scratch_operands = 9 : i64, tpu.core_type = #tpu.core_type<sc_vector_subcore>, window_params = [{transform_indices = #map}, {transform_indices = #map}, {transform_indices = #map1}, {transform_indices = #map1}]} {
    %mul3A = arith.constant 2 : i32
    %mul3A_0 = arith.muli %arg1, %mul3A : i32
    %add3A = arith.addi %mul3A_0, %arg0 : i32
    %mul3A_1 = arith.constant 8320 : i32
    %mul3A_2 = arith.muli %add3A, %mul3A_1 : i32
    %scan3A = arith.constant 0 : i32
    %scan3A_3 = arith.constant 0 : i32
    %scan3A_4 = arith.constant 14 : i32
    %scan3A_5 = arith.addi %scan3A_3, %scan3A_4 : i32
    %scan3A_6 = arith.constant 1 : i32
    scf.for %scan3A_14 = %scan3A_3 to %scan3A_5 step %scan3A_6  : i32 {
      %mul3A_15 = arith.constant 3136 : i32
      %mul3A_16 = arith.muli %arg1, %mul3A_15 : i32
      %mul3A_17 = arith.constant 224 : i32
      %mul3A_18 = arith.muli %scan3A_14, %mul3A_17 : i32
      %add3A_19 = arith.addi %mul3A_16, %mul3A_18 : i32
      "tpu.region"() ({
        %run_scoped3A = tpu.sem_alloc : memref<!tpu.dma_semaphore, #tpu.memory_space<semaphore_mem>>
        %dma_start3A = arith.constant 0 : i32
        %dma_start3A_20 = arith.constant 0 : i32
        %dma_start3A_21 = tpu.memref_slice %arg9[%dma_start3A, %dma_start3A_20] : memref<320x32xf32, #tpu.memory_space<vmem>> -> memref<224x32xf32, #tpu.memory_space<vmem>>
        %dma_start3A_22 = arith.constant 0 : i32
        %dma_start3A_23 = tpu.memref_slice %arg4[%add3A_19, %dma_start3A_22] : memref<50176x32xf32, #tpu.memory_space<hbm>> -> memref<224x32xf32, #tpu.memory_space<hbm>>
        %dma_start3A_24 = arith.constant 0 : i32
        %dma_start3A_25 = arith.constant 0 : i32
        %dma_start3A_26 = tpu.memref_slice %arg9[%dma_start3A_24, %dma_start3A_25] : memref<320x32xf32, #tpu.memory_space<vmem>> -> memref<224x32xf32, #tpu.memory_space<vmem>>
        %dma_start3A_27 = arith.constant 0 : i32
        %dma_start3A_28 = tpu.memref_slice %arg4[%add3A_19, %dma_start3A_27] : memref<50176x32xf32, #tpu.memory_space<hbm>> -> memref<224x32xf32, #tpu.memory_space<hbm>>
        tpu.enqueue_dma source(%dma_start3A_28 : memref<224x32xf32, #tpu.memory_space<hbm>>) target(%dma_start3A_26 : memref<224x32xf32, #tpu.memory_space<vmem>>) target_semaphore(%run_scoped3A : memref<!tpu.dma_semaphore, #tpu.memory_space<semaphore_mem>>)
        %dma_wait3A = arith.constant 0 : i32
        %dma_wait3A_29 = arith.constant 0 : i32
        %dma_wait3A_30 = tpu.memref_slice %arg9[%dma_wait3A, %dma_wait3A_29] : memref<320x32xf32, #tpu.memory_space<vmem>> -> memref<224x32xf32, #tpu.memory_space<vmem>>
        %dma_wait3A_31 = arith.constant 0 : i32
        %dma_wait3A_32 = tpu.memref_slice %arg4[%add3A_19, %dma_wait3A_31] : memref<50176x32xf32, #tpu.memory_space<hbm>> -> memref<224x32xf32, #tpu.memory_space<hbm>>
        %dma_wait3A_33 = arith.constant 0 : i32
        %dma_wait3A_34 = arith.constant 0 : i32
        %dma_wait3A_35 = tpu.memref_slice %arg9[%dma_wait3A_33, %dma_wait3A_34] : memref<320x32xf32, #tpu.memory_space<vmem>> -> memref<224x32xf32, #tpu.memory_space<vmem>>
        %dma_wait3A_36 = arith.constant 0 : i32
        %dma_wait3A_37 = tpu.memref_slice %arg4[%add3A_19, %dma_wait3A_36] : memref<50176x32xf32, #tpu.memory_space<hbm>> -> memref<224x32xf32, #tpu.memory_space<hbm>>
        tpu.wait_dma2 semaphore(%run_scoped3A : memref<!tpu.dma_semaphore, #tpu.memory_space<semaphore_mem>>) src(%dma_wait3A_37 : memref<224x32xf32, #tpu.memory_space<hbm>>) dst(%dma_wait3A_35 : memref<224x32xf32, #tpu.memory_space<vmem>>)
        tpu.yield
      }) : () -> ()
      "tpu.region"() ({
        %run_scoped3A = tpu.sem_alloc : memref<!tpu.dma_semaphore, #tpu.memory_space<semaphore_mem>>
        %dma_start3A = arith.constant 0 : i32
        %dma_start3A_20 = arith.constant 0 : i32
        %dma_start3A_21 = tpu.memref_slice %arg9[%dma_start3A, %dma_start3A_20] : memref<320x32xf32, #tpu.memory_space<vmem>> -> memref<224x32xf32, #tpu.memory_space<vmem>>
        %dma_start3A_22 = arith.constant 0 : i32
        %dma_start3A_23 = tpu.memref_slice %arg14[%add3A_19, %dma_start3A_22] : memref<50176x32xf32, #tpu.memory_space<vmem_shared>> -> memref<224x32xf32, #tpu.memory_space<vmem_shared>>
        %dma_start3A_24 = arith.constant 0 : i32
        %dma_start3A_25 = tpu.memref_slice %arg14[%add3A_19, %dma_start3A_24] : memref<50176x32xf32, #tpu.memory_space<vmem_shared>> -> memref<224x32xf32, #tpu.memory_space<vmem_shared>>
        %dma_start3A_26 = arith.constant 0 : i32
        %dma_start3A_27 = arith.constant 0 : i32
        %dma_start3A_28 = tpu.memref_slice %arg9[%dma_start3A_26, %dma_start3A_27] : memref<320x32xf32, #tpu.memory_space<vmem>> -> memref<224x32xf32, #tpu.memory_space<vmem>>
        tpu.enqueue_dma source(%dma_start3A_28 : memref<224x32xf32, #tpu.memory_space<vmem>>) target(%dma_start3A_25 : memref<224x32xf32, #tpu.memory_space<vmem_shared>>) target_semaphore(%run_scoped3A : memref<!tpu.dma_semaphore, #tpu.memory_space<semaphore_mem>>)
        %dma_wait3A = arith.constant 0 : i32
        %dma_wait3A_29 = arith.constant 0 : i32
        %dma_wait3A_30 = tpu.memref_slice %arg9[%dma_wait3A, %dma_wait3A_29] : memref<320x32xf32, #tpu.memory_space<vmem>> -> memref<224x32xf32, #tpu.memory_space<vmem>>
        %dma_wait3A_31 = arith.constant 0 : i32
        %dma_wait3A_32 = tpu.memref_slice %arg14[%add3A_19, %dma_wait3A_31] : memref<50176x32xf32, #tpu.memory_space<vmem_shared>> -> memref<224x32xf32, #tpu.memory_space<vmem_shared>>
        %dma_wait3A_33 = arith.constant 0 : i32
        %dma_wait3A_34 = tpu.memref_slice %arg14[%add3A_19, %dma_wait3A_33] : memref<50176x32xf32, #tpu.memory_space<vmem_shared>> -> memref<224x32xf32, #tpu.memory_space<vmem_shared>>
        %dma_wait3A_35 = arith.constant 0 : i32
        %dma_wait3A_36 = arith.constant 0 : i32
        %dma_wait3A_37 = tpu.memref_slice %arg9[%dma_wait3A_35, %dma_wait3A_36] : memref<320x32xf32, #tpu.memory_space<vmem>> -> memref<224x32xf32, #tpu.memory_space<vmem>>
        tpu.wait_dma2 semaphore(%run_scoped3A : memref<!tpu.dma_semaphore, #tpu.memory_space<semaphore_mem>>) src(%dma_wait3A_37 : memref<224x32xf32, #tpu.memory_space<vmem>>) dst(%dma_wait3A_34 : memref<224x32xf32, #tpu.memory_space<vmem_shared>>)
        tpu.yield
      }) : () -> ()
    }
    %scan3A_7 = arith.constant 14 : i32
    %barrier3A = arith.constant 0 : index
    tpu.barrier barrier_id(%barrier3A)
    %scan3A_8 = arith.constant 0 : i32
    %scan3A_9 = arith.constant 0 : i32
    %scan3A_10 = arith.constant 13 : i32
    %scan3A_11 = arith.addi %scan3A_9, %scan3A_10 : i32
    %scan3A_12 = arith.constant 1 : i32
    scf.for %scan3A_14 = %scan3A_9 to %scan3A_11 step %scan3A_12  : i32 {
      %mul3A_15 = arith.constant 2 : i32
      %mul3A_16 = arith.muli %mul3A_15, %scan3A_14 : i32
      %mul3A_17 = arith.constant 320 : i32
      %mul3A_18 = arith.muli %mul3A_16, %mul3A_17 : i32
      %add3A_19 = arith.addi %mul3A_2, %mul3A_18 : i32
      %add3A_20 = arith.constant 320 : i32
      %add3A_21 = arith.addi %add3A_19, %add3A_20 : i32
      "tpu.region"() ({
        %run_scoped3A = tpu.sem_alloc : memref<!tpu.dma_semaphore, #tpu.memory_space<semaphore_mem>>
        %dma_start3A_40 = tpu.memref_slice %arg3[%add3A_19] : memref<266240xi32, #tpu.memory_space<hbm>> -> memref<320xi32, #tpu.memory_space<hbm>>
        %dma_start3A_41 = tpu.memref_slice %arg3[%add3A_19] : memref<266240xi32, #tpu.memory_space<hbm>> -> memref<320xi32, #tpu.memory_space<hbm>>
        tpu.enqueue_dma source(%dma_start3A_41 : memref<320xi32, #tpu.memory_space<hbm>>) target(%arg6 : memref<320xi32, #tpu.memory_space<vmem>>) target_semaphore(%run_scoped3A : memref<!tpu.dma_semaphore, #tpu.memory_space<semaphore_mem>>)
        %dma_wait3A_42 = tpu.memref_slice %arg3[%add3A_19] : memref<266240xi32, #tpu.memory_space<hbm>> -> memref<320xi32, #tpu.memory_space<hbm>>
        %dma_wait3A_43 = tpu.memref_slice %arg3[%add3A_19] : memref<266240xi32, #tpu.memory_space<hbm>> -> memref<320xi32, #tpu.memory_space<hbm>>
        tpu.wait_dma2 semaphore(%run_scoped3A : memref<!tpu.dma_semaphore, #tpu.memory_space<semaphore_mem>>) src(%dma_wait3A_43 : memref<320xi32, #tpu.memory_space<hbm>>) dst(%arg6 : memref<320xi32, #tpu.memory_space<vmem>>)
        tpu.yield
      }) : () -> ()
      %dma_start3A = arith.constant 0 : i32
      %dma_start3A_22 = tpu.memref_slice %arg2[%dma_start3A] : memref<262144xi32, #tpu.memory_space<hbm>> -> memref<262144xi32, #tpu.memory_space<hbm>>
      tpu.enqueue_indirect_dma source(%dma_start3A_22 : memref<262144xi32, #tpu.memory_space<hbm>>) target(%arg7 : memref<320xi32, #tpu.memory_space<vmem>>) offsets(%arg6 : memref<320xi32, #tpu.memory_space<vmem>>) semaphore(%arg11 : memref<!tpu.dma_semaphore, #tpu.memory_space<semaphore_mem>>)
      %dma_wait3A = arith.constant 0 : i32
      %dma_wait3A_23 = tpu.memref_slice %arg2[%dma_wait3A] : memref<262144xi32, #tpu.memory_space<hbm>> -> memref<262144xi32, #tpu.memory_space<hbm>>
      tpu.wait_indirect_dma semaphore(%arg11 : memref<!tpu.dma_semaphore, #tpu.memory_space<semaphore_mem>>) src(%dma_wait3A_23 : memref<262144xi32, #tpu.memory_space<hbm>>) dst(%arg7 : memref<320xi32, #tpu.memory_space<vmem>>)
      %dma_start3A_24 = arith.constant 0 : i32
      %dma_start3A_25 = arith.constant 0 : i32
      %dma_start3A_26 = tpu.memref_slice %arg14[%dma_start3A_24, %dma_start3A_25] : memref<50176x32xf32, #tpu.memory_space<vmem_shared>> -> memref<50176x32xf32, #tpu.memory_space<vmem_shared>>
      tpu.enqueue_indirect_dma source(%dma_start3A_26 : memref<50176x32xf32, #tpu.memory_space<vmem_shared>>) target(%arg9 : memref<320x32xf32, #tpu.memory_space<vmem>>) offsets(%arg7 : memref<320xi32, #tpu.memory_space<vmem>>) semaphore(%arg12 : memref<!tpu.dma_semaphore, #tpu.memory_space<semaphore_mem>>)
      "tpu.region"() ({
        %run_scoped3A = tpu.sem_alloc : memref<!tpu.dma_semaphore, #tpu.memory_space<semaphore_mem>>
        %dma_start3A_40 = tpu.memref_slice %arg3[%add3A_21] : memref<266240xi32, #tpu.memory_space<hbm>> -> memref<320xi32, #tpu.memory_space<hbm>>
        %dma_start3A_41 = tpu.memref_slice %arg3[%add3A_21] : memref<266240xi32, #tpu.memory_space<hbm>> -> memref<320xi32, #tpu.memory_space<hbm>>
        tpu.enqueue_dma source(%dma_start3A_41 : memref<320xi32, #tpu.memory_space<hbm>>) target(%arg6 : memref<320xi32, #tpu.memory_space<vmem>>) target_semaphore(%run_scoped3A : memref<!tpu.dma_semaphore, #tpu.memory_space<semaphore_mem>>)
        %dma_wait3A_42 = tpu.memref_slice %arg3[%add3A_21] : memref<266240xi32, #tpu.memory_space<hbm>> -> memref<320xi32, #tpu.memory_space<hbm>>
        %dma_wait3A_43 = tpu.memref_slice %arg3[%add3A_21] : memref<266240xi32, #tpu.memory_space<hbm>> -> memref<320xi32, #tpu.memory_space<hbm>>
        tpu.wait_dma2 semaphore(%run_scoped3A : memref<!tpu.dma_semaphore, #tpu.memory_space<semaphore_mem>>) src(%dma_wait3A_43 : memref<320xi32, #tpu.memory_space<hbm>>) dst(%arg6 : memref<320xi32, #tpu.memory_space<vmem>>)
        tpu.yield
      }) : () -> ()
      %dma_start3A_27 = arith.constant 0 : i32
      %dma_start3A_28 = tpu.memref_slice %arg2[%dma_start3A_27] : memref<262144xi32, #tpu.memory_space<hbm>> -> memref<262144xi32, #tpu.memory_space<hbm>>
      tpu.enqueue_indirect_dma source(%dma_start3A_28 : memref<262144xi32, #tpu.memory_space<hbm>>) target(%arg8 : memref<320xi32, #tpu.memory_space<vmem>>) offsets(%arg6 : memref<320xi32, #tpu.memory_space<vmem>>) semaphore(%arg11 : memref<!tpu.dma_semaphore, #tpu.memory_space<semaphore_mem>>)
      %dma_wait3A_29 = arith.constant 0 : i32
      %dma_wait3A_30 = tpu.memref_slice %arg2[%dma_wait3A_29] : memref<262144xi32, #tpu.memory_space<hbm>> -> memref<262144xi32, #tpu.memory_space<hbm>>
      tpu.wait_indirect_dma semaphore(%arg11 : memref<!tpu.dma_semaphore, #tpu.memory_space<semaphore_mem>>) src(%dma_wait3A_30 : memref<262144xi32, #tpu.memory_space<hbm>>) dst(%arg8 : memref<320xi32, #tpu.memory_space<vmem>>)
      %dma_start3A_31 = arith.constant 0 : i32
      %dma_start3A_32 = arith.constant 0 : i32
      %dma_start3A_33 = tpu.memref_slice %arg14[%dma_start3A_31, %dma_start3A_32] : memref<50176x32xf32, #tpu.memory_space<vmem_shared>> -> memref<50176x32xf32, #tpu.memory_space<vmem_shared>>
      tpu.enqueue_indirect_dma source(%dma_start3A_33 : memref<50176x32xf32, #tpu.memory_space<vmem_shared>>) target(%arg10 : memref<320x32xf32, #tpu.memory_space<vmem>>) offsets(%arg8 : memref<320xi32, #tpu.memory_space<vmem>>) semaphore(%arg13 : memref<!tpu.dma_semaphore, #tpu.memory_space<semaphore_mem>>)
      %dma_wait3A_34 = arith.constant 0 : i32
      %dma_wait3A_35 = arith.constant 0 : i32
      %dma_wait3A_36 = tpu.memref_slice %arg14[%dma_wait3A_34, %dma_wait3A_35] : memref<50176x32xf32, #tpu.memory_space<vmem_shared>> -> memref<50176x32xf32, #tpu.memory_space<vmem_shared>>
      tpu.wait_indirect_dma semaphore(%arg12 : memref<!tpu.dma_semaphore, #tpu.memory_space<semaphore_mem>>) src(%dma_wait3A_36 : memref<50176x32xf32, #tpu.memory_space<vmem_shared>>) dst(%arg9 : memref<320x32xf32, #tpu.memory_space<vmem>>)
      "tpu.region"() ({
        %run_scoped3A = tpu.sem_alloc : memref<!tpu.dma_semaphore, #tpu.memory_space<semaphore_mem>>
        %dma_start3A_40 = arith.constant 0 : i32
        %dma_start3A_41 = tpu.memref_slice %arg5[%add3A_19, %dma_start3A_40] : memref<266240x32xf32, #tpu.memory_space<hbm>> -> memref<320x32xf32, #tpu.memory_space<hbm>>
        %dma_start3A_42 = arith.constant 0 : i32
        %dma_start3A_43 = tpu.memref_slice %arg5[%add3A_19, %dma_start3A_42] : memref<266240x32xf32, #tpu.memory_space<hbm>> -> memref<320x32xf32, #tpu.memory_space<hbm>>
        tpu.enqueue_dma source(%arg9 : memref<320x32xf32, #tpu.memory_space<vmem>>) target(%dma_start3A_43 : memref<320x32xf32, #tpu.memory_space<hbm>>) target_semaphore(%run_scoped3A : memref<!tpu.dma_semaphore, #tpu.memory_space<semaphore_mem>>)
        %dma_wait3A_44 = arith.constant 0 : i32
        %dma_wait3A_45 = tpu.memref_slice %arg5[%add3A_19, %dma_wait3A_44] : memref<266240x32xf32, #tpu.memory_space<hbm>> -> memref<320x32xf32, #tpu.memory_space<hbm>>
        %dma_wait3A_46 = arith.constant 0 : i32
        %dma_wait3A_47 = tpu.memref_slice %arg5[%add3A_19, %dma_wait3A_46] : memref<266240x32xf32, #tpu.memory_space<hbm>> -> memref<320x32xf32, #tpu.memory_space<hbm>>
        tpu.wait_dma2 semaphore(%run_scoped3A : memref<!tpu.dma_semaphore, #tpu.memory_space<semaphore_mem>>) src(%arg9 : memref<320x32xf32, #tpu.memory_space<vmem>>) dst(%dma_wait3A_47 : memref<320x32xf32, #tpu.memory_space<hbm>>)
        tpu.yield
      }) : () -> ()
      %dma_wait3A_37 = arith.constant 0 : i32
      %dma_wait3A_38 = arith.constant 0 : i32
      %dma_wait3A_39 = tpu.memref_slice %arg14[%dma_wait3A_37, %dma_wait3A_38] : memref<50176x32xf32, #tpu.memory_space<vmem_shared>> -> memref<50176x32xf32, #tpu.memory_space<vmem_shared>>
      tpu.wait_indirect_dma semaphore(%arg13 : memref<!tpu.dma_semaphore, #tpu.memory_space<semaphore_mem>>) src(%dma_wait3A_39 : memref<50176x32xf32, #tpu.memory_space<vmem_shared>>) dst(%arg10 : memref<320x32xf32, #tpu.memory_space<vmem>>)
      "tpu.region"() ({
        %run_scoped3A = tpu.sem_alloc : memref<!tpu.dma_semaphore, #tpu.memory_space<semaphore_mem>>
        %dma_start3A_40 = arith.constant 0 : i32
        %dma_start3A_41 = tpu.memref_slice %arg5[%add3A_21, %dma_start3A_40] : memref<266240x32xf32, #tpu.memory_space<hbm>> -> memref<320x32xf32, #tpu.memory_space<hbm>>
        %dma_start3A_42 = arith.constant 0 : i32
        %dma_start3A_43 = tpu.memref_slice %arg5[%add3A_21, %dma_start3A_42] : memref<266240x32xf32, #tpu.memory_space<hbm>> -> memref<320x32xf32, #tpu.memory_space<hbm>>
        tpu.enqueue_dma source(%arg10 : memref<320x32xf32, #tpu.memory_space<vmem>>) target(%dma_start3A_43 : memref<320x32xf32, #tpu.memory_space<hbm>>) target_semaphore(%run_scoped3A : memref<!tpu.dma_semaphore, #tpu.memory_space<semaphore_mem>>)
        %dma_wait3A_44 = arith.constant 0 : i32
        %dma_wait3A_45 = tpu.memref_slice %arg5[%add3A_21, %dma_wait3A_44] : memref<266240x32xf32, #tpu.memory_space<hbm>> -> memref<320x32xf32, #tpu.memory_space<hbm>>
        %dma_wait3A_46 = arith.constant 0 : i32
        %dma_wait3A_47 = tpu.memref_slice %arg5[%add3A_21, %dma_wait3A_46] : memref<266240x32xf32, #tpu.memory_space<hbm>> -> memref<320x32xf32, #tpu.memory_space<hbm>>
        tpu.wait_dma2 semaphore(%run_scoped3A : memref<!tpu.dma_semaphore, #tpu.memory_space<semaphore_mem>>) src(%arg10 : memref<320x32xf32, #tpu.memory_space<vmem>>) dst(%dma_wait3A_47 : memref<320x32xf32, #tpu.memory_space<hbm>>)
        tpu.yield
      }) : () -> ()
    }
    %scan3A_13 = arith.constant 13 : i32
    return
  }
}

#map = affine_map<(d0, d1) -> (0)>
#map1 = affine_map<(d0, d1) -> (0, 0)>
module attributes {stable_mosaic.version = 14 : i64} {
  func.func @sc_double_gather_w32_sp(%arg0: i32, %arg1: i32, %arg2: memref<262144xi32, #tpu.memory_space<hbm>>, %arg3: memref<898560xi32, #tpu.memory_space<hbm>>, %arg4: memref<33280x32xf32, #tpu.memory_space<hbm>>, %arg5: memref<898560x32xf32, #tpu.memory_space<hbm>>, %arg6: memref<520xi32, #tpu.memory_space<vmem>>, %arg7: memref<520xi32, #tpu.memory_space<vmem>>, %arg8: memref<520xi32, #tpu.memory_space<vmem>>, %arg9: memref<520x32xf32, #tpu.memory_space<vmem>>, %arg10: memref<520x32xf32, #tpu.memory_space<vmem>>, %arg11: memref<!tpu.dma_semaphore, #tpu.memory_space<semaphore_mem>>, %arg12: memref<!tpu.dma_semaphore, #tpu.memory_space<semaphore_mem>>, %arg13: memref<!tpu.dma_semaphore, #tpu.memory_space<semaphore_mem>>, %arg14: memref<33280x32xf32, #tpu.memory_space<vmem_shared>>, %arg15: memref<1024xi32, #tpu.memory_space<vmem>>, %arg16: memref<262144xi32, #tpu.memory_space<vmem_shared>>) attributes {dimension_semantics = [#tpu.dimension_semantics<core_parallel>, #tpu.dimension_semantics<subcore_parallel>], iteration_bounds = array<i64: 2, 16>, scalar_prefetch = 0 : i64, scratch_operands = 11 : i64, tpu.core_type = #tpu.core_type<sc_vector_subcore>, window_params = [{transform_indices = #map}, {transform_indices = #map}, {transform_indices = #map1}, {transform_indices = #map1}]} {
    %mul3A = arith.constant 2 : i32
    %mul3A_0 = arith.muli %arg1, %mul3A : i32
    %add3A = arith.addi %mul3A_0, %arg0 : i32
    %mul3A_1 = arith.constant 28080 : i32
    %mul3A_2 = arith.muli %add3A, %mul3A_1 : i32
    %scan3A = arith.constant 0 : i32
    %scan3A_3 = arith.constant 0 : i32
    %scan3A_4 = arith.constant 4 : i32
    %scan3A_5 = arith.addi %scan3A_3, %scan3A_4 : i32
    %scan3A_6 = arith.constant 1 : i32
    scf.for %scan3A_20 = %scan3A_3 to %scan3A_5 step %scan3A_6  : i32 {
      %mul3A_21 = arith.constant 2080 : i32
      %mul3A_22 = arith.muli %arg1, %mul3A_21 : i32
      %mul3A_23 = arith.constant 520 : i32
      %mul3A_24 = arith.muli %scan3A_20, %mul3A_23 : i32
      %add3A_25 = arith.addi %mul3A_22, %mul3A_24 : i32
      "tpu.region"() ({
        %run_scoped3A = tpu.sem_alloc : memref<!tpu.dma_semaphore, #tpu.memory_space<semaphore_mem>>
        %dma_start3A = arith.constant 0 : i32
        %dma_start3A_26 = arith.constant 0 : i32
        %dma_start3A_27 = tpu.memref_slice %arg9[%dma_start3A, %dma_start3A_26] : memref<520x32xf32, #tpu.memory_space<vmem>> -> memref<520x32xf32, #tpu.memory_space<vmem>>
        %dma_start3A_28 = arith.constant 0 : i32
        %dma_start3A_29 = tpu.memref_slice %arg4[%add3A_25, %dma_start3A_28] : memref<33280x32xf32, #tpu.memory_space<hbm>> -> memref<520x32xf32, #tpu.memory_space<hbm>>
        %dma_start3A_30 = arith.constant 0 : i32
        %dma_start3A_31 = arith.constant 0 : i32
        %dma_start3A_32 = tpu.memref_slice %arg9[%dma_start3A_30, %dma_start3A_31] : memref<520x32xf32, #tpu.memory_space<vmem>> -> memref<520x32xf32, #tpu.memory_space<vmem>>
        %dma_start3A_33 = arith.constant 0 : i32
        %dma_start3A_34 = tpu.memref_slice %arg4[%add3A_25, %dma_start3A_33] : memref<33280x32xf32, #tpu.memory_space<hbm>> -> memref<520x32xf32, #tpu.memory_space<hbm>>
        tpu.enqueue_dma source(%dma_start3A_34 : memref<520x32xf32, #tpu.memory_space<hbm>>) target(%dma_start3A_32 : memref<520x32xf32, #tpu.memory_space<vmem>>) target_semaphore(%run_scoped3A : memref<!tpu.dma_semaphore, #tpu.memory_space<semaphore_mem>>)
        %dma_wait3A = arith.constant 0 : i32
        %dma_wait3A_35 = arith.constant 0 : i32
        %dma_wait3A_36 = tpu.memref_slice %arg9[%dma_wait3A, %dma_wait3A_35] : memref<520x32xf32, #tpu.memory_space<vmem>> -> memref<520x32xf32, #tpu.memory_space<vmem>>
        %dma_wait3A_37 = arith.constant 0 : i32
        %dma_wait3A_38 = tpu.memref_slice %arg4[%add3A_25, %dma_wait3A_37] : memref<33280x32xf32, #tpu.memory_space<hbm>> -> memref<520x32xf32, #tpu.memory_space<hbm>>
        %dma_wait3A_39 = arith.constant 0 : i32
        %dma_wait3A_40 = arith.constant 0 : i32
        %dma_wait3A_41 = tpu.memref_slice %arg9[%dma_wait3A_39, %dma_wait3A_40] : memref<520x32xf32, #tpu.memory_space<vmem>> -> memref<520x32xf32, #tpu.memory_space<vmem>>
        %dma_wait3A_42 = arith.constant 0 : i32
        %dma_wait3A_43 = tpu.memref_slice %arg4[%add3A_25, %dma_wait3A_42] : memref<33280x32xf32, #tpu.memory_space<hbm>> -> memref<520x32xf32, #tpu.memory_space<hbm>>
        tpu.wait_dma2 semaphore(%run_scoped3A : memref<!tpu.dma_semaphore, #tpu.memory_space<semaphore_mem>>) src(%dma_wait3A_43 : memref<520x32xf32, #tpu.memory_space<hbm>>) dst(%dma_wait3A_41 : memref<520x32xf32, #tpu.memory_space<vmem>>)
        tpu.yield
      }) : () -> ()
      "tpu.region"() ({
        %run_scoped3A = tpu.sem_alloc : memref<!tpu.dma_semaphore, #tpu.memory_space<semaphore_mem>>
        %dma_start3A = arith.constant 0 : i32
        %dma_start3A_26 = arith.constant 0 : i32
        %dma_start3A_27 = tpu.memref_slice %arg9[%dma_start3A, %dma_start3A_26] : memref<520x32xf32, #tpu.memory_space<vmem>> -> memref<520x32xf32, #tpu.memory_space<vmem>>
        %dma_start3A_28 = arith.constant 0 : i32
        %dma_start3A_29 = tpu.memref_slice %arg14[%add3A_25, %dma_start3A_28] : memref<33280x32xf32, #tpu.memory_space<vmem_shared>> -> memref<520x32xf32, #tpu.memory_space<vmem_shared>>
        %dma_start3A_30 = arith.constant 0 : i32
        %dma_start3A_31 = tpu.memref_slice %arg14[%add3A_25, %dma_start3A_30] : memref<33280x32xf32, #tpu.memory_space<vmem_shared>> -> memref<520x32xf32, #tpu.memory_space<vmem_shared>>
        %dma_start3A_32 = arith.constant 0 : i32
        %dma_start3A_33 = arith.constant 0 : i32
        %dma_start3A_34 = tpu.memref_slice %arg9[%dma_start3A_32, %dma_start3A_33] : memref<520x32xf32, #tpu.memory_space<vmem>> -> memref<520x32xf32, #tpu.memory_space<vmem>>
        tpu.enqueue_dma source(%dma_start3A_34 : memref<520x32xf32, #tpu.memory_space<vmem>>) target(%dma_start3A_31 : memref<520x32xf32, #tpu.memory_space<vmem_shared>>) target_semaphore(%run_scoped3A : memref<!tpu.dma_semaphore, #tpu.memory_space<semaphore_mem>>)
        %dma_wait3A = arith.constant 0 : i32
        %dma_wait3A_35 = arith.constant 0 : i32
        %dma_wait3A_36 = tpu.memref_slice %arg9[%dma_wait3A, %dma_wait3A_35] : memref<520x32xf32, #tpu.memory_space<vmem>> -> memref<520x32xf32, #tpu.memory_space<vmem>>
        %dma_wait3A_37 = arith.constant 0 : i32
        %dma_wait3A_38 = tpu.memref_slice %arg14[%add3A_25, %dma_wait3A_37] : memref<33280x32xf32, #tpu.memory_space<vmem_shared>> -> memref<520x32xf32, #tpu.memory_space<vmem_shared>>
        %dma_wait3A_39 = arith.constant 0 : i32
        %dma_wait3A_40 = tpu.memref_slice %arg14[%add3A_25, %dma_wait3A_39] : memref<33280x32xf32, #tpu.memory_space<vmem_shared>> -> memref<520x32xf32, #tpu.memory_space<vmem_shared>>
        %dma_wait3A_41 = arith.constant 0 : i32
        %dma_wait3A_42 = arith.constant 0 : i32
        %dma_wait3A_43 = tpu.memref_slice %arg9[%dma_wait3A_41, %dma_wait3A_42] : memref<520x32xf32, #tpu.memory_space<vmem>> -> memref<520x32xf32, #tpu.memory_space<vmem>>
        tpu.wait_dma2 semaphore(%run_scoped3A : memref<!tpu.dma_semaphore, #tpu.memory_space<semaphore_mem>>) src(%dma_wait3A_43 : memref<520x32xf32, #tpu.memory_space<vmem>>) dst(%dma_wait3A_40 : memref<520x32xf32, #tpu.memory_space<vmem_shared>>)
        tpu.yield
      }) : () -> ()
    }
    %scan3A_7 = arith.constant 4 : i32
    %scan3A_8 = arith.constant 0 : i32
    %scan3A_9 = arith.constant 0 : i32
    %scan3A_10 = arith.constant 16 : i32
    %scan3A_11 = arith.addi %scan3A_9, %scan3A_10 : i32
    %scan3A_12 = arith.constant 1 : i32
    scf.for %scan3A_20 = %scan3A_9 to %scan3A_11 step %scan3A_12  : i32 {
      %mul3A_21 = arith.constant 16384 : i32
      %mul3A_22 = arith.muli %arg1, %mul3A_21 : i32
      %mul3A_23 = arith.constant 1024 : i32
      %mul3A_24 = arith.muli %scan3A_20, %mul3A_23 : i32
      %add3A_25 = arith.addi %mul3A_22, %mul3A_24 : i32
      "tpu.region"() ({
        %run_scoped3A = tpu.sem_alloc : memref<!tpu.dma_semaphore, #tpu.memory_space<semaphore_mem>>
        %dma_start3A = tpu.memref_slice %arg2[%add3A_25] : memref<262144xi32, #tpu.memory_space<hbm>> -> memref<1024xi32, #tpu.memory_space<hbm>>
        %dma_start3A_26 = tpu.memref_slice %arg2[%add3A_25] : memref<262144xi32, #tpu.memory_space<hbm>> -> memref<1024xi32, #tpu.memory_space<hbm>>
        tpu.enqueue_dma source(%dma_start3A_26 : memref<1024xi32, #tpu.memory_space<hbm>>) target(%arg15 : memref<1024xi32, #tpu.memory_space<vmem>>) target_semaphore(%run_scoped3A : memref<!tpu.dma_semaphore, #tpu.memory_space<semaphore_mem>>)
        %dma_wait3A = tpu.memref_slice %arg2[%add3A_25] : memref<262144xi32, #tpu.memory_space<hbm>> -> memref<1024xi32, #tpu.memory_space<hbm>>
        %dma_wait3A_27 = tpu.memref_slice %arg2[%add3A_25] : memref<262144xi32, #tpu.memory_space<hbm>> -> memref<1024xi32, #tpu.memory_space<hbm>>
        tpu.wait_dma2 semaphore(%run_scoped3A : memref<!tpu.dma_semaphore, #tpu.memory_space<semaphore_mem>>) src(%dma_wait3A_27 : memref<1024xi32, #tpu.memory_space<hbm>>) dst(%arg15 : memref<1024xi32, #tpu.memory_space<vmem>>)
        tpu.yield
      }) : () -> ()
      "tpu.region"() ({
        %run_scoped3A = tpu.sem_alloc : memref<!tpu.dma_semaphore, #tpu.memory_space<semaphore_mem>>
        %dma_start3A = tpu.memref_slice %arg16[%add3A_25] : memref<262144xi32, #tpu.memory_space<vmem_shared>> -> memref<1024xi32, #tpu.memory_space<vmem_shared>>
        %dma_start3A_26 = tpu.memref_slice %arg16[%add3A_25] : memref<262144xi32, #tpu.memory_space<vmem_shared>> -> memref<1024xi32, #tpu.memory_space<vmem_shared>>
        tpu.enqueue_dma source(%arg15 : memref<1024xi32, #tpu.memory_space<vmem>>) target(%dma_start3A_26 : memref<1024xi32, #tpu.memory_space<vmem_shared>>) target_semaphore(%run_scoped3A : memref<!tpu.dma_semaphore, #tpu.memory_space<semaphore_mem>>)
        %dma_wait3A = tpu.memref_slice %arg16[%add3A_25] : memref<262144xi32, #tpu.memory_space<vmem_shared>> -> memref<1024xi32, #tpu.memory_space<vmem_shared>>
        %dma_wait3A_27 = tpu.memref_slice %arg16[%add3A_25] : memref<262144xi32, #tpu.memory_space<vmem_shared>> -> memref<1024xi32, #tpu.memory_space<vmem_shared>>
        tpu.wait_dma2 semaphore(%run_scoped3A : memref<!tpu.dma_semaphore, #tpu.memory_space<semaphore_mem>>) src(%arg15 : memref<1024xi32, #tpu.memory_space<vmem>>) dst(%dma_wait3A_27 : memref<1024xi32, #tpu.memory_space<vmem_shared>>)
        tpu.yield
      }) : () -> ()
    }
    %scan3A_13 = arith.constant 16 : i32
    %barrier3A = arith.constant 0 : index
    tpu.barrier barrier_id(%barrier3A)
    %scan3A_14 = arith.constant 0 : i32
    %scan3A_15 = arith.constant 0 : i32
    %scan3A_16 = arith.constant 27 : i32
    %scan3A_17 = arith.addi %scan3A_15, %scan3A_16 : i32
    %scan3A_18 = arith.constant 1 : i32
    scf.for %scan3A_20 = %scan3A_15 to %scan3A_17 step %scan3A_18  : i32 {
      %mul3A_21 = arith.constant 2 : i32
      %mul3A_22 = arith.muli %mul3A_21, %scan3A_20 : i32
      %mul3A_23 = arith.constant 520 : i32
      %mul3A_24 = arith.muli %mul3A_22, %mul3A_23 : i32
      %add3A_25 = arith.addi %mul3A_2, %mul3A_24 : i32
      %add3A_26 = arith.constant 520 : i32
      %add3A_27 = arith.addi %add3A_25, %add3A_26 : i32
      "tpu.region"() ({
        %run_scoped3A = tpu.sem_alloc : memref<!tpu.dma_semaphore, #tpu.memory_space<semaphore_mem>>
        %dma_start3A_46 = tpu.memref_slice %arg3[%add3A_25] : memref<898560xi32, #tpu.memory_space<hbm>> -> memref<520xi32, #tpu.memory_space<hbm>>
        %dma_start3A_47 = tpu.memref_slice %arg3[%add3A_25] : memref<898560xi32, #tpu.memory_space<hbm>> -> memref<520xi32, #tpu.memory_space<hbm>>
        tpu.enqueue_dma source(%dma_start3A_47 : memref<520xi32, #tpu.memory_space<hbm>>) target(%arg6 : memref<520xi32, #tpu.memory_space<vmem>>) target_semaphore(%run_scoped3A : memref<!tpu.dma_semaphore, #tpu.memory_space<semaphore_mem>>)
        %dma_wait3A_48 = tpu.memref_slice %arg3[%add3A_25] : memref<898560xi32, #tpu.memory_space<hbm>> -> memref<520xi32, #tpu.memory_space<hbm>>
        %dma_wait3A_49 = tpu.memref_slice %arg3[%add3A_25] : memref<898560xi32, #tpu.memory_space<hbm>> -> memref<520xi32, #tpu.memory_space<hbm>>
        tpu.wait_dma2 semaphore(%run_scoped3A : memref<!tpu.dma_semaphore, #tpu.memory_space<semaphore_mem>>) src(%dma_wait3A_49 : memref<520xi32, #tpu.memory_space<hbm>>) dst(%arg6 : memref<520xi32, #tpu.memory_space<vmem>>)
        tpu.yield
      }) : () -> ()
      %dma_start3A = arith.constant 0 : i32
      %dma_start3A_28 = tpu.memref_slice %arg16[%dma_start3A] : memref<262144xi32, #tpu.memory_space<vmem_shared>> -> memref<262144xi32, #tpu.memory_space<vmem_shared>>
      tpu.enqueue_indirect_dma source(%dma_start3A_28 : memref<262144xi32, #tpu.memory_space<vmem_shared>>) target(%arg7 : memref<520xi32, #tpu.memory_space<vmem>>) offsets(%arg6 : memref<520xi32, #tpu.memory_space<vmem>>) semaphore(%arg11 : memref<!tpu.dma_semaphore, #tpu.memory_space<semaphore_mem>>)
      %dma_wait3A = arith.constant 0 : i32
      %dma_wait3A_29 = tpu.memref_slice %arg16[%dma_wait3A] : memref<262144xi32, #tpu.memory_space<vmem_shared>> -> memref<262144xi32, #tpu.memory_space<vmem_shared>>
      tpu.wait_indirect_dma semaphore(%arg11 : memref<!tpu.dma_semaphore, #tpu.memory_space<semaphore_mem>>) src(%dma_wait3A_29 : memref<262144xi32, #tpu.memory_space<vmem_shared>>) dst(%arg7 : memref<520xi32, #tpu.memory_space<vmem>>)
      %dma_start3A_30 = arith.constant 0 : i32
      %dma_start3A_31 = arith.constant 0 : i32
      %dma_start3A_32 = tpu.memref_slice %arg14[%dma_start3A_30, %dma_start3A_31] : memref<33280x32xf32, #tpu.memory_space<vmem_shared>> -> memref<33280x32xf32, #tpu.memory_space<vmem_shared>>
      tpu.enqueue_indirect_dma source(%dma_start3A_32 : memref<33280x32xf32, #tpu.memory_space<vmem_shared>>) target(%arg9 : memref<520x32xf32, #tpu.memory_space<vmem>>) offsets(%arg7 : memref<520xi32, #tpu.memory_space<vmem>>) semaphore(%arg12 : memref<!tpu.dma_semaphore, #tpu.memory_space<semaphore_mem>>)
      "tpu.region"() ({
        %run_scoped3A = tpu.sem_alloc : memref<!tpu.dma_semaphore, #tpu.memory_space<semaphore_mem>>
        %dma_start3A_46 = tpu.memref_slice %arg3[%add3A_27] : memref<898560xi32, #tpu.memory_space<hbm>> -> memref<520xi32, #tpu.memory_space<hbm>>
        %dma_start3A_47 = tpu.memref_slice %arg3[%add3A_27] : memref<898560xi32, #tpu.memory_space<hbm>> -> memref<520xi32, #tpu.memory_space<hbm>>
        tpu.enqueue_dma source(%dma_start3A_47 : memref<520xi32, #tpu.memory_space<hbm>>) target(%arg6 : memref<520xi32, #tpu.memory_space<vmem>>) target_semaphore(%run_scoped3A : memref<!tpu.dma_semaphore, #tpu.memory_space<semaphore_mem>>)
        %dma_wait3A_48 = tpu.memref_slice %arg3[%add3A_27] : memref<898560xi32, #tpu.memory_space<hbm>> -> memref<520xi32, #tpu.memory_space<hbm>>
        %dma_wait3A_49 = tpu.memref_slice %arg3[%add3A_27] : memref<898560xi32, #tpu.memory_space<hbm>> -> memref<520xi32, #tpu.memory_space<hbm>>
        tpu.wait_dma2 semaphore(%run_scoped3A : memref<!tpu.dma_semaphore, #tpu.memory_space<semaphore_mem>>) src(%dma_wait3A_49 : memref<520xi32, #tpu.memory_space<hbm>>) dst(%arg6 : memref<520xi32, #tpu.memory_space<vmem>>)
        tpu.yield
      }) : () -> ()
      %dma_start3A_33 = arith.constant 0 : i32
      %dma_start3A_34 = tpu.memref_slice %arg16[%dma_start3A_33] : memref<262144xi32, #tpu.memory_space<vmem_shared>> -> memref<262144xi32, #tpu.memory_space<vmem_shared>>
      tpu.enqueue_indirect_dma source(%dma_start3A_34 : memref<262144xi32, #tpu.memory_space<vmem_shared>>) target(%arg8 : memref<520xi32, #tpu.memory_space<vmem>>) offsets(%arg6 : memref<520xi32, #tpu.memory_space<vmem>>) semaphore(%arg11 : memref<!tpu.dma_semaphore, #tpu.memory_space<semaphore_mem>>)
      %dma_wait3A_35 = arith.constant 0 : i32
      %dma_wait3A_36 = tpu.memref_slice %arg16[%dma_wait3A_35] : memref<262144xi32, #tpu.memory_space<vmem_shared>> -> memref<262144xi32, #tpu.memory_space<vmem_shared>>
      tpu.wait_indirect_dma semaphore(%arg11 : memref<!tpu.dma_semaphore, #tpu.memory_space<semaphore_mem>>) src(%dma_wait3A_36 : memref<262144xi32, #tpu.memory_space<vmem_shared>>) dst(%arg8 : memref<520xi32, #tpu.memory_space<vmem>>)
      %dma_start3A_37 = arith.constant 0 : i32
      %dma_start3A_38 = arith.constant 0 : i32
      %dma_start3A_39 = tpu.memref_slice %arg14[%dma_start3A_37, %dma_start3A_38] : memref<33280x32xf32, #tpu.memory_space<vmem_shared>> -> memref<33280x32xf32, #tpu.memory_space<vmem_shared>>
      tpu.enqueue_indirect_dma source(%dma_start3A_39 : memref<33280x32xf32, #tpu.memory_space<vmem_shared>>) target(%arg10 : memref<520x32xf32, #tpu.memory_space<vmem>>) offsets(%arg8 : memref<520xi32, #tpu.memory_space<vmem>>) semaphore(%arg13 : memref<!tpu.dma_semaphore, #tpu.memory_space<semaphore_mem>>)
      %dma_wait3A_40 = arith.constant 0 : i32
      %dma_wait3A_41 = arith.constant 0 : i32
      %dma_wait3A_42 = tpu.memref_slice %arg14[%dma_wait3A_40, %dma_wait3A_41] : memref<33280x32xf32, #tpu.memory_space<vmem_shared>> -> memref<33280x32xf32, #tpu.memory_space<vmem_shared>>
      tpu.wait_indirect_dma semaphore(%arg12 : memref<!tpu.dma_semaphore, #tpu.memory_space<semaphore_mem>>) src(%dma_wait3A_42 : memref<33280x32xf32, #tpu.memory_space<vmem_shared>>) dst(%arg9 : memref<520x32xf32, #tpu.memory_space<vmem>>)
      "tpu.region"() ({
        %run_scoped3A = tpu.sem_alloc : memref<!tpu.dma_semaphore, #tpu.memory_space<semaphore_mem>>
        %dma_start3A_46 = arith.constant 0 : i32
        %dma_start3A_47 = tpu.memref_slice %arg5[%add3A_25, %dma_start3A_46] : memref<898560x32xf32, #tpu.memory_space<hbm>> -> memref<520x32xf32, #tpu.memory_space<hbm>>
        %dma_start3A_48 = arith.constant 0 : i32
        %dma_start3A_49 = tpu.memref_slice %arg5[%add3A_25, %dma_start3A_48] : memref<898560x32xf32, #tpu.memory_space<hbm>> -> memref<520x32xf32, #tpu.memory_space<hbm>>
        tpu.enqueue_dma source(%arg9 : memref<520x32xf32, #tpu.memory_space<vmem>>) target(%dma_start3A_49 : memref<520x32xf32, #tpu.memory_space<hbm>>) target_semaphore(%run_scoped3A : memref<!tpu.dma_semaphore, #tpu.memory_space<semaphore_mem>>)
        %dma_wait3A_50 = arith.constant 0 : i32
        %dma_wait3A_51 = tpu.memref_slice %arg5[%add3A_25, %dma_wait3A_50] : memref<898560x32xf32, #tpu.memory_space<hbm>> -> memref<520x32xf32, #tpu.memory_space<hbm>>
        %dma_wait3A_52 = arith.constant 0 : i32
        %dma_wait3A_53 = tpu.memref_slice %arg5[%add3A_25, %dma_wait3A_52] : memref<898560x32xf32, #tpu.memory_space<hbm>> -> memref<520x32xf32, #tpu.memory_space<hbm>>
        tpu.wait_dma2 semaphore(%run_scoped3A : memref<!tpu.dma_semaphore, #tpu.memory_space<semaphore_mem>>) src(%arg9 : memref<520x32xf32, #tpu.memory_space<vmem>>) dst(%dma_wait3A_53 : memref<520x32xf32, #tpu.memory_space<hbm>>)
        tpu.yield
      }) : () -> ()
      %dma_wait3A_43 = arith.constant 0 : i32
      %dma_wait3A_44 = arith.constant 0 : i32
      %dma_wait3A_45 = tpu.memref_slice %arg14[%dma_wait3A_43, %dma_wait3A_44] : memref<33280x32xf32, #tpu.memory_space<vmem_shared>> -> memref<33280x32xf32, #tpu.memory_space<vmem_shared>>
      tpu.wait_indirect_dma semaphore(%arg13 : memref<!tpu.dma_semaphore, #tpu.memory_space<semaphore_mem>>) src(%dma_wait3A_45 : memref<33280x32xf32, #tpu.memory_space<vmem_shared>>) dst(%arg10 : memref<520x32xf32, #tpu.memory_space<vmem>>)
      "tpu.region"() ({
        %run_scoped3A = tpu.sem_alloc : memref<!tpu.dma_semaphore, #tpu.memory_space<semaphore_mem>>
        %dma_start3A_46 = arith.constant 0 : i32
        %dma_start3A_47 = tpu.memref_slice %arg5[%add3A_27, %dma_start3A_46] : memref<898560x32xf32, #tpu.memory_space<hbm>> -> memref<520x32xf32, #tpu.memory_space<hbm>>
        %dma_start3A_48 = arith.constant 0 : i32
        %dma_start3A_49 = tpu.memref_slice %arg5[%add3A_27, %dma_start3A_48] : memref<898560x32xf32, #tpu.memory_space<hbm>> -> memref<520x32xf32, #tpu.memory_space<hbm>>
        tpu.enqueue_dma source(%arg10 : memref<520x32xf32, #tpu.memory_space<vmem>>) target(%dma_start3A_49 : memref<520x32xf32, #tpu.memory_space<hbm>>) target_semaphore(%run_scoped3A : memref<!tpu.dma_semaphore, #tpu.memory_space<semaphore_mem>>)
        %dma_wait3A_50 = arith.constant 0 : i32
        %dma_wait3A_51 = tpu.memref_slice %arg5[%add3A_27, %dma_wait3A_50] : memref<898560x32xf32, #tpu.memory_space<hbm>> -> memref<520x32xf32, #tpu.memory_space<hbm>>
        %dma_wait3A_52 = arith.constant 0 : i32
        %dma_wait3A_53 = tpu.memref_slice %arg5[%add3A_27, %dma_wait3A_52] : memref<898560x32xf32, #tpu.memory_space<hbm>> -> memref<520x32xf32, #tpu.memory_space<hbm>>
        tpu.wait_dma2 semaphore(%run_scoped3A : memref<!tpu.dma_semaphore, #tpu.memory_space<semaphore_mem>>) src(%arg10 : memref<520x32xf32, #tpu.memory_space<vmem>>) dst(%dma_wait3A_53 : memref<520x32xf32, #tpu.memory_space<hbm>>)
        tpu.yield
      }) : () -> ()
    }
    %scan3A_19 = arith.constant 27 : i32
    return
  }
}

#map = affine_map<(d0, d1) -> (0)>
#map1 = affine_map<(d0, d1) -> (0, 0)>
module attributes {stable_mosaic.version = 14 : i64} {
  func.func @sc_double_gather_w96_hbm(%arg0: i32, %arg1: i32, %arg2: memref<262144xi32, #tpu.memory_space<hbm>>, %arg3: memref<50176xi32, #tpu.memory_space<hbm>>, %arg4: memref<33280x96xf32, #tpu.memory_space<hbm>>, %arg5: memref<50176x96xf32, #tpu.memory_space<hbm>>, %arg6: memref<392xi32, #tpu.memory_space<vmem>>, %arg7: memref<392xi32, #tpu.memory_space<vmem>>, %arg8: memref<392xi32, #tpu.memory_space<vmem>>, %arg9: memref<392x96xf32, #tpu.memory_space<vmem>>, %arg10: memref<392x96xf32, #tpu.memory_space<vmem>>, %arg11: memref<!tpu.dma_semaphore, #tpu.memory_space<semaphore_mem>>, %arg12: memref<!tpu.dma_semaphore, #tpu.memory_space<semaphore_mem>>, %arg13: memref<!tpu.dma_semaphore, #tpu.memory_space<semaphore_mem>>) attributes {dimension_semantics = [#tpu.dimension_semantics<core_parallel>, #tpu.dimension_semantics<subcore_parallel>], iteration_bounds = array<i64: 2, 16>, scalar_prefetch = 0 : i64, scratch_operands = 8 : i64, tpu.core_type = #tpu.core_type<sc_vector_subcore>, window_params = [{transform_indices = #map}, {transform_indices = #map}, {transform_indices = #map1}, {transform_indices = #map1}]} {
    %mul3A = arith.constant 2 : i32
    %mul3A_0 = arith.muli %arg1, %mul3A : i32
    %add3A = arith.addi %mul3A_0, %arg0 : i32
    %mul3A_1 = arith.constant 1568 : i32
    %mul3A_2 = arith.muli %add3A, %mul3A_1 : i32
    %scan3A = arith.constant 0 : i32
    %scan3A_3 = arith.constant 0 : i32
    %scan3A_4 = arith.constant 2 : i32
    %scan3A_5 = arith.addi %scan3A_3, %scan3A_4 : i32
    %scan3A_6 = arith.constant 1 : i32
    scf.for %scan3A_8 = %scan3A_3 to %scan3A_5 step %scan3A_6  : i32 {
      %mul3A_9 = arith.constant 2 : i32
      %mul3A_10 = arith.muli %mul3A_9, %scan3A_8 : i32
      %mul3A_11 = arith.constant 392 : i32
      %mul3A_12 = arith.muli %mul3A_10, %mul3A_11 : i32
      %add3A_13 = arith.addi %mul3A_2, %mul3A_12 : i32
      %add3A_14 = arith.constant 392 : i32
      %add3A_15 = arith.addi %add3A_13, %add3A_14 : i32
      "tpu.region"() ({
        %run_scoped3A = tpu.sem_alloc : memref<!tpu.dma_semaphore, #tpu.memory_space<semaphore_mem>>
        %dma_start3A_34 = tpu.memref_slice %arg3[%add3A_13] : memref<50176xi32, #tpu.memory_space<hbm>> -> memref<392xi32, #tpu.memory_space<hbm>>
        %dma_start3A_35 = tpu.memref_slice %arg3[%add3A_13] : memref<50176xi32, #tpu.memory_space<hbm>> -> memref<392xi32, #tpu.memory_space<hbm>>
        tpu.enqueue_dma source(%dma_start3A_35 : memref<392xi32, #tpu.memory_space<hbm>>) target(%arg6 : memref<392xi32, #tpu.memory_space<vmem>>) target_semaphore(%run_scoped3A : memref<!tpu.dma_semaphore, #tpu.memory_space<semaphore_mem>>)
        %dma_wait3A_36 = tpu.memref_slice %arg3[%add3A_13] : memref<50176xi32, #tpu.memory_space<hbm>> -> memref<392xi32, #tpu.memory_space<hbm>>
        %dma_wait3A_37 = tpu.memref_slice %arg3[%add3A_13] : memref<50176xi32, #tpu.memory_space<hbm>> -> memref<392xi32, #tpu.memory_space<hbm>>
        tpu.wait_dma2 semaphore(%run_scoped3A : memref<!tpu.dma_semaphore, #tpu.memory_space<semaphore_mem>>) src(%dma_wait3A_37 : memref<392xi32, #tpu.memory_space<hbm>>) dst(%arg6 : memref<392xi32, #tpu.memory_space<vmem>>)
        tpu.yield
      }) : () -> ()
      %dma_start3A = arith.constant 0 : i32
      %dma_start3A_16 = tpu.memref_slice %arg2[%dma_start3A] : memref<262144xi32, #tpu.memory_space<hbm>> -> memref<262144xi32, #tpu.memory_space<hbm>>
      tpu.enqueue_indirect_dma source(%dma_start3A_16 : memref<262144xi32, #tpu.memory_space<hbm>>) target(%arg7 : memref<392xi32, #tpu.memory_space<vmem>>) offsets(%arg6 : memref<392xi32, #tpu.memory_space<vmem>>) semaphore(%arg11 : memref<!tpu.dma_semaphore, #tpu.memory_space<semaphore_mem>>)
      %dma_wait3A = arith.constant 0 : i32
      %dma_wait3A_17 = tpu.memref_slice %arg2[%dma_wait3A] : memref<262144xi32, #tpu.memory_space<hbm>> -> memref<262144xi32, #tpu.memory_space<hbm>>
      tpu.wait_indirect_dma semaphore(%arg11 : memref<!tpu.dma_semaphore, #tpu.memory_space<semaphore_mem>>) src(%dma_wait3A_17 : memref<262144xi32, #tpu.memory_space<hbm>>) dst(%arg7 : memref<392xi32, #tpu.memory_space<vmem>>)
      %dma_start3A_18 = arith.constant 0 : i32
      %dma_start3A_19 = arith.constant 0 : i32
      %dma_start3A_20 = tpu.memref_slice %arg4[%dma_start3A_18, %dma_start3A_19] : memref<33280x96xf32, #tpu.memory_space<hbm>> -> memref<33280x96xf32, #tpu.memory_space<hbm>>
      tpu.enqueue_indirect_dma source(%dma_start3A_20 : memref<33280x96xf32, #tpu.memory_space<hbm>>) target(%arg9 : memref<392x96xf32, #tpu.memory_space<vmem>>) offsets(%arg7 : memref<392xi32, #tpu.memory_space<vmem>>) semaphore(%arg12 : memref<!tpu.dma_semaphore, #tpu.memory_space<semaphore_mem>>)
      "tpu.region"() ({
        %run_scoped3A = tpu.sem_alloc : memref<!tpu.dma_semaphore, #tpu.memory_space<semaphore_mem>>
        %dma_start3A_34 = tpu.memref_slice %arg3[%add3A_15] : memref<50176xi32, #tpu.memory_space<hbm>> -> memref<392xi32, #tpu.memory_space<hbm>>
        %dma_start3A_35 = tpu.memref_slice %arg3[%add3A_15] : memref<50176xi32, #tpu.memory_space<hbm>> -> memref<392xi32, #tpu.memory_space<hbm>>
        tpu.enqueue_dma source(%dma_start3A_35 : memref<392xi32, #tpu.memory_space<hbm>>) target(%arg6 : memref<392xi32, #tpu.memory_space<vmem>>) target_semaphore(%run_scoped3A : memref<!tpu.dma_semaphore, #tpu.memory_space<semaphore_mem>>)
        %dma_wait3A_36 = tpu.memref_slice %arg3[%add3A_15] : memref<50176xi32, #tpu.memory_space<hbm>> -> memref<392xi32, #tpu.memory_space<hbm>>
        %dma_wait3A_37 = tpu.memref_slice %arg3[%add3A_15] : memref<50176xi32, #tpu.memory_space<hbm>> -> memref<392xi32, #tpu.memory_space<hbm>>
        tpu.wait_dma2 semaphore(%run_scoped3A : memref<!tpu.dma_semaphore, #tpu.memory_space<semaphore_mem>>) src(%dma_wait3A_37 : memref<392xi32, #tpu.memory_space<hbm>>) dst(%arg6 : memref<392xi32, #tpu.memory_space<vmem>>)
        tpu.yield
      }) : () -> ()
      %dma_start3A_21 = arith.constant 0 : i32
      %dma_start3A_22 = tpu.memref_slice %arg2[%dma_start3A_21] : memref<262144xi32, #tpu.memory_space<hbm>> -> memref<262144xi32, #tpu.memory_space<hbm>>
      tpu.enqueue_indirect_dma source(%dma_start3A_22 : memref<262144xi32, #tpu.memory_space<hbm>>) target(%arg8 : memref<392xi32, #tpu.memory_space<vmem>>) offsets(%arg6 : memref<392xi32, #tpu.memory_space<vmem>>) semaphore(%arg11 : memref<!tpu.dma_semaphore, #tpu.memory_space<semaphore_mem>>)
      %dma_wait3A_23 = arith.constant 0 : i32
      %dma_wait3A_24 = tpu.memref_slice %arg2[%dma_wait3A_23] : memref<262144xi32, #tpu.memory_space<hbm>> -> memref<262144xi32, #tpu.memory_space<hbm>>
      tpu.wait_indirect_dma semaphore(%arg11 : memref<!tpu.dma_semaphore, #tpu.memory_space<semaphore_mem>>) src(%dma_wait3A_24 : memref<262144xi32, #tpu.memory_space<hbm>>) dst(%arg8 : memref<392xi32, #tpu.memory_space<vmem>>)
      %dma_start3A_25 = arith.constant 0 : i32
      %dma_start3A_26 = arith.constant 0 : i32
      %dma_start3A_27 = tpu.memref_slice %arg4[%dma_start3A_25, %dma_start3A_26] : memref<33280x96xf32, #tpu.memory_space<hbm>> -> memref<33280x96xf32, #tpu.memory_space<hbm>>
      tpu.enqueue_indirect_dma source(%dma_start3A_27 : memref<33280x96xf32, #tpu.memory_space<hbm>>) target(%arg10 : memref<392x96xf32, #tpu.memory_space<vmem>>) offsets(%arg8 : memref<392xi32, #tpu.memory_space<vmem>>) semaphore(%arg13 : memref<!tpu.dma_semaphore, #tpu.memory_space<semaphore_mem>>)
      %dma_wait3A_28 = arith.constant 0 : i32
      %dma_wait3A_29 = arith.constant 0 : i32
      %dma_wait3A_30 = tpu.memref_slice %arg4[%dma_wait3A_28, %dma_wait3A_29] : memref<33280x96xf32, #tpu.memory_space<hbm>> -> memref<33280x96xf32, #tpu.memory_space<hbm>>
      tpu.wait_indirect_dma semaphore(%arg12 : memref<!tpu.dma_semaphore, #tpu.memory_space<semaphore_mem>>) src(%dma_wait3A_30 : memref<33280x96xf32, #tpu.memory_space<hbm>>) dst(%arg9 : memref<392x96xf32, #tpu.memory_space<vmem>>)
      "tpu.region"() ({
        %run_scoped3A = tpu.sem_alloc : memref<!tpu.dma_semaphore, #tpu.memory_space<semaphore_mem>>
        %dma_start3A_34 = arith.constant 0 : i32
        %dma_start3A_35 = tpu.memref_slice %arg5[%add3A_13, %dma_start3A_34] : memref<50176x96xf32, #tpu.memory_space<hbm>> -> memref<392x96xf32, #tpu.memory_space<hbm>>
        %dma_start3A_36 = arith.constant 0 : i32
        %dma_start3A_37 = tpu.memref_slice %arg5[%add3A_13, %dma_start3A_36] : memref<50176x96xf32, #tpu.memory_space<hbm>> -> memref<392x96xf32, #tpu.memory_space<hbm>>
        tpu.enqueue_dma source(%arg9 : memref<392x96xf32, #tpu.memory_space<vmem>>) target(%dma_start3A_37 : memref<392x96xf32, #tpu.memory_space<hbm>>) target_semaphore(%run_scoped3A : memref<!tpu.dma_semaphore, #tpu.memory_space<semaphore_mem>>)
        %dma_wait3A_38 = arith.constant 0 : i32
        %dma_wait3A_39 = tpu.memref_slice %arg5[%add3A_13, %dma_wait3A_38] : memref<50176x96xf32, #tpu.memory_space<hbm>> -> memref<392x96xf32, #tpu.memory_space<hbm>>
        %dma_wait3A_40 = arith.constant 0 : i32
        %dma_wait3A_41 = tpu.memref_slice %arg5[%add3A_13, %dma_wait3A_40] : memref<50176x96xf32, #tpu.memory_space<hbm>> -> memref<392x96xf32, #tpu.memory_space<hbm>>
        tpu.wait_dma2 semaphore(%run_scoped3A : memref<!tpu.dma_semaphore, #tpu.memory_space<semaphore_mem>>) src(%arg9 : memref<392x96xf32, #tpu.memory_space<vmem>>) dst(%dma_wait3A_41 : memref<392x96xf32, #tpu.memory_space<hbm>>)
        tpu.yield
      }) : () -> ()
      %dma_wait3A_31 = arith.constant 0 : i32
      %dma_wait3A_32 = arith.constant 0 : i32
      %dma_wait3A_33 = tpu.memref_slice %arg4[%dma_wait3A_31, %dma_wait3A_32] : memref<33280x96xf32, #tpu.memory_space<hbm>> -> memref<33280x96xf32, #tpu.memory_space<hbm>>
      tpu.wait_indirect_dma semaphore(%arg13 : memref<!tpu.dma_semaphore, #tpu.memory_space<semaphore_mem>>) src(%dma_wait3A_33 : memref<33280x96xf32, #tpu.memory_space<hbm>>) dst(%arg10 : memref<392x96xf32, #tpu.memory_space<vmem>>)
      "tpu.region"() ({
        %run_scoped3A = tpu.sem_alloc : memref<!tpu.dma_semaphore, #tpu.memory_space<semaphore_mem>>
        %dma_start3A_34 = arith.constant 0 : i32
        %dma_start3A_35 = tpu.memref_slice %arg5[%add3A_15, %dma_start3A_34] : memref<50176x96xf32, #tpu.memory_space<hbm>> -> memref<392x96xf32, #tpu.memory_space<hbm>>
        %dma_start3A_36 = arith.constant 0 : i32
        %dma_start3A_37 = tpu.memref_slice %arg5[%add3A_15, %dma_start3A_36] : memref<50176x96xf32, #tpu.memory_space<hbm>> -> memref<392x96xf32, #tpu.memory_space<hbm>>
        tpu.enqueue_dma source(%arg10 : memref<392x96xf32, #tpu.memory_space<vmem>>) target(%dma_start3A_37 : memref<392x96xf32, #tpu.memory_space<hbm>>) target_semaphore(%run_scoped3A : memref<!tpu.dma_semaphore, #tpu.memory_space<semaphore_mem>>)
        %dma_wait3A_38 = arith.constant 0 : i32
        %dma_wait3A_39 = tpu.memref_slice %arg5[%add3A_15, %dma_wait3A_38] : memref<50176x96xf32, #tpu.memory_space<hbm>> -> memref<392x96xf32, #tpu.memory_space<hbm>>
        %dma_wait3A_40 = arith.constant 0 : i32
        %dma_wait3A_41 = tpu.memref_slice %arg5[%add3A_15, %dma_wait3A_40] : memref<50176x96xf32, #tpu.memory_space<hbm>> -> memref<392x96xf32, #tpu.memory_space<hbm>>
        tpu.wait_dma2 semaphore(%run_scoped3A : memref<!tpu.dma_semaphore, #tpu.memory_space<semaphore_mem>>) src(%arg10 : memref<392x96xf32, #tpu.memory_space<vmem>>) dst(%dma_wait3A_41 : memref<392x96xf32, #tpu.memory_space<hbm>>)
        tpu.yield
      }) : () -> ()
    }
    %scan3A_7 = arith.constant 2 : i32
    return
  }
}

#map = affine_map<(d0, d1) -> (0)>
#map1 = affine_map<(d0, d1) -> (0, 0)>
module attributes {stable_mosaic.version = 14 : i64} {
  func.func @sc_double_gather_w32_sp(%arg0: i32, %arg1: i32, %arg2: memref<262144xi32, #tpu.memory_space<hbm>>, %arg3: memref<1354752xi32, #tpu.memory_space<hbm>>, %arg4: memref<50176x32xf32, #tpu.memory_space<hbm>>, %arg5: memref<1354752x32xf32, #tpu.memory_space<hbm>>, %arg6: memref<336xi32, #tpu.memory_space<vmem>>, %arg7: memref<336xi32, #tpu.memory_space<vmem>>, %arg8: memref<336xi32, #tpu.memory_space<vmem>>, %arg9: memref<336x32xf32, #tpu.memory_space<vmem>>, %arg10: memref<336x32xf32, #tpu.memory_space<vmem>>, %arg11: memref<!tpu.dma_semaphore, #tpu.memory_space<semaphore_mem>>, %arg12: memref<!tpu.dma_semaphore, #tpu.memory_space<semaphore_mem>>, %arg13: memref<!tpu.dma_semaphore, #tpu.memory_space<semaphore_mem>>, %arg14: memref<50176x32xf32, #tpu.memory_space<vmem_shared>>) attributes {dimension_semantics = [#tpu.dimension_semantics<core_parallel>, #tpu.dimension_semantics<subcore_parallel>], iteration_bounds = array<i64: 2, 16>, scalar_prefetch = 0 : i64, scratch_operands = 9 : i64, tpu.core_type = #tpu.core_type<sc_vector_subcore>, window_params = [{transform_indices = #map}, {transform_indices = #map}, {transform_indices = #map1}, {transform_indices = #map1}]} {
    %mul3A = arith.constant 2 : i32
    %mul3A_0 = arith.muli %arg1, %mul3A : i32
    %add3A = arith.addi %mul3A_0, %arg0 : i32
    %mul3A_1 = arith.constant 42336 : i32
    %mul3A_2 = arith.muli %add3A, %mul3A_1 : i32
    %scan3A = arith.constant 0 : i32
    %scan3A_3 = arith.constant 0 : i32
    %scan3A_4 = arith.constant 14 : i32
    %scan3A_5 = arith.addi %scan3A_3, %scan3A_4 : i32
    %scan3A_6 = arith.constant 1 : i32
    scf.for %scan3A_14 = %scan3A_3 to %scan3A_5 step %scan3A_6  : i32 {
      %mul3A_15 = arith.constant 3136 : i32
      %mul3A_16 = arith.muli %arg1, %mul3A_15 : i32
      %mul3A_17 = arith.constant 224 : i32
      %mul3A_18 = arith.muli %scan3A_14, %mul3A_17 : i32
      %add3A_19 = arith.addi %mul3A_16, %mul3A_18 : i32
      "tpu.region"() ({
        %run_scoped3A = tpu.sem_alloc : memref<!tpu.dma_semaphore, #tpu.memory_space<semaphore_mem>>
        %dma_start3A = arith.constant 0 : i32
        %dma_start3A_20 = arith.constant 0 : i32
        %dma_start3A_21 = tpu.memref_slice %arg9[%dma_start3A, %dma_start3A_20] : memref<336x32xf32, #tpu.memory_space<vmem>> -> memref<224x32xf32, #tpu.memory_space<vmem>>
        %dma_start3A_22 = arith.constant 0 : i32
        %dma_start3A_23 = tpu.memref_slice %arg4[%add3A_19, %dma_start3A_22] : memref<50176x32xf32, #tpu.memory_space<hbm>> -> memref<224x32xf32, #tpu.memory_space<hbm>>
        %dma_start3A_24 = arith.constant 0 : i32
        %dma_start3A_25 = arith.constant 0 : i32
        %dma_start3A_26 = tpu.memref_slice %arg9[%dma_start3A_24, %dma_start3A_25] : memref<336x32xf32, #tpu.memory_space<vmem>> -> memref<224x32xf32, #tpu.memory_space<vmem>>
        %dma_start3A_27 = arith.constant 0 : i32
        %dma_start3A_28 = tpu.memref_slice %arg4[%add3A_19, %dma_start3A_27] : memref<50176x32xf32, #tpu.memory_space<hbm>> -> memref<224x32xf32, #tpu.memory_space<hbm>>
        tpu.enqueue_dma source(%dma_start3A_28 : memref<224x32xf32, #tpu.memory_space<hbm>>) target(%dma_start3A_26 : memref<224x32xf32, #tpu.memory_space<vmem>>) target_semaphore(%run_scoped3A : memref<!tpu.dma_semaphore, #tpu.memory_space<semaphore_mem>>)
        %dma_wait3A = arith.constant 0 : i32
        %dma_wait3A_29 = arith.constant 0 : i32
        %dma_wait3A_30 = tpu.memref_slice %arg9[%dma_wait3A, %dma_wait3A_29] : memref<336x32xf32, #tpu.memory_space<vmem>> -> memref<224x32xf32, #tpu.memory_space<vmem>>
        %dma_wait3A_31 = arith.constant 0 : i32
        %dma_wait3A_32 = tpu.memref_slice %arg4[%add3A_19, %dma_wait3A_31] : memref<50176x32xf32, #tpu.memory_space<hbm>> -> memref<224x32xf32, #tpu.memory_space<hbm>>
        %dma_wait3A_33 = arith.constant 0 : i32
        %dma_wait3A_34 = arith.constant 0 : i32
        %dma_wait3A_35 = tpu.memref_slice %arg9[%dma_wait3A_33, %dma_wait3A_34] : memref<336x32xf32, #tpu.memory_space<vmem>> -> memref<224x32xf32, #tpu.memory_space<vmem>>
        %dma_wait3A_36 = arith.constant 0 : i32
        %dma_wait3A_37 = tpu.memref_slice %arg4[%add3A_19, %dma_wait3A_36] : memref<50176x32xf32, #tpu.memory_space<hbm>> -> memref<224x32xf32, #tpu.memory_space<hbm>>
        tpu.wait_dma2 semaphore(%run_scoped3A : memref<!tpu.dma_semaphore, #tpu.memory_space<semaphore_mem>>) src(%dma_wait3A_37 : memref<224x32xf32, #tpu.memory_space<hbm>>) dst(%dma_wait3A_35 : memref<224x32xf32, #tpu.memory_space<vmem>>)
        tpu.yield
      }) : () -> ()
      "tpu.region"() ({
        %run_scoped3A = tpu.sem_alloc : memref<!tpu.dma_semaphore, #tpu.memory_space<semaphore_mem>>
        %dma_start3A = arith.constant 0 : i32
        %dma_start3A_20 = arith.constant 0 : i32
        %dma_start3A_21 = tpu.memref_slice %arg9[%dma_start3A, %dma_start3A_20] : memref<336x32xf32, #tpu.memory_space<vmem>> -> memref<224x32xf32, #tpu.memory_space<vmem>>
        %dma_start3A_22 = arith.constant 0 : i32
        %dma_start3A_23 = tpu.memref_slice %arg14[%add3A_19, %dma_start3A_22] : memref<50176x32xf32, #tpu.memory_space<vmem_shared>> -> memref<224x32xf32, #tpu.memory_space<vmem_shared>>
        %dma_start3A_24 = arith.constant 0 : i32
        %dma_start3A_25 = tpu.memref_slice %arg14[%add3A_19, %dma_start3A_24] : memref<50176x32xf32, #tpu.memory_space<vmem_shared>> -> memref<224x32xf32, #tpu.memory_space<vmem_shared>>
        %dma_start3A_26 = arith.constant 0 : i32
        %dma_start3A_27 = arith.constant 0 : i32
        %dma_start3A_28 = tpu.memref_slice %arg9[%dma_start3A_26, %dma_start3A_27] : memref<336x32xf32, #tpu.memory_space<vmem>> -> memref<224x32xf32, #tpu.memory_space<vmem>>
        tpu.enqueue_dma source(%dma_start3A_28 : memref<224x32xf32, #tpu.memory_space<vmem>>) target(%dma_start3A_25 : memref<224x32xf32, #tpu.memory_space<vmem_shared>>) target_semaphore(%run_scoped3A : memref<!tpu.dma_semaphore, #tpu.memory_space<semaphore_mem>>)
        %dma_wait3A = arith.constant 0 : i32
        %dma_wait3A_29 = arith.constant 0 : i32
        %dma_wait3A_30 = tpu.memref_slice %arg9[%dma_wait3A, %dma_wait3A_29] : memref<336x32xf32, #tpu.memory_space<vmem>> -> memref<224x32xf32, #tpu.memory_space<vmem>>
        %dma_wait3A_31 = arith.constant 0 : i32
        %dma_wait3A_32 = tpu.memref_slice %arg14[%add3A_19, %dma_wait3A_31] : memref<50176x32xf32, #tpu.memory_space<vmem_shared>> -> memref<224x32xf32, #tpu.memory_space<vmem_shared>>
        %dma_wait3A_33 = arith.constant 0 : i32
        %dma_wait3A_34 = tpu.memref_slice %arg14[%add3A_19, %dma_wait3A_33] : memref<50176x32xf32, #tpu.memory_space<vmem_shared>> -> memref<224x32xf32, #tpu.memory_space<vmem_shared>>
        %dma_wait3A_35 = arith.constant 0 : i32
        %dma_wait3A_36 = arith.constant 0 : i32
        %dma_wait3A_37 = tpu.memref_slice %arg9[%dma_wait3A_35, %dma_wait3A_36] : memref<336x32xf32, #tpu.memory_space<vmem>> -> memref<224x32xf32, #tpu.memory_space<vmem>>
        tpu.wait_dma2 semaphore(%run_scoped3A : memref<!tpu.dma_semaphore, #tpu.memory_space<semaphore_mem>>) src(%dma_wait3A_37 : memref<224x32xf32, #tpu.memory_space<vmem>>) dst(%dma_wait3A_34 : memref<224x32xf32, #tpu.memory_space<vmem_shared>>)
        tpu.yield
      }) : () -> ()
    }
    %scan3A_7 = arith.constant 14 : i32
    %barrier3A = arith.constant 0 : index
    tpu.barrier barrier_id(%barrier3A)
    %scan3A_8 = arith.constant 0 : i32
    %scan3A_9 = arith.constant 0 : i32
    %scan3A_10 = arith.constant 63 : i32
    %scan3A_11 = arith.addi %scan3A_9, %scan3A_10 : i32
    %scan3A_12 = arith.constant 1 : i32
    scf.for %scan3A_14 = %scan3A_9 to %scan3A_11 step %scan3A_12  : i32 {
      %mul3A_15 = arith.constant 2 : i32
      %mul3A_16 = arith.muli %mul3A_15, %scan3A_14 : i32
      %mul3A_17 = arith.constant 336 : i32
      %mul3A_18 = arith.muli %mul3A_16, %mul3A_17 : i32
      %add3A_19 = arith.addi %mul3A_2, %mul3A_18 : i32
      %add3A_20 = arith.constant 336 : i32
      %add3A_21 = arith.addi %add3A_19, %add3A_20 : i32
      "tpu.region"() ({
        %run_scoped3A = tpu.sem_alloc : memref<!tpu.dma_semaphore, #tpu.memory_space<semaphore_mem>>
        %dma_start3A_40 = tpu.memref_slice %arg3[%add3A_19] : memref<1354752xi32, #tpu.memory_space<hbm>> -> memref<336xi32, #tpu.memory_space<hbm>>
        %dma_start3A_41 = tpu.memref_slice %arg3[%add3A_19] : memref<1354752xi32, #tpu.memory_space<hbm>> -> memref<336xi32, #tpu.memory_space<hbm>>
        tpu.enqueue_dma source(%dma_start3A_41 : memref<336xi32, #tpu.memory_space<hbm>>) target(%arg6 : memref<336xi32, #tpu.memory_space<vmem>>) target_semaphore(%run_scoped3A : memref<!tpu.dma_semaphore, #tpu.memory_space<semaphore_mem>>)
        %dma_wait3A_42 = tpu.memref_slice %arg3[%add3A_19] : memref<1354752xi32, #tpu.memory_space<hbm>> -> memref<336xi32, #tpu.memory_space<hbm>>
        %dma_wait3A_43 = tpu.memref_slice %arg3[%add3A_19] : memref<1354752xi32, #tpu.memory_space<hbm>> -> memref<336xi32, #tpu.memory_space<hbm>>
        tpu.wait_dma2 semaphore(%run_scoped3A : memref<!tpu.dma_semaphore, #tpu.memory_space<semaphore_mem>>) src(%dma_wait3A_43 : memref<336xi32, #tpu.memory_space<hbm>>) dst(%arg6 : memref<336xi32, #tpu.memory_space<vmem>>)
        tpu.yield
      }) : () -> ()
      %dma_start3A = arith.constant 0 : i32
      %dma_start3A_22 = tpu.memref_slice %arg2[%dma_start3A] : memref<262144xi32, #tpu.memory_space<hbm>> -> memref<262144xi32, #tpu.memory_space<hbm>>
      tpu.enqueue_indirect_dma source(%dma_start3A_22 : memref<262144xi32, #tpu.memory_space<hbm>>) target(%arg7 : memref<336xi32, #tpu.memory_space<vmem>>) offsets(%arg6 : memref<336xi32, #tpu.memory_space<vmem>>) semaphore(%arg11 : memref<!tpu.dma_semaphore, #tpu.memory_space<semaphore_mem>>)
      %dma_wait3A = arith.constant 0 : i32
      %dma_wait3A_23 = tpu.memref_slice %arg2[%dma_wait3A] : memref<262144xi32, #tpu.memory_space<hbm>> -> memref<262144xi32, #tpu.memory_space<hbm>>
      tpu.wait_indirect_dma semaphore(%arg11 : memref<!tpu.dma_semaphore, #tpu.memory_space<semaphore_mem>>) src(%dma_wait3A_23 : memref<262144xi32, #tpu.memory_space<hbm>>) dst(%arg7 : memref<336xi32, #tpu.memory_space<vmem>>)
      %dma_start3A_24 = arith.constant 0 : i32
      %dma_start3A_25 = arith.constant 0 : i32
      %dma_start3A_26 = tpu.memref_slice %arg14[%dma_start3A_24, %dma_start3A_25] : memref<50176x32xf32, #tpu.memory_space<vmem_shared>> -> memref<50176x32xf32, #tpu.memory_space<vmem_shared>>
      tpu.enqueue_indirect_dma source(%dma_start3A_26 : memref<50176x32xf32, #tpu.memory_space<vmem_shared>>) target(%arg9 : memref<336x32xf32, #tpu.memory_space<vmem>>) offsets(%arg7 : memref<336xi32, #tpu.memory_space<vmem>>) semaphore(%arg12 : memref<!tpu.dma_semaphore, #tpu.memory_space<semaphore_mem>>)
      "tpu.region"() ({
        %run_scoped3A = tpu.sem_alloc : memref<!tpu.dma_semaphore, #tpu.memory_space<semaphore_mem>>
        %dma_start3A_40 = tpu.memref_slice %arg3[%add3A_21] : memref<1354752xi32, #tpu.memory_space<hbm>> -> memref<336xi32, #tpu.memory_space<hbm>>
        %dma_start3A_41 = tpu.memref_slice %arg3[%add3A_21] : memref<1354752xi32, #tpu.memory_space<hbm>> -> memref<336xi32, #tpu.memory_space<hbm>>
        tpu.enqueue_dma source(%dma_start3A_41 : memref<336xi32, #tpu.memory_space<hbm>>) target(%arg6 : memref<336xi32, #tpu.memory_space<vmem>>) target_semaphore(%run_scoped3A : memref<!tpu.dma_semaphore, #tpu.memory_space<semaphore_mem>>)
        %dma_wait3A_42 = tpu.memref_slice %arg3[%add3A_21] : memref<1354752xi32, #tpu.memory_space<hbm>> -> memref<336xi32, #tpu.memory_space<hbm>>
        %dma_wait3A_43 = tpu.memref_slice %arg3[%add3A_21] : memref<1354752xi32, #tpu.memory_space<hbm>> -> memref<336xi32, #tpu.memory_space<hbm>>
        tpu.wait_dma2 semaphore(%run_scoped3A : memref<!tpu.dma_semaphore, #tpu.memory_space<semaphore_mem>>) src(%dma_wait3A_43 : memref<336xi32, #tpu.memory_space<hbm>>) dst(%arg6 : memref<336xi32, #tpu.memory_space<vmem>>)
        tpu.yield
      }) : () -> ()
      %dma_start3A_27 = arith.constant 0 : i32
      %dma_start3A_28 = tpu.memref_slice %arg2[%dma_start3A_27] : memref<262144xi32, #tpu.memory_space<hbm>> -> memref<262144xi32, #tpu.memory_space<hbm>>
      tpu.enqueue_indirect_dma source(%dma_start3A_28 : memref<262144xi32, #tpu.memory_space<hbm>>) target(%arg8 : memref<336xi32, #tpu.memory_space<vmem>>) offsets(%arg6 : memref<336xi32, #tpu.memory_space<vmem>>) semaphore(%arg11 : memref<!tpu.dma_semaphore, #tpu.memory_space<semaphore_mem>>)
      %dma_wait3A_29 = arith.constant 0 : i32
      %dma_wait3A_30 = tpu.memref_slice %arg2[%dma_wait3A_29] : memref<262144xi32, #tpu.memory_space<hbm>> -> memref<262144xi32, #tpu.memory_space<hbm>>
      tpu.wait_indirect_dma semaphore(%arg11 : memref<!tpu.dma_semaphore, #tpu.memory_space<semaphore_mem>>) src(%dma_wait3A_30 : memref<262144xi32, #tpu.memory_space<hbm>>) dst(%arg8 : memref<336xi32, #tpu.memory_space<vmem>>)
      %dma_start3A_31 = arith.constant 0 : i32
      %dma_start3A_32 = arith.constant 0 : i32
      %dma_start3A_33 = tpu.memref_slice %arg14[%dma_start3A_31, %dma_start3A_32] : memref<50176x32xf32, #tpu.memory_space<vmem_shared>> -> memref<50176x32xf32, #tpu.memory_space<vmem_shared>>
      tpu.enqueue_indirect_dma source(%dma_start3A_33 : memref<50176x32xf32, #tpu.memory_space<vmem_shared>>) target(%arg10 : memref<336x32xf32, #tpu.memory_space<vmem>>) offsets(%arg8 : memref<336xi32, #tpu.memory_space<vmem>>) semaphore(%arg13 : memref<!tpu.dma_semaphore, #tpu.memory_space<semaphore_mem>>)
      %dma_wait3A_34 = arith.constant 0 : i32
      %dma_wait3A_35 = arith.constant 0 : i32
      %dma_wait3A_36 = tpu.memref_slice %arg14[%dma_wait3A_34, %dma_wait3A_35] : memref<50176x32xf32, #tpu.memory_space<vmem_shared>> -> memref<50176x32xf32, #tpu.memory_space<vmem_shared>>
      tpu.wait_indirect_dma semaphore(%arg12 : memref<!tpu.dma_semaphore, #tpu.memory_space<semaphore_mem>>) src(%dma_wait3A_36 : memref<50176x32xf32, #tpu.memory_space<vmem_shared>>) dst(%arg9 : memref<336x32xf32, #tpu.memory_space<vmem>>)
      "tpu.region"() ({
        %run_scoped3A = tpu.sem_alloc : memref<!tpu.dma_semaphore, #tpu.memory_space<semaphore_mem>>
        %dma_start3A_40 = arith.constant 0 : i32
        %dma_start3A_41 = tpu.memref_slice %arg5[%add3A_19, %dma_start3A_40] : memref<1354752x32xf32, #tpu.memory_space<hbm>> -> memref<336x32xf32, #tpu.memory_space<hbm>>
        %dma_start3A_42 = arith.constant 0 : i32
        %dma_start3A_43 = tpu.memref_slice %arg5[%add3A_19, %dma_start3A_42] : memref<1354752x32xf32, #tpu.memory_space<hbm>> -> memref<336x32xf32, #tpu.memory_space<hbm>>
        tpu.enqueue_dma source(%arg9 : memref<336x32xf32, #tpu.memory_space<vmem>>) target(%dma_start3A_43 : memref<336x32xf32, #tpu.memory_space<hbm>>) target_semaphore(%run_scoped3A : memref<!tpu.dma_semaphore, #tpu.memory_space<semaphore_mem>>)
        %dma_wait3A_44 = arith.constant 0 : i32
        %dma_wait3A_45 = tpu.memref_slice %arg5[%add3A_19, %dma_wait3A_44] : memref<1354752x32xf32, #tpu.memory_space<hbm>> -> memref<336x32xf32, #tpu.memory_space<hbm>>
        %dma_wait3A_46 = arith.constant 0 : i32
        %dma_wait3A_47 = tpu.memref_slice %arg5[%add3A_19, %dma_wait3A_46] : memref<1354752x32xf32, #tpu.memory_space<hbm>> -> memref<336x32xf32, #tpu.memory_space<hbm>>
        tpu.wait_dma2 semaphore(%run_scoped3A : memref<!tpu.dma_semaphore, #tpu.memory_space<semaphore_mem>>) src(%arg9 : memref<336x32xf32, #tpu.memory_space<vmem>>) dst(%dma_wait3A_47 : memref<336x32xf32, #tpu.memory_space<hbm>>)
        tpu.yield
      }) : () -> ()
      %dma_wait3A_37 = arith.constant 0 : i32
      %dma_wait3A_38 = arith.constant 0 : i32
      %dma_wait3A_39 = tpu.memref_slice %arg14[%dma_wait3A_37, %dma_wait3A_38] : memref<50176x32xf32, #tpu.memory_space<vmem_shared>> -> memref<50176x32xf32, #tpu.memory_space<vmem_shared>>
      tpu.wait_indirect_dma semaphore(%arg13 : memref<!tpu.dma_semaphore, #tpu.memory_space<semaphore_mem>>) src(%dma_wait3A_39 : memref<50176x32xf32, #tpu.memory_space<vmem_shared>>) dst(%arg10 : memref<336x32xf32, #tpu.memory_space<vmem>>)
      "tpu.region"() ({
        %run_scoped3A = tpu.sem_alloc : memref<!tpu.dma_semaphore, #tpu.memory_space<semaphore_mem>>
        %dma_start3A_40 = arith.constant 0 : i32
        %dma_start3A_41 = tpu.memref_slice %arg5[%add3A_21, %dma_start3A_40] : memref<1354752x32xf32, #tpu.memory_space<hbm>> -> memref<336x32xf32, #tpu.memory_space<hbm>>
        %dma_start3A_42 = arith.constant 0 : i32
        %dma_start3A_43 = tpu.memref_slice %arg5[%add3A_21, %dma_start3A_42] : memref<1354752x32xf32, #tpu.memory_space<hbm>> -> memref<336x32xf32, #tpu.memory_space<hbm>>
        tpu.enqueue_dma source(%arg10 : memref<336x32xf32, #tpu.memory_space<vmem>>) target(%dma_start3A_43 : memref<336x32xf32, #tpu.memory_space<hbm>>) target_semaphore(%run_scoped3A : memref<!tpu.dma_semaphore, #tpu.memory_space<semaphore_mem>>)
        %dma_wait3A_44 = arith.constant 0 : i32
        %dma_wait3A_45 = tpu.memref_slice %arg5[%add3A_21, %dma_wait3A_44] : memref<1354752x32xf32, #tpu.memory_space<hbm>> -> memref<336x32xf32, #tpu.memory_space<hbm>>
        %dma_wait3A_46 = arith.constant 0 : i32
        %dma_wait3A_47 = tpu.memref_slice %arg5[%add3A_21, %dma_wait3A_46] : memref<1354752x32xf32, #tpu.memory_space<hbm>> -> memref<336x32xf32, #tpu.memory_space<hbm>>
        tpu.wait_dma2 semaphore(%run_scoped3A : memref<!tpu.dma_semaphore, #tpu.memory_space<semaphore_mem>>) src(%arg10 : memref<336x32xf32, #tpu.memory_space<vmem>>) dst(%dma_wait3A_47 : memref<336x32xf32, #tpu.memory_space<hbm>>)
        tpu.yield
      }) : () -> ()
    }
    %scan3A_13 = arith.constant 63 : i32
    return
  }
}

module attributes {stable_mosaic.version = 14 : i64} {
  func.func @body(%arg0: i32, %arg1: memref<27x512x32xf32, #tpu.memory_space<vmem>>, %arg2: memref<27x32x32xf32, #tpu.memory_space<vmem>>, %arg3: memref<1x32xf32, #tpu.memory_space<vmem>>, %arg4: memref<512x32xf32, #tpu.memory_space<vmem>>) attributes {dimension_semantics = [#tpu.dimension_semantics<arbitrary>], iteration_bounds = array<i64: 98>, scalar_prefetch = 0 : i64, scratch_operands = 0 : i64, tpu.core_type = #tpu.core_type<tc>, window_params = [{transform_indices = @transform_0, window_bounds = array<i64: 27, 512, 32>}, {pipeline_mode = #tpu.pipeline_mode<synchronous>, transform_indices = @transform_1, window_bounds = array<i64: 27, 32, 32>}, {pipeline_mode = #tpu.pipeline_mode<synchronous>, transform_indices = @transform_2, window_bounds = array<i64: 1, 32>}, {transform_indices = @transform_3, window_bounds = array<i64: 512, 32>}]} {
    %broadcast_in_dim3A = arith.constant 0.000000e+00 : f32
    %broadcast_in_dim3A_0 = vector.broadcast %broadcast_in_dim3A : f32 to vector<512x32xf32>
    %get3A = arith.constant 0 : index
    %get3A_1 = arith.constant 0 : index
    %get3A_2 = arith.constant 0 : index
    %get3A_3 = vector.load %arg1[%get3A, %get3A_1, %get3A_2] : memref<27x512x32xf32, #tpu.memory_space<vmem>>, vector<1x512x32xf32>
    %get3A_4 = vector.shape_cast %get3A_3 : vector<1x512x32xf32> to vector<512x32xf32>
    %get3A_5 = arith.constant 0 : index
    %get3A_6 = arith.constant 0 : index
    %get3A_7 = arith.constant 0 : index
    %get3A_8 = vector.load %arg2[%get3A_5, %get3A_6, %get3A_7] : memref<27x32x32xf32, #tpu.memory_space<vmem>>, vector<1x32x32xf32>
    %get3A_9 = vector.shape_cast %get3A_8 : vector<1x32x32xf32> to vector<32x32xf32>
    %dot_general3A = arith.constant dense<0.000000e+00> : vector<512x32xf32>
    %dot_general3A_10 = tpu.matmul %get3A_4, %get3A_9, %dot_general3A {dimension_numbers = #tpu.dot_dimension_numbers<[1], [0], [0], [1], [0, 0, 1, 1], [], []>, transpose_lhs_hint = false} : vector<512x32xf32>, vector<32x32xf32>, vector<512x32xf32> -> vector<512x32xf32>
    %add3A = arith.addf %broadcast_in_dim3A_0, %dot_general3A_10 : vector<512x32xf32>
    %get3A_11 = arith.constant 1 : index
    %get3A_12 = arith.constant 0 : index
    %get3A_13 = arith.constant 0 : index
    %get3A_14 = vector.load %arg1[%get3A_11, %get3A_12, %get3A_13] : memref<27x512x32xf32, #tpu.memory_space<vmem>>, vector<1x512x32xf32>
    %get3A_15 = vector.shape_cast %get3A_14 : vector<1x512x32xf32> to vector<512x32xf32>
    %get3A_16 = arith.constant 1 : index
    %get3A_17 = arith.constant 0 : index
    %get3A_18 = arith.constant 0 : index
    %get3A_19 = vector.load %arg2[%get3A_16, %get3A_17, %get3A_18] : memref<27x32x32xf32, #tpu.memory_space<vmem>>, vector<1x32x32xf32>
    %get3A_20 = vector.shape_cast %get3A_19 : vector<1x32x32xf32> to vector<32x32xf32>
    %dot_general3A_21 = arith.constant dense<0.000000e+00> : vector<512x32xf32>
    %dot_general3A_22 = tpu.matmul %get3A_15, %get3A_20, %dot_general3A_21 {dimension_numbers = #tpu.dot_dimension_numbers<[1], [0], [0], [1], [0, 0, 1, 1], [], []>, transpose_lhs_hint = false} : vector<512x32xf32>, vector<32x32xf32>, vector<512x32xf32> -> vector<512x32xf32>
    %add3A_23 = arith.addf %add3A, %dot_general3A_22 : vector<512x32xf32>
    %get3A_24 = arith.constant 2 : index
    %get3A_25 = arith.constant 0 : index
    %get3A_26 = arith.constant 0 : index
    %get3A_27 = vector.load %arg1[%get3A_24, %get3A_25, %get3A_26] : memref<27x512x32xf32, #tpu.memory_space<vmem>>, vector<1x512x32xf32>
    %get3A_28 = vector.shape_cast %get3A_27 : vector<1x512x32xf32> to vector<512x32xf32>
    %get3A_29 = arith.constant 2 : index
    %get3A_30 = arith.constant 0 : index
    %get3A_31 = arith.constant 0 : index
    %get3A_32 = vector.load %arg2[%get3A_29, %get3A_30, %get3A_31] : memref<27x32x32xf32, #tpu.memory_space<vmem>>, vector<1x32x32xf32>
    %get3A_33 = vector.shape_cast %get3A_32 : vector<1x32x32xf32> to vector<32x32xf32>
    %dot_general3A_34 = arith.constant dense<0.000000e+00> : vector<512x32xf32>
    %dot_general3A_35 = tpu.matmul %get3A_28, %get3A_33, %dot_general3A_34 {dimension_numbers = #tpu.dot_dimension_numbers<[1], [0], [0], [1], [0, 0, 1, 1], [], []>, transpose_lhs_hint = false} : vector<512x32xf32>, vector<32x32xf32>, vector<512x32xf32> -> vector<512x32xf32>
    %add3A_36 = arith.addf %add3A_23, %dot_general3A_35 : vector<512x32xf32>
    %get3A_37 = arith.constant 3 : index
    %get3A_38 = arith.constant 0 : index
    %get3A_39 = arith.constant 0 : index
    %get3A_40 = vector.load %arg1[%get3A_37, %get3A_38, %get3A_39] : memref<27x512x32xf32, #tpu.memory_space<vmem>>, vector<1x512x32xf32>
    %get3A_41 = vector.shape_cast %get3A_40 : vector<1x512x32xf32> to vector<512x32xf32>
    %get3A_42 = arith.constant 3 : index
    %get3A_43 = arith.constant 0 : index
    %get3A_44 = arith.constant 0 : index
    %get3A_45 = vector.load %arg2[%get3A_42, %get3A_43, %get3A_44] : memref<27x32x32xf32, #tpu.memory_space<vmem>>, vector<1x32x32xf32>
    %get3A_46 = vector.shape_cast %get3A_45 : vector<1x32x32xf32> to vector<32x32xf32>
    %dot_general3A_47 = arith.constant dense<0.000000e+00> : vector<512x32xf32>
    %dot_general3A_48 = tpu.matmul %get3A_41, %get3A_46, %dot_general3A_47 {dimension_numbers = #tpu.dot_dimension_numbers<[1], [0], [0], [1], [0, 0, 1, 1], [], []>, transpose_lhs_hint = false} : vector<512x32xf32>, vector<32x32xf32>, vector<512x32xf32> -> vector<512x32xf32>
    %add3A_49 = arith.addf %add3A_36, %dot_general3A_48 : vector<512x32xf32>
    %get3A_50 = arith.constant 4 : index
    %get3A_51 = arith.constant 0 : index
    %get3A_52 = arith.constant 0 : index
    %get3A_53 = vector.load %arg1[%get3A_50, %get3A_51, %get3A_52] : memref<27x512x32xf32, #tpu.memory_space<vmem>>, vector<1x512x32xf32>
    %get3A_54 = vector.shape_cast %get3A_53 : vector<1x512x32xf32> to vector<512x32xf32>
    %get3A_55 = arith.constant 4 : index
    %get3A_56 = arith.constant 0 : index
    %get3A_57 = arith.constant 0 : index
    %get3A_58 = vector.load %arg2[%get3A_55, %get3A_56, %get3A_57] : memref<27x32x32xf32, #tpu.memory_space<vmem>>, vector<1x32x32xf32>
    %get3A_59 = vector.shape_cast %get3A_58 : vector<1x32x32xf32> to vector<32x32xf32>
    %dot_general3A_60 = arith.constant dense<0.000000e+00> : vector<512x32xf32>
    %dot_general3A_61 = tpu.matmul %get3A_54, %get3A_59, %dot_general3A_60 {dimension_numbers = #tpu.dot_dimension_numbers<[1], [0], [0], [1], [0, 0, 1, 1], [], []>, transpose_lhs_hint = false} : vector<512x32xf32>, vector<32x32xf32>, vector<512x32xf32> -> vector<512x32xf32>
    %add3A_62 = arith.addf %add3A_49, %dot_general3A_61 : vector<512x32xf32>
    %get3A_63 = arith.constant 5 : index
    %get3A_64 = arith.constant 0 : index
    %get3A_65 = arith.constant 0 : index
    %get3A_66 = vector.load %arg1[%get3A_63, %get3A_64, %get3A_65] : memref<27x512x32xf32, #tpu.memory_space<vmem>>, vector<1x512x32xf32>
    %get3A_67 = vector.shape_cast %get3A_66 : vector<1x512x32xf32> to vector<512x32xf32>
    %get3A_68 = arith.constant 5 : index
    %get3A_69 = arith.constant 0 : index
    %get3A_70 = arith.constant 0 : index
    %get3A_71 = vector.load %arg2[%get3A_68, %get3A_69, %get3A_70] : memref<27x32x32xf32, #tpu.memory_space<vmem>>, vector<1x32x32xf32>
    %get3A_72 = vector.shape_cast %get3A_71 : vector<1x32x32xf32> to vector<32x32xf32>
    %dot_general3A_73 = arith.constant dense<0.000000e+00> : vector<512x32xf32>
    %dot_general3A_74 = tpu.matmul %get3A_67, %get3A_72, %dot_general3A_73 {dimension_numbers = #tpu.dot_dimension_numbers<[1], [0], [0], [1], [0, 0, 1, 1], [], []>, transpose_lhs_hint = false} : vector<512x32xf32>, vector<32x32xf32>, vector<512x32xf32> -> vector<512x32xf32>
    %add3A_75 = arith.addf %add3A_62, %dot_general3A_74 : vector<512x32xf32>
    %get3A_76 = arith.constant 6 : index
    %get3A_77 = arith.constant 0 : index
    %get3A_78 = arith.constant 0 : index
    %get3A_79 = vector.load %arg1[%get3A_76, %get3A_77, %get3A_78] : memref<27x512x32xf32, #tpu.memory_space<vmem>>, vector<1x512x32xf32>
    %get3A_80 = vector.shape_cast %get3A_79 : vector<1x512x32xf32> to vector<512x32xf32>
    %get3A_81 = arith.constant 6 : index
    %get3A_82 = arith.constant 0 : index
    %get3A_83 = arith.constant 0 : index
    %get3A_84 = vector.load %arg2[%get3A_81, %get3A_82, %get3A_83] : memref<27x32x32xf32, #tpu.memory_space<vmem>>, vector<1x32x32xf32>
    %get3A_85 = vector.shape_cast %get3A_84 : vector<1x32x32xf32> to vector<32x32xf32>
    %dot_general3A_86 = arith.constant dense<0.000000e+00> : vector<512x32xf32>
    %dot_general3A_87 = tpu.matmul %get3A_80, %get3A_85, %dot_general3A_86 {dimension_numbers = #tpu.dot_dimension_numbers<[1], [0], [0], [1], [0, 0, 1, 1], [], []>, transpose_lhs_hint = false} : vector<512x32xf32>, vector<32x32xf32>, vector<512x32xf32> -> vector<512x32xf32>
    %add3A_88 = arith.addf %add3A_75, %dot_general3A_87 : vector<512x32xf32>
    %get3A_89 = arith.constant 7 : index
    %get3A_90 = arith.constant 0 : index
    %get3A_91 = arith.constant 0 : index
    %get3A_92 = vector.load %arg1[%get3A_89, %get3A_90, %get3A_91] : memref<27x512x32xf32, #tpu.memory_space<vmem>>, vector<1x512x32xf32>
    %get3A_93 = vector.shape_cast %get3A_92 : vector<1x512x32xf32> to vector<512x32xf32>
    %get3A_94 = arith.constant 7 : index
    %get3A_95 = arith.constant 0 : index
    %get3A_96 = arith.constant 0 : index
    %get3A_97 = vector.load %arg2[%get3A_94, %get3A_95, %get3A_96] : memref<27x32x32xf32, #tpu.memory_space<vmem>>, vector<1x32x32xf32>
    %get3A_98 = vector.shape_cast %get3A_97 : vector<1x32x32xf32> to vector<32x32xf32>
    %dot_general3A_99 = arith.constant dense<0.000000e+00> : vector<512x32xf32>
    %dot_general3A_100 = tpu.matmul %get3A_93, %get3A_98, %dot_general3A_99 {dimension_numbers = #tpu.dot_dimension_numbers<[1], [0], [0], [1], [0, 0, 1, 1], [], []>, transpose_lhs_hint = false} : vector<512x32xf32>, vector<32x32xf32>, vector<512x32xf32> -> vector<512x32xf32>
    %add3A_101 = arith.addf %add3A_88, %dot_general3A_100 : vector<512x32xf32>
    %get3A_102 = arith.constant 8 : index
    %get3A_103 = arith.constant 0 : index
    %get3A_104 = arith.constant 0 : index
    %get3A_105 = vector.load %arg1[%get3A_102, %get3A_103, %get3A_104] : memref<27x512x32xf32, #tpu.memory_space<vmem>>, vector<1x512x32xf32>
    %get3A_106 = vector.shape_cast %get3A_105 : vector<1x512x32xf32> to vector<512x32xf32>
    %get3A_107 = arith.constant 8 : index
    %get3A_108 = arith.constant 0 : index
    %get3A_109 = arith.constant 0 : index
    %get3A_110 = vector.load %arg2[%get3A_107, %get3A_108, %get3A_109] : memref<27x32x32xf32, #tpu.memory_space<vmem>>, vector<1x32x32xf32>
    %get3A_111 = vector.shape_cast %get3A_110 : vector<1x32x32xf32> to vector<32x32xf32>
    %dot_general3A_112 = arith.constant dense<0.000000e+00> : vector<512x32xf32>
    %dot_general3A_113 = tpu.matmul %get3A_106, %get3A_111, %dot_general3A_112 {dimension_numbers = #tpu.dot_dimension_numbers<[1], [0], [0], [1], [0, 0, 1, 1], [], []>, transpose_lhs_hint = false} : vector<512x32xf32>, vector<32x32xf32>, vector<512x32xf32> -> vector<512x32xf32>
    %add3A_114 = arith.addf %add3A_101, %dot_general3A_113 : vector<512x32xf32>
    %get3A_115 = arith.constant 9 : index
    %get3A_116 = arith.constant 0 : index
    %get3A_117 = arith.constant 0 : index
    %get3A_118 = vector.load %arg1[%get3A_115, %get3A_116, %get3A_117] : memref<27x512x32xf32, #tpu.memory_space<vmem>>, vector<1x512x32xf32>
    %get3A_119 = vector.shape_cast %get3A_118 : vector<1x512x32xf32> to vector<512x32xf32>
    %get3A_120 = arith.constant 9 : index
    %get3A_121 = arith.constant 0 : index
    %get3A_122 = arith.constant 0 : index
    %get3A_123 = vector.load %arg2[%get3A_120, %get3A_121, %get3A_122] : memref<27x32x32xf32, #tpu.memory_space<vmem>>, vector<1x32x32xf32>
    %get3A_124 = vector.shape_cast %get3A_123 : vector<1x32x32xf32> to vector<32x32xf32>
    %dot_general3A_125 = arith.constant dense<0.000000e+00> : vector<512x32xf32>
    %dot_general3A_126 = tpu.matmul %get3A_119, %get3A_124, %dot_general3A_125 {dimension_numbers = #tpu.dot_dimension_numbers<[1], [0], [0], [1], [0, 0, 1, 1], [], []>, transpose_lhs_hint = false} : vector<512x32xf32>, vector<32x32xf32>, vector<512x32xf32> -> vector<512x32xf32>
    %add3A_127 = arith.addf %add3A_114, %dot_general3A_126 : vector<512x32xf32>
    %get3A_128 = arith.constant 10 : index
    %get3A_129 = arith.constant 0 : index
    %get3A_130 = arith.constant 0 : index
    %get3A_131 = vector.load %arg1[%get3A_128, %get3A_129, %get3A_130] : memref<27x512x32xf32, #tpu.memory_space<vmem>>, vector<1x512x32xf32>
    %get3A_132 = vector.shape_cast %get3A_131 : vector<1x512x32xf32> to vector<512x32xf32>
    %get3A_133 = arith.constant 10 : index
    %get3A_134 = arith.constant 0 : index
    %get3A_135 = arith.constant 0 : index
    %get3A_136 = vector.load %arg2[%get3A_133, %get3A_134, %get3A_135] : memref<27x32x32xf32, #tpu.memory_space<vmem>>, vector<1x32x32xf32>
    %get3A_137 = vector.shape_cast %get3A_136 : vector<1x32x32xf32> to vector<32x32xf32>
    %dot_general3A_138 = arith.constant dense<0.000000e+00> : vector<512x32xf32>
    %dot_general3A_139 = tpu.matmul %get3A_132, %get3A_137, %dot_general3A_138 {dimension_numbers = #tpu.dot_dimension_numbers<[1], [0], [0], [1], [0, 0, 1, 1], [], []>, transpose_lhs_hint = false} : vector<512x32xf32>, vector<32x32xf32>, vector<512x32xf32> -> vector<512x32xf32>
    %add3A_140 = arith.addf %add3A_127, %dot_general3A_139 : vector<512x32xf32>
    %get3A_141 = arith.constant 11 : index
    %get3A_142 = arith.constant 0 : index
    %get3A_143 = arith.constant 0 : index
    %get3A_144 = vector.load %arg1[%get3A_141, %get3A_142, %get3A_143] : memref<27x512x32xf32, #tpu.memory_space<vmem>>, vector<1x512x32xf32>
    %get3A_145 = vector.shape_cast %get3A_144 : vector<1x512x32xf32> to vector<512x32xf32>
    %get3A_146 = arith.constant 11 : index
    %get3A_147 = arith.constant 0 : index
    %get3A_148 = arith.constant 0 : index
    %get3A_149 = vector.load %arg2[%get3A_146, %get3A_147, %get3A_148] : memref<27x32x32xf32, #tpu.memory_space<vmem>>, vector<1x32x32xf32>
    %get3A_150 = vector.shape_cast %get3A_149 : vector<1x32x32xf32> to vector<32x32xf32>
    %dot_general3A_151 = arith.constant dense<0.000000e+00> : vector<512x32xf32>
    %dot_general3A_152 = tpu.matmul %get3A_145, %get3A_150, %dot_general3A_151 {dimension_numbers = #tpu.dot_dimension_numbers<[1], [0], [0], [1], [0, 0, 1, 1], [], []>, transpose_lhs_hint = false} : vector<512x32xf32>, vector<32x32xf32>, vector<512x32xf32> -> vector<512x32xf32>
    %add3A_153 = arith.addf %add3A_140, %dot_general3A_152 : vector<512x32xf32>
    %get3A_154 = arith.constant 12 : index
    %get3A_155 = arith.constant 0 : index
    %get3A_156 = arith.constant 0 : index
    %get3A_157 = vector.load %arg1[%get3A_154, %get3A_155, %get3A_156] : memref<27x512x32xf32, #tpu.memory_space<vmem>>, vector<1x512x32xf32>
    %get3A_158 = vector.shape_cast %get3A_157 : vector<1x512x32xf32> to vector<512x32xf32>
    %get3A_159 = arith.constant 12 : index
    %get3A_160 = arith.constant 0 : index
    %get3A_161 = arith.constant 0 : index
    %get3A_162 = vector.load %arg2[%get3A_159, %get3A_160, %get3A_161] : memref<27x32x32xf32, #tpu.memory_space<vmem>>, vector<1x32x32xf32>
    %get3A_163 = vector.shape_cast %get3A_162 : vector<1x32x32xf32> to vector<32x32xf32>
    %dot_general3A_164 = arith.constant dense<0.000000e+00> : vector<512x32xf32>
    %dot_general3A_165 = tpu.matmul %get3A_158, %get3A_163, %dot_general3A_164 {dimension_numbers = #tpu.dot_dimension_numbers<[1], [0], [0], [1], [0, 0, 1, 1], [], []>, transpose_lhs_hint = false} : vector<512x32xf32>, vector<32x32xf32>, vector<512x32xf32> -> vector<512x32xf32>
    %add3A_166 = arith.addf %add3A_153, %dot_general3A_165 : vector<512x32xf32>
    %get3A_167 = arith.constant 13 : index
    %get3A_168 = arith.constant 0 : index
    %get3A_169 = arith.constant 0 : index
    %get3A_170 = vector.load %arg1[%get3A_167, %get3A_168, %get3A_169] : memref<27x512x32xf32, #tpu.memory_space<vmem>>, vector<1x512x32xf32>
    %get3A_171 = vector.shape_cast %get3A_170 : vector<1x512x32xf32> to vector<512x32xf32>
    %get3A_172 = arith.constant 13 : index
    %get3A_173 = arith.constant 0 : index
    %get3A_174 = arith.constant 0 : index
    %get3A_175 = vector.load %arg2[%get3A_172, %get3A_173, %get3A_174] : memref<27x32x32xf32, #tpu.memory_space<vmem>>, vector<1x32x32xf32>
    %get3A_176 = vector.shape_cast %get3A_175 : vector<1x32x32xf32> to vector<32x32xf32>
    %dot_general3A_177 = arith.constant dense<0.000000e+00> : vector<512x32xf32>
    %dot_general3A_178 = tpu.matmul %get3A_171, %get3A_176, %dot_general3A_177 {dimension_numbers = #tpu.dot_dimension_numbers<[1], [0], [0], [1], [0, 0, 1, 1], [], []>, transpose_lhs_hint = false} : vector<512x32xf32>, vector<32x32xf32>, vector<512x32xf32> -> vector<512x32xf32>
    %add3A_179 = arith.addf %add3A_166, %dot_general3A_178 : vector<512x32xf32>
    %get3A_180 = arith.constant 14 : index
    %get3A_181 = arith.constant 0 : index
    %get3A_182 = arith.constant 0 : index
    %get3A_183 = vector.load %arg1[%get3A_180, %get3A_181, %get3A_182] : memref<27x512x32xf32, #tpu.memory_space<vmem>>, vector<1x512x32xf32>
    %get3A_184 = vector.shape_cast %get3A_183 : vector<1x512x32xf32> to vector<512x32xf32>
    %get3A_185 = arith.constant 14 : index
    %get3A_186 = arith.constant 0 : index
    %get3A_187 = arith.constant 0 : index
    %get3A_188 = vector.load %arg2[%get3A_185, %get3A_186, %get3A_187] : memref<27x32x32xf32, #tpu.memory_space<vmem>>, vector<1x32x32xf32>
    %get3A_189 = vector.shape_cast %get3A_188 : vector<1x32x32xf32> to vector<32x32xf32>
    %dot_general3A_190 = arith.constant dense<0.000000e+00> : vector<512x32xf32>
    %dot_general3A_191 = tpu.matmul %get3A_184, %get3A_189, %dot_general3A_190 {dimension_numbers = #tpu.dot_dimension_numbers<[1], [0], [0], [1], [0, 0, 1, 1], [], []>, transpose_lhs_hint = false} : vector<512x32xf32>, vector<32x32xf32>, vector<512x32xf32> -> vector<512x32xf32>
    %add3A_192 = arith.addf %add3A_179, %dot_general3A_191 : vector<512x32xf32>
    %get3A_193 = arith.constant 15 : index
    %get3A_194 = arith.constant 0 : index
    %get3A_195 = arith.constant 0 : index
    %get3A_196 = vector.load %arg1[%get3A_193, %get3A_194, %get3A_195] : memref<27x512x32xf32, #tpu.memory_space<vmem>>, vector<1x512x32xf32>
    %get3A_197 = vector.shape_cast %get3A_196 : vector<1x512x32xf32> to vector<512x32xf32>
    %get3A_198 = arith.constant 15 : index
    %get3A_199 = arith.constant 0 : index
    %get3A_200 = arith.constant 0 : index
    %get3A_201 = vector.load %arg2[%get3A_198, %get3A_199, %get3A_200] : memref<27x32x32xf32, #tpu.memory_space<vmem>>, vector<1x32x32xf32>
    %get3A_202 = vector.shape_cast %get3A_201 : vector<1x32x32xf32> to vector<32x32xf32>
    %dot_general3A_203 = arith.constant dense<0.000000e+00> : vector<512x32xf32>
    %dot_general3A_204 = tpu.matmul %get3A_197, %get3A_202, %dot_general3A_203 {dimension_numbers = #tpu.dot_dimension_numbers<[1], [0], [0], [1], [0, 0, 1, 1], [], []>, transpose_lhs_hint = false} : vector<512x32xf32>, vector<32x32xf32>, vector<512x32xf32> -> vector<512x32xf32>
    %add3A_205 = arith.addf %add3A_192, %dot_general3A_204 : vector<512x32xf32>
    %get3A_206 = arith.constant 16 : index
    %get3A_207 = arith.constant 0 : index
    %get3A_208 = arith.constant 0 : index
    %get3A_209 = vector.load %arg1[%get3A_206, %get3A_207, %get3A_208] : memref<27x512x32xf32, #tpu.memory_space<vmem>>, vector<1x512x32xf32>
    %get3A_210 = vector.shape_cast %get3A_209 : vector<1x512x32xf32> to vector<512x32xf32>
    %get3A_211 = arith.constant 16 : index
    %get3A_212 = arith.constant 0 : index
    %get3A_213 = arith.constant 0 : index
    %get3A_214 = vector.load %arg2[%get3A_211, %get3A_212, %get3A_213] : memref<27x32x32xf32, #tpu.memory_space<vmem>>, vector<1x32x32xf32>
    %get3A_215 = vector.shape_cast %get3A_214 : vector<1x32x32xf32> to vector<32x32xf32>
    %dot_general3A_216 = arith.constant dense<0.000000e+00> : vector<512x32xf32>
    %dot_general3A_217 = tpu.matmul %get3A_210, %get3A_215, %dot_general3A_216 {dimension_numbers = #tpu.dot_dimension_numbers<[1], [0], [0], [1], [0, 0, 1, 1], [], []>, transpose_lhs_hint = false} : vector<512x32xf32>, vector<32x32xf32>, vector<512x32xf32> -> vector<512x32xf32>
    %add3A_218 = arith.addf %add3A_205, %dot_general3A_217 : vector<512x32xf32>
    %get3A_219 = arith.constant 17 : index
    %get3A_220 = arith.constant 0 : index
    %get3A_221 = arith.constant 0 : index
    %get3A_222 = vector.load %arg1[%get3A_219, %get3A_220, %get3A_221] : memref<27x512x32xf32, #tpu.memory_space<vmem>>, vector<1x512x32xf32>
    %get3A_223 = vector.shape_cast %get3A_222 : vector<1x512x32xf32> to vector<512x32xf32>
    %get3A_224 = arith.constant 17 : index
    %get3A_225 = arith.constant 0 : index
    %get3A_226 = arith.constant 0 : index
    %get3A_227 = vector.load %arg2[%get3A_224, %get3A_225, %get3A_226] : memref<27x32x32xf32, #tpu.memory_space<vmem>>, vector<1x32x32xf32>
    %get3A_228 = vector.shape_cast %get3A_227 : vector<1x32x32xf32> to vector<32x32xf32>
    %dot_general3A_229 = arith.constant dense<0.000000e+00> : vector<512x32xf32>
    %dot_general3A_230 = tpu.matmul %get3A_223, %get3A_228, %dot_general3A_229 {dimension_numbers = #tpu.dot_dimension_numbers<[1], [0], [0], [1], [0, 0, 1, 1], [], []>, transpose_lhs_hint = false} : vector<512x32xf32>, vector<32x32xf32>, vector<512x32xf32> -> vector<512x32xf32>
    %add3A_231 = arith.addf %add3A_218, %dot_general3A_230 : vector<512x32xf32>
    %get3A_232 = arith.constant 18 : index
    %get3A_233 = arith.constant 0 : index
    %get3A_234 = arith.constant 0 : index
    %get3A_235 = vector.load %arg1[%get3A_232, %get3A_233, %get3A_234] : memref<27x512x32xf32, #tpu.memory_space<vmem>>, vector<1x512x32xf32>
    %get3A_236 = vector.shape_cast %get3A_235 : vector<1x512x32xf32> to vector<512x32xf32>
    %get3A_237 = arith.constant 18 : index
    %get3A_238 = arith.constant 0 : index
    %get3A_239 = arith.constant 0 : index
    %get3A_240 = vector.load %arg2[%get3A_237, %get3A_238, %get3A_239] : memref<27x32x32xf32, #tpu.memory_space<vmem>>, vector<1x32x32xf32>
    %get3A_241 = vector.shape_cast %get3A_240 : vector<1x32x32xf32> to vector<32x32xf32>
    %dot_general3A_242 = arith.constant dense<0.000000e+00> : vector<512x32xf32>
    %dot_general3A_243 = tpu.matmul %get3A_236, %get3A_241, %dot_general3A_242 {dimension_numbers = #tpu.dot_dimension_numbers<[1], [0], [0], [1], [0, 0, 1, 1], [], []>, transpose_lhs_hint = false} : vector<512x32xf32>, vector<32x32xf32>, vector<512x32xf32> -> vector<512x32xf32>
    %add3A_244 = arith.addf %add3A_231, %dot_general3A_243 : vector<512x32xf32>
    %get3A_245 = arith.constant 19 : index
    %get3A_246 = arith.constant 0 : index
    %get3A_247 = arith.constant 0 : index
    %get3A_248 = vector.load %arg1[%get3A_245, %get3A_246, %get3A_247] : memref<27x512x32xf32, #tpu.memory_space<vmem>>, vector<1x512x32xf32>
    %get3A_249 = vector.shape_cast %get3A_248 : vector<1x512x32xf32> to vector<512x32xf32>
    %get3A_250 = arith.constant 19 : index
    %get3A_251 = arith.constant 0 : index
    %get3A_252 = arith.constant 0 : index
    %get3A_253 = vector.load %arg2[%get3A_250, %get3A_251, %get3A_252] : memref<27x32x32xf32, #tpu.memory_space<vmem>>, vector<1x32x32xf32>
    %get3A_254 = vector.shape_cast %get3A_253 : vector<1x32x32xf32> to vector<32x32xf32>
    %dot_general3A_255 = arith.constant dense<0.000000e+00> : vector<512x32xf32>
    %dot_general3A_256 = tpu.matmul %get3A_249, %get3A_254, %dot_general3A_255 {dimension_numbers = #tpu.dot_dimension_numbers<[1], [0], [0], [1], [0, 0, 1, 1], [], []>, transpose_lhs_hint = false} : vector<512x32xf32>, vector<32x32xf32>, vector<512x32xf32> -> vector<512x32xf32>
    %add3A_257 = arith.addf %add3A_244, %dot_general3A_256 : vector<512x32xf32>
    %get3A_258 = arith.constant 20 : index
    %get3A_259 = arith.constant 0 : index
    %get3A_260 = arith.constant 0 : index
    %get3A_261 = vector.load %arg1[%get3A_258, %get3A_259, %get3A_260] : memref<27x512x32xf32, #tpu.memory_space<vmem>>, vector<1x512x32xf32>
    %get3A_262 = vector.shape_cast %get3A_261 : vector<1x512x32xf32> to vector<512x32xf32>
    %get3A_263 = arith.constant 20 : index
    %get3A_264 = arith.constant 0 : index
    %get3A_265 = arith.constant 0 : index
    %get3A_266 = vector.load %arg2[%get3A_263, %get3A_264, %get3A_265] : memref<27x32x32xf32, #tpu.memory_space<vmem>>, vector<1x32x32xf32>
    %get3A_267 = vector.shape_cast %get3A_266 : vector<1x32x32xf32> to vector<32x32xf32>
    %dot_general3A_268 = arith.constant dense<0.000000e+00> : vector<512x32xf32>
    %dot_general3A_269 = tpu.matmul %get3A_262, %get3A_267, %dot_general3A_268 {dimension_numbers = #tpu.dot_dimension_numbers<[1], [0], [0], [1], [0, 0, 1, 1], [], []>, transpose_lhs_hint = false} : vector<512x32xf32>, vector<32x32xf32>, vector<512x32xf32> -> vector<512x32xf32>
    %add3A_270 = arith.addf %add3A_257, %dot_general3A_269 : vector<512x32xf32>
    %get3A_271 = arith.constant 21 : index
    %get3A_272 = arith.constant 0 : index
    %get3A_273 = arith.constant 0 : index
    %get3A_274 = vector.load %arg1[%get3A_271, %get3A_272, %get3A_273] : memref<27x512x32xf32, #tpu.memory_space<vmem>>, vector<1x512x32xf32>
    %get3A_275 = vector.shape_cast %get3A_274 : vector<1x512x32xf32> to vector<512x32xf32>
    %get3A_276 = arith.constant 21 : index
    %get3A_277 = arith.constant 0 : index
    %get3A_278 = arith.constant 0 : index
    %get3A_279 = vector.load %arg2[%get3A_276, %get3A_277, %get3A_278] : memref<27x32x32xf32, #tpu.memory_space<vmem>>, vector<1x32x32xf32>
    %get3A_280 = vector.shape_cast %get3A_279 : vector<1x32x32xf32> to vector<32x32xf32>
    %dot_general3A_281 = arith.constant dense<0.000000e+00> : vector<512x32xf32>
    %dot_general3A_282 = tpu.matmul %get3A_275, %get3A_280, %dot_general3A_281 {dimension_numbers = #tpu.dot_dimension_numbers<[1], [0], [0], [1], [0, 0, 1, 1], [], []>, transpose_lhs_hint = false} : vector<512x32xf32>, vector<32x32xf32>, vector<512x32xf32> -> vector<512x32xf32>
    %add3A_283 = arith.addf %add3A_270, %dot_general3A_282 : vector<512x32xf32>
    %get3A_284 = arith.constant 22 : index
    %get3A_285 = arith.constant 0 : index
    %get3A_286 = arith.constant 0 : index
    %get3A_287 = vector.load %arg1[%get3A_284, %get3A_285, %get3A_286] : memref<27x512x32xf32, #tpu.memory_space<vmem>>, vector<1x512x32xf32>
    %get3A_288 = vector.shape_cast %get3A_287 : vector<1x512x32xf32> to vector<512x32xf32>
    %get3A_289 = arith.constant 22 : index
    %get3A_290 = arith.constant 0 : index
    %get3A_291 = arith.constant 0 : index
    %get3A_292 = vector.load %arg2[%get3A_289, %get3A_290, %get3A_291] : memref<27x32x32xf32, #tpu.memory_space<vmem>>, vector<1x32x32xf32>
    %get3A_293 = vector.shape_cast %get3A_292 : vector<1x32x32xf32> to vector<32x32xf32>
    %dot_general3A_294 = arith.constant dense<0.000000e+00> : vector<512x32xf32>
    %dot_general3A_295 = tpu.matmul %get3A_288, %get3A_293, %dot_general3A_294 {dimension_numbers = #tpu.dot_dimension_numbers<[1], [0], [0], [1], [0, 0, 1, 1], [], []>, transpose_lhs_hint = false} : vector<512x32xf32>, vector<32x32xf32>, vector<512x32xf32> -> vector<512x32xf32>
    %add3A_296 = arith.addf %add3A_283, %dot_general3A_295 : vector<512x32xf32>
    %get3A_297 = arith.constant 23 : index
    %get3A_298 = arith.constant 0 : index
    %get3A_299 = arith.constant 0 : index
    %get3A_300 = vector.load %arg1[%get3A_297, %get3A_298, %get3A_299] : memref<27x512x32xf32, #tpu.memory_space<vmem>>, vector<1x512x32xf32>
    %get3A_301 = vector.shape_cast %get3A_300 : vector<1x512x32xf32> to vector<512x32xf32>
    %get3A_302 = arith.constant 23 : index
    %get3A_303 = arith.constant 0 : index
    %get3A_304 = arith.constant 0 : index
    %get3A_305 = vector.load %arg2[%get3A_302, %get3A_303, %get3A_304] : memref<27x32x32xf32, #tpu.memory_space<vmem>>, vector<1x32x32xf32>
    %get3A_306 = vector.shape_cast %get3A_305 : vector<1x32x32xf32> to vector<32x32xf32>
    %dot_general3A_307 = arith.constant dense<0.000000e+00> : vector<512x32xf32>
    %dot_general3A_308 = tpu.matmul %get3A_301, %get3A_306, %dot_general3A_307 {dimension_numbers = #tpu.dot_dimension_numbers<[1], [0], [0], [1], [0, 0, 1, 1], [], []>, transpose_lhs_hint = false} : vector<512x32xf32>, vector<32x32xf32>, vector<512x32xf32> -> vector<512x32xf32>
    %add3A_309 = arith.addf %add3A_296, %dot_general3A_308 : vector<512x32xf32>
    %get3A_310 = arith.constant 24 : index
    %get3A_311 = arith.constant 0 : index
    %get3A_312 = arith.constant 0 : index
    %get3A_313 = vector.load %arg1[%get3A_310, %get3A_311, %get3A_312] : memref<27x512x32xf32, #tpu.memory_space<vmem>>, vector<1x512x32xf32>
    %get3A_314 = vector.shape_cast %get3A_313 : vector<1x512x32xf32> to vector<512x32xf32>
    %get3A_315 = arith.constant 24 : index
    %get3A_316 = arith.constant 0 : index
    %get3A_317 = arith.constant 0 : index
    %get3A_318 = vector.load %arg2[%get3A_315, %get3A_316, %get3A_317] : memref<27x32x32xf32, #tpu.memory_space<vmem>>, vector<1x32x32xf32>
    %get3A_319 = vector.shape_cast %get3A_318 : vector<1x32x32xf32> to vector<32x32xf32>
    %dot_general3A_320 = arith.constant dense<0.000000e+00> : vector<512x32xf32>
    %dot_general3A_321 = tpu.matmul %get3A_314, %get3A_319, %dot_general3A_320 {dimension_numbers = #tpu.dot_dimension_numbers<[1], [0], [0], [1], [0, 0, 1, 1], [], []>, transpose_lhs_hint = false} : vector<512x32xf32>, vector<32x32xf32>, vector<512x32xf32> -> vector<512x32xf32>
    %add3A_322 = arith.addf %add3A_309, %dot_general3A_321 : vector<512x32xf32>
    %get3A_323 = arith.constant 25 : index
    %get3A_324 = arith.constant 0 : index
    %get3A_325 = arith.constant 0 : index
    %get3A_326 = vector.load %arg1[%get3A_323, %get3A_324, %get3A_325] : memref<27x512x32xf32, #tpu.memory_space<vmem>>, vector<1x512x32xf32>
    %get3A_327 = vector.shape_cast %get3A_326 : vector<1x512x32xf32> to vector<512x32xf32>
    %get3A_328 = arith.constant 25 : index
    %get3A_329 = arith.constant 0 : index
    %get3A_330 = arith.constant 0 : index
    %get3A_331 = vector.load %arg2[%get3A_328, %get3A_329, %get3A_330] : memref<27x32x32xf32, #tpu.memory_space<vmem>>, vector<1x32x32xf32>
    %get3A_332 = vector.shape_cast %get3A_331 : vector<1x32x32xf32> to vector<32x32xf32>
    %dot_general3A_333 = arith.constant dense<0.000000e+00> : vector<512x32xf32>
    %dot_general3A_334 = tpu.matmul %get3A_327, %get3A_332, %dot_general3A_333 {dimension_numbers = #tpu.dot_dimension_numbers<[1], [0], [0], [1], [0, 0, 1, 1], [], []>, transpose_lhs_hint = false} : vector<512x32xf32>, vector<32x32xf32>, vector<512x32xf32> -> vector<512x32xf32>
    %add3A_335 = arith.addf %add3A_322, %dot_general3A_334 : vector<512x32xf32>
    %get3A_336 = arith.constant 26 : index
    %get3A_337 = arith.constant 0 : index
    %get3A_338 = arith.constant 0 : index
    %get3A_339 = vector.load %arg1[%get3A_336, %get3A_337, %get3A_338] : memref<27x512x32xf32, #tpu.memory_space<vmem>>, vector<1x512x32xf32>
    %get3A_340 = vector.shape_cast %get3A_339 : vector<1x512x32xf32> to vector<512x32xf32>
    %get3A_341 = arith.constant 26 : index
    %get3A_342 = arith.constant 0 : index
    %get3A_343 = arith.constant 0 : index
    %get3A_344 = vector.load %arg2[%get3A_341, %get3A_342, %get3A_343] : memref<27x32x32xf32, #tpu.memory_space<vmem>>, vector<1x32x32xf32>
    %get3A_345 = vector.shape_cast %get3A_344 : vector<1x32x32xf32> to vector<32x32xf32>
    %dot_general3A_346 = arith.constant dense<0.000000e+00> : vector<512x32xf32>
    %dot_general3A_347 = tpu.matmul %get3A_340, %get3A_345, %dot_general3A_346 {dimension_numbers = #tpu.dot_dimension_numbers<[1], [0], [0], [1], [0, 0, 1, 1], [], []>, transpose_lhs_hint = false} : vector<512x32xf32>, vector<32x32xf32>, vector<512x32xf32> -> vector<512x32xf32>
    %add3A_348 = arith.addf %add3A_335, %dot_general3A_347 : vector<512x32xf32>
    %get3A_349 = arith.constant 0 : index
    %get3A_350 = arith.constant 0 : index
    %get3A_351 = vector.load %arg3[%get3A_349, %get3A_350] : memref<1x32xf32, #tpu.memory_space<vmem>>, vector<1x32xf32>
    %add3A_352 = vector.broadcast %get3A_351 : vector<1x32xf32> to vector<512x32xf32>
    %add3A_353 = arith.addf %add3A_348, %add3A_352 : vector<512x32xf32>
    %max3A = arith.constant 0.000000e+00 : f32
    %max3A_354 = vector.broadcast %max3A : f32 to vector<512x32xf32>
    %max3A_355 = arith.maximumf %add3A_353, %max3A_354 : vector<512x32xf32>
    %mul3A = arith.constant 512 : i32
    %mul3A_356 = arith.muli %arg0, %mul3A : i32
    %iota3A = tpu.iota {dimensions = array<i32: 0>} : vector<512x1xi32>
    %add3A_357 = vector.broadcast %mul3A_356 : i32 to vector<512x1xi32>
    %add3A_358 = arith.addi %add3A_357, %iota3A : vector<512x1xi32>
    %lt3A = arith.constant 50000 : i32
    %lt3A_359 = vector.broadcast %lt3A : i32 to vector<512x1xi32>
    %lt3A_360 = arith.cmpi slt, %add3A_358, %lt3A_359 : vector<512x1xi32>
    %jit3A = arith.constant 0.000000e+00 : f32
    %broadcast_in_dim3A_361 = vector.shape_cast %lt3A_360 : vector<512x1xi1> to vector<512x1xi1>
    %broadcast_in_dim3A_362 = vector.broadcast %broadcast_in_dim3A_361 : vector<512x1xi1> to vector<512x32xi1>
    %broadcast_in_dim3A_363 = vector.broadcast %jit3A : f32 to vector<512x32xf32>
    %select_n3A = arith.select %broadcast_in_dim3A_362, %max3A_355, %broadcast_in_dim3A_363 : vector<512x32xi1>, vector<512x32xf32>
    %swap3A = arith.constant 0 : index
    %swap3A_364 = arith.constant 0 : index
    %swap3A_365 = vector.load %arg4[%swap3A, %swap3A_364] : memref<512x32xf32, #tpu.memory_space<vmem>>, vector<512x32xf32>
    tpu.vector_store %arg4[%swap3A, %swap3A_364], %select_n3A {strides = array<i32>} : memref<512x32xf32, #tpu.memory_space<vmem>>, vector<512x32xf32>,
    return
  }
  func.func @transform_0(%arg0: i32) -> (i32, i32, i32) {
    %c0_i32 = arith.constant 0 : i32
    %c0_i32_0 = arith.constant 0 : i32
    %c0_i32_1 = arith.constant 0 : i32
    return %c0_i32, %arg0, %c0_i32_0 : i32, i32, i32
  }
  func.func @transform_1(%arg0: i32) -> (i32, i32, i32) {
    %c0_i32 = arith.constant 0 : i32
    %c0_i32_0 = arith.constant 0 : i32
    %c0_i32_1 = arith.constant 0 : i32
    %c0_i32_2 = arith.constant 0 : i32
    return %c0_i32, %c0_i32_0, %c0_i32_1 : i32, i32, i32
  }
  func.func @transform_2(%arg0: i32) -> (i32, i32) {
    %c0_i32 = arith.constant 0 : i32
    %c0_i32_0 = arith.constant 0 : i32
    %c0_i32_1 = arith.constant 0 : i32
    return %c0_i32, %c0_i32_0 : i32, i32
  }
  func.func @transform_3(%arg0: i32) -> (i32, i32) {
    %c0_i32 = arith.constant 0 : i32
    %c0_i32_0 = arith.constant 0 : i32
    return %arg0, %c0_i32 : i32, i32
  }
}

module attributes {stable_mosaic.version = 14 : i64} {
  func.func @body(%arg0: i32, %arg1: memref<8x512x32xf32, #tpu.memory_space<vmem>>, %arg2: memref<512x1xf32, #tpu.memory_space<vmem>>, %arg3: memref<512x32xf32, #tpu.memory_space<vmem>>) attributes {dimension_semantics = [#tpu.dimension_semantics<arbitrary>], iteration_bounds = array<i64: 65>, scalar_prefetch = 0 : i64, scratch_operands = 0 : i64, tpu.core_type = #tpu.core_type<tc>, window_params = [{transform_indices = @transform_0, window_bounds = array<i64: 8, 512, 32>}, {transform_indices = @transform_1, window_bounds = array<i64: 512, 1>}, {transform_indices = @transform_2, window_bounds = array<i64: 512, 32>}]} {
    %broadcast_in_dim3A = arith.constant 0.000000e+00 : f32
    %broadcast_in_dim3A_0 = vector.broadcast %broadcast_in_dim3A : f32 to vector<512x32xf32>
    %get3A = arith.constant 0 : index
    %get3A_1 = arith.constant 0 : index
    %get3A_2 = arith.constant 0 : index
    %get3A_3 = vector.load %arg1[%get3A, %get3A_1, %get3A_2] : memref<8x512x32xf32, #tpu.memory_space<vmem>>, vector<1x512x32xf32>
    %get3A_4 = vector.shape_cast %get3A_3 : vector<1x512x32xf32> to vector<512x32xf32>
    %add3A = arith.addf %broadcast_in_dim3A_0, %get3A_4 : vector<512x32xf32>
    %get3A_5 = arith.constant 1 : index
    %get3A_6 = arith.constant 0 : index
    %get3A_7 = arith.constant 0 : index
    %get3A_8 = vector.load %arg1[%get3A_5, %get3A_6, %get3A_7] : memref<8x512x32xf32, #tpu.memory_space<vmem>>, vector<1x512x32xf32>
    %get3A_9 = vector.shape_cast %get3A_8 : vector<1x512x32xf32> to vector<512x32xf32>
    %add3A_10 = arith.addf %add3A, %get3A_9 : vector<512x32xf32>
    %get3A_11 = arith.constant 2 : index
    %get3A_12 = arith.constant 0 : index
    %get3A_13 = arith.constant 0 : index
    %get3A_14 = vector.load %arg1[%get3A_11, %get3A_12, %get3A_13] : memref<8x512x32xf32, #tpu.memory_space<vmem>>, vector<1x512x32xf32>
    %get3A_15 = vector.shape_cast %get3A_14 : vector<1x512x32xf32> to vector<512x32xf32>
    %add3A_16 = arith.addf %add3A_10, %get3A_15 : vector<512x32xf32>
    %get3A_17 = arith.constant 3 : index
    %get3A_18 = arith.constant 0 : index
    %get3A_19 = arith.constant 0 : index
    %get3A_20 = vector.load %arg1[%get3A_17, %get3A_18, %get3A_19] : memref<8x512x32xf32, #tpu.memory_space<vmem>>, vector<1x512x32xf32>
    %get3A_21 = vector.shape_cast %get3A_20 : vector<1x512x32xf32> to vector<512x32xf32>
    %add3A_22 = arith.addf %add3A_16, %get3A_21 : vector<512x32xf32>
    %get3A_23 = arith.constant 4 : index
    %get3A_24 = arith.constant 0 : index
    %get3A_25 = arith.constant 0 : index
    %get3A_26 = vector.load %arg1[%get3A_23, %get3A_24, %get3A_25] : memref<8x512x32xf32, #tpu.memory_space<vmem>>, vector<1x512x32xf32>
    %get3A_27 = vector.shape_cast %get3A_26 : vector<1x512x32xf32> to vector<512x32xf32>
    %add3A_28 = arith.addf %add3A_22, %get3A_27 : vector<512x32xf32>
    %get3A_29 = arith.constant 5 : index
    %get3A_30 = arith.constant 0 : index
    %get3A_31 = arith.constant 0 : index
    %get3A_32 = vector.load %arg1[%get3A_29, %get3A_30, %get3A_31] : memref<8x512x32xf32, #tpu.memory_space<vmem>>, vector<1x512x32xf32>
    %get3A_33 = vector.shape_cast %get3A_32 : vector<1x512x32xf32> to vector<512x32xf32>
    %add3A_34 = arith.addf %add3A_28, %get3A_33 : vector<512x32xf32>
    %get3A_35 = arith.constant 6 : index
    %get3A_36 = arith.constant 0 : index
    %get3A_37 = arith.constant 0 : index
    %get3A_38 = vector.load %arg1[%get3A_35, %get3A_36, %get3A_37] : memref<8x512x32xf32, #tpu.memory_space<vmem>>, vector<1x512x32xf32>
    %get3A_39 = vector.shape_cast %get3A_38 : vector<1x512x32xf32> to vector<512x32xf32>
    %add3A_40 = arith.addf %add3A_34, %get3A_39 : vector<512x32xf32>
    %get3A_41 = arith.constant 7 : index
    %get3A_42 = arith.constant 0 : index
    %get3A_43 = arith.constant 0 : index
    %get3A_44 = vector.load %arg1[%get3A_41, %get3A_42, %get3A_43] : memref<8x512x32xf32, #tpu.memory_space<vmem>>, vector<1x512x32xf32>
    %get3A_45 = vector.shape_cast %get3A_44 : vector<1x512x32xf32> to vector<512x32xf32>
    %add3A_46 = arith.addf %add3A_40, %get3A_45 : vector<512x32xf32>
    %get3A_47 = arith.constant 0 : index
    %get3A_48 = arith.constant 0 : index
    %get3A_49 = vector.load %arg2[%get3A_47, %get3A_48] : memref<512x1xf32, #tpu.memory_space<vmem>>, vector<512x1xf32>
    %mul3A = vector.broadcast %get3A_49 : vector<512x1xf32> to vector<512x32xf32>
    %mul3A_50 = arith.mulf %add3A_46, %mul3A : vector<512x32xf32>
    %swap3A = arith.constant 0 : index
    %swap3A_51 = arith.constant 0 : index
    %swap3A_52 = vector.load %arg3[%swap3A, %swap3A_51] : memref<512x32xf32, #tpu.memory_space<vmem>>, vector<512x32xf32>
    tpu.vector_store %arg3[%swap3A, %swap3A_51], %mul3A_50 {strides = array<i32>} : memref<512x32xf32, #tpu.memory_space<vmem>>, vector<512x32xf32>,
    return
  }
  func.func @transform_0(%arg0: i32) -> (i32, i32, i32) {
    %c0_i32 = arith.constant 0 : i32
    %c0_i32_0 = arith.constant 0 : i32
    %c0_i32_1 = arith.constant 0 : i32
    return %c0_i32, %arg0, %c0_i32_0 : i32, i32, i32
  }
  func.func @transform_1(%arg0: i32) -> (i32, i32) {
    %c0_i32 = arith.constant 0 : i32
    %c0_i32_0 = arith.constant 0 : i32
    return %arg0, %c0_i32 : i32, i32
  }
  func.func @transform_2(%arg0: i32) -> (i32, i32) {
    %c0_i32 = arith.constant 0 : i32
    %c0_i32_0 = arith.constant 0 : i32
    return %arg0, %c0_i32 : i32, i32
  }
}

module attributes {stable_mosaic.version = 14 : i64} {
  func.func @body(%arg0: i32, %arg1: memref<27x512x32xf32, #tpu.memory_space<vmem>>, %arg2: memref<27x32x64xf32, #tpu.memory_space<vmem>>, %arg3: memref<1x64xf32, #tpu.memory_space<vmem>>, %arg4: memref<64x32xf32, #tpu.memory_space<vmem>>, %arg5: memref<1x32xf32, #tpu.memory_space<vmem>>, %arg6: memref<64x32xf32, #tpu.memory_space<vmem>>, %arg7: memref<1x32xf32, #tpu.memory_space<vmem>>, %arg8: memref<32x64xf32, #tpu.memory_space<vmem>>, %arg9: memref<1x64xf32, #tpu.memory_space<vmem>>, %arg10: memref<512x96xf32, #tpu.memory_space<vmem>>) attributes {dimension_semantics = [#tpu.dimension_semantics<arbitrary>], iteration_bounds = array<i64: 65>, scalar_prefetch = 0 : i64, scratch_operands = 0 : i64, tpu.core_type = #tpu.core_type<tc>, window_params = [{transform_indices = @transform_0, window_bounds = array<i64: 27, 512, 32>}, {pipeline_mode = #tpu.pipeline_mode<synchronous>, transform_indices = @transform_1, window_bounds = array<i64: 27, 32, 64>}, {pipeline_mode = #tpu.pipeline_mode<synchronous>, transform_indices = @transform_2, window_bounds = array<i64: 1, 64>}, {pipeline_mode = #tpu.pipeline_mode<synchronous>, transform_indices = @transform_3, window_bounds = array<i64: 64, 32>}, {pipeline_mode = #tpu.pipeline_mode<synchronous>, transform_indices = @transform_4, window_bounds = array<i64: 1, 32>}, {pipeline_mode = #tpu.pipeline_mode<synchronous>, transform_indices = @transform_5, window_bounds = array<i64: 64, 32>}, {pipeline_mode = #tpu.pipeline_mode<synchronous>, transform_indices = @transform_6, window_bounds = array<i64: 1, 32>}, {pipeline_mode = #tpu.pipeline_mode<synchronous>, transform_indices = @transform_7, window_bounds = array<i64: 32, 64>}, {pipeline_mode = #tpu.pipeline_mode<synchronous>, transform_indices = @transform_8, window_bounds = array<i64: 1, 64>}, {transform_indices = @transform_9, window_bounds = array<i64: 512, 96>}]} {
    %broadcast_in_dim3A = arith.constant 0.000000e+00 : f32
    %broadcast_in_dim3A_0 = vector.broadcast %broadcast_in_dim3A : f32 to vector<512x64xf32>
    %get3A = arith.constant 0 : index
    %get3A_1 = arith.constant 0 : index
    %get3A_2 = arith.constant 0 : index
    %get3A_3 = vector.load %arg1[%get3A, %get3A_1, %get3A_2] : memref<27x512x32xf32, #tpu.memory_space<vmem>>, vector<1x512x32xf32>
    %get3A_4 = vector.shape_cast %get3A_3 : vector<1x512x32xf32> to vector<512x32xf32>
    %get3A_5 = arith.constant 0 : index
    %get3A_6 = arith.constant 0 : index
    %get3A_7 = arith.constant 0 : index
    %get3A_8 = vector.load %arg2[%get3A_5, %get3A_6, %get3A_7] : memref<27x32x64xf32, #tpu.memory_space<vmem>>, vector<1x32x64xf32>
    %get3A_9 = vector.shape_cast %get3A_8 : vector<1x32x64xf32> to vector<32x64xf32>
    %dot_general3A = arith.constant dense<0.000000e+00> : vector<512x64xf32>
    %dot_general3A_10 = tpu.matmul %get3A_4, %get3A_9, %dot_general3A {dimension_numbers = #tpu.dot_dimension_numbers<[1], [0], [0], [1], [0, 0, 1, 1], [], []>, transpose_lhs_hint = false} : vector<512x32xf32>, vector<32x64xf32>, vector<512x64xf32> -> vector<512x64xf32>
    %add3A = arith.addf %broadcast_in_dim3A_0, %dot_general3A_10 : vector<512x64xf32>
    %get3A_11 = arith.constant 1 : index
    %get3A_12 = arith.constant 0 : index
    %get3A_13 = arith.constant 0 : index
    %get3A_14 = vector.load %arg1[%get3A_11, %get3A_12, %get3A_13] : memref<27x512x32xf32, #tpu.memory_space<vmem>>, vector<1x512x32xf32>
    %get3A_15 = vector.shape_cast %get3A_14 : vector<1x512x32xf32> to vector<512x32xf32>
    %get3A_16 = arith.constant 1 : index
    %get3A_17 = arith.constant 0 : index
    %get3A_18 = arith.constant 0 : index
    %get3A_19 = vector.load %arg2[%get3A_16, %get3A_17, %get3A_18] : memref<27x32x64xf32, #tpu.memory_space<vmem>>, vector<1x32x64xf32>
    %get3A_20 = vector.shape_cast %get3A_19 : vector<1x32x64xf32> to vector<32x64xf32>
    %dot_general3A_21 = arith.constant dense<0.000000e+00> : vector<512x64xf32>
    %dot_general3A_22 = tpu.matmul %get3A_15, %get3A_20, %dot_general3A_21 {dimension_numbers = #tpu.dot_dimension_numbers<[1], [0], [0], [1], [0, 0, 1, 1], [], []>, transpose_lhs_hint = false} : vector<512x32xf32>, vector<32x64xf32>, vector<512x64xf32> -> vector<512x64xf32>
    %add3A_23 = arith.addf %add3A, %dot_general3A_22 : vector<512x64xf32>
    %get3A_24 = arith.constant 2 : index
    %get3A_25 = arith.constant 0 : index
    %get3A_26 = arith.constant 0 : index
    %get3A_27 = vector.load %arg1[%get3A_24, %get3A_25, %get3A_26] : memref<27x512x32xf32, #tpu.memory_space<vmem>>, vector<1x512x32xf32>
    %get3A_28 = vector.shape_cast %get3A_27 : vector<1x512x32xf32> to vector<512x32xf32>
    %get3A_29 = arith.constant 2 : index
    %get3A_30 = arith.constant 0 : index
    %get3A_31 = arith.constant 0 : index
    %get3A_32 = vector.load %arg2[%get3A_29, %get3A_30, %get3A_31] : memref<27x32x64xf32, #tpu.memory_space<vmem>>, vector<1x32x64xf32>
    %get3A_33 = vector.shape_cast %get3A_32 : vector<1x32x64xf32> to vector<32x64xf32>
    %dot_general3A_34 = arith.constant dense<0.000000e+00> : vector<512x64xf32>
    %dot_general3A_35 = tpu.matmul %get3A_28, %get3A_33, %dot_general3A_34 {dimension_numbers = #tpu.dot_dimension_numbers<[1], [0], [0], [1], [0, 0, 1, 1], [], []>, transpose_lhs_hint = false} : vector<512x32xf32>, vector<32x64xf32>, vector<512x64xf32> -> vector<512x64xf32>
    %add3A_36 = arith.addf %add3A_23, %dot_general3A_35 : vector<512x64xf32>
    %get3A_37 = arith.constant 3 : index
    %get3A_38 = arith.constant 0 : index
    %get3A_39 = arith.constant 0 : index
    %get3A_40 = vector.load %arg1[%get3A_37, %get3A_38, %get3A_39] : memref<27x512x32xf32, #tpu.memory_space<vmem>>, vector<1x512x32xf32>
    %get3A_41 = vector.shape_cast %get3A_40 : vector<1x512x32xf32> to vector<512x32xf32>
    %get3A_42 = arith.constant 3 : index
    %get3A_43 = arith.constant 0 : index
    %get3A_44 = arith.constant 0 : index
    %get3A_45 = vector.load %arg2[%get3A_42, %get3A_43, %get3A_44] : memref<27x32x64xf32, #tpu.memory_space<vmem>>, vector<1x32x64xf32>
    %get3A_46 = vector.shape_cast %get3A_45 : vector<1x32x64xf32> to vector<32x64xf32>
    %dot_general3A_47 = arith.constant dense<0.000000e+00> : vector<512x64xf32>
    %dot_general3A_48 = tpu.matmul %get3A_41, %get3A_46, %dot_general3A_47 {dimension_numbers = #tpu.dot_dimension_numbers<[1], [0], [0], [1], [0, 0, 1, 1], [], []>, transpose_lhs_hint = false} : vector<512x32xf32>, vector<32x64xf32>, vector<512x64xf32> -> vector<512x64xf32>
    %add3A_49 = arith.addf %add3A_36, %dot_general3A_48 : vector<512x64xf32>
    %get3A_50 = arith.constant 4 : index
    %get3A_51 = arith.constant 0 : index
    %get3A_52 = arith.constant 0 : index
    %get3A_53 = vector.load %arg1[%get3A_50, %get3A_51, %get3A_52] : memref<27x512x32xf32, #tpu.memory_space<vmem>>, vector<1x512x32xf32>
    %get3A_54 = vector.shape_cast %get3A_53 : vector<1x512x32xf32> to vector<512x32xf32>
    %get3A_55 = arith.constant 4 : index
    %get3A_56 = arith.constant 0 : index
    %get3A_57 = arith.constant 0 : index
    %get3A_58 = vector.load %arg2[%get3A_55, %get3A_56, %get3A_57] : memref<27x32x64xf32, #tpu.memory_space<vmem>>, vector<1x32x64xf32>
    %get3A_59 = vector.shape_cast %get3A_58 : vector<1x32x64xf32> to vector<32x64xf32>
    %dot_general3A_60 = arith.constant dense<0.000000e+00> : vector<512x64xf32>
    %dot_general3A_61 = tpu.matmul %get3A_54, %get3A_59, %dot_general3A_60 {dimension_numbers = #tpu.dot_dimension_numbers<[1], [0], [0], [1], [0, 0, 1, 1], [], []>, transpose_lhs_hint = false} : vector<512x32xf32>, vector<32x64xf32>, vector<512x64xf32> -> vector<512x64xf32>
    %add3A_62 = arith.addf %add3A_49, %dot_general3A_61 : vector<512x64xf32>
    %get3A_63 = arith.constant 5 : index
    %get3A_64 = arith.constant 0 : index
    %get3A_65 = arith.constant 0 : index
    %get3A_66 = vector.load %arg1[%get3A_63, %get3A_64, %get3A_65] : memref<27x512x32xf32, #tpu.memory_space<vmem>>, vector<1x512x32xf32>
    %get3A_67 = vector.shape_cast %get3A_66 : vector<1x512x32xf32> to vector<512x32xf32>
    %get3A_68 = arith.constant 5 : index
    %get3A_69 = arith.constant 0 : index
    %get3A_70 = arith.constant 0 : index
    %get3A_71 = vector.load %arg2[%get3A_68, %get3A_69, %get3A_70] : memref<27x32x64xf32, #tpu.memory_space<vmem>>, vector<1x32x64xf32>
    %get3A_72 = vector.shape_cast %get3A_71 : vector<1x32x64xf32> to vector<32x64xf32>
    %dot_general3A_73 = arith.constant dense<0.000000e+00> : vector<512x64xf32>
    %dot_general3A_74 = tpu.matmul %get3A_67, %get3A_72, %dot_general3A_73 {dimension_numbers = #tpu.dot_dimension_numbers<[1], [0], [0], [1], [0, 0, 1, 1], [], []>, transpose_lhs_hint = false} : vector<512x32xf32>, vector<32x64xf32>, vector<512x64xf32> -> vector<512x64xf32>
    %add3A_75 = arith.addf %add3A_62, %dot_general3A_74 : vector<512x64xf32>
    %get3A_76 = arith.constant 6 : index
    %get3A_77 = arith.constant 0 : index
    %get3A_78 = arith.constant 0 : index
    %get3A_79 = vector.load %arg1[%get3A_76, %get3A_77, %get3A_78] : memref<27x512x32xf32, #tpu.memory_space<vmem>>, vector<1x512x32xf32>
    %get3A_80 = vector.shape_cast %get3A_79 : vector<1x512x32xf32> to vector<512x32xf32>
    %get3A_81 = arith.constant 6 : index
    %get3A_82 = arith.constant 0 : index
    %get3A_83 = arith.constant 0 : index
    %get3A_84 = vector.load %arg2[%get3A_81, %get3A_82, %get3A_83] : memref<27x32x64xf32, #tpu.memory_space<vmem>>, vector<1x32x64xf32>
    %get3A_85 = vector.shape_cast %get3A_84 : vector<1x32x64xf32> to vector<32x64xf32>
    %dot_general3A_86 = arith.constant dense<0.000000e+00> : vector<512x64xf32>
    %dot_general3A_87 = tpu.matmul %get3A_80, %get3A_85, %dot_general3A_86 {dimension_numbers = #tpu.dot_dimension_numbers<[1], [0], [0], [1], [0, 0, 1, 1], [], []>, transpose_lhs_hint = false} : vector<512x32xf32>, vector<32x64xf32>, vector<512x64xf32> -> vector<512x64xf32>
    %add3A_88 = arith.addf %add3A_75, %dot_general3A_87 : vector<512x64xf32>
    %get3A_89 = arith.constant 7 : index
    %get3A_90 = arith.constant 0 : index
    %get3A_91 = arith.constant 0 : index
    %get3A_92 = vector.load %arg1[%get3A_89, %get3A_90, %get3A_91] : memref<27x512x32xf32, #tpu.memory_space<vmem>>, vector<1x512x32xf32>
    %get3A_93 = vector.shape_cast %get3A_92 : vector<1x512x32xf32> to vector<512x32xf32>
    %get3A_94 = arith.constant 7 : index
    %get3A_95 = arith.constant 0 : index
    %get3A_96 = arith.constant 0 : index
    %get3A_97 = vector.load %arg2[%get3A_94, %get3A_95, %get3A_96] : memref<27x32x64xf32, #tpu.memory_space<vmem>>, vector<1x32x64xf32>
    %get3A_98 = vector.shape_cast %get3A_97 : vector<1x32x64xf32> to vector<32x64xf32>
    %dot_general3A_99 = arith.constant dense<0.000000e+00> : vector<512x64xf32>
    %dot_general3A_100 = tpu.matmul %get3A_93, %get3A_98, %dot_general3A_99 {dimension_numbers = #tpu.dot_dimension_numbers<[1], [0], [0], [1], [0, 0, 1, 1], [], []>, transpose_lhs_hint = false} : vector<512x32xf32>, vector<32x64xf32>, vector<512x64xf32> -> vector<512x64xf32>
    %add3A_101 = arith.addf %add3A_88, %dot_general3A_100 : vector<512x64xf32>
    %get3A_102 = arith.constant 8 : index
    %get3A_103 = arith.constant 0 : index
    %get3A_104 = arith.constant 0 : index
    %get3A_105 = vector.load %arg1[%get3A_102, %get3A_103, %get3A_104] : memref<27x512x32xf32, #tpu.memory_space<vmem>>, vector<1x512x32xf32>
    %get3A_106 = vector.shape_cast %get3A_105 : vector<1x512x32xf32> to vector<512x32xf32>
    %get3A_107 = arith.constant 8 : index
    %get3A_108 = arith.constant 0 : index
    %get3A_109 = arith.constant 0 : index
    %get3A_110 = vector.load %arg2[%get3A_107, %get3A_108, %get3A_109] : memref<27x32x64xf32, #tpu.memory_space<vmem>>, vector<1x32x64xf32>
    %get3A_111 = vector.shape_cast %get3A_110 : vector<1x32x64xf32> to vector<32x64xf32>
    %dot_general3A_112 = arith.constant dense<0.000000e+00> : vector<512x64xf32>
    %dot_general3A_113 = tpu.matmul %get3A_106, %get3A_111, %dot_general3A_112 {dimension_numbers = #tpu.dot_dimension_numbers<[1], [0], [0], [1], [0, 0, 1, 1], [], []>, transpose_lhs_hint = false} : vector<512x32xf32>, vector<32x64xf32>, vector<512x64xf32> -> vector<512x64xf32>
    %add3A_114 = arith.addf %add3A_101, %dot_general3A_113 : vector<512x64xf32>
    %get3A_115 = arith.constant 9 : index
    %get3A_116 = arith.constant 0 : index
    %get3A_117 = arith.constant 0 : index
    %get3A_118 = vector.load %arg1[%get3A_115, %get3A_116, %get3A_117] : memref<27x512x32xf32, #tpu.memory_space<vmem>>, vector<1x512x32xf32>
    %get3A_119 = vector.shape_cast %get3A_118 : vector<1x512x32xf32> to vector<512x32xf32>
    %get3A_120 = arith.constant 9 : index
    %get3A_121 = arith.constant 0 : index
    %get3A_122 = arith.constant 0 : index
    %get3A_123 = vector.load %arg2[%get3A_120, %get3A_121, %get3A_122] : memref<27x32x64xf32, #tpu.memory_space<vmem>>, vector<1x32x64xf32>
    %get3A_124 = vector.shape_cast %get3A_123 : vector<1x32x64xf32> to vector<32x64xf32>
    %dot_general3A_125 = arith.constant dense<0.000000e+00> : vector<512x64xf32>
    %dot_general3A_126 = tpu.matmul %get3A_119, %get3A_124, %dot_general3A_125 {dimension_numbers = #tpu.dot_dimension_numbers<[1], [0], [0], [1], [0, 0, 1, 1], [], []>, transpose_lhs_hint = false} : vector<512x32xf32>, vector<32x64xf32>, vector<512x64xf32> -> vector<512x64xf32>
    %add3A_127 = arith.addf %add3A_114, %dot_general3A_126 : vector<512x64xf32>
    %get3A_128 = arith.constant 10 : index
    %get3A_129 = arith.constant 0 : index
    %get3A_130 = arith.constant 0 : index
    %get3A_131 = vector.load %arg1[%get3A_128, %get3A_129, %get3A_130] : memref<27x512x32xf32, #tpu.memory_space<vmem>>, vector<1x512x32xf32>
    %get3A_132 = vector.shape_cast %get3A_131 : vector<1x512x32xf32> to vector<512x32xf32>
    %get3A_133 = arith.constant 10 : index
    %get3A_134 = arith.constant 0 : index
    %get3A_135 = arith.constant 0 : index
    %get3A_136 = vector.load %arg2[%get3A_133, %get3A_134, %get3A_135] : memref<27x32x64xf32, #tpu.memory_space<vmem>>, vector<1x32x64xf32>
    %get3A_137 = vector.shape_cast %get3A_136 : vector<1x32x64xf32> to vector<32x64xf32>
    %dot_general3A_138 = arith.constant dense<0.000000e+00> : vector<512x64xf32>
    %dot_general3A_139 = tpu.matmul %get3A_132, %get3A_137, %dot_general3A_138 {dimension_numbers = #tpu.dot_dimension_numbers<[1], [0], [0], [1], [0, 0, 1, 1], [], []>, transpose_lhs_hint = false} : vector<512x32xf32>, vector<32x64xf32>, vector<512x64xf32> -> vector<512x64xf32>
    %add3A_140 = arith.addf %add3A_127, %dot_general3A_139 : vector<512x64xf32>
    %get3A_141 = arith.constant 11 : index
    %get3A_142 = arith.constant 0 : index
    %get3A_143 = arith.constant 0 : index
    %get3A_144 = vector.load %arg1[%get3A_141, %get3A_142, %get3A_143] : memref<27x512x32xf32, #tpu.memory_space<vmem>>, vector<1x512x32xf32>
    %get3A_145 = vector.shape_cast %get3A_144 : vector<1x512x32xf32> to vector<512x32xf32>
    %get3A_146 = arith.constant 11 : index
    %get3A_147 = arith.constant 0 : index
    %get3A_148 = arith.constant 0 : index
    %get3A_149 = vector.load %arg2[%get3A_146, %get3A_147, %get3A_148] : memref<27x32x64xf32, #tpu.memory_space<vmem>>, vector<1x32x64xf32>
    %get3A_150 = vector.shape_cast %get3A_149 : vector<1x32x64xf32> to vector<32x64xf32>
    %dot_general3A_151 = arith.constant dense<0.000000e+00> : vector<512x64xf32>
    %dot_general3A_152 = tpu.matmul %get3A_145, %get3A_150, %dot_general3A_151 {dimension_numbers = #tpu.dot_dimension_numbers<[1], [0], [0], [1], [0, 0, 1, 1], [], []>, transpose_lhs_hint = false} : vector<512x32xf32>, vector<32x64xf32>, vector<512x64xf32> -> vector<512x64xf32>
    %add3A_153 = arith.addf %add3A_140, %dot_general3A_152 : vector<512x64xf32>
    %get3A_154 = arith.constant 12 : index
    %get3A_155 = arith.constant 0 : index
    %get3A_156 = arith.constant 0 : index
    %get3A_157 = vector.load %arg1[%get3A_154, %get3A_155, %get3A_156] : memref<27x512x32xf32, #tpu.memory_space<vmem>>, vector<1x512x32xf32>
    %get3A_158 = vector.shape_cast %get3A_157 : vector<1x512x32xf32> to vector<512x32xf32>
    %get3A_159 = arith.constant 12 : index
    %get3A_160 = arith.constant 0 : index
    %get3A_161 = arith.constant 0 : index
    %get3A_162 = vector.load %arg2[%get3A_159, %get3A_160, %get3A_161] : memref<27x32x64xf32, #tpu.memory_space<vmem>>, vector<1x32x64xf32>
    %get3A_163 = vector.shape_cast %get3A_162 : vector<1x32x64xf32> to vector<32x64xf32>
    %dot_general3A_164 = arith.constant dense<0.000000e+00> : vector<512x64xf32>
    %dot_general3A_165 = tpu.matmul %get3A_158, %get3A_163, %dot_general3A_164 {dimension_numbers = #tpu.dot_dimension_numbers<[1], [0], [0], [1], [0, 0, 1, 1], [], []>, transpose_lhs_hint = false} : vector<512x32xf32>, vector<32x64xf32>, vector<512x64xf32> -> vector<512x64xf32>
    %add3A_166 = arith.addf %add3A_153, %dot_general3A_165 : vector<512x64xf32>
    %get3A_167 = arith.constant 13 : index
    %get3A_168 = arith.constant 0 : index
    %get3A_169 = arith.constant 0 : index
    %get3A_170 = vector.load %arg1[%get3A_167, %get3A_168, %get3A_169] : memref<27x512x32xf32, #tpu.memory_space<vmem>>, vector<1x512x32xf32>
    %get3A_171 = vector.shape_cast %get3A_170 : vector<1x512x32xf32> to vector<512x32xf32>
    %get3A_172 = arith.constant 13 : index
    %get3A_173 = arith.constant 0 : index
    %get3A_174 = arith.constant 0 : index
    %get3A_175 = vector.load %arg2[%get3A_172, %get3A_173, %get3A_174] : memref<27x32x64xf32, #tpu.memory_space<vmem>>, vector<1x32x64xf32>
    %get3A_176 = vector.shape_cast %get3A_175 : vector<1x32x64xf32> to vector<32x64xf32>
    %dot_general3A_177 = arith.constant dense<0.000000e+00> : vector<512x64xf32>
    %dot_general3A_178 = tpu.matmul %get3A_171, %get3A_176, %dot_general3A_177 {dimension_numbers = #tpu.dot_dimension_numbers<[1], [0], [0], [1], [0, 0, 1, 1], [], []>, transpose_lhs_hint = false} : vector<512x32xf32>, vector<32x64xf32>, vector<512x64xf32> -> vector<512x64xf32>
    %add3A_179 = arith.addf %add3A_166, %dot_general3A_178 : vector<512x64xf32>
    %get3A_180 = arith.constant 14 : index
    %get3A_181 = arith.constant 0 : index
    %get3A_182 = arith.constant 0 : index
    %get3A_183 = vector.load %arg1[%get3A_180, %get3A_181, %get3A_182] : memref<27x512x32xf32, #tpu.memory_space<vmem>>, vector<1x512x32xf32>
    %get3A_184 = vector.shape_cast %get3A_183 : vector<1x512x32xf32> to vector<512x32xf32>
    %get3A_185 = arith.constant 14 : index
    %get3A_186 = arith.constant 0 : index
    %get3A_187 = arith.constant 0 : index
    %get3A_188 = vector.load %arg2[%get3A_185, %get3A_186, %get3A_187] : memref<27x32x64xf32, #tpu.memory_space<vmem>>, vector<1x32x64xf32>
    %get3A_189 = vector.shape_cast %get3A_188 : vector<1x32x64xf32> to vector<32x64xf32>
    %dot_general3A_190 = arith.constant dense<0.000000e+00> : vector<512x64xf32>
    %dot_general3A_191 = tpu.matmul %get3A_184, %get3A_189, %dot_general3A_190 {dimension_numbers = #tpu.dot_dimension_numbers<[1], [0], [0], [1], [0, 0, 1, 1], [], []>, transpose_lhs_hint = false} : vector<512x32xf32>, vector<32x64xf32>, vector<512x64xf32> -> vector<512x64xf32>
    %add3A_192 = arith.addf %add3A_179, %dot_general3A_191 : vector<512x64xf32>
    %get3A_193 = arith.constant 15 : index
    %get3A_194 = arith.constant 0 : index
    %get3A_195 = arith.constant 0 : index
    %get3A_196 = vector.load %arg1[%get3A_193, %get3A_194, %get3A_195] : memref<27x512x32xf32, #tpu.memory_space<vmem>>, vector<1x512x32xf32>
    %get3A_197 = vector.shape_cast %get3A_196 : vector<1x512x32xf32> to vector<512x32xf32>
    %get3A_198 = arith.constant 15 : index
    %get3A_199 = arith.constant 0 : index
    %get3A_200 = arith.constant 0 : index
    %get3A_201 = vector.load %arg2[%get3A_198, %get3A_199, %get3A_200] : memref<27x32x64xf32, #tpu.memory_space<vmem>>, vector<1x32x64xf32>
    %get3A_202 = vector.shape_cast %get3A_201 : vector<1x32x64xf32> to vector<32x64xf32>
    %dot_general3A_203 = arith.constant dense<0.000000e+00> : vector<512x64xf32>
    %dot_general3A_204 = tpu.matmul %get3A_197, %get3A_202, %dot_general3A_203 {dimension_numbers = #tpu.dot_dimension_numbers<[1], [0], [0], [1], [0, 0, 1, 1], [], []>, transpose_lhs_hint = false} : vector<512x32xf32>, vector<32x64xf32>, vector<512x64xf32> -> vector<512x64xf32>
    %add3A_205 = arith.addf %add3A_192, %dot_general3A_204 : vector<512x64xf32>
    %get3A_206 = arith.constant 16 : index
    %get3A_207 = arith.constant 0 : index
    %get3A_208 = arith.constant 0 : index
    %get3A_209 = vector.load %arg1[%get3A_206, %get3A_207, %get3A_208] : memref<27x512x32xf32, #tpu.memory_space<vmem>>, vector<1x512x32xf32>
    %get3A_210 = vector.shape_cast %get3A_209 : vector<1x512x32xf32> to vector<512x32xf32>
    %get3A_211 = arith.constant 16 : index
    %get3A_212 = arith.constant 0 : index
    %get3A_213 = arith.constant 0 : index
    %get3A_214 = vector.load %arg2[%get3A_211, %get3A_212, %get3A_213] : memref<27x32x64xf32, #tpu.memory_space<vmem>>, vector<1x32x64xf32>
    %get3A_215 = vector.shape_cast %get3A_214 : vector<1x32x64xf32> to vector<32x64xf32>
    %dot_general3A_216 = arith.constant dense<0.000000e+00> : vector<512x64xf32>
    %dot_general3A_217 = tpu.matmul %get3A_210, %get3A_215, %dot_general3A_216 {dimension_numbers = #tpu.dot_dimension_numbers<[1], [0], [0], [1], [0, 0, 1, 1], [], []>, transpose_lhs_hint = false} : vector<512x32xf32>, vector<32x64xf32>, vector<512x64xf32> -> vector<512x64xf32>
    %add3A_218 = arith.addf %add3A_205, %dot_general3A_217 : vector<512x64xf32>
    %get3A_219 = arith.constant 17 : index
    %get3A_220 = arith.constant 0 : index
    %get3A_221 = arith.constant 0 : index
    %get3A_222 = vector.load %arg1[%get3A_219, %get3A_220, %get3A_221] : memref<27x512x32xf32, #tpu.memory_space<vmem>>, vector<1x512x32xf32>
    %get3A_223 = vector.shape_cast %get3A_222 : vector<1x512x32xf32> to vector<512x32xf32>
    %get3A_224 = arith.constant 17 : index
    %get3A_225 = arith.constant 0 : index
    %get3A_226 = arith.constant 0 : index
    %get3A_227 = vector.load %arg2[%get3A_224, %get3A_225, %get3A_226] : memref<27x32x64xf32, #tpu.memory_space<vmem>>, vector<1x32x64xf32>
    %get3A_228 = vector.shape_cast %get3A_227 : vector<1x32x64xf32> to vector<32x64xf32>
    %dot_general3A_229 = arith.constant dense<0.000000e+00> : vector<512x64xf32>
    %dot_general3A_230 = tpu.matmul %get3A_223, %get3A_228, %dot_general3A_229 {dimension_numbers = #tpu.dot_dimension_numbers<[1], [0], [0], [1], [0, 0, 1, 1], [], []>, transpose_lhs_hint = false} : vector<512x32xf32>, vector<32x64xf32>, vector<512x64xf32> -> vector<512x64xf32>
    %add3A_231 = arith.addf %add3A_218, %dot_general3A_230 : vector<512x64xf32>
    %get3A_232 = arith.constant 18 : index
    %get3A_233 = arith.constant 0 : index
    %get3A_234 = arith.constant 0 : index
    %get3A_235 = vector.load %arg1[%get3A_232, %get3A_233, %get3A_234] : memref<27x512x32xf32, #tpu.memory_space<vmem>>, vector<1x512x32xf32>
    %get3A_236 = vector.shape_cast %get3A_235 : vector<1x512x32xf32> to vector<512x32xf32>
    %get3A_237 = arith.constant 18 : index
    %get3A_238 = arith.constant 0 : index
    %get3A_239 = arith.constant 0 : index
    %get3A_240 = vector.load %arg2[%get3A_237, %get3A_238, %get3A_239] : memref<27x32x64xf32, #tpu.memory_space<vmem>>, vector<1x32x64xf32>
    %get3A_241 = vector.shape_cast %get3A_240 : vector<1x32x64xf32> to vector<32x64xf32>
    %dot_general3A_242 = arith.constant dense<0.000000e+00> : vector<512x64xf32>
    %dot_general3A_243 = tpu.matmul %get3A_236, %get3A_241, %dot_general3A_242 {dimension_numbers = #tpu.dot_dimension_numbers<[1], [0], [0], [1], [0, 0, 1, 1], [], []>, transpose_lhs_hint = false} : vector<512x32xf32>, vector<32x64xf32>, vector<512x64xf32> -> vector<512x64xf32>
    %add3A_244 = arith.addf %add3A_231, %dot_general3A_243 : vector<512x64xf32>
    %get3A_245 = arith.constant 19 : index
    %get3A_246 = arith.constant 0 : index
    %get3A_247 = arith.constant 0 : index
    %get3A_248 = vector.load %arg1[%get3A_245, %get3A_246, %get3A_247] : memref<27x512x32xf32, #tpu.memory_space<vmem>>, vector<1x512x32xf32>
    %get3A_249 = vector.shape_cast %get3A_248 : vector<1x512x32xf32> to vector<512x32xf32>
    %get3A_250 = arith.constant 19 : index
    %get3A_251 = arith.constant 0 : index
    %get3A_252 = arith.constant 0 : index
    %get3A_253 = vector.load %arg2[%get3A_250, %get3A_251, %get3A_252] : memref<27x32x64xf32, #tpu.memory_space<vmem>>, vector<1x32x64xf32>
    %get3A_254 = vector.shape_cast %get3A_253 : vector<1x32x64xf32> to vector<32x64xf32>
    %dot_general3A_255 = arith.constant dense<0.000000e+00> : vector<512x64xf32>
    %dot_general3A_256 = tpu.matmul %get3A_249, %get3A_254, %dot_general3A_255 {dimension_numbers = #tpu.dot_dimension_numbers<[1], [0], [0], [1], [0, 0, 1, 1], [], []>, transpose_lhs_hint = false} : vector<512x32xf32>, vector<32x64xf32>, vector<512x64xf32> -> vector<512x64xf32>
    %add3A_257 = arith.addf %add3A_244, %dot_general3A_256 : vector<512x64xf32>
    %get3A_258 = arith.constant 20 : index
    %get3A_259 = arith.constant 0 : index
    %get3A_260 = arith.constant 0 : index
    %get3A_261 = vector.load %arg1[%get3A_258, %get3A_259, %get3A_260] : memref<27x512x32xf32, #tpu.memory_space<vmem>>, vector<1x512x32xf32>
    %get3A_262 = vector.shape_cast %get3A_261 : vector<1x512x32xf32> to vector<512x32xf32>
    %get3A_263 = arith.constant 20 : index
    %get3A_264 = arith.constant 0 : index
    %get3A_265 = arith.constant 0 : index
    %get3A_266 = vector.load %arg2[%get3A_263, %get3A_264, %get3A_265] : memref<27x32x64xf32, #tpu.memory_space<vmem>>, vector<1x32x64xf32>
    %get3A_267 = vector.shape_cast %get3A_266 : vector<1x32x64xf32> to vector<32x64xf32>
    %dot_general3A_268 = arith.constant dense<0.000000e+00> : vector<512x64xf32>
    %dot_general3A_269 = tpu.matmul %get3A_262, %get3A_267, %dot_general3A_268 {dimension_numbers = #tpu.dot_dimension_numbers<[1], [0], [0], [1], [0, 0, 1, 1], [], []>, transpose_lhs_hint = false} : vector<512x32xf32>, vector<32x64xf32>, vector<512x64xf32> -> vector<512x64xf32>
    %add3A_270 = arith.addf %add3A_257, %dot_general3A_269 : vector<512x64xf32>
    %get3A_271 = arith.constant 21 : index
    %get3A_272 = arith.constant 0 : index
    %get3A_273 = arith.constant 0 : index
    %get3A_274 = vector.load %arg1[%get3A_271, %get3A_272, %get3A_273] : memref<27x512x32xf32, #tpu.memory_space<vmem>>, vector<1x512x32xf32>
    %get3A_275 = vector.shape_cast %get3A_274 : vector<1x512x32xf32> to vector<512x32xf32>
    %get3A_276 = arith.constant 21 : index
    %get3A_277 = arith.constant 0 : index
    %get3A_278 = arith.constant 0 : index
    %get3A_279 = vector.load %arg2[%get3A_276, %get3A_277, %get3A_278] : memref<27x32x64xf32, #tpu.memory_space<vmem>>, vector<1x32x64xf32>
    %get3A_280 = vector.shape_cast %get3A_279 : vector<1x32x64xf32> to vector<32x64xf32>
    %dot_general3A_281 = arith.constant dense<0.000000e+00> : vector<512x64xf32>
    %dot_general3A_282 = tpu.matmul %get3A_275, %get3A_280, %dot_general3A_281 {dimension_numbers = #tpu.dot_dimension_numbers<[1], [0], [0], [1], [0, 0, 1, 1], [], []>, transpose_lhs_hint = false} : vector<512x32xf32>, vector<32x64xf32>, vector<512x64xf32> -> vector<512x64xf32>
    %add3A_283 = arith.addf %add3A_270, %dot_general3A_282 : vector<512x64xf32>
    %get3A_284 = arith.constant 22 : index
    %get3A_285 = arith.constant 0 : index
    %get3A_286 = arith.constant 0 : index
    %get3A_287 = vector.load %arg1[%get3A_284, %get3A_285, %get3A_286] : memref<27x512x32xf32, #tpu.memory_space<vmem>>, vector<1x512x32xf32>
    %get3A_288 = vector.shape_cast %get3A_287 : vector<1x512x32xf32> to vector<512x32xf32>
    %get3A_289 = arith.constant 22 : index
    %get3A_290 = arith.constant 0 : index
    %get3A_291 = arith.constant 0 : index
    %get3A_292 = vector.load %arg2[%get3A_289, %get3A_290, %get3A_291] : memref<27x32x64xf32, #tpu.memory_space<vmem>>, vector<1x32x64xf32>
    %get3A_293 = vector.shape_cast %get3A_292 : vector<1x32x64xf32> to vector<32x64xf32>
    %dot_general3A_294 = arith.constant dense<0.000000e+00> : vector<512x64xf32>
    %dot_general3A_295 = tpu.matmul %get3A_288, %get3A_293, %dot_general3A_294 {dimension_numbers = #tpu.dot_dimension_numbers<[1], [0], [0], [1], [0, 0, 1, 1], [], []>, transpose_lhs_hint = false} : vector<512x32xf32>, vector<32x64xf32>, vector<512x64xf32> -> vector<512x64xf32>
    %add3A_296 = arith.addf %add3A_283, %dot_general3A_295 : vector<512x64xf32>
    %get3A_297 = arith.constant 23 : index
    %get3A_298 = arith.constant 0 : index
    %get3A_299 = arith.constant 0 : index
    %get3A_300 = vector.load %arg1[%get3A_297, %get3A_298, %get3A_299] : memref<27x512x32xf32, #tpu.memory_space<vmem>>, vector<1x512x32xf32>
    %get3A_301 = vector.shape_cast %get3A_300 : vector<1x512x32xf32> to vector<512x32xf32>
    %get3A_302 = arith.constant 23 : index
    %get3A_303 = arith.constant 0 : index
    %get3A_304 = arith.constant 0 : index
    %get3A_305 = vector.load %arg2[%get3A_302, %get3A_303, %get3A_304] : memref<27x32x64xf32, #tpu.memory_space<vmem>>, vector<1x32x64xf32>
    %get3A_306 = vector.shape_cast %get3A_305 : vector<1x32x64xf32> to vector<32x64xf32>
    %dot_general3A_307 = arith.constant dense<0.000000e+00> : vector<512x64xf32>
    %dot_general3A_308 = tpu.matmul %get3A_301, %get3A_306, %dot_general3A_307 {dimension_numbers = #tpu.dot_dimension_numbers<[1], [0], [0], [1], [0, 0, 1, 1], [], []>, transpose_lhs_hint = false} : vector<512x32xf32>, vector<32x64xf32>, vector<512x64xf32> -> vector<512x64xf32>
    %add3A_309 = arith.addf %add3A_296, %dot_general3A_308 : vector<512x64xf32>
    %get3A_310 = arith.constant 24 : index
    %get3A_311 = arith.constant 0 : index
    %get3A_312 = arith.constant 0 : index
    %get3A_313 = vector.load %arg1[%get3A_310, %get3A_311, %get3A_312] : memref<27x512x32xf32, #tpu.memory_space<vmem>>, vector<1x512x32xf32>
    %get3A_314 = vector.shape_cast %get3A_313 : vector<1x512x32xf32> to vector<512x32xf32>
    %get3A_315 = arith.constant 24 : index
    %get3A_316 = arith.constant 0 : index
    %get3A_317 = arith.constant 0 : index
    %get3A_318 = vector.load %arg2[%get3A_315, %get3A_316, %get3A_317] : memref<27x32x64xf32, #tpu.memory_space<vmem>>, vector<1x32x64xf32>
    %get3A_319 = vector.shape_cast %get3A_318 : vector<1x32x64xf32> to vector<32x64xf32>
    %dot_general3A_320 = arith.constant dense<0.000000e+00> : vector<512x64xf32>
    %dot_general3A_321 = tpu.matmul %get3A_314, %get3A_319, %dot_general3A_320 {dimension_numbers = #tpu.dot_dimension_numbers<[1], [0], [0], [1], [0, 0, 1, 1], [], []>, transpose_lhs_hint = false} : vector<512x32xf32>, vector<32x64xf32>, vector<512x64xf32> -> vector<512x64xf32>
    %add3A_322 = arith.addf %add3A_309, %dot_general3A_321 : vector<512x64xf32>
    %get3A_323 = arith.constant 25 : index
    %get3A_324 = arith.constant 0 : index
    %get3A_325 = arith.constant 0 : index
    %get3A_326 = vector.load %arg1[%get3A_323, %get3A_324, %get3A_325] : memref<27x512x32xf32, #tpu.memory_space<vmem>>, vector<1x512x32xf32>
    %get3A_327 = vector.shape_cast %get3A_326 : vector<1x512x32xf32> to vector<512x32xf32>
    %get3A_328 = arith.constant 25 : index
    %get3A_329 = arith.constant 0 : index
    %get3A_330 = arith.constant 0 : index
    %get3A_331 = vector.load %arg2[%get3A_328, %get3A_329, %get3A_330] : memref<27x32x64xf32, #tpu.memory_space<vmem>>, vector<1x32x64xf32>
    %get3A_332 = vector.shape_cast %get3A_331 : vector<1x32x64xf32> to vector<32x64xf32>
    %dot_general3A_333 = arith.constant dense<0.000000e+00> : vector<512x64xf32>
    %dot_general3A_334 = tpu.matmul %get3A_327, %get3A_332, %dot_general3A_333 {dimension_numbers = #tpu.dot_dimension_numbers<[1], [0], [0], [1], [0, 0, 1, 1], [], []>, transpose_lhs_hint = false} : vector<512x32xf32>, vector<32x64xf32>, vector<512x64xf32> -> vector<512x64xf32>
    %add3A_335 = arith.addf %add3A_322, %dot_general3A_334 : vector<512x64xf32>
    %get3A_336 = arith.constant 26 : index
    %get3A_337 = arith.constant 0 : index
    %get3A_338 = arith.constant 0 : index
    %get3A_339 = vector.load %arg1[%get3A_336, %get3A_337, %get3A_338] : memref<27x512x32xf32, #tpu.memory_space<vmem>>, vector<1x512x32xf32>
    %get3A_340 = vector.shape_cast %get3A_339 : vector<1x512x32xf32> to vector<512x32xf32>
    %get3A_341 = arith.constant 26 : index
    %get3A_342 = arith.constant 0 : index
    %get3A_343 = arith.constant 0 : index
    %get3A_344 = vector.load %arg2[%get3A_341, %get3A_342, %get3A_343] : memref<27x32x64xf32, #tpu.memory_space<vmem>>, vector<1x32x64xf32>
    %get3A_345 = vector.shape_cast %get3A_344 : vector<1x32x64xf32> to vector<32x64xf32>
    %dot_general3A_346 = arith.constant dense<0.000000e+00> : vector<512x64xf32>
    %dot_general3A_347 = tpu.matmul %get3A_340, %get3A_345, %dot_general3A_346 {dimension_numbers = #tpu.dot_dimension_numbers<[1], [0], [0], [1], [0, 0, 1, 1], [], []>, transpose_lhs_hint = false} : vector<512x32xf32>, vector<32x64xf32>, vector<512x64xf32> -> vector<512x64xf32>
    %add3A_348 = arith.addf %add3A_335, %dot_general3A_347 : vector<512x64xf32>
    %get3A_349 = arith.constant 0 : index
    %get3A_350 = arith.constant 0 : index
    %get3A_351 = vector.load %arg3[%get3A_349, %get3A_350] : memref<1x64xf32, #tpu.memory_space<vmem>>, vector<1x64xf32>
    %add3A_352 = vector.broadcast %get3A_351 : vector<1x64xf32> to vector<512x64xf32>
    %add3A_353 = arith.addf %add3A_348, %add3A_352 : vector<512x64xf32>
    %max3A = arith.constant 0.000000e+00 : f32
    %max3A_354 = vector.broadcast %max3A : f32 to vector<512x64xf32>
    %max3A_355 = arith.maximumf %add3A_353, %max3A_354 : vector<512x64xf32>
    %get3A_356 = arith.constant 0 : index
    %get3A_357 = arith.constant 0 : index
    %get3A_358 = vector.load %arg4[%get3A_356, %get3A_357] : memref<64x32xf32, #tpu.memory_space<vmem>>, vector<64x32xf32>
    %dot_general3A_359 = arith.constant dense<0.000000e+00> : vector<512x32xf32>
    %dot_general3A_360 = tpu.matmul %max3A_355, %get3A_358, %dot_general3A_359 {dimension_numbers = #tpu.dot_dimension_numbers<[1], [0], [0], [1], [0, 0, 1, 1], [], []>, transpose_lhs_hint = false} : vector<512x64xf32>, vector<64x32xf32>, vector<512x32xf32> -> vector<512x32xf32>
    %get3A_361 = arith.constant 0 : index
    %get3A_362 = arith.constant 0 : index
    %get3A_363 = vector.load %arg5[%get3A_361, %get3A_362] : memref<1x32xf32, #tpu.memory_space<vmem>>, vector<1x32xf32>
    %add3A_364 = vector.broadcast %get3A_363 : vector<1x32xf32> to vector<512x32xf32>
    %add3A_365 = arith.addf %dot_general3A_360, %add3A_364 : vector<512x32xf32>
    %get3A_366 = arith.constant 0 : index
    %get3A_367 = arith.constant 0 : index
    %get3A_368 = vector.load %arg6[%get3A_366, %get3A_367] : memref<64x32xf32, #tpu.memory_space<vmem>>, vector<64x32xf32>
    %dot_general3A_369 = arith.constant dense<0.000000e+00> : vector<512x32xf32>
    %dot_general3A_370 = tpu.matmul %max3A_355, %get3A_368, %dot_general3A_369 {dimension_numbers = #tpu.dot_dimension_numbers<[1], [0], [0], [1], [0, 0, 1, 1], [], []>, transpose_lhs_hint = false} : vector<512x64xf32>, vector<64x32xf32>, vector<512x32xf32> -> vector<512x32xf32>
    %get3A_371 = arith.constant 0 : index
    %get3A_372 = arith.constant 0 : index
    %get3A_373 = vector.load %arg7[%get3A_371, %get3A_372] : memref<1x32xf32, #tpu.memory_space<vmem>>, vector<1x32xf32>
    %add3A_374 = vector.broadcast %get3A_373 : vector<1x32xf32> to vector<512x32xf32>
    %add3A_375 = arith.addf %dot_general3A_370, %add3A_374 : vector<512x32xf32>
    %get3A_376 = arith.constant 0 : index
    %get3A_377 = arith.constant 0 : index
    %get3A_378 = vector.load %arg8[%get3A_376, %get3A_377] : memref<32x64xf32, #tpu.memory_space<vmem>>, vector<32x64xf32>
    %dot_general3A_379 = arith.constant dense<0.000000e+00> : vector<512x64xf32>
    %dot_general3A_380 = tpu.matmul %add3A_375, %get3A_378, %dot_general3A_379 {dimension_numbers = #tpu.dot_dimension_numbers<[1], [0], [0], [1], [0, 0, 1, 1], [], []>, transpose_lhs_hint = false} : vector<512x32xf32>, vector<32x64xf32>, vector<512x64xf32> -> vector<512x64xf32>
    %get3A_381 = arith.constant 0 : index
    %get3A_382 = arith.constant 0 : index
    %get3A_383 = vector.load %arg9[%get3A_381, %get3A_382] : memref<1x64xf32, #tpu.memory_space<vmem>>, vector<1x64xf32>
    %add3A_384 = vector.broadcast %get3A_383 : vector<1x64xf32> to vector<512x64xf32>
    %add3A_385 = arith.addf %dot_general3A_380, %add3A_384 : vector<512x64xf32>
    %concatenate3A = tpu.concatenate %add3A_365, %add3A_385 in 1 : vector<512x32xf32>, vector<512x64xf32> -> vector<512x96xf32>
    %swap3A = arith.constant 0 : index
    %swap3A_386 = arith.constant 0 : index
    %swap3A_387 = vector.load %arg10[%swap3A, %swap3A_386] : memref<512x96xf32, #tpu.memory_space<vmem>>, vector<512x96xf32>
    tpu.vector_store %arg10[%swap3A, %swap3A_386], %concatenate3A {strides = array<i32>} : memref<512x96xf32, #tpu.memory_space<vmem>>, vector<512x96xf32>,
    return
  }
  func.func @transform_0(%arg0: i32) -> (i32, i32, i32) {
    %c0_i32 = arith.constant 0 : i32
    %c0_i32_0 = arith.constant 0 : i32
    %c0_i32_1 = arith.constant 0 : i32
    return %c0_i32, %arg0, %c0_i32_0 : i32, i32, i32
  }
  func.func @transform_1(%arg0: i32) -> (i32, i32, i32) {
    %c0_i32 = arith.constant 0 : i32
    %c0_i32_0 = arith.constant 0 : i32
    %c0_i32_1 = arith.constant 0 : i32
    %c0_i32_2 = arith.constant 0 : i32
    return %c0_i32, %c0_i32_0, %c0_i32_1 : i32, i32, i32
  }
  func.func @transform_2(%arg0: i32) -> (i32, i32) {
    %c0_i32 = arith.constant 0 : i32
    %c0_i32_0 = arith.constant 0 : i32
    %c0_i32_1 = arith.constant 0 : i32
    return %c0_i32, %c0_i32_0 : i32, i32
  }
  func.func @transform_3(%arg0: i32) -> (i32, i32) {
    %c0_i32 = arith.constant 0 : i32
    %c0_i32_0 = arith.constant 0 : i32
    %c0_i32_1 = arith.constant 0 : i32
    return %c0_i32, %c0_i32_0 : i32, i32
  }
  func.func @transform_4(%arg0: i32) -> (i32, i32) {
    %c0_i32 = arith.constant 0 : i32
    %c0_i32_0 = arith.constant 0 : i32
    %c0_i32_1 = arith.constant 0 : i32
    return %c0_i32, %c0_i32_0 : i32, i32
  }
  func.func @transform_5(%arg0: i32) -> (i32, i32) {
    %c0_i32 = arith.constant 0 : i32
    %c0_i32_0 = arith.constant 0 : i32
    %c0_i32_1 = arith.constant 0 : i32
    return %c0_i32, %c0_i32_0 : i32, i32
  }
  func.func @transform_6(%arg0: i32) -> (i32, i32) {
    %c0_i32 = arith.constant 0 : i32
    %c0_i32_0 = arith.constant 0 : i32
    %c0_i32_1 = arith.constant 0 : i32
    return %c0_i32, %c0_i32_0 : i32, i32
  }
  func.func @transform_7(%arg0: i32) -> (i32, i32) {
    %c0_i32 = arith.constant 0 : i32
    %c0_i32_0 = arith.constant 0 : i32
    %c0_i32_1 = arith.constant 0 : i32
    return %c0_i32, %c0_i32_0 : i32, i32
  }
  func.func @transform_8(%arg0: i32) -> (i32, i32) {
    %c0_i32 = arith.constant 0 : i32
    %c0_i32_0 = arith.constant 0 : i32
    %c0_i32_1 = arith.constant 0 : i32
    return %c0_i32, %c0_i32_0 : i32, i32
  }
  func.func @transform_9(%arg0: i32) -> (i32, i32) {
    %c0_i32 = arith.constant 0 : i32
    %c0_i32_0 = arith.constant 0 : i32
    return %arg0, %c0_i32 : i32, i32
  }
}

module attributes {stable_mosaic.version = 14 : i64} {
  func.func @body(%arg0: i32, %arg1: memref<512x32xf32, #tpu.memory_space<vmem>>, %arg2: memref<512x96xf32, #tpu.memory_space<vmem>>, %arg3: memref<512x32xf32, #tpu.memory_space<vmem>>) attributes {dimension_semantics = [#tpu.dimension_semantics<arbitrary>], iteration_bounds = array<i64: 98>, scalar_prefetch = 0 : i64, scratch_operands = 0 : i64, tpu.core_type = #tpu.core_type<tc>, window_params = [{transform_indices = @transform_0, window_bounds = array<i64: 512, 32>}, {transform_indices = @transform_1, window_bounds = array<i64: 512, 96>}, {transform_indices = @transform_2, window_bounds = array<i64: 512, 32>}]} {
    %mul3A = arith.constant 512 : i32
    %mul3A_0 = arith.muli %arg0, %mul3A : i32
    %iota3A = tpu.iota {dimensions = array<i32: 0>} : vector<512x1xi32>
    %add3A = vector.broadcast %mul3A_0 : i32 to vector<512x1xi32>
    %add3A_1 = arith.addi %add3A, %iota3A : vector<512x1xi32>
    %get3A = arith.constant 0 : index
    %get3A_2 = arith.constant 0 : index
    %get3A_3 = vector.load %arg1[%get3A, %get3A_2] : memref<512x32xf32, #tpu.memory_space<vmem>>, vector<512x32xf32>
    %get3A_4 = arith.constant 0 : index
    %get3A_5 = arith.constant 0 : index
    %get3A_6 = vector.load %arg2[%get3A_4, %get3A_5] : memref<512x96xf32, #tpu.memory_space<vmem>>, vector<512x32xf32>
    %add3A_7 = arith.addf %get3A_3, %get3A_6 : vector<512x32xf32>
    %lt3A = arith.constant 50000 : i32
    %lt3A_8 = vector.broadcast %lt3A : i32 to vector<512x1xi32>
    %lt3A_9 = arith.cmpi slt, %add3A_1, %lt3A_8 : vector<512x1xi32>
    %jit3A = arith.constant 0.000000e+00 : f32
    %broadcast_in_dim3A = vector.shape_cast %lt3A_9 : vector<512x1xi1> to vector<512x1xi1>
    %broadcast_in_dim3A_10 = vector.broadcast %broadcast_in_dim3A : vector<512x1xi1> to vector<512x32xi1>
    %broadcast_in_dim3A_11 = vector.broadcast %jit3A : f32 to vector<512x32xf32>
    %select_n3A = arith.select %broadcast_in_dim3A_10, %add3A_7, %broadcast_in_dim3A_11 : vector<512x32xi1>, vector<512x32xf32>
    %swap3A = arith.constant 0 : index
    %swap3A_12 = arith.constant 0 : index
    %swap3A_13 = vector.load %arg3[%swap3A, %swap3A_12] : memref<512x32xf32, #tpu.memory_space<vmem>>, vector<512x32xf32>
    tpu.vector_store %arg3[%swap3A, %swap3A_12], %select_n3A {strides = array<i32>} : memref<512x32xf32, #tpu.memory_space<vmem>>, vector<512x32xf32>,
    return
  }
  func.func @transform_0(%arg0: i32) -> (i32, i32) {
    %c0_i32 = arith.constant 0 : i32
    %c0_i32_0 = arith.constant 0 : i32
    return %arg0, %c0_i32 : i32, i32
  }
  func.func @transform_1(%arg0: i32) -> (i32, i32) {
    %c0_i32 = arith.constant 0 : i32
    %c0_i32_0 = arith.constant 0 : i32
    return %arg0, %c0_i32 : i32, i32
  }
  func.func @transform_2(%arg0: i32) -> (i32, i32) {
    %c0_i32 = arith.constant 0 : i32
    %c0_i32_0 = arith.constant 0 : i32
    return %arg0, %c0_i32 : i32, i32
  }
}

module attributes {stable_mosaic.version = 14 : i64} {
  func.func @body(%arg0: i32, %arg1: memref<27x512x32xf32, #tpu.memory_space<vmem>>, %arg2: memref<27x32x32xf32, #tpu.memory_space<vmem>>, %arg3: memref<1x32xf32, #tpu.memory_space<vmem>>, %arg4: memref<512x96xf32, #tpu.memory_space<vmem>>, %arg5: memref<32x8xf32, #tpu.memory_space<vmem>>, %arg6: memref<1x8xf32, #tpu.memory_space<vmem>>, %arg7: memref<512x8xf32, #tpu.memory_space<vmem>>, %arg8: memref<1x32xf32, #tpu.memory_space<vmem>>) attributes {dimension_semantics = [#tpu.dimension_semantics<arbitrary>], iteration_bounds = array<i64: 98>, scalar_prefetch = 0 : i64, scratch_operands = 0 : i64, tpu.core_type = #tpu.core_type<tc>, window_params = [{transform_indices = @transform_0, window_bounds = array<i64: 27, 512, 32>}, {pipeline_mode = #tpu.pipeline_mode<synchronous>, transform_indices = @transform_1, window_bounds = array<i64: 27, 32, 32>}, {pipeline_mode = #tpu.pipeline_mode<synchronous>, transform_indices = @transform_2, window_bounds = array<i64: 1, 32>}, {transform_indices = @transform_3, window_bounds = array<i64: 512, 96>}, {pipeline_mode = #tpu.pipeline_mode<synchronous>, transform_indices = @transform_4, window_bounds = array<i64: 32, 8>}, {pipeline_mode = #tpu.pipeline_mode<synchronous>, transform_indices = @transform_5, window_bounds = array<i64: 1, 8>}, {transform_indices = @transform_6, window_bounds = array<i64: 512, 8>}, {pipeline_mode = #tpu.pipeline_mode<synchronous>, transform_indices = @transform_7, window_bounds = array<i64: 1, 32>}]} {
    %broadcast_in_dim3A = arith.constant 0.000000e+00 : f32
    %broadcast_in_dim3A_0 = vector.broadcast %broadcast_in_dim3A : f32 to vector<512x32xf32>
    %get3A = arith.constant 0 : index
    %get3A_1 = arith.constant 0 : index
    %get3A_2 = arith.constant 0 : index
    %get3A_3 = vector.load %arg1[%get3A, %get3A_1, %get3A_2] : memref<27x512x32xf32, #tpu.memory_space<vmem>>, vector<1x512x32xf32>
    %get3A_4 = vector.shape_cast %get3A_3 : vector<1x512x32xf32> to vector<512x32xf32>
    %get3A_5 = arith.constant 0 : index
    %get3A_6 = arith.constant 0 : index
    %get3A_7 = arith.constant 0 : index
    %get3A_8 = vector.load %arg2[%get3A_5, %get3A_6, %get3A_7] : memref<27x32x32xf32, #tpu.memory_space<vmem>>, vector<1x32x32xf32>
    %get3A_9 = vector.shape_cast %get3A_8 : vector<1x32x32xf32> to vector<32x32xf32>
    %dot_general3A = arith.constant dense<0.000000e+00> : vector<512x32xf32>
    %dot_general3A_10 = tpu.matmul %get3A_4, %get3A_9, %dot_general3A {dimension_numbers = #tpu.dot_dimension_numbers<[1], [0], [0], [1], [0, 0, 1, 1], [], []>, transpose_lhs_hint = false} : vector<512x32xf32>, vector<32x32xf32>, vector<512x32xf32> -> vector<512x32xf32>
    %add3A = arith.addf %broadcast_in_dim3A_0, %dot_general3A_10 : vector<512x32xf32>
    %get3A_11 = arith.constant 1 : index
    %get3A_12 = arith.constant 0 : index
    %get3A_13 = arith.constant 0 : index
    %get3A_14 = vector.load %arg1[%get3A_11, %get3A_12, %get3A_13] : memref<27x512x32xf32, #tpu.memory_space<vmem>>, vector<1x512x32xf32>
    %get3A_15 = vector.shape_cast %get3A_14 : vector<1x512x32xf32> to vector<512x32xf32>
    %get3A_16 = arith.constant 1 : index
    %get3A_17 = arith.constant 0 : index
    %get3A_18 = arith.constant 0 : index
    %get3A_19 = vector.load %arg2[%get3A_16, %get3A_17, %get3A_18] : memref<27x32x32xf32, #tpu.memory_space<vmem>>, vector<1x32x32xf32>
    %get3A_20 = vector.shape_cast %get3A_19 : vector<1x32x32xf32> to vector<32x32xf32>
    %dot_general3A_21 = arith.constant dense<0.000000e+00> : vector<512x32xf32>
    %dot_general3A_22 = tpu.matmul %get3A_15, %get3A_20, %dot_general3A_21 {dimension_numbers = #tpu.dot_dimension_numbers<[1], [0], [0], [1], [0, 0, 1, 1], [], []>, transpose_lhs_hint = false} : vector<512x32xf32>, vector<32x32xf32>, vector<512x32xf32> -> vector<512x32xf32>
    %add3A_23 = arith.addf %add3A, %dot_general3A_22 : vector<512x32xf32>
    %get3A_24 = arith.constant 2 : index
    %get3A_25 = arith.constant 0 : index
    %get3A_26 = arith.constant 0 : index
    %get3A_27 = vector.load %arg1[%get3A_24, %get3A_25, %get3A_26] : memref<27x512x32xf32, #tpu.memory_space<vmem>>, vector<1x512x32xf32>
    %get3A_28 = vector.shape_cast %get3A_27 : vector<1x512x32xf32> to vector<512x32xf32>
    %get3A_29 = arith.constant 2 : index
    %get3A_30 = arith.constant 0 : index
    %get3A_31 = arith.constant 0 : index
    %get3A_32 = vector.load %arg2[%get3A_29, %get3A_30, %get3A_31] : memref<27x32x32xf32, #tpu.memory_space<vmem>>, vector<1x32x32xf32>
    %get3A_33 = vector.shape_cast %get3A_32 : vector<1x32x32xf32> to vector<32x32xf32>
    %dot_general3A_34 = arith.constant dense<0.000000e+00> : vector<512x32xf32>
    %dot_general3A_35 = tpu.matmul %get3A_28, %get3A_33, %dot_general3A_34 {dimension_numbers = #tpu.dot_dimension_numbers<[1], [0], [0], [1], [0, 0, 1, 1], [], []>, transpose_lhs_hint = false} : vector<512x32xf32>, vector<32x32xf32>, vector<512x32xf32> -> vector<512x32xf32>
    %add3A_36 = arith.addf %add3A_23, %dot_general3A_35 : vector<512x32xf32>
    %get3A_37 = arith.constant 3 : index
    %get3A_38 = arith.constant 0 : index
    %get3A_39 = arith.constant 0 : index
    %get3A_40 = vector.load %arg1[%get3A_37, %get3A_38, %get3A_39] : memref<27x512x32xf32, #tpu.memory_space<vmem>>, vector<1x512x32xf32>
    %get3A_41 = vector.shape_cast %get3A_40 : vector<1x512x32xf32> to vector<512x32xf32>
    %get3A_42 = arith.constant 3 : index
    %get3A_43 = arith.constant 0 : index
    %get3A_44 = arith.constant 0 : index
    %get3A_45 = vector.load %arg2[%get3A_42, %get3A_43, %get3A_44] : memref<27x32x32xf32, #tpu.memory_space<vmem>>, vector<1x32x32xf32>
    %get3A_46 = vector.shape_cast %get3A_45 : vector<1x32x32xf32> to vector<32x32xf32>
    %dot_general3A_47 = arith.constant dense<0.000000e+00> : vector<512x32xf32>
    %dot_general3A_48 = tpu.matmul %get3A_41, %get3A_46, %dot_general3A_47 {dimension_numbers = #tpu.dot_dimension_numbers<[1], [0], [0], [1], [0, 0, 1, 1], [], []>, transpose_lhs_hint = false} : vector<512x32xf32>, vector<32x32xf32>, vector<512x32xf32> -> vector<512x32xf32>
    %add3A_49 = arith.addf %add3A_36, %dot_general3A_48 : vector<512x32xf32>
    %get3A_50 = arith.constant 4 : index
    %get3A_51 = arith.constant 0 : index
    %get3A_52 = arith.constant 0 : index
    %get3A_53 = vector.load %arg1[%get3A_50, %get3A_51, %get3A_52] : memref<27x512x32xf32, #tpu.memory_space<vmem>>, vector<1x512x32xf32>
    %get3A_54 = vector.shape_cast %get3A_53 : vector<1x512x32xf32> to vector<512x32xf32>
    %get3A_55 = arith.constant 4 : index
    %get3A_56 = arith.constant 0 : index
    %get3A_57 = arith.constant 0 : index
    %get3A_58 = vector.load %arg2[%get3A_55, %get3A_56, %get3A_57] : memref<27x32x32xf32, #tpu.memory_space<vmem>>, vector<1x32x32xf32>
    %get3A_59 = vector.shape_cast %get3A_58 : vector<1x32x32xf32> to vector<32x32xf32>
    %dot_general3A_60 = arith.constant dense<0.000000e+00> : vector<512x32xf32>
    %dot_general3A_61 = tpu.matmul %get3A_54, %get3A_59, %dot_general3A_60 {dimension_numbers = #tpu.dot_dimension_numbers<[1], [0], [0], [1], [0, 0, 1, 1], [], []>, transpose_lhs_hint = false} : vector<512x32xf32>, vector<32x32xf32>, vector<512x32xf32> -> vector<512x32xf32>
    %add3A_62 = arith.addf %add3A_49, %dot_general3A_61 : vector<512x32xf32>
    %get3A_63 = arith.constant 5 : index
    %get3A_64 = arith.constant 0 : index
    %get3A_65 = arith.constant 0 : index
    %get3A_66 = vector.load %arg1[%get3A_63, %get3A_64, %get3A_65] : memref<27x512x32xf32, #tpu.memory_space<vmem>>, vector<1x512x32xf32>
    %get3A_67 = vector.shape_cast %get3A_66 : vector<1x512x32xf32> to vector<512x32xf32>
    %get3A_68 = arith.constant 5 : index
    %get3A_69 = arith.constant 0 : index
    %get3A_70 = arith.constant 0 : index
    %get3A_71 = vector.load %arg2[%get3A_68, %get3A_69, %get3A_70] : memref<27x32x32xf32, #tpu.memory_space<vmem>>, vector<1x32x32xf32>
    %get3A_72 = vector.shape_cast %get3A_71 : vector<1x32x32xf32> to vector<32x32xf32>
    %dot_general3A_73 = arith.constant dense<0.000000e+00> : vector<512x32xf32>
    %dot_general3A_74 = tpu.matmul %get3A_67, %get3A_72, %dot_general3A_73 {dimension_numbers = #tpu.dot_dimension_numbers<[1], [0], [0], [1], [0, 0, 1, 1], [], []>, transpose_lhs_hint = false} : vector<512x32xf32>, vector<32x32xf32>, vector<512x32xf32> -> vector<512x32xf32>
    %add3A_75 = arith.addf %add3A_62, %dot_general3A_74 : vector<512x32xf32>
    %get3A_76 = arith.constant 6 : index
    %get3A_77 = arith.constant 0 : index
    %get3A_78 = arith.constant 0 : index
    %get3A_79 = vector.load %arg1[%get3A_76, %get3A_77, %get3A_78] : memref<27x512x32xf32, #tpu.memory_space<vmem>>, vector<1x512x32xf32>
    %get3A_80 = vector.shape_cast %get3A_79 : vector<1x512x32xf32> to vector<512x32xf32>
    %get3A_81 = arith.constant 6 : index
    %get3A_82 = arith.constant 0 : index
    %get3A_83 = arith.constant 0 : index
    %get3A_84 = vector.load %arg2[%get3A_81, %get3A_82, %get3A_83] : memref<27x32x32xf32, #tpu.memory_space<vmem>>, vector<1x32x32xf32>
    %get3A_85 = vector.shape_cast %get3A_84 : vector<1x32x32xf32> to vector<32x32xf32>
    %dot_general3A_86 = arith.constant dense<0.000000e+00> : vector<512x32xf32>
    %dot_general3A_87 = tpu.matmul %get3A_80, %get3A_85, %dot_general3A_86 {dimension_numbers = #tpu.dot_dimension_numbers<[1], [0], [0], [1], [0, 0, 1, 1], [], []>, transpose_lhs_hint = false} : vector<512x32xf32>, vector<32x32xf32>, vector<512x32xf32> -> vector<512x32xf32>
    %add3A_88 = arith.addf %add3A_75, %dot_general3A_87 : vector<512x32xf32>
    %get3A_89 = arith.constant 7 : index
    %get3A_90 = arith.constant 0 : index
    %get3A_91 = arith.constant 0 : index
    %get3A_92 = vector.load %arg1[%get3A_89, %get3A_90, %get3A_91] : memref<27x512x32xf32, #tpu.memory_space<vmem>>, vector<1x512x32xf32>
    %get3A_93 = vector.shape_cast %get3A_92 : vector<1x512x32xf32> to vector<512x32xf32>
    %get3A_94 = arith.constant 7 : index
    %get3A_95 = arith.constant 0 : index
    %get3A_96 = arith.constant 0 : index
    %get3A_97 = vector.load %arg2[%get3A_94, %get3A_95, %get3A_96] : memref<27x32x32xf32, #tpu.memory_space<vmem>>, vector<1x32x32xf32>
    %get3A_98 = vector.shape_cast %get3A_97 : vector<1x32x32xf32> to vector<32x32xf32>
    %dot_general3A_99 = arith.constant dense<0.000000e+00> : vector<512x32xf32>
    %dot_general3A_100 = tpu.matmul %get3A_93, %get3A_98, %dot_general3A_99 {dimension_numbers = #tpu.dot_dimension_numbers<[1], [0], [0], [1], [0, 0, 1, 1], [], []>, transpose_lhs_hint = false} : vector<512x32xf32>, vector<32x32xf32>, vector<512x32xf32> -> vector<512x32xf32>
    %add3A_101 = arith.addf %add3A_88, %dot_general3A_100 : vector<512x32xf32>
    %get3A_102 = arith.constant 8 : index
    %get3A_103 = arith.constant 0 : index
    %get3A_104 = arith.constant 0 : index
    %get3A_105 = vector.load %arg1[%get3A_102, %get3A_103, %get3A_104] : memref<27x512x32xf32, #tpu.memory_space<vmem>>, vector<1x512x32xf32>
    %get3A_106 = vector.shape_cast %get3A_105 : vector<1x512x32xf32> to vector<512x32xf32>
    %get3A_107 = arith.constant 8 : index
    %get3A_108 = arith.constant 0 : index
    %get3A_109 = arith.constant 0 : index
    %get3A_110 = vector.load %arg2[%get3A_107, %get3A_108, %get3A_109] : memref<27x32x32xf32, #tpu.memory_space<vmem>>, vector<1x32x32xf32>
    %get3A_111 = vector.shape_cast %get3A_110 : vector<1x32x32xf32> to vector<32x32xf32>
    %dot_general3A_112 = arith.constant dense<0.000000e+00> : vector<512x32xf32>
    %dot_general3A_113 = tpu.matmul %get3A_106, %get3A_111, %dot_general3A_112 {dimension_numbers = #tpu.dot_dimension_numbers<[1], [0], [0], [1], [0, 0, 1, 1], [], []>, transpose_lhs_hint = false} : vector<512x32xf32>, vector<32x32xf32>, vector<512x32xf32> -> vector<512x32xf32>
    %add3A_114 = arith.addf %add3A_101, %dot_general3A_113 : vector<512x32xf32>
    %get3A_115 = arith.constant 9 : index
    %get3A_116 = arith.constant 0 : index
    %get3A_117 = arith.constant 0 : index
    %get3A_118 = vector.load %arg1[%get3A_115, %get3A_116, %get3A_117] : memref<27x512x32xf32, #tpu.memory_space<vmem>>, vector<1x512x32xf32>
    %get3A_119 = vector.shape_cast %get3A_118 : vector<1x512x32xf32> to vector<512x32xf32>
    %get3A_120 = arith.constant 9 : index
    %get3A_121 = arith.constant 0 : index
    %get3A_122 = arith.constant 0 : index
    %get3A_123 = vector.load %arg2[%get3A_120, %get3A_121, %get3A_122] : memref<27x32x32xf32, #tpu.memory_space<vmem>>, vector<1x32x32xf32>
    %get3A_124 = vector.shape_cast %get3A_123 : vector<1x32x32xf32> to vector<32x32xf32>
    %dot_general3A_125 = arith.constant dense<0.000000e+00> : vector<512x32xf32>
    %dot_general3A_126 = tpu.matmul %get3A_119, %get3A_124, %dot_general3A_125 {dimension_numbers = #tpu.dot_dimension_numbers<[1], [0], [0], [1], [0, 0, 1, 1], [], []>, transpose_lhs_hint = false} : vector<512x32xf32>, vector<32x32xf32>, vector<512x32xf32> -> vector<512x32xf32>
    %add3A_127 = arith.addf %add3A_114, %dot_general3A_126 : vector<512x32xf32>
    %get3A_128 = arith.constant 10 : index
    %get3A_129 = arith.constant 0 : index
    %get3A_130 = arith.constant 0 : index
    %get3A_131 = vector.load %arg1[%get3A_128, %get3A_129, %get3A_130] : memref<27x512x32xf32, #tpu.memory_space<vmem>>, vector<1x512x32xf32>
    %get3A_132 = vector.shape_cast %get3A_131 : vector<1x512x32xf32> to vector<512x32xf32>
    %get3A_133 = arith.constant 10 : index
    %get3A_134 = arith.constant 0 : index
    %get3A_135 = arith.constant 0 : index
    %get3A_136 = vector.load %arg2[%get3A_133, %get3A_134, %get3A_135] : memref<27x32x32xf32, #tpu.memory_space<vmem>>, vector<1x32x32xf32>
    %get3A_137 = vector.shape_cast %get3A_136 : vector<1x32x32xf32> to vector<32x32xf32>
    %dot_general3A_138 = arith.constant dense<0.000000e+00> : vector<512x32xf32>
    %dot_general3A_139 = tpu.matmul %get3A_132, %get3A_137, %dot_general3A_138 {dimension_numbers = #tpu.dot_dimension_numbers<[1], [0], [0], [1], [0, 0, 1, 1], [], []>, transpose_lhs_hint = false} : vector<512x32xf32>, vector<32x32xf32>, vector<512x32xf32> -> vector<512x32xf32>
    %add3A_140 = arith.addf %add3A_127, %dot_general3A_139 : vector<512x32xf32>
    %get3A_141 = arith.constant 11 : index
    %get3A_142 = arith.constant 0 : index
    %get3A_143 = arith.constant 0 : index
    %get3A_144 = vector.load %arg1[%get3A_141, %get3A_142, %get3A_143] : memref<27x512x32xf32, #tpu.memory_space<vmem>>, vector<1x512x32xf32>
    %get3A_145 = vector.shape_cast %get3A_144 : vector<1x512x32xf32> to vector<512x32xf32>
    %get3A_146 = arith.constant 11 : index
    %get3A_147 = arith.constant 0 : index
    %get3A_148 = arith.constant 0 : index
    %get3A_149 = vector.load %arg2[%get3A_146, %get3A_147, %get3A_148] : memref<27x32x32xf32, #tpu.memory_space<vmem>>, vector<1x32x32xf32>
    %get3A_150 = vector.shape_cast %get3A_149 : vector<1x32x32xf32> to vector<32x32xf32>
    %dot_general3A_151 = arith.constant dense<0.000000e+00> : vector<512x32xf32>
    %dot_general3A_152 = tpu.matmul %get3A_145, %get3A_150, %dot_general3A_151 {dimension_numbers = #tpu.dot_dimension_numbers<[1], [0], [0], [1], [0, 0, 1, 1], [], []>, transpose_lhs_hint = false} : vector<512x32xf32>, vector<32x32xf32>, vector<512x32xf32> -> vector<512x32xf32>
    %add3A_153 = arith.addf %add3A_140, %dot_general3A_152 : vector<512x32xf32>
    %get3A_154 = arith.constant 12 : index
    %get3A_155 = arith.constant 0 : index
    %get3A_156 = arith.constant 0 : index
    %get3A_157 = vector.load %arg1[%get3A_154, %get3A_155, %get3A_156] : memref<27x512x32xf32, #tpu.memory_space<vmem>>, vector<1x512x32xf32>
    %get3A_158 = vector.shape_cast %get3A_157 : vector<1x512x32xf32> to vector<512x32xf32>
    %get3A_159 = arith.constant 12 : index
    %get3A_160 = arith.constant 0 : index
    %get3A_161 = arith.constant 0 : index
    %get3A_162 = vector.load %arg2[%get3A_159, %get3A_160, %get3A_161] : memref<27x32x32xf32, #tpu.memory_space<vmem>>, vector<1x32x32xf32>
    %get3A_163 = vector.shape_cast %get3A_162 : vector<1x32x32xf32> to vector<32x32xf32>
    %dot_general3A_164 = arith.constant dense<0.000000e+00> : vector<512x32xf32>
    %dot_general3A_165 = tpu.matmul %get3A_158, %get3A_163, %dot_general3A_164 {dimension_numbers = #tpu.dot_dimension_numbers<[1], [0], [0], [1], [0, 0, 1, 1], [], []>, transpose_lhs_hint = false} : vector<512x32xf32>, vector<32x32xf32>, vector<512x32xf32> -> vector<512x32xf32>
    %add3A_166 = arith.addf %add3A_153, %dot_general3A_165 : vector<512x32xf32>
    %get3A_167 = arith.constant 13 : index
    %get3A_168 = arith.constant 0 : index
    %get3A_169 = arith.constant 0 : index
    %get3A_170 = vector.load %arg1[%get3A_167, %get3A_168, %get3A_169] : memref<27x512x32xf32, #tpu.memory_space<vmem>>, vector<1x512x32xf32>
    %get3A_171 = vector.shape_cast %get3A_170 : vector<1x512x32xf32> to vector<512x32xf32>
    %get3A_172 = arith.constant 13 : index
    %get3A_173 = arith.constant 0 : index
    %get3A_174 = arith.constant 0 : index
    %get3A_175 = vector.load %arg2[%get3A_172, %get3A_173, %get3A_174] : memref<27x32x32xf32, #tpu.memory_space<vmem>>, vector<1x32x32xf32>
    %get3A_176 = vector.shape_cast %get3A_175 : vector<1x32x32xf32> to vector<32x32xf32>
    %dot_general3A_177 = arith.constant dense<0.000000e+00> : vector<512x32xf32>
    %dot_general3A_178 = tpu.matmul %get3A_171, %get3A_176, %dot_general3A_177 {dimension_numbers = #tpu.dot_dimension_numbers<[1], [0], [0], [1], [0, 0, 1, 1], [], []>, transpose_lhs_hint = false} : vector<512x32xf32>, vector<32x32xf32>, vector<512x32xf32> -> vector<512x32xf32>
    %add3A_179 = arith.addf %add3A_166, %dot_general3A_178 : vector<512x32xf32>
    %get3A_180 = arith.constant 14 : index
    %get3A_181 = arith.constant 0 : index
    %get3A_182 = arith.constant 0 : index
    %get3A_183 = vector.load %arg1[%get3A_180, %get3A_181, %get3A_182] : memref<27x512x32xf32, #tpu.memory_space<vmem>>, vector<1x512x32xf32>
    %get3A_184 = vector.shape_cast %get3A_183 : vector<1x512x32xf32> to vector<512x32xf32>
    %get3A_185 = arith.constant 14 : index
    %get3A_186 = arith.constant 0 : index
    %get3A_187 = arith.constant 0 : index
    %get3A_188 = vector.load %arg2[%get3A_185, %get3A_186, %get3A_187] : memref<27x32x32xf32, #tpu.memory_space<vmem>>, vector<1x32x32xf32>
    %get3A_189 = vector.shape_cast %get3A_188 : vector<1x32x32xf32> to vector<32x32xf32>
    %dot_general3A_190 = arith.constant dense<0.000000e+00> : vector<512x32xf32>
    %dot_general3A_191 = tpu.matmul %get3A_184, %get3A_189, %dot_general3A_190 {dimension_numbers = #tpu.dot_dimension_numbers<[1], [0], [0], [1], [0, 0, 1, 1], [], []>, transpose_lhs_hint = false} : vector<512x32xf32>, vector<32x32xf32>, vector<512x32xf32> -> vector<512x32xf32>
    %add3A_192 = arith.addf %add3A_179, %dot_general3A_191 : vector<512x32xf32>
    %get3A_193 = arith.constant 15 : index
    %get3A_194 = arith.constant 0 : index
    %get3A_195 = arith.constant 0 : index
    %get3A_196 = vector.load %arg1[%get3A_193, %get3A_194, %get3A_195] : memref<27x512x32xf32, #tpu.memory_space<vmem>>, vector<1x512x32xf32>
    %get3A_197 = vector.shape_cast %get3A_196 : vector<1x512x32xf32> to vector<512x32xf32>
    %get3A_198 = arith.constant 15 : index
    %get3A_199 = arith.constant 0 : index
    %get3A_200 = arith.constant 0 : index
    %get3A_201 = vector.load %arg2[%get3A_198, %get3A_199, %get3A_200] : memref<27x32x32xf32, #tpu.memory_space<vmem>>, vector<1x32x32xf32>
    %get3A_202 = vector.shape_cast %get3A_201 : vector<1x32x32xf32> to vector<32x32xf32>
    %dot_general3A_203 = arith.constant dense<0.000000e+00> : vector<512x32xf32>
    %dot_general3A_204 = tpu.matmul %get3A_197, %get3A_202, %dot_general3A_203 {dimension_numbers = #tpu.dot_dimension_numbers<[1], [0], [0], [1], [0, 0, 1, 1], [], []>, transpose_lhs_hint = false} : vector<512x32xf32>, vector<32x32xf32>, vector<512x32xf32> -> vector<512x32xf32>
    %add3A_205 = arith.addf %add3A_192, %dot_general3A_204 : vector<512x32xf32>
    %get3A_206 = arith.constant 16 : index
    %get3A_207 = arith.constant 0 : index
    %get3A_208 = arith.constant 0 : index
    %get3A_209 = vector.load %arg1[%get3A_206, %get3A_207, %get3A_208] : memref<27x512x32xf32, #tpu.memory_space<vmem>>, vector<1x512x32xf32>
    %get3A_210 = vector.shape_cast %get3A_209 : vector<1x512x32xf32> to vector<512x32xf32>
    %get3A_211 = arith.constant 16 : index
    %get3A_212 = arith.constant 0 : index
    %get3A_213 = arith.constant 0 : index
    %get3A_214 = vector.load %arg2[%get3A_211, %get3A_212, %get3A_213] : memref<27x32x32xf32, #tpu.memory_space<vmem>>, vector<1x32x32xf32>
    %get3A_215 = vector.shape_cast %get3A_214 : vector<1x32x32xf32> to vector<32x32xf32>
    %dot_general3A_216 = arith.constant dense<0.000000e+00> : vector<512x32xf32>
    %dot_general3A_217 = tpu.matmul %get3A_210, %get3A_215, %dot_general3A_216 {dimension_numbers = #tpu.dot_dimension_numbers<[1], [0], [0], [1], [0, 0, 1, 1], [], []>, transpose_lhs_hint = false} : vector<512x32xf32>, vector<32x32xf32>, vector<512x32xf32> -> vector<512x32xf32>
    %add3A_218 = arith.addf %add3A_205, %dot_general3A_217 : vector<512x32xf32>
    %get3A_219 = arith.constant 17 : index
    %get3A_220 = arith.constant 0 : index
    %get3A_221 = arith.constant 0 : index
    %get3A_222 = vector.load %arg1[%get3A_219, %get3A_220, %get3A_221] : memref<27x512x32xf32, #tpu.memory_space<vmem>>, vector<1x512x32xf32>
    %get3A_223 = vector.shape_cast %get3A_222 : vector<1x512x32xf32> to vector<512x32xf32>
    %get3A_224 = arith.constant 17 : index
    %get3A_225 = arith.constant 0 : index
    %get3A_226 = arith.constant 0 : index
    %get3A_227 = vector.load %arg2[%get3A_224, %get3A_225, %get3A_226] : memref<27x32x32xf32, #tpu.memory_space<vmem>>, vector<1x32x32xf32>
    %get3A_228 = vector.shape_cast %get3A_227 : vector<1x32x32xf32> to vector<32x32xf32>
    %dot_general3A_229 = arith.constant dense<0.000000e+00> : vector<512x32xf32>
    %dot_general3A_230 = tpu.matmul %get3A_223, %get3A_228, %dot_general3A_229 {dimension_numbers = #tpu.dot_dimension_numbers<[1], [0], [0], [1], [0, 0, 1, 1], [], []>, transpose_lhs_hint = false} : vector<512x32xf32>, vector<32x32xf32>, vector<512x32xf32> -> vector<512x32xf32>
    %add3A_231 = arith.addf %add3A_218, %dot_general3A_230 : vector<512x32xf32>
    %get3A_232 = arith.constant 18 : index
    %get3A_233 = arith.constant 0 : index
    %get3A_234 = arith.constant 0 : index
    %get3A_235 = vector.load %arg1[%get3A_232, %get3A_233, %get3A_234] : memref<27x512x32xf32, #tpu.memory_space<vmem>>, vector<1x512x32xf32>
    %get3A_236 = vector.shape_cast %get3A_235 : vector<1x512x32xf32> to vector<512x32xf32>
    %get3A_237 = arith.constant 18 : index
    %get3A_238 = arith.constant 0 : index
    %get3A_239 = arith.constant 0 : index
    %get3A_240 = vector.load %arg2[%get3A_237, %get3A_238, %get3A_239] : memref<27x32x32xf32, #tpu.memory_space<vmem>>, vector<1x32x32xf32>
    %get3A_241 = vector.shape_cast %get3A_240 : vector<1x32x32xf32> to vector<32x32xf32>
    %dot_general3A_242 = arith.constant dense<0.000000e+00> : vector<512x32xf32>
    %dot_general3A_243 = tpu.matmul %get3A_236, %get3A_241, %dot_general3A_242 {dimension_numbers = #tpu.dot_dimension_numbers<[1], [0], [0], [1], [0, 0, 1, 1], [], []>, transpose_lhs_hint = false} : vector<512x32xf32>, vector<32x32xf32>, vector<512x32xf32> -> vector<512x32xf32>
    %add3A_244 = arith.addf %add3A_231, %dot_general3A_243 : vector<512x32xf32>
    %get3A_245 = arith.constant 19 : index
    %get3A_246 = arith.constant 0 : index
    %get3A_247 = arith.constant 0 : index
    %get3A_248 = vector.load %arg1[%get3A_245, %get3A_246, %get3A_247] : memref<27x512x32xf32, #tpu.memory_space<vmem>>, vector<1x512x32xf32>
    %get3A_249 = vector.shape_cast %get3A_248 : vector<1x512x32xf32> to vector<512x32xf32>
    %get3A_250 = arith.constant 19 : index
    %get3A_251 = arith.constant 0 : index
    %get3A_252 = arith.constant 0 : index
    %get3A_253 = vector.load %arg2[%get3A_250, %get3A_251, %get3A_252] : memref<27x32x32xf32, #tpu.memory_space<vmem>>, vector<1x32x32xf32>
    %get3A_254 = vector.shape_cast %get3A_253 : vector<1x32x32xf32> to vector<32x32xf32>
    %dot_general3A_255 = arith.constant dense<0.000000e+00> : vector<512x32xf32>
    %dot_general3A_256 = tpu.matmul %get3A_249, %get3A_254, %dot_general3A_255 {dimension_numbers = #tpu.dot_dimension_numbers<[1], [0], [0], [1], [0, 0, 1, 1], [], []>, transpose_lhs_hint = false} : vector<512x32xf32>, vector<32x32xf32>, vector<512x32xf32> -> vector<512x32xf32>
    %add3A_257 = arith.addf %add3A_244, %dot_general3A_256 : vector<512x32xf32>
    %get3A_258 = arith.constant 20 : index
    %get3A_259 = arith.constant 0 : index
    %get3A_260 = arith.constant 0 : index
    %get3A_261 = vector.load %arg1[%get3A_258, %get3A_259, %get3A_260] : memref<27x512x32xf32, #tpu.memory_space<vmem>>, vector<1x512x32xf32>
    %get3A_262 = vector.shape_cast %get3A_261 : vector<1x512x32xf32> to vector<512x32xf32>
    %get3A_263 = arith.constant 20 : index
    %get3A_264 = arith.constant 0 : index
    %get3A_265 = arith.constant 0 : index
    %get3A_266 = vector.load %arg2[%get3A_263, %get3A_264, %get3A_265] : memref<27x32x32xf32, #tpu.memory_space<vmem>>, vector<1x32x32xf32>
    %get3A_267 = vector.shape_cast %get3A_266 : vector<1x32x32xf32> to vector<32x32xf32>
    %dot_general3A_268 = arith.constant dense<0.000000e+00> : vector<512x32xf32>
    %dot_general3A_269 = tpu.matmul %get3A_262, %get3A_267, %dot_general3A_268 {dimension_numbers = #tpu.dot_dimension_numbers<[1], [0], [0], [1], [0, 0, 1, 1], [], []>, transpose_lhs_hint = false} : vector<512x32xf32>, vector<32x32xf32>, vector<512x32xf32> -> vector<512x32xf32>
    %add3A_270 = arith.addf %add3A_257, %dot_general3A_269 : vector<512x32xf32>
    %get3A_271 = arith.constant 21 : index
    %get3A_272 = arith.constant 0 : index
    %get3A_273 = arith.constant 0 : index
    %get3A_274 = vector.load %arg1[%get3A_271, %get3A_272, %get3A_273] : memref<27x512x32xf32, #tpu.memory_space<vmem>>, vector<1x512x32xf32>
    %get3A_275 = vector.shape_cast %get3A_274 : vector<1x512x32xf32> to vector<512x32xf32>
    %get3A_276 = arith.constant 21 : index
    %get3A_277 = arith.constant 0 : index
    %get3A_278 = arith.constant 0 : index
    %get3A_279 = vector.load %arg2[%get3A_276, %get3A_277, %get3A_278] : memref<27x32x32xf32, #tpu.memory_space<vmem>>, vector<1x32x32xf32>
    %get3A_280 = vector.shape_cast %get3A_279 : vector<1x32x32xf32> to vector<32x32xf32>
    %dot_general3A_281 = arith.constant dense<0.000000e+00> : vector<512x32xf32>
    %dot_general3A_282 = tpu.matmul %get3A_275, %get3A_280, %dot_general3A_281 {dimension_numbers = #tpu.dot_dimension_numbers<[1], [0], [0], [1], [0, 0, 1, 1], [], []>, transpose_lhs_hint = false} : vector<512x32xf32>, vector<32x32xf32>, vector<512x32xf32> -> vector<512x32xf32>
    %add3A_283 = arith.addf %add3A_270, %dot_general3A_282 : vector<512x32xf32>
    %get3A_284 = arith.constant 22 : index
    %get3A_285 = arith.constant 0 : index
    %get3A_286 = arith.constant 0 : index
    %get3A_287 = vector.load %arg1[%get3A_284, %get3A_285, %get3A_286] : memref<27x512x32xf32, #tpu.memory_space<vmem>>, vector<1x512x32xf32>
    %get3A_288 = vector.shape_cast %get3A_287 : vector<1x512x32xf32> to vector<512x32xf32>
    %get3A_289 = arith.constant 22 : index
    %get3A_290 = arith.constant 0 : index
    %get3A_291 = arith.constant 0 : index
    %get3A_292 = vector.load %arg2[%get3A_289, %get3A_290, %get3A_291] : memref<27x32x32xf32, #tpu.memory_space<vmem>>, vector<1x32x32xf32>
    %get3A_293 = vector.shape_cast %get3A_292 : vector<1x32x32xf32> to vector<32x32xf32>
    %dot_general3A_294 = arith.constant dense<0.000000e+00> : vector<512x32xf32>
    %dot_general3A_295 = tpu.matmul %get3A_288, %get3A_293, %dot_general3A_294 {dimension_numbers = #tpu.dot_dimension_numbers<[1], [0], [0], [1], [0, 0, 1, 1], [], []>, transpose_lhs_hint = false} : vector<512x32xf32>, vector<32x32xf32>, vector<512x32xf32> -> vector<512x32xf32>
    %add3A_296 = arith.addf %add3A_283, %dot_general3A_295 : vector<512x32xf32>
    %get3A_297 = arith.constant 23 : index
    %get3A_298 = arith.constant 0 : index
    %get3A_299 = arith.constant 0 : index
    %get3A_300 = vector.load %arg1[%get3A_297, %get3A_298, %get3A_299] : memref<27x512x32xf32, #tpu.memory_space<vmem>>, vector<1x512x32xf32>
    %get3A_301 = vector.shape_cast %get3A_300 : vector<1x512x32xf32> to vector<512x32xf32>
    %get3A_302 = arith.constant 23 : index
    %get3A_303 = arith.constant 0 : index
    %get3A_304 = arith.constant 0 : index
    %get3A_305 = vector.load %arg2[%get3A_302, %get3A_303, %get3A_304] : memref<27x32x32xf32, #tpu.memory_space<vmem>>, vector<1x32x32xf32>
    %get3A_306 = vector.shape_cast %get3A_305 : vector<1x32x32xf32> to vector<32x32xf32>
    %dot_general3A_307 = arith.constant dense<0.000000e+00> : vector<512x32xf32>
    %dot_general3A_308 = tpu.matmul %get3A_301, %get3A_306, %dot_general3A_307 {dimension_numbers = #tpu.dot_dimension_numbers<[1], [0], [0], [1], [0, 0, 1, 1], [], []>, transpose_lhs_hint = false} : vector<512x32xf32>, vector<32x32xf32>, vector<512x32xf32> -> vector<512x32xf32>
    %add3A_309 = arith.addf %add3A_296, %dot_general3A_308 : vector<512x32xf32>
    %get3A_310 = arith.constant 24 : index
    %get3A_311 = arith.constant 0 : index
    %get3A_312 = arith.constant 0 : index
    %get3A_313 = vector.load %arg1[%get3A_310, %get3A_311, %get3A_312] : memref<27x512x32xf32, #tpu.memory_space<vmem>>, vector<1x512x32xf32>
    %get3A_314 = vector.shape_cast %get3A_313 : vector<1x512x32xf32> to vector<512x32xf32>
    %get3A_315 = arith.constant 24 : index
    %get3A_316 = arith.constant 0 : index
    %get3A_317 = arith.constant 0 : index
    %get3A_318 = vector.load %arg2[%get3A_315, %get3A_316, %get3A_317] : memref<27x32x32xf32, #tpu.memory_space<vmem>>, vector<1x32x32xf32>
    %get3A_319 = vector.shape_cast %get3A_318 : vector<1x32x32xf32> to vector<32x32xf32>
    %dot_general3A_320 = arith.constant dense<0.000000e+00> : vector<512x32xf32>
    %dot_general3A_321 = tpu.matmul %get3A_314, %get3A_319, %dot_general3A_320 {dimension_numbers = #tpu.dot_dimension_numbers<[1], [0], [0], [1], [0, 0, 1, 1], [], []>, transpose_lhs_hint = false} : vector<512x32xf32>, vector<32x32xf32>, vector<512x32xf32> -> vector<512x32xf32>
    %add3A_322 = arith.addf %add3A_309, %dot_general3A_321 : vector<512x32xf32>
    %get3A_323 = arith.constant 25 : index
    %get3A_324 = arith.constant 0 : index
    %get3A_325 = arith.constant 0 : index
    %get3A_326 = vector.load %arg1[%get3A_323, %get3A_324, %get3A_325] : memref<27x512x32xf32, #tpu.memory_space<vmem>>, vector<1x512x32xf32>
    %get3A_327 = vector.shape_cast %get3A_326 : vector<1x512x32xf32> to vector<512x32xf32>
    %get3A_328 = arith.constant 25 : index
    %get3A_329 = arith.constant 0 : index
    %get3A_330 = arith.constant 0 : index
    %get3A_331 = vector.load %arg2[%get3A_328, %get3A_329, %get3A_330] : memref<27x32x32xf32, #tpu.memory_space<vmem>>, vector<1x32x32xf32>
    %get3A_332 = vector.shape_cast %get3A_331 : vector<1x32x32xf32> to vector<32x32xf32>
    %dot_general3A_333 = arith.constant dense<0.000000e+00> : vector<512x32xf32>
    %dot_general3A_334 = tpu.matmul %get3A_327, %get3A_332, %dot_general3A_333 {dimension_numbers = #tpu.dot_dimension_numbers<[1], [0], [0], [1], [0, 0, 1, 1], [], []>, transpose_lhs_hint = false} : vector<512x32xf32>, vector<32x32xf32>, vector<512x32xf32> -> vector<512x32xf32>
    %add3A_335 = arith.addf %add3A_322, %dot_general3A_334 : vector<512x32xf32>
    %get3A_336 = arith.constant 26 : index
    %get3A_337 = arith.constant 0 : index
    %get3A_338 = arith.constant 0 : index
    %get3A_339 = vector.load %arg1[%get3A_336, %get3A_337, %get3A_338] : memref<27x512x32xf32, #tpu.memory_space<vmem>>, vector<1x512x32xf32>
    %get3A_340 = vector.shape_cast %get3A_339 : vector<1x512x32xf32> to vector<512x32xf32>
    %get3A_341 = arith.constant 26 : index
    %get3A_342 = arith.constant 0 : index
    %get3A_343 = arith.constant 0 : index
    %get3A_344 = vector.load %arg2[%get3A_341, %get3A_342, %get3A_343] : memref<27x32x32xf32, #tpu.memory_space<vmem>>, vector<1x32x32xf32>
    %get3A_345 = vector.shape_cast %get3A_344 : vector<1x32x32xf32> to vector<32x32xf32>
    %dot_general3A_346 = arith.constant dense<0.000000e+00> : vector<512x32xf32>
    %dot_general3A_347 = tpu.matmul %get3A_340, %get3A_345, %dot_general3A_346 {dimension_numbers = #tpu.dot_dimension_numbers<[1], [0], [0], [1], [0, 0, 1, 1], [], []>, transpose_lhs_hint = false} : vector<512x32xf32>, vector<32x32xf32>, vector<512x32xf32> -> vector<512x32xf32>
    %add3A_348 = arith.addf %add3A_335, %dot_general3A_347 : vector<512x32xf32>
    %get3A_349 = arith.constant 0 : index
    %get3A_350 = arith.constant 0 : index
    %get3A_351 = vector.load %arg3[%get3A_349, %get3A_350] : memref<1x32xf32, #tpu.memory_space<vmem>>, vector<1x32xf32>
    %add3A_352 = vector.broadcast %get3A_351 : vector<1x32xf32> to vector<512x32xf32>
    %add3A_353 = arith.addf %add3A_348, %add3A_352 : vector<512x32xf32>
    %get3A_354 = arith.constant 0 : index
    %get3A_355 = arith.constant 32 : index
    %get3A_356 = vector.load %arg4[%get3A_354, %get3A_355] : memref<512x96xf32, #tpu.memory_space<vmem>>, vector<512x32xf32>
    %get3A_357 = arith.constant 0 : index
    %get3A_358 = arith.constant 64 : index
    %get3A_359 = vector.load %arg4[%get3A_357, %get3A_358] : memref<512x96xf32, #tpu.memory_space<vmem>>, vector<512x32xf32>
    %add3A_360 = arith.constant 1.000000e+00 : f32
    %add3A_361 = vector.broadcast %add3A_360 : f32 to vector<512x32xf32>
    %add3A_362 = arith.addf %add3A_361, %get3A_356 : vector<512x32xf32>
    %mul3A = arith.mulf %add3A_353, %add3A_362 : vector<512x32xf32>
    %add3A_363 = arith.addf %mul3A, %get3A_359 : vector<512x32xf32>
    %max3A = arith.constant 0.000000e+00 : f32
    %max3A_364 = vector.broadcast %max3A : f32 to vector<512x32xf32>
    %max3A_365 = arith.maximumf %add3A_363, %max3A_364 : vector<512x32xf32>
    %mul3A_366 = arith.constant 512 : i32
    %mul3A_367 = arith.muli %arg0, %mul3A_366 : i32
    %iota3A = tpu.iota {dimensions = array<i32: 0>} : vector<512x1xi32>
    %add3A_368 = vector.broadcast %mul3A_367 : i32 to vector<512x1xi32>
    %add3A_369 = arith.addi %add3A_368, %iota3A : vector<512x1xi32>
    %lt3A = arith.constant 50000 : i32
    %lt3A_370 = vector.broadcast %lt3A : i32 to vector<512x1xi32>
    %lt3A_371 = arith.cmpi slt, %add3A_369, %lt3A_370 : vector<512x1xi32>
    %jit3A = arith.constant 0.000000e+00 : f32
    %broadcast_in_dim3A_372 = vector.shape_cast %lt3A_371 : vector<512x1xi1> to vector<512x1xi1>
    %broadcast_in_dim3A_373 = vector.broadcast %broadcast_in_dim3A_372 : vector<512x1xi1> to vector<512x32xi1>
    %broadcast_in_dim3A_374 = vector.broadcast %jit3A : f32 to vector<512x32xf32>
    %select_n3A = arith.select %broadcast_in_dim3A_373, %max3A_365, %broadcast_in_dim3A_374 : vector<512x32xi1>, vector<512x32xf32>
    %get3A_375 = arith.constant 0 : index
    %get3A_376 = arith.constant 0 : index
    %get3A_377 = vector.load %arg5[%get3A_375, %get3A_376] : memref<32x8xf32, #tpu.memory_space<vmem>>, vector<32x8xf32>
    %dot_general3A_378 = arith.constant dense<0.000000e+00> : vector<512x8xf32>
    %dot_general3A_379 = tpu.matmul %select_n3A, %get3A_377, %dot_general3A_378 {dimension_numbers = #tpu.dot_dimension_numbers<[1], [0], [0], [1], [0, 0, 1, 1], [], []>, transpose_lhs_hint = false} : vector<512x32xf32>, vector<32x8xf32>, vector<512x8xf32> -> vector<512x8xf32>
    %get3A_380 = arith.constant 0 : index
    %get3A_381 = arith.constant 0 : index
    %get3A_382 = vector.load %arg6[%get3A_380, %get3A_381] : memref<1x8xf32, #tpu.memory_space<vmem>>, vector<1x8xf32>
    %add3A_383 = vector.broadcast %get3A_382 : vector<1x8xf32> to vector<512x8xf32>
    %add3A_384 = arith.addf %dot_general3A_379, %add3A_383 : vector<512x8xf32>
    %swap3A = arith.constant 0 : index
    %swap3A_385 = arith.constant 0 : index
    %swap3A_386 = vector.load %arg7[%swap3A, %swap3A_385] : memref<512x8xf32, #tpu.memory_space<vmem>>, vector<512x8xf32>
    tpu.vector_store %arg7[%swap3A, %swap3A_385], %add3A_384 {strides = array<i32>} : memref<512x8xf32, #tpu.memory_space<vmem>>, vector<512x8xf32>,
    %eq3A = arith.constant 0 : i32
    %eq3A_387 = arith.cmpi eq, %arg0, %eq3A : i32
    %convert_element_type3A = arith.extui %eq3A_387 : i1 to i32
    %cond3A = arith.constant 0 : i32
    %cond3A_388 = arith.cmpi ne, %convert_element_type3A, %cond3A : i32
    scf.if %cond3A_388 {
      %broadcast_in_dim3A_398 = arith.constant 0.000000e+00 : f32
      %broadcast_in_dim3A_399 = vector.broadcast %broadcast_in_dim3A_398 : f32 to vector<1x32xf32>
      %swap3A_400 = arith.constant 0 : index
      %swap3A_401 = arith.constant 0 : index
      %swap3A_402 = vector.load %arg8[%swap3A_400, %swap3A_401] : memref<1x32xf32, #tpu.memory_space<vmem>>, vector<1x32xf32>
      tpu.vector_store %arg8[%swap3A_400, %swap3A_401], %broadcast_in_dim3A_399 {strides = array<i32>} : memref<1x32xf32, #tpu.memory_space<vmem>>, vector<1x32xf32>,
    } else {
    }
    %get3A_389 = arith.constant 0 : index
    %get3A_390 = arith.constant 0 : index
    %get3A_391 = vector.load %arg8[%get3A_389, %get3A_390] : memref<1x32xf32, #tpu.memory_space<vmem>>, vector<1x32xf32>
    %reduce_sum3A = arith.constant dense<0.000000e+00> : vector<32xf32>
    %reduce_sum3A_392 = vector.multi_reduction <add>, %select_n3A, %reduce_sum3A [0] : vector<512x32xf32> to vector<32xf32>
    %broadcast_in_dim3A_393 = vector.shape_cast %reduce_sum3A_392 : vector<32xf32> to vector<1x32xf32>
    %add3A_394 = arith.addf %get3A_391, %broadcast_in_dim3A_393 : vector<1x32xf32>
    %swap3A_395 = arith.constant 0 : index
    %swap3A_396 = arith.constant 0 : index
    %swap3A_397 = vector.load %arg8[%swap3A_395, %swap3A_396] : memref<1x32xf32, #tpu.memory_space<vmem>>, vector<1x32xf32>
    tpu.vector_store %arg8[%swap3A_395, %swap3A_396], %add3A_394 {strides = array<i32>} : memref<1x32xf32, #tpu.memory_space<vmem>>, vector<1x32xf32>,
    return
  }
  func.func @transform_0(%arg0: i32) -> (i32, i32, i32) {
    %c0_i32 = arith.constant 0 : i32
    %c0_i32_0 = arith.constant 0 : i32
    %c0_i32_1 = arith.constant 0 : i32
    return %c0_i32, %arg0, %c0_i32_0 : i32, i32, i32
  }
  func.func @transform_1(%arg0: i32) -> (i32, i32, i32) {
    %c0_i32 = arith.constant 0 : i32
    %c0_i32_0 = arith.constant 0 : i32
    %c0_i32_1 = arith.constant 0 : i32
    %c0_i32_2 = arith.constant 0 : i32
    return %c0_i32, %c0_i32_0, %c0_i32_1 : i32, i32, i32
  }
  func.func @transform_2(%arg0: i32) -> (i32, i32) {
    %c0_i32 = arith.constant 0 : i32
    %c0_i32_0 = arith.constant 0 : i32
    %c0_i32_1 = arith.constant 0 : i32
    return %c0_i32, %c0_i32_0 : i32, i32
  }
  func.func @transform_3(%arg0: i32) -> (i32, i32) {
    %c0_i32 = arith.constant 0 : i32
    %c0_i32_0 = arith.constant 0 : i32
    return %arg0, %c0_i32 : i32, i32
  }
  func.func @transform_4(%arg0: i32) -> (i32, i32) {
    %c0_i32 = arith.constant 0 : i32
    %c0_i32_0 = arith.constant 0 : i32
    %c0_i32_1 = arith.constant 0 : i32
    return %c0_i32, %c0_i32_0 : i32, i32
  }
  func.func @transform_5(%arg0: i32) -> (i32, i32) {
    %c0_i32 = arith.constant 0 : i32
    %c0_i32_0 = arith.constant 0 : i32
    %c0_i32_1 = arith.constant 0 : i32
    return %c0_i32, %c0_i32_0 : i32, i32
  }
  func.func @transform_6(%arg0: i32) -> (i32, i32) {
    %c0_i32 = arith.constant 0 : i32
    %c0_i32_0 = arith.constant 0 : i32
    return %arg0, %c0_i32 : i32, i32
  }
  func.func @transform_7(%arg0: i32) -> (i32, i32) {
    %c0_i32 = arith.constant 0 : i32
    %c0_i32_0 = arith.constant 0 : i32
    %c0_i32_1 = arith.constant 0 : i32
    return %c0_i32, %c0_i32_0 : i32, i32
  }
}

module attributes {stable_mosaic.version = 14 : i64} {
  func.func @body(%arg0: memref<1x32xf32, #tpu.memory_space<vmem>>, %arg1: memref<32x4xf32, #tpu.memory_space<vmem>>, %arg2: memref<1x4xf32, #tpu.memory_space<vmem>>, %arg3: memref<32x32xf32, #tpu.memory_space<vmem>>, %arg4: memref<1x32xf32, #tpu.memory_space<vmem>>, %arg5: memref<6x32x3xf32, #tpu.memory_space<vmem>>, %arg6: memref<6x3xf32, #tpu.memory_space<vmem>>, %arg7: memref<1x4xf32, #tpu.memory_space<vmem>>, %arg8: memref<1x32xf32, #tpu.memory_space<vmem>>, %arg9: memref<6x3xf32, #tpu.memory_space<vmem>>) attributes {dimension_semantics = [], scalar_prefetch = 0 : i64, scratch_operands = 0 : i64, tpu.core_type = #tpu.core_type<tc>} {
    %get3A = arith.constant 0 : index
    %get3A_0 = arith.constant 0 : index
    %get3A_1 = vector.load %arg0[%get3A, %get3A_0] : memref<1x32xf32, #tpu.memory_space<vmem>>, vector<1x32xf32>
    %mul3A = arith.constant 2.000000e-05 : f32
    %mul3A_2 = vector.broadcast %mul3A : f32 to vector<1x32xf32>
    %mul3A_3 = arith.mulf %get3A_1, %mul3A_2 : vector<1x32xf32>
    %get3A_4 = arith.constant 0 : index
    %get3A_5 = arith.constant 0 : index
    %get3A_6 = vector.load %arg1[%get3A_4, %get3A_5] : memref<32x4xf32, #tpu.memory_space<vmem>>, vector<32x4xf32>
    %dot_general3A = arith.constant dense<0.000000e+00> : vector<1x4xf32>
    %dot_general3A_7 = tpu.matmul %mul3A_3, %get3A_6, %dot_general3A {dimension_numbers = #tpu.dot_dimension_numbers<[1], [0], [0], [1], [0, 0, 1, 1], [], []>, transpose_lhs_hint = false} : vector<1x32xf32>, vector<32x4xf32>, vector<1x4xf32> -> vector<1x4xf32>
    %get3A_8 = arith.constant 0 : index
    %get3A_9 = arith.constant 0 : index
    %get3A_10 = vector.load %arg2[%get3A_8, %get3A_9] : memref<1x4xf32, #tpu.memory_space<vmem>>, vector<1x4xf32>
    %add3A = arith.addf %dot_general3A_7, %get3A_10 : vector<1x4xf32>
    %swap3A = arith.constant 0 : index
    %swap3A_11 = arith.constant 0 : index
    %swap3A_12 = vector.load %arg7[%swap3A, %swap3A_11] : memref<1x4xf32, #tpu.memory_space<vmem>>, vector<1x4xf32>
    tpu.vector_store %arg7[%swap3A, %swap3A_11], %add3A {strides = array<i32>} : memref<1x4xf32, #tpu.memory_space<vmem>>, vector<1x4xf32>,
    %get3A_13 = arith.constant 0 : index
    %get3A_14 = arith.constant 0 : index
    %get3A_15 = vector.load %arg3[%get3A_13, %get3A_14] : memref<32x32xf32, #tpu.memory_space<vmem>>, vector<32x32xf32>
    %dot_general3A_16 = arith.constant dense<0.000000e+00> : vector<1x32xf32>
    %dot_general3A_17 = tpu.matmul %mul3A_3, %get3A_15, %dot_general3A_16 {dimension_numbers = #tpu.dot_dimension_numbers<[1], [0], [0], [1], [0, 0, 1, 1], [], []>, transpose_lhs_hint = false} : vector<1x32xf32>, vector<32x32xf32>, vector<1x32xf32> -> vector<1x32xf32>
    %get3A_18 = arith.constant 0 : index
    %get3A_19 = arith.constant 0 : index
    %get3A_20 = vector.load %arg4[%get3A_18, %get3A_19] : memref<1x32xf32, #tpu.memory_space<vmem>>, vector<1x32xf32>
    %add3A_21 = arith.addf %dot_general3A_17, %get3A_20 : vector<1x32xf32>
    %mul3A_22 = arith.mulf %add3A_21, %add3A_21 : vector<1x32xf32>
    %reduce_sum3A = vector.shape_cast %mul3A_22 : vector<1x32xf32> to vector<1x1x32xf32>
    %reduce_sum3A_23 = arith.constant dense<0.000000e+00> : vector<1xf32>
    %reduce_sum3A_24 = vector.multi_reduction <add>, %reduce_sum3A, %reduce_sum3A_23 [1, 2] : vector<1x1x32xf32> to vector<1xf32>
    %reduce_sum3A_25 = vector.shape_cast %reduce_sum3A_24 : vector<1xf32> to vector<1x1x1xf32>
    %reduce_sum3A_26 = vector.extract %reduce_sum3A_25[0, 0, 0] : f32 from vector<1x1x1xf32>
    %sqrt3A = math.sqrt %reduce_sum3A_26 : f32
    %max3A = arith.constant 9.99999996E-13 : f32
    %max3A_27 = arith.maximumf %sqrt3A, %max3A : f32
    %div3A = vector.broadcast %max3A_27 : f32 to vector<1x32xf32>
    %div3A_28 = arith.divf %add3A_21, %div3A : vector<1x32xf32>
    %swap3A_29 = arith.constant 0 : index
    %swap3A_30 = arith.constant 0 : index
    %swap3A_31 = vector.load %arg8[%swap3A_29, %swap3A_30] : memref<1x32xf32, #tpu.memory_space<vmem>>, vector<1x32xf32>
    tpu.vector_store %arg8[%swap3A_29, %swap3A_30], %div3A_28 {strides = array<i32>} : memref<1x32xf32, #tpu.memory_space<vmem>>, vector<1x32xf32>,
    %get3A_32 = arith.constant 0 : index
    %get3A_33 = arith.constant 0 : index
    %get3A_34 = arith.constant 0 : index
    %get3A_35 = vector.load %arg5[%get3A_32, %get3A_33, %get3A_34] : memref<6x32x3xf32, #tpu.memory_space<vmem>>, vector<1x32x3xf32>
    %get3A_36 = vector.shape_cast %get3A_35 : vector<1x32x3xf32> to vector<32x3xf32>
    %dot_general3A_37 = arith.constant dense<0.000000e+00> : vector<1x3xf32>
    %dot_general3A_38 = tpu.matmul %mul3A_3, %get3A_36, %dot_general3A_37 {dimension_numbers = #tpu.dot_dimension_numbers<[1], [0], [0], [1], [0, 0, 1, 1], [], []>, transpose_lhs_hint = false} : vector<1x32xf32>, vector<32x3xf32>, vector<1x3xf32> -> vector<1x3xf32>
    %get3A_39 = arith.constant 0 : index
    %get3A_40 = arith.constant 0 : index
    %get3A_41 = vector.load %arg6[%get3A_39, %get3A_40] : memref<6x3xf32, #tpu.memory_space<vmem>>, vector<1x3xf32>
    %add3A_42 = arith.addf %dot_general3A_38, %get3A_41 : vector<1x3xf32>
    %get3A_43 = arith.constant 1 : index
    %get3A_44 = arith.constant 0 : index
    %get3A_45 = arith.constant 0 : index
    %get3A_46 = vector.load %arg5[%get3A_43, %get3A_44, %get3A_45] : memref<6x32x3xf32, #tpu.memory_space<vmem>>, vector<1x32x3xf32>
    %get3A_47 = vector.shape_cast %get3A_46 : vector<1x32x3xf32> to vector<32x3xf32>
    %dot_general3A_48 = arith.constant dense<0.000000e+00> : vector<1x3xf32>
    %dot_general3A_49 = tpu.matmul %mul3A_3, %get3A_47, %dot_general3A_48 {dimension_numbers = #tpu.dot_dimension_numbers<[1], [0], [0], [1], [0, 0, 1, 1], [], []>, transpose_lhs_hint = false} : vector<1x32xf32>, vector<32x3xf32>, vector<1x3xf32> -> vector<1x3xf32>
    %get3A_50 = arith.constant 1 : index
    %get3A_51 = arith.constant 0 : index
    %get3A_52 = vector.load %arg6[%get3A_50, %get3A_51] : memref<6x3xf32, #tpu.memory_space<vmem>>, vector<1x3xf32>
    %add3A_53 = arith.addf %dot_general3A_49, %get3A_52 : vector<1x3xf32>
    %get3A_54 = arith.constant 2 : index
    %get3A_55 = arith.constant 0 : index
    %get3A_56 = arith.constant 0 : index
    %get3A_57 = vector.load %arg5[%get3A_54, %get3A_55, %get3A_56] : memref<6x32x3xf32, #tpu.memory_space<vmem>>, vector<1x32x3xf32>
    %get3A_58 = vector.shape_cast %get3A_57 : vector<1x32x3xf32> to vector<32x3xf32>
    %dot_general3A_59 = arith.constant dense<0.000000e+00> : vector<1x3xf32>
    %dot_general3A_60 = tpu.matmul %mul3A_3, %get3A_58, %dot_general3A_59 {dimension_numbers = #tpu.dot_dimension_numbers<[1], [0], [0], [1], [0, 0, 1, 1], [], []>, transpose_lhs_hint = false} : vector<1x32xf32>, vector<32x3xf32>, vector<1x3xf32> -> vector<1x3xf32>
    %get3A_61 = arith.constant 2 : index
    %get3A_62 = arith.constant 0 : index
    %get3A_63 = vector.load %arg6[%get3A_61, %get3A_62] : memref<6x3xf32, #tpu.memory_space<vmem>>, vector<1x3xf32>
    %add3A_64 = arith.addf %dot_general3A_60, %get3A_63 : vector<1x3xf32>
    %get3A_65 = arith.constant 3 : index
    %get3A_66 = arith.constant 0 : index
    %get3A_67 = arith.constant 0 : index
    %get3A_68 = vector.load %arg5[%get3A_65, %get3A_66, %get3A_67] : memref<6x32x3xf32, #tpu.memory_space<vmem>>, vector<1x32x3xf32>
    %get3A_69 = vector.shape_cast %get3A_68 : vector<1x32x3xf32> to vector<32x3xf32>
    %dot_general3A_70 = arith.constant dense<0.000000e+00> : vector<1x3xf32>
    %dot_general3A_71 = tpu.matmul %mul3A_3, %get3A_69, %dot_general3A_70 {dimension_numbers = #tpu.dot_dimension_numbers<[1], [0], [0], [1], [0, 0, 1, 1], [], []>, transpose_lhs_hint = false} : vector<1x32xf32>, vector<32x3xf32>, vector<1x3xf32> -> vector<1x3xf32>
    %get3A_72 = arith.constant 3 : index
    %get3A_73 = arith.constant 0 : index
    %get3A_74 = vector.load %arg6[%get3A_72, %get3A_73] : memref<6x3xf32, #tpu.memory_space<vmem>>, vector<1x3xf32>
    %add3A_75 = arith.addf %dot_general3A_71, %get3A_74 : vector<1x3xf32>
    %get3A_76 = arith.constant 4 : index
    %get3A_77 = arith.constant 0 : index
    %get3A_78 = arith.constant 0 : index
    %get3A_79 = vector.load %arg5[%get3A_76, %get3A_77, %get3A_78] : memref<6x32x3xf32, #tpu.memory_space<vmem>>, vector<1x32x3xf32>
    %get3A_80 = vector.shape_cast %get3A_79 : vector<1x32x3xf32> to vector<32x3xf32>
    %dot_general3A_81 = arith.constant dense<0.000000e+00> : vector<1x3xf32>
    %dot_general3A_82 = tpu.matmul %mul3A_3, %get3A_80, %dot_general3A_81 {dimension_numbers = #tpu.dot_dimension_numbers<[1], [0], [0], [1], [0, 0, 1, 1], [], []>, transpose_lhs_hint = false} : vector<1x32xf32>, vector<32x3xf32>, vector<1x3xf32> -> vector<1x3xf32>
    %get3A_83 = arith.constant 4 : index
    %get3A_84 = arith.constant 0 : index
    %get3A_85 = vector.load %arg6[%get3A_83, %get3A_84] : memref<6x3xf32, #tpu.memory_space<vmem>>, vector<1x3xf32>
    %add3A_86 = arith.addf %dot_general3A_82, %get3A_85 : vector<1x3xf32>
    %get3A_87 = arith.constant 5 : index
    %get3A_88 = arith.constant 0 : index
    %get3A_89 = arith.constant 0 : index
    %get3A_90 = vector.load %arg5[%get3A_87, %get3A_88, %get3A_89] : memref<6x32x3xf32, #tpu.memory_space<vmem>>, vector<1x32x3xf32>
    %get3A_91 = vector.shape_cast %get3A_90 : vector<1x32x3xf32> to vector<32x3xf32>
    %dot_general3A_92 = arith.constant dense<0.000000e+00> : vector<1x3xf32>
    %dot_general3A_93 = tpu.matmul %mul3A_3, %get3A_91, %dot_general3A_92 {dimension_numbers = #tpu.dot_dimension_numbers<[1], [0], [0], [1], [0, 0, 1, 1], [], []>, transpose_lhs_hint = false} : vector<1x32xf32>, vector<32x3xf32>, vector<1x3xf32> -> vector<1x3xf32>
    %get3A_94 = arith.constant 5 : index
    %get3A_95 = arith.constant 0 : index
    %get3A_96 = vector.load %arg6[%get3A_94, %get3A_95] : memref<6x3xf32, #tpu.memory_space<vmem>>, vector<1x3xf32>
    %add3A_97 = arith.addf %dot_general3A_93, %get3A_96 : vector<1x3xf32>
    %concatenate3A = tpu.concatenate %add3A_42, %add3A_53, %add3A_64, %add3A_75, %add3A_86, %add3A_97 in 0 : vector<1x3xf32>, vector<1x3xf32>, vector<1x3xf32>, vector<1x3xf32>, vector<1x3xf32>, vector<1x3xf32> -> vector<6x3xf32>
    %swap3A_98 = arith.constant 0 : index
    %swap3A_99 = arith.constant 0 : index
    %swap3A_100 = vector.load %arg9[%swap3A_98, %swap3A_99] : memref<6x3xf32, #tpu.memory_space<vmem>>, vector<6x3xf32>
    tpu.vector_store %arg9[%swap3A_98, %swap3A_99], %concatenate3A {strides = array<i32>} : memref<6x3xf32, #tpu.memory_space<vmem>>, vector<6x3xf32>,
    return
  }
}

</mosaic_0001>

<sc_bundles>
// kernel: gather_offload_async_start
scs
__scs_entry_jumppad:
0x0: {  	(pc) =	sbr.rel $0x88, $3  }
0x1: {  	(tag) =	ssettag $0x0;
	lr =	simm.s32 $0x1  }
0x2: {  	[smem:$0x3F8B] =	sst lr;
	_ =	strace $0xD0000000  }
0x3: {  	_ = 	snop  }
0x4: {  	_ = 	snop  }
0x5: {  	_ = 	snop  }
0x6: {  	_ = 	snop  }
0x7: {  	_ = 	snop  }
__scs_overlays_trampoline_lowered:
0x8: {  	[smem:$0x3F9A] =	sst s0  }
0x9: {  	[smem:$0x3F9B] =	sst s1  }
0xa: {  	[smem:$0x3F9C] =	sst s2  }
0xb: {  	[smem:$0x3F9D] =	sst s3  }
0xc: {  	[smem:$0x3F9E] =	sst s4  }
0xd: {  	[smem:$0x3F9F] =	sst s5  }
0xe: {  	[smem:$0x3FA0] =	sst s6  }
0xf: {  	[smem:$0x3FA1] =	sst s7  }
0x10: {  	[smem:$0x3FA2] =	sst s8  }
0x11: {  	[smem:$0x3FA3] =	sst s9;
	s0 =	simm.s32 @!p0 $0x0  }
0x12: {  	s1 =	sld [smem:$0x3F89];
	s0 =	simm.s32 @p0 $0x1  }
0x13: {  	[smem:$0x3FA4] =	sst s0;
	s0 =	simm.s32 @!p1 $0x0  }
0x14: {  	s2 =	sld [smem:$0x3F88];
	s0 =	simm.s32 @p1 $0x1  }
0x15: {  	[smem:$0x3FA5] =	sst s0;
	s0 =	simm.s32 @!p2 $0x0  }
0x16: {  	s3 =	sld [smem:$0x3FDB];
	s0 =	simm.s32 @p2 $0x1  }
0x17: {  	s4 =	simm.s32 $0x1BF5;
	[smem:$0x3FA7] =	sst s0  }
0x18: {  	s0 =	sld [smem:$0x3F8A];
	_ =	swait.ge [sflag:s4], $0x0  }
0x19: {  	s7 =	sld [smem:$0x3F8B]  }
0x1a: {  	s8 =	sadd.s32 $0xFFFFE003, lr  }
0x1b: {  	s9 =	sadd.s32 $0xFFFFFEF7, lr;
	s5 =	simm.s32 $0xFFFFFFFF;
	p2 =	slt.u32 s8, $0xFFFFF086  }
0x1c: {  	p1 =	slt.u32 s9, $0xF7A;
	s5 =	simm.s32 @!p2 $0x0  }
0x1d: {  	s5 =	simm.s32 @p1 $0x1;
	p0 =	seq.s32 s7, s2  }
0x1e: {  	s7 =	smul.u32 @!p0 $0xF7A, s2;
	p2 =	seq.s32 @!p0 s5, $0x0  }
0x1f: {  	s9 =	smul.u32 $0xF7A, s1;
	s8 =	simm.s32 @!p0 $0x1BF5;
	p2 =	por !p2, p0  }
0x20: {  	[sflag:s8] =	ssyncset.s32 @!p0 $0xFFFFF086;
	s6 =	sadd.s32 @!p0 s3, s7;
	s7 =	simm.s32 @!p0 $0x108  }
0x21: {  	s3 =	sadd.s32 s3, s9;
	s6 =	sadd.s32 @!p0 $0x88, s6;
	s7 =	simm.s32 @p2 $0x1082  }
0x22: {  	[simem:s7], [sflag:s8] =	dma.local @!p0 [hbm:s6], $0xF7A  }
0x23: {  	s9 =	sor.u32 $0xD0000000, s2;
	s6 =	simm.s32 $0x108;
	_ =	swait.ge @!p0 [sflag:s8], $0x0  }
0x24: {  	s3 =	sadd.s32 $0x88, s3;
	s6 =	simm.s32 @!p1 $0x1082;
	[sflag:s4] =	ssyncset.s32 $0xFFFFF086  }
0x25: {  	[simem:s6], [sflag:s4] =	dma.local [hbm:s3], $0xF7A  }
0x26: {  	[smem:$0x3F8B] =	sst s1;
	(tag) =	ssettag s2;
	_ =	strace s9  }
0x27: {  	s1 =	sld [smem:$0x3F9B]  }
0x28: {  	s2 =	sld [smem:$0x3F9C]  }
0x29: {  	s4 =	sld [smem:$0x3F9E]  }
0x2a: {  	p0 =	seq.s32 s5, $0x0;
	s5 =	sld [smem:$0x3F9F]  }
0x2b: {  	s6 =	sld [smem:$0x3FA0]  }
0x2c: {  	s7 =	sld [smem:$0x3FA1]  }
0x2d: {  	s3 =	simm.s32 $0x108;
	s8 =	sld [smem:$0x3FA2]  }
0x2e: {  	s3 =	simm.s32 @!p0 $0x1082;
	s9 =	sld [smem:$0x3FA3]  }
0x2f: {  	lr =	sadd.s32 s0, s3;
	s0 =	sld [smem:$0x3F9A]  }
0x30: {  	s3 =	sld [smem:$0x3F9D]  }
0x31: {  	[smem:$0x3FA6] =	sst s10  }
0x32: {  	s10 =	sld [smem:$0x3FA4];
	_ =	sdelay $0x3  }
0x33: {  	p0 =	seq.s32 s10, $0x1;
	s10 =	sld [smem:$0x3FA6];
	_ =	sdelay $0x3  }
0x34: {  	[smem:$0x3FA6] =	sst s10  }
0x35: {  	s10 =	sld [smem:$0x3FA5];
	_ =	sdelay $0x3  }
0x36: {  	p1 =	seq.s32 s10, $0x1;
	s10 =	sld [smem:$0x3FA6];
	_ =	sdelay $0x3  }
0x37: {  	[smem:$0x3FA6] =	sst s10  }
0x38: {  	s10 =	sld [smem:$0x3FA7]  }
0x39: {  	_ = 	snop;
	(pc) =	sbr.ind lr, $3  }
0x3a: {  	_ = 	snop  }
0x3b: {  	_ = 	snop  }
0x3c: {  	p2 =	seq.s32 s10, $0x1;
	s10 =	sld [smem:$0x3FA6]  }
0x3d: {  	_ =	shalt  }
0x3e: {  	_ =	shalt  }
0x3f: {  	_ =	shalt  }
0x40: {  	_ =	shalt  }
0x41: {  	_ =	shalt  }
0x42: {  	_ =	shalt  }
0x43: {  	_ =	shalt  }
0x44: {  	_ =	shalt  }
0x45: {  	_ =	shalt  }
0x46: {  	_ =	shalt  }
0x47: {  	_ =	shalt  }
0x48: {  	_ =	shalt  }
0x49: {  	_ =	shalt  }
0x4a: {  	_ =	shalt  }
0x4b: {  	_ =	shalt  }
0x4c: {  	_ =	shalt  }
0x4d: {  	_ =	shalt  }
0x4e: {  	_ =	shalt  }
0x4f: {  	_ =	shalt  }
0x50: {  	_ =	shalt  }
0x51: {  	_ =	shalt  }
0x52: {  	_ =	shalt  }
0x53: {  	_ =	shalt  }
0x54: {  	_ =	shalt  }
0x55: {  	_ =	shalt  }
0x56: {  	_ =	shalt  }
0x57: {  	_ =	shalt  }
0x58: {  	_ =	shalt  }
0x59: {  	_ =	shalt  }
0x5a: {  	_ =	shalt  }
0x5b: {  	_ =	shalt  }
0x5c: {  	_ =	shalt  }
0x5d: {  	_ =	shalt  }
0x5e: {  	_ =	shalt  }
0x5f: {  	_ =	shalt  }
0x60: {  	_ =	shalt  }
0x61: {  	_ =	shalt  }
0x62: {  	_ =	shalt  }
0x63: {  	_ =	shalt  }
0x64: {  	_ =	shalt  }
0x65: {  	_ =	shalt  }
0x66: {  	_ =	shalt  }
0x67: {  	_ =	shalt  }
0x68: {  	_ =	shalt  }
0x69: {  	_ =	shalt  }
0x6a: {  	_ =	shalt  }
0x6b: {  	_ =	shalt  }
0x6c: {  	_ =	shalt  }
0x6d: {  	_ =	shalt  }
0x6e: {  	_ =	shalt  }
0x6f: {  	_ =	shalt  }
0x70: {  	_ =	shalt  }
0x71: {  	_ =	shalt  }
0x72: {  	_ =	shalt  }
0x73: {  	_ =	shalt  }
0x74: {  	_ =	shalt  }
0x75: {  	_ =	shalt  }
0x76: {  	_ =	shalt  }
0x77: {  	_ =	shalt  }
0x78: {  	_ =	shalt  }
0x79: {  	_ =	shalt  }
0x7a: {  	_ =	shalt  }
0x7b: {  	_ =	shalt  }
0x7c: {  	_ =	shalt  }
0x7d: {  	_ =	shalt  }
0x7e: {  	_ =	shalt  }
0x7f: {  	_ =	shalt  }
0x80: {  	_ =	shalt  }
0x81: {  	_ =	shalt  }
0x82: {  	_ =	shalt  }
0x83: {  	_ =	shalt  }
0x84: {  	_ =	shalt  }
0x85: {  	_ =	shalt  }
0x86: {  	_ =	shalt  }
0x87: {  	_ =	shalt  }
.Lfunc_end0:
.L_simem_size_0:
called_computation.2_lowered:
.L_overlay_start_0:
0x88: {  	s0 =	sld [smem:$0x3FD9]  }
0x89: {  	s1 =	sld [smem:$0x3FFE];
	_ =	sdelay $0x3  }
0x8a: {  	s0 =	sadd.s32 s1, s0  }
0x8b: {  	[smem:$0x3FB2] =	sst s0  }
0x8c: {  	_ = 	snop  }
0x8d: {  	s0 =	sld [smem:$0x3FD0];
	_ =	sdelay $0x2  }
0x8e: {  	s13 =	simm.s32 $0xB;
	s2 =	simm.s32 $0x10  }
0x8f: {  	[smem:s2], [sflag:s13] =	dma.local [hbm:s0], $0x1  }
0x90: {  	_ =	swait.eq [sflag:s13], $0x1  }
0x91: {  	[sflag:s13] =	ssyncset.done $0x0  }
0x92: {  	[sflag:s13] =	ssyncadd.s32 $0xFFFFFFFF  }
0x93: {  	s14 =	sld [smem:$0x10];
	(tm) =	ssettm $0x1  }
0x94: {  	s15 =	sld [smem:$0x3FFB];
	_ =	sdelay $0x3  }
0x95: {  	_ =	strace s15  }
0x96: {  	s1 =	sld [smem:$0x3FFC];
	_ =	sdelay $0x3  }
0x97: {  	_ =	strace s1  }
0x98: {  	s1 =	sld [smem:$0x3FFD];
	_ =	sdelay $0x3  }
0x99: {  	_ =	strace s1  }
0x9a: {  	_ =	strace $0x8FFFFFFF  }
0x9b: {  	s16 =	sld [smem:$0x3FDB];
	_ =	sdelay $0x1  }
0x9c: {  	s17 =	simm.s32 $_scs_section_size  }
0x9d: {  	s3 =	simm.s32 $_size__tile_overlayer_lowered;
	s4 =	simm.s32 $_tile_overlayer_lowered  }
0x9e: {  	s20 =	simm.s32 $0x1BFF;
	s19 =	sshll.u32 s4, $0x1;
	s1 =	sadd.s32 s17, s16  }
0x9f: {  	s5 =	simm.s32 $0x0;
	s18 =	sshll.u32 s3, $0x1;
	s3 =	sadd.s32 s19, s1  }
0xa0: {  	[timem:s5], [sflag:s20] =	dma.local [hbm:s3], s18  }
0xa1: {  	_ =	swait.ge [sflag:s20], s18  }
0xa2: {  	s2 =	ssub.s32 $0x0, s18;
	[sflag:s20] =	ssyncset.done $0x0  }
0xa3: {  	[sflag:s20] =	ssyncadd.s32 s2;
	_ =	sdelay $0x1  }
0xa4: {  	s21 =	simm.s32 $0x1B8B  }
0xa5: {  	_ =	swait.ge [sflag:s21], $0x1  }
0xa6: {  	[sflag:s21] =	ssyncset.done $0x0  }
0xa7: {  	s23 =	simm.s32 $0x1B8E;
	s22 =	sld [smem:$0x3FFE];
	[sflag:s21] =	ssyncadd.s32 $0xFFFFFFFF  }
0xa8: {  	s24 =	simm.s32 $execute0_lowered;
	[smem:$0x3FD2] =	sst s23  }
0xa9: {  	s3 =	sshll.u32 s24, $0x1;
	_ =	strace $0x80000046;
	[dreg:$0x1] =	wrdreg $0xFFFFFFFF  }
0xaa: {  	s25 =	simm.s32 $_size_execute0_lowered;
	s1 =	sadd.s32 s1, s3;
	[dreg:$0x0] =	wrdreg $0x0  }
0xab: {  	s3 =	sshll.u32 s25, $0x1;
	[dreg:$0x2] =	wrdreg s1  }
0xac: {  	[dreg:$0x3] =	wrdreg s3  }
0xad: {  	[dreg:$0x4] =	wrdreg $0xC0  }
0xae: {  	_ =	task [dreg:s5], $0x5FFFF  }
0xaf: {  	[dreg:$0x1] =	wrdreg $0xFFFFFFFF  }
0xb0: {  	[dreg:$0x0] =	wrdreg $0x60  }
0xb1: {  	[dreg:$0x2] =	wrdreg s14  }
0xb2: {  	[dreg:$0x3] =	wrdreg s22  }
0xb3: {  	[dreg:$0x4] =	wrdreg $0x9  }
0xb4: {  	_ =	task.clear_ibuf [dreg:s5], $0x5FFFF;
	_ =	strace $0x90000046  }
0xb5: {  	s26 =	simm.s32 $0x9;
	_ =	strace $0x80000048  }
0xb6: {  	_ =	swait.ge [sflag:s26], $0x1  }
0xb7: {  	[sflag:s26] =	ssyncadd.s32 $0xFFFFFFFF  }
0xb8: {  	_ =	strace $0x90000048  }
0xb9: {  	_ =	sfence  }
0xba: {  	s28 =	sld [smem:$0x0];
	_ =	sdelay $0x1  }
0xbb: {  	s29 =	srdreg.scid  }
0xbc: {  	s30 =	sshll.u32 s29, $0xD;
	s31 =	sshrl.u32 s29, $0x2  }
0xbd: {  	s2 =	sand.u32 $0x4000, s30;
	s1 =	sand.u32 $0x1, s29;
	s0 =	sadd.s32 s31, s28  }
0xbe: {  	s1 =	sor.u32 s2, s1;
	s0 =	sshll.u32 s0, $0x11  }
0xbf: {  	s0 =	sor.u32 s0, s1  }
0xc0: {  	s0 =	sadd.s32 $0x8F2B, s0  }
0xc1: {  	[sflag:s0] =	ssyncadd.remote.s32 $0x1  }
0xc2: {  	_ =	sfence.sel $0xFFFF  }
0xc3: {  	[dreg:$0x0] =	wrdreg $0xFFFFFFFF;
	(pc) =	sbr.abs _section_cstart, $3  }
0xc4: {  	[dreg:$0x1] =	wrdreg $0xFFFFFFFF  }
0xc5: {  	_ =	task.clear_ibuf [dreg:s5], $0x2FFFF;
	_ =	strace $0x9FFFFFFF  }
0xc6: {  	(tm) =	ssettm $0x7FFFFFFF  }
0xc7: {  	_ =	shalt  }
tec
execute0_lowered:
.L_overlay_start_1:
0x0: {  	(tag) =	ssettag $0x1  }
0x1: {  	s2 =	rddreg [dreg:$0x0]  }
0x2: {  	s8 =	rddreg [dreg:$0x1]  }
0x3: {  	s0 =	rddreg [dreg:$0x2]  }
0x4: {  	_ =	strace $0x80000047;
	s4 =	simm.s32 $0x1;
	s1 =	stileid.u32  }
0x5: {  	s7 =	simm.s32 $0x1;
	s9 =	simm.s32 $0x1;
	s6 =	simm.s32 $0x2  }
0x6: {  	s10 =	simm.s32 $0x3;
	s13 =	simm.s32 $0x0;
	s12 =	simm.s32 $0x0  }
.Ltmp0:
0x7: {  	s3 =	sadd.s32 $0xCE00, s8;
	p0 =	slt.u32 s1, $0xA;
	(pc) =	sbr.rel .LBB2_1-.Ltmp0, $4  }
0x8: {  	[sflag:s4] =	ssyncpa.u1 $0x0;
	s7 =	simm.s32 @!p0 $0x0;
	p0 =	sne.s32 s1, $0x9  }
0x9: {  	s5 =	smul.u32 $0x7D0, s1;
	[sflag:s6] =	ssyncpa.u1 $0x0;
	s9 =	simm.s32 @!p0 $0x0  }
0xa: {  	s8 =	sadd.s32 $0x70E00, s8;
	[sflag:s10] =	ssyncpa.u1 $0x0;
	s7 =	sadd.s32 s9, s7  }
0xb: {  	vm0 =	vmmov $0xffff;
	s10 =	simm.s32 $0x0;
	s11 =	smov.u32 s5;
	s9 =	sadd.s32 $0x1, s7  }
.LBB2_4:
0xc: {  	v2 =	vnsel vm1, $0x0, v2  }
0xd: {  	vm1 =	vgt.s32 v0, $0x0;
	v2 =	vmin.u32 v2, $0x3FFFF  }
0xe: {  	v0 =	vnsel vm1, $0x0, v0  }
0xf: {  	v0 =	vmin.u32 v0, $0x3FFFF  }
0x10: {  	[tilespmem:s18], [sflag:$0x1] =	stream.indirect_vreg.gather [hbm4b:s2+s10], $0x1, v1, vm0, $0x4038;
	[tilespmem:$0x1F40] =	vst v63  }
0x11: {  	(ifvalue) =	ssetifvalue $0x7FFFFFFF  }
0x12: {  	[tilespmem:s15], [sflag:$0x1] =	stream.indirect_vreg.gather [hbm4b:s2+s10], $0x1, v2, vm0, $0x4038;
	[tilespmem:$0x1F40] =	vst v63  }
0x13: {  	s29 =	sadd.s32 $0x10, s15;
	(ifvalue) =	ssetifvalue $0x7FFFFFFF  }
0x14: {  	[tilespmem:s29], [sflag:$0x1] =	stream.indirect_vreg.gather [hbm4b:s2+s10], $0x1, v0, vm0, $0x4038;
	[tilespmem:$0x1F40] =	vst v63  }
0x15: {  	_ =	swait.ge [sflag:s4], $0x7D0  }
0x16: {  	s30 =	sshrl.u32 s13, $0x3;
	[sflag:s4] =	ssyncset.done $0x0  }
0x17: {  	s31 =	sand.u32 $0x7, s13;
	s15 =	sadd.s32 s8, s30;
	[sflag:s4] =	ssyncadd.s32 $0xFFFFF830  }
0x18: {  	[hbm4b:s15+s31] =	stream.linear.scatter [tilespmem:s14], [sflag:$0x3], $0x7D0, $0x38;
	[tilespmem:$0x1F40] =	vst v63  }
.LBB2_5:
0x19: {  	s15 =	sadd.s32 $0x7D00, s11  }
0x1a: {  	p1 =	sgt.s32 s15, $0xC34F  }
0x1b: {  	s15 =	smov.u32 @p1 s5;
	p1 =	sne.s32 s12, s9  }
.Ltmp1:
0x1c: {  	p0 =	slt.u32 s12, $0x2;
	(pc) =	sbr.rel @!p1 .LBB2_6-.Ltmp1, $4  }
0x1d: {  	s14 =	simm.s32 @!p0 $0x3  }
0x1e: {  	_ =	swait.ge @!p0 [sflag:s14], $0x7D0  }
0x1f: {  	s16 =	sadd.s32 $0x1, s12;
	s13 =	smov.u32 s11;
	[sflag:s14] =	ssyncset.done @!p0 $0x0  }
0x20: {  	s12 =	smov.u32 s16;
	s11 =	smov.u32 s15;
	[sflag:s14] =	ssyncadd.s32 @!p0 $0xFFFFF830  }
.LBB2_1:
0x21: {  	p0 =	sge.u32 s12, s7  }
0x22: {  	s14 =	sxor.u32 @!p0 $0x1, s12  }
0x23: {  	s14 =	smul.u32 @!p0 $0x1F40, s14  }
0x24: {  	s31 =	sadd.s32 $0xFFFFFFFF, s12;
	s15 =	sshrl.u32 @!p0 s11, $0x3  }
0x25: {  	s16 =	sand.u32 @!p0 $0x7, s11;
	s15 =	sadd.s32 @!p0 s3, s15;
	s14 =	sshra.s32 @!p0 s14, $0x2  }
0x26: {  	[tilespmem:s14], [sflag:$0x2] =	stream.linear.gather @!p0 [hbm4b:s15+s16], $0x7D0, $0x38;
	[tilespmem:$0x1F40] =	vst v63  }
0x27: {  	p0 =	sge.u32 s31, s7  }
.Ltmp2:
0x28: {  	_ = 	snop;
	(pc) =	sbr.rel @p0 .LBB2_5-.Ltmp2, $1  }
0x29: {  	_ =	sdelay $0x3  }
0x2a: {  	s14 =	sand.u32 $0x1, s12  }
0x2b: {  	_ =	swait.ge [sflag:s6], $0x7D0;
	p0 =	seq.s32 s14, $0x1;
	s14 =	simm.s32 $0x7D0  }
0x2c: {  	[sflag:s6] =	ssyncset.done $0x0;
	s14 =	simm.s32 @!p0 $0x0  }
0x2d: {  	[sflag:s6] =	ssyncadd.s32 $0xFFFFF830;
	(ifvalue) =	ssetifvalue $0x7FFFFFFF;
	v0 =	vld.msk [tilespmem:s14+$0x0 ss:$0x1], $0xffff;
	_ =	sdelay $0x4  }
0x2e: {  	s15 =	sadd.s32 $0x10, s14;
	vm1 =	vgt.s32 v0, $0x0  }
0x2f: {  	v2 =	vld.msk [tilespmem:s15+$0x0 ss:$0x1], $0xffff;
	v1 =	vnsel vm1, $0x0, v0  }
0x30: {  	v1 =	vmin.u32 v1, $0x3FFFF;
	_ =	sdelay $0x2  }
0x31: {  	s17 =	simm.s32 $0x20;
	s14 =	sadd.s32 $0xFA0, s14;
	s16 =	sadd.s32 $0x10, s15  }
0x32: {  	s15 =	sadd.s32 $0x10, s14;
	s18 =	smov.u32 s14;
	v0 =	vld.msk [tilespmem:s16+$0x0 ss:$0x1], $0xffff;
	vm1 =	vgt.s32 v2, $0x0;
	(ifvalue) =	ssetifvalue $0x7FFFFFFF  }
.LBB2_3:
0x33: {  	[tilespmem:s18], [sflag:$0x1] =	stream.indirect_vreg.gather [hbm4b:s2+s10], $0x1, v1, vm0, $0x4038;
	[tilespmem:$0x1F40] =	vst v63  }
0x34: {  	s17 =	sadd.s32 $0x10, s17  }
0x35: {  	v2 =	vnsel vm1, $0x0, v2;
	p0 =	slt.u32 s17, $0x7C0  }
.Ltmp3:
0x36: {  	s18 =	smov.u32 s15;
	v1 =	vmin.u32 v2, $0x3FFFF;
	(pc) =	sbr.rel @p0 .LBB2_3-.Ltmp3, $3  }
0x37: {  	_ =	sdelay $0x1  }
0x38: {  	s16 =	sadd.s32 $0x10, s16  }
0x39: {  	vm1 =	vgt.s32 v0, $0x0;
	s15 =	sadd.s32 $0x10, s15;
	v2 =	vmov v0;
	(ifvalue) =	ssetifvalue $0x7FFFFFFF;
	v0 =	vld.msk [tilespmem:s16+$0x0 ss:$0x1], $0xffff  }
.Ltmp4:
0x3a: {  	_ = 	snop;
	(pc) =	sbr.rel .LBB2_4-.Ltmp4, $1  }
0x3b: {  	_ =	sdelay $0x3  }
.LBB2_6:
0x3c: {  	_ =	sfence.sel $0x180000  }
0x3d: {  	s2 =	simm.s32 $0x2;
	[bflag:$0x0] =	sbarrier.arrive $0xFFFF  }
0x3e: {  	s30 =	simm.s32 $0x3;
	[sflag:s2] =	ssyncpa.u1 $0x1  }
0x3f: {  	s31 =	simm.s32 $0x1;
	[sflag:s30] =	ssyncpa.u1 $0x1  }
0x40: {  	[sflag:s31] =	ssyncpa.u1 $0x1  }
0x41: {  	p0 =	sne.s32 s1, $0x0;
	_ =	strace $0x90000047  }
0x42: {  	s0 =	sadd.s32 @!p0 $0x100000, s0;
	[bflag:$0x2] =	sbarrier.arrive $0xFFFF  }
0x43: {  	[sflag:s0] =	ssyncadd.tile.s32 @!p0 $0x1;
	_ =	shalt  }
.Lfunc_end2:
_tile_overlayer_lowered:
.L_overlay_start_2:
0x44: {  	(tag) =	ssettag $0x2  }
0x45: {  	s0 =	rddreg [dreg:$0x0];
	s2 =	stileid.u32  }
0x46: {  	s1 =	rddreg [dreg:$0x1];
	p0 =	sne.s32 s2, $0x0  }
0x47: {  	s3 =	rddreg [dreg:$0x2];
	[bflag:$0x3] =	sbarrier.arrive $0xFFFF;
	s2 =	simm.s32 @!p0 $0x1C01  }
0x48: {  	[timem:s3], [sflag:s2] =	dma.local @!p0 [hbm:s0], s1  }
0x49: {  	s0 =	simm.s32 @!p0 $0x1  }
0x4a: {  	_ =	swait.ge @!p0 [sflag:s0], s1  }
0x4b: {  	s1 =	ssub.s32 @!p0 $0x0, s1;
	[sflag:s0] =	ssyncset.done @!p0 $0x0  }
0x4c: {  	[sflag:s0] =	ssyncadd.s32 @!p0 s1  }
0x4d: {  	[bflag:$0x3] =	sbarrier.arrive $0xFFFF  }
0x4e: {  	_ =	shalt  }

// kernel: sc_double_gather_w32_sp.12.cloned.1.call-start
scs
__scs_entry_jumppad:
0x0: {  	(pc) =	sbr.rel $0x88, $3  }
0x1: {  	(tag) =	ssettag $0x0;
	lr =	simm.s32 $0x1  }
0x2: {  	[smem:$0x3F8B] =	sst lr;
	_ =	strace $0xD0000000  }
0x3: {  	_ = 	snop  }
0x4: {  	_ = 	snop  }
0x5: {  	_ = 	snop  }
0x6: {  	_ = 	snop  }
0x7: {  	_ = 	snop  }
__scs_overlays_trampoline_lowered:
0x8: {  	[smem:$0x3F9A] =	sst s0  }
0x9: {  	[smem:$0x3F9B] =	sst s1  }
0xa: {  	[smem:$0x3F9C] =	sst s2  }
0xb: {  	[smem:$0x3F9D] =	sst s3  }
0xc: {  	[smem:$0x3F9E] =	sst s4  }
0xd: {  	[smem:$0x3F9F] =	sst s5  }
0xe: {  	[smem:$0x3FA0] =	sst s6  }
0xf: {  	[smem:$0x3FA1] =	sst s7  }
0x10: {  	[smem:$0x3FA2] =	sst s8  }
0x11: {  	[smem:$0x3FA3] =	sst s9;
	s0 =	simm.s32 @!p0 $0x0  }
0x12: {  	s1 =	sld [smem:$0x3F89];
	s0 =	simm.s32 @p0 $0x1  }
0x13: {  	[smem:$0x3FA4] =	sst s0;
	s0 =	simm.s32 @!p1 $0x0  }
0x14: {  	s2 =	sld [smem:$0x3F88];
	s0 =	simm.s32 @p1 $0x1  }
0x15: {  	[smem:$0x3FA5] =	sst s0;
	s0 =	simm.s32 @!p2 $0x0  }
0x16: {  	s3 =	sld [smem:$0x3FDB];
	s0 =	simm.s32 @p2 $0x1  }
0x17: {  	s4 =	simm.s32 $0x1BF5;
	[smem:$0x3FA7] =	sst s0  }
0x18: {  	s0 =	sld [smem:$0x3F8A];
	_ =	swait.ge [sflag:s4], $0x0  }
0x19: {  	s7 =	sld [smem:$0x3F8B]  }
0x1a: {  	s8 =	sadd.s32 $0xFFFFE003, lr  }
0x1b: {  	s9 =	sadd.s32 $0xFFFFFEF7, lr;
	s5 =	simm.s32 $0xFFFFFFFF;
	p2 =	slt.u32 s8, $0xFFFFF086  }
0x1c: {  	p1 =	slt.u32 s9, $0xF7A;
	s5 =	simm.s32 @!p2 $0x0  }
0x1d: {  	s5 =	simm.s32 @p1 $0x1;
	p0 =	seq.s32 s7, s2  }
0x1e: {  	s7 =	smul.u32 @!p0 $0xF7A, s2;
	p2 =	seq.s32 @!p0 s5, $0x0  }
0x1f: {  	s9 =	smul.u32 $0xF7A, s1;
	s8 =	simm.s32 @!p0 $0x1BF5;
	p2 =	por !p2, p0  }
0x20: {  	[sflag:s8] =	ssyncset.s32 @!p0 $0xFFFFF086;
	s6 =	sadd.s32 @!p0 s3, s7;
	s7 =	simm.s32 @!p0 $0x108  }
0x21: {  	s3 =	sadd.s32 s3, s9;
	s6 =	sadd.s32 @!p0 $0x88, s6;
	s7 =	simm.s32 @p2 $0x1082  }
0x22: {  	[simem:s7], [sflag:s8] =	dma.local @!p0 [hbm:s6], $0xF7A  }
0x23: {  	s9 =	sor.u32 $0xD0000000, s2;
	s6 =	simm.s32 $0x108;
	_ =	swait.ge @!p0 [sflag:s8], $0x0  }
0x24: {  	s3 =	sadd.s32 $0x88, s3;
	s6 =	simm.s32 @!p1 $0x1082;
	[sflag:s4] =	ssyncset.s32 $0xFFFFF086  }
0x25: {  	[simem:s6], [sflag:s4] =	dma.local [hbm:s3], $0xF7A  }
0x26: {  	[smem:$0x3F8B] =	sst s1;
	(tag) =	ssettag s2;
	_ =	strace s9  }
0x27: {  	s1 =	sld [smem:$0x3F9B]  }
0x28: {  	s2 =	sld [smem:$0x3F9C]  }
0x29: {  	s4 =	sld [smem:$0x3F9E]  }
0x2a: {  	p0 =	seq.s32 s5, $0x0;
	s5 =	sld [smem:$0x3F9F]  }
0x2b: {  	s6 =	sld [smem:$0x3FA0]  }
0x2c: {  	s7 =	sld [smem:$0x3FA1]  }
0x2d: {  	s3 =	simm.s32 $0x108;
	s8 =	sld [smem:$0x3FA2]  }
0x2e: {  	s3 =	simm.s32 @!p0 $0x1082;
	s9 =	sld [smem:$0x3FA3]  }
0x2f: {  	lr =	sadd.s32 s0, s3;
	s0 =	sld [smem:$0x3F9A]  }
0x30: {  	s3 =	sld [smem:$0x3F9D]  }
0x31: {  	[smem:$0x3FA6] =	sst s10  }
0x32: {  	s10 =	sld [smem:$0x3FA4];
	_ =	sdelay $0x3  }
0x33: {  	p0 =	seq.s32 s10, $0x1;
	s10 =	sld [smem:$0x3FA6];
	_ =	sdelay $0x3  }
0x34: {  	[smem:$0x3FA6] =	sst s10  }
0x35: {  	s10 =	sld [smem:$0x3FA5];
	_ =	sdelay $0x3  }
0x36: {  	p1 =	seq.s32 s10, $0x1;
	s10 =	sld [smem:$0x3FA6];
	_ =	sdelay $0x3  }
0x37: {  	[smem:$0x3FA6] =	sst s10  }
0x38: {  	s10 =	sld [smem:$0x3FA7]  }
0x39: {  	_ = 	snop;
	(pc) =	sbr.ind lr, $3  }
0x3a: {  	_ = 	snop  }
0x3b: {  	_ = 	snop  }
0x3c: {  	p2 =	seq.s32 s10, $0x1;
	s10 =	sld [smem:$0x3FA6]  }
0x3d: {  	_ =	shalt  }
0x3e: {  	_ =	shalt  }
0x3f: {  	_ =	shalt  }
0x40: {  	_ =	shalt  }
0x41: {  	_ =	shalt  }
0x42: {  	_ =	shalt  }
0x43: {  	_ =	shalt  }
0x44: {  	_ =	shalt  }
0x45: {  	_ =	shalt  }
0x46: {  	_ =	shalt  }
0x47: {  	_ =	shalt  }
0x48: {  	_ =	shalt  }
0x49: {  	_ =	shalt  }
0x4a: {  	_ =	shalt  }
0x4b: {  	_ =	shalt  }
0x4c: {  	_ =	shalt  }
0x4d: {  	_ =	shalt  }
0x4e: {  	_ =	shalt  }
0x4f: {  	_ =	shalt  }
0x50: {  	_ =	shalt  }
0x51: {  	_ =	shalt  }
0x52: {  	_ =	shalt  }
0x53: {  	_ =	shalt  }
0x54: {  	_ =	shalt  }
0x55: {  	_ =	shalt  }
0x56: {  	_ =	shalt  }
0x57: {  	_ =	shalt  }
0x58: {  	_ =	shalt  }
0x59: {  	_ =	shalt  }
0x5a: {  	_ =	shalt  }
0x5b: {  	_ =	shalt  }
0x5c: {  	_ =	shalt  }
0x5d: {  	_ =	shalt  }
0x5e: {  	_ =	shalt  }
0x5f: {  	_ =	shalt  }
0x60: {  	_ =	shalt  }
0x61: {  	_ =	shalt  }
0x62: {  	_ =	shalt  }
0x63: {  	_ =	shalt  }
0x64: {  	_ =	shalt  }
0x65: {  	_ =	shalt  }
0x66: {  	_ =	shalt  }
0x67: {  	_ =	shalt  }
0x68: {  	_ =	shalt  }
0x69: {  	_ =	shalt  }
0x6a: {  	_ =	shalt  }
0x6b: {  	_ =	shalt  }
0x6c: {  	_ =	shalt  }
0x6d: {  	_ =	shalt  }
0x6e: {  	_ =	shalt  }
0x6f: {  	_ =	shalt  }
0x70: {  	_ =	shalt  }
0x71: {  	_ =	shalt  }
0x72: {  	_ =	shalt  }
0x73: {  	_ =	shalt  }
0x74: {  	_ =	shalt  }
0x75: {  	_ =	shalt  }
0x76: {  	_ =	shalt  }
0x77: {  	_ =	shalt  }
0x78: {  	_ =	shalt  }
0x79: {  	_ =	shalt  }
0x7a: {  	_ =	shalt  }
0x7b: {  	_ =	shalt  }
0x7c: {  	_ =	shalt  }
0x7d: {  	_ =	shalt  }
0x7e: {  	_ =	shalt  }
0x7f: {  	_ =	shalt  }
0x80: {  	_ =	shalt  }
0x81: {  	_ =	shalt  }
0x82: {  	_ =	shalt  }
0x83: {  	_ =	shalt  }
0x84: {  	_ =	shalt  }
0x85: {  	_ =	shalt  }
0x86: {  	_ =	shalt  }
0x87: {  	_ =	shalt  }
.Lfunc_end0:
.L_simem_size_0:
called_computation.5_lowered:
.L_overlay_start_0:
0x88: {  	s2 =	sld [smem:$0x3FD9]  }
0x89: {  	s3 =	sld [smem:$0x3FFE];
	_ =	sdelay $0x1  }
0x8a: {  	s1 =	srdreg.scid  }
0x8b: {  	s0 =	sand.u32 $0x1, s1  }
0x8c: {  	s16 =	sshll.u32 s0, $0xA;
	s2 =	sadd.s32 s3, s2  }
0x8d: {  	s2 =	sadd.s32 s2, s16  }
0x8e: {  	[smem:$0x3FB2] =	sst s2  }
0x8f: {  	_ = 	snop  }
0x90: {  	(tm) =	ssettm $0x1  }
0x91: {  	s17 =	sld [smem:$0x3FFB];
	_ =	sdelay $0x3  }
0x92: {  	_ =	strace s17  }
0x93: {  	s2 =	sld [smem:$0x3FFC];
	_ =	sdelay $0x3  }
0x94: {  	_ =	strace s2  }
0x95: {  	s2 =	sld [smem:$0x3FFD];
	_ =	sdelay $0x3  }
0x96: {  	_ =	strace s2  }
0x97: {  	_ =	strace $0x8FFFFFFF  }
0x98: {  	s18 =	sld [smem:$0x3FDB];
	_ =	sdelay $0x1  }
0x99: {  	s19 =	simm.s32 $_scs_section_size  }
0x9a: {  	s4 =	simm.s32 $_size__tile_overlayer_lowered;
	s5 =	simm.s32 $_tile_overlayer_lowered  }
0x9b: {  	s22 =	simm.s32 $0x1BFF;
	s21 =	sshll.u32 s5, $0x1;
	s2 =	sadd.s32 s19, s18  }
0x9c: {  	s6 =	simm.s32 $0x0;
	s20 =	sshll.u32 s4, $0x1;
	s4 =	sadd.s32 s21, s2  }
0x9d: {  	[timem:s6], [sflag:s22] =	dma.local [hbm:s4], s20  }
0x9e: {  	_ =	swait.ge [sflag:s22], s20  }
0x9f: {  	s3 =	ssub.s32 $0x0, s20;
	[sflag:s22] =	ssyncset.done $0x0  }
0xa0: {  	[sflag:s22] =	ssyncadd.s32 s3;
	_ =	sdelay $0x1  }
0xa1: {  	s23 =	simm.s32 $0x1B8B  }
0xa2: {  	_ =	swait.ge [sflag:s23], $0x1  }
0xa3: {  	[sflag:s23] =	ssyncset.done $0x0  }
0xa4: {  	s25 =	simm.s32 $0x1B8E;
	s24 =	sld [smem:$0x3FFE];
	[sflag:s23] =	ssyncadd.s32 $0xFFFFFFFF  }
0xa5: {  	s26 =	simm.s32 $execute0_lowered;
	[smem:$0x3FD2] =	sst s25  }
0xa6: {  	s4 =	sshll.u32 s26, $0x1;
	_ =	strace $0x80000055;
	[dreg:$0x1] =	wrdreg $0xFFFFFFFF  }
0xa7: {  	s28 =	simm.s32 $_size_execute0_lowered;
	s2 =	sadd.s32 s2, s4;
	[dreg:$0x0] =	wrdreg $0x0  }
0xa8: {  	s4 =	sshll.u32 s28, $0x1;
	[dreg:$0x2] =	wrdreg s2  }
0xa9: {  	[dreg:$0x3] =	wrdreg s4  }
0xaa: {  	[dreg:$0x4] =	wrdreg $0xC0  }
0xab: {  	_ =	task [dreg:s6], $0x5FFFF  }
0xac: {  	[dreg:$0x1] =	wrdreg $0xFFFFFFFF  }
0xad: {  	[dreg:$0x0] =	wrdreg $0x60  }
0xae: {  	[dreg:$0x2] =	wrdreg s24  }
0xaf: {  	[dreg:$0x3] =	wrdreg $0x88180  }
0xb0: {  	[dreg:$0x4] =	wrdreg $0x190180  }
0xb1: {  	[dreg:$0x5] =	wrdreg $0x9  }
0xb2: {  	_ =	task.clear_ibuf [dreg:s6], $0x6FFFF;
	_ =	strace $0x90000055  }
0xb3: {  	s29 =	simm.s32 $0x9;
	_ =	strace $0x80000057  }
0xb4: {  	_ =	swait.ge [sflag:s29], $0x1  }
0xb5: {  	[sflag:s29] =	ssyncadd.s32 $0xFFFFFFFF  }
0xb6: {  	_ =	strace $0x90000057  }
0xb7: {  	_ =	sfence  }
0xb8: {  	s30 =	sld [smem:$0x0];
	_ =	sdelay $0x2  }
0xb9: {  	s31 =	sshll.u32 s1, $0xD;
	s1 =	sshrl.u32 s1, $0x2  }
0xba: {  	s3 =	sand.u32 $0x4000, s31;
	s1 =	sadd.s32 s1, s30  }
0xbb: {  	s0 =	sor.u32 s3, s0;
	s1 =	sshll.u32 s1, $0x11  }
0xbc: {  	s0 =	sor.u32 s1, s0  }
0xbd: {  	s0 =	sadd.s32 $0x8F2B, s0  }
0xbe: {  	[sflag:s0] =	ssyncadd.remote.s32 $0x1  }
0xbf: {  	_ =	sfence.sel $0xFFFF  }
0xc0: {  	[dreg:$0x0] =	wrdreg $0xFFFFFFFF;
	(pc) =	sbr.abs _section_cstart, $3  }
0xc1: {  	[dreg:$0x1] =	wrdreg $0xFFFFFFFF  }
0xc2: {  	_ =	task.clear_ibuf [dreg:s6], $0x2FFFF;
	_ =	strace $0x9FFFFFFF  }
0xc3: {  	(tm) =	ssettm $0x7FFFFFFF  }
tec
execute0_lowered:
.L_overlay_start_1:
0x0: {  	(tag) =	ssettag $0x1  }
0x1: {  	s0 =	rddreg [dreg:$0x0]  }
0x2: {  	s1 =	rddreg [dreg:$0x1]  }
0x3: {  	s2 =	rddreg [dreg:$0x2];
	s4 =	simm.s32 $0x0  }
0x4: {  	s3 =	srdreg.scid;
	s17 =	stileid.u32;
	s28 =	simm.s32 $0x2  }
0x5: {  	s29 =	simm.s32 $0x3;
	s30 =	simm.s32 $0x0;
	s12 =	smul.u32 $0x820, s17  }
0x6: {  	[smem:$0x7FF] =	sst s4;
	s3 =	sand.u32 $0x1, s3;
	s8 =	smul.u32 $0x2080, s17  }
0x7: {  	s5 =	sshll.u32 s17, $0xB;
	s19 =	sadd.s32 $0x2BAE00, s0;
	s14 =	smul.u32 $0x41000, s17  }
0x8: {  	s13 =	sadd.s32 $0x37E00, s0;
	s23 =	sshll.u32 s17, $0xE;
	s24 =	smul.u32 $0x36D80, s17  }
0x9: {  	_ =	strace $0x80000056;
	s6 =	ssub.s32 $0x2, s3;
	s5 =	sadd.s32 s5, s0  }
0xa: {  	s0 =	sadd.s32 $0x2D6600, s0;
	s7 =	sshrl.u32 s6, $0x1;
	s15 =	sadd.s32 s13, s8  }
0xb: {  	s16 =	sshrl.u32 s14, $0x2;
	s9 =	sadd.s32 $0x208, s12;
	s11 =	sadd.s32 $0x410, s12  }
0xc: {  	s22 =	sadd.s32 $0x618, s12;
	s14 =	sadd.s32 $0x68E00, s5;
	s6 =	ssub.s32 s6, s7  }
0xd: {  	[dreg:$0x5] =	wrdreg s15;
	s18 =	sshll.u32 s9, $0x2;
	s20 =	sshll.u32 s9, $0x5  }
0xe: {  	s10 =	sshll.u32 s11, $0x2;
	s21 =	sshll.u32 s11, $0x5;
	s15 =	smul.u32 $0xDB60, s17  }
0xf: {  	s12 =	sshll.u32 s22, $0x2;
	s6 =	smax.u32 s6, $0x1;
	s9 =	sadd.s32 s20, s1  }
0x10: {  	s10 =	sadd.s32 s13, s10;
	s11 =	sadd.s32 s21, s1;
	s12 =	sadd.s32 s13, s12  }
0x11: {  	s20 =	simm.s32 $0x618;
	[dreg:$0x4] =	wrdreg s6;
	s6 =	sadd.s32 s16, s1  }
0x12: {  	s16 =	smul.u32 $0x6DB0, s3;
	[dreg:$0x6] =	wrdreg s6;
	s6 =	sadd.s32 s13, s18  }
0x13: {  	s21 =	simm.s32 $0x4;
	s3 =	smul.u32 $0x1B6C0, s3;
	[dreg:$0x7] =	wrdreg s6  }
0x14: {  	s6 =	sshll.u32 s22, $0x5;
	s16 =	sadd.s32 s16, s15;
	s15 =	sadd.s32 s23, s2  }
0x15: {  	s22 =	simm.s32 $0x18C18;
	s23 =	simm.s32 $0x208;
	s13 =	sadd.s32 s6, s1  }
0x16: {  	s25 =	sadd.s32 $0x208, s16;
	s6 =	sadd.s32 s24, s0;
	s26 =	sshrl.u32 s16, $0x3  }
0x17: {  	s24 =	simm.s32 $0x1;
	s5 =	sshrl.u32 s25, $0x3;
	s16 =	sadd.s32 s3, s6  }
0x18: {  	s17 =	sadd.s32 s26, s19;
	s25 =	simm.s32 $0x410;
	s31 =	sshll.u32 s5, $0x5  }
0x19: {  	s26 =	simm.s32 $0x4718;
	s19 =	sadd.s32 s5, s19;
	s18 =	sadd.s32 s31, s0  }
.LBB2_1:
0x1a: {  	s0 =	rddreg [dreg:$0x5]  }
0x1b: {  	[tilespmem:s20], [sflag:$0x4] =	stream.linear.gather [hbm4b:s0+s4], $0x4100, $0x38;
	[tilespmem:$0x1D018] =	vst v63  }
0x1c: {  	_ =	swait.ge [sflag:s21], $0x4100  }
0x1d: {  	[sflag:s21] =	ssyncset.done $0x0  }
0x1e: {  	s7 =	rddreg [dreg:$0x6];
	[sflag:s21] =	ssyncadd.s32 $0xFFFFBF00  }
0x1f: {  	[spmem:s7] =	stream.linear.scatter [tilespmem:s20], [sflag:$0x4], $0x4100, $0x38;
	[tilespmem:$0x1D018] =	vst v63  }
0x20: {  	_ =	swait.ge [sflag:s21], $0x4100  }
0x21: {  	[sflag:s21] =	ssyncset.done $0x0  }
0x22: {  	s8 =	rddreg [dreg:$0x7];
	[sflag:s21] =	ssyncadd.s32 $0xFFFFBF00  }
0x23: {  	[tilespmem:s20], [sflag:$0x4] =	stream.linear.gather [hbm4b:s8+s4], $0x4100, $0x38;
	[tilespmem:$0x1D018] =	vst v63  }
0x24: {  	_ =	swait.ge [sflag:s21], $0x4100  }
0x25: {  	[sflag:s21] =	ssyncset.done $0x0  }
0x26: {  	[sflag:s21] =	ssyncadd.s32 $0xFFFFBF00  }
0x27: {  	[spmem:s9] =	stream.linear.scatter [tilespmem:s20], [sflag:$0x4], $0x4100, $0x38;
	[tilespmem:$0x1D018] =	vst v63  }
0x28: {  	_ =	swait.ge [sflag:s21], $0x4100  }
0x29: {  	[sflag:s21] =	ssyncset.done $0x0  }
0x2a: {  	[sflag:s21] =	ssyncadd.s32 $0xFFFFBF00  }
0x2b: {  	[tilespmem:s20], [sflag:$0x4] =	stream.linear.gather [hbm4b:s10+s4], $0x4100, $0x38;
	[tilespmem:$0x1D018] =	vst v63  }
0x2c: {  	_ =	swait.ge [sflag:s21], $0x4100  }
0x2d: {  	[sflag:s21] =	ssyncset.done $0x0  }
0x2e: {  	[sflag:s21] =	ssyncadd.s32 $0xFFFFBF00  }
0x2f: {  	[spmem:s11] =	stream.linear.scatter [tilespmem:s20], [sflag:$0x4], $0x4100, $0x38;
	[tilespmem:$0x1D018] =	vst v63  }
0x30: {  	_ =	swait.ge [sflag:s21], $0x4100  }
0x31: {  	[sflag:s21] =	ssyncset.done $0x0  }
0x32: {  	[sflag:s21] =	ssyncadd.s32 $0xFFFFBF00  }
0x33: {  	[tilespmem:s20], [sflag:$0x4] =	stream.linear.gather [hbm4b:s12+s4], $0x4100, $0x38;
	[tilespmem:$0x1D018] =	vst v63  }
0x34: {  	_ =	swait.ge [sflag:s21], $0x4100  }
0x35: {  	[sflag:s21] =	ssyncset.done $0x0  }
0x36: {  	[sflag:s21] =	ssyncadd.s32 $0xFFFFBF00  }
0x37: {  	[spmem:s13] =	stream.linear.scatter [tilespmem:s20], [sflag:$0x4], $0x4100, $0x38;
	[tilespmem:$0x1D018] =	vst v63  }
0x38: {  	_ =	swait.ge [sflag:s21], $0x4100  }
0x39: {  	[sflag:s21] =	ssyncset.done $0x0  }
0x3a: {  	s31 =	sadd.s32 $0x0, s14;
	[sflag:s21] =	ssyncadd.s32 $0xFFFFBF00  }
0x3b: {  	[tilespmem:s22], [sflag:$0x4] =	stream.linear.gather [hbm4b:s31+s4], $0x400, $0x38;
	[tilespmem:$0x1D018] =	vst v63  }
0x3c: {  	_ =	swait.ge [sflag:s21], $0x400  }
0x3d: {  	[sflag:s21] =	ssyncset.done $0x0  }
0x3e: {  	[sflag:s21] =	ssyncadd.s32 $0xFFFFFC00  }
0x3f: {  	[spmem:s15] =	stream.linear.scatter [tilespmem:s22], [sflag:$0x4], $0x400, $0x38;
	[tilespmem:$0x1D018] =	vst v63  }
0x40: {  	s3 =	simm.s32 $0x80;
	_ =	swait.ge [sflag:s21], $0x400  }
0x41: {  	s5 =	simm.s32 $0x100;
	s0 =	sadd.s32 $0x400, s15;
	[sflag:s21] =	ssyncset.done $0x0  }
.LBB2_2:
0x42: {  	s6 =	sadd.s32 s3, s14  }
0x43: {  	[sflag:s21] =	ssyncadd.s32 $0xFFFFFC00;
	s3 =	smov.u32 s5;
	s31 =	sadd.s32 $0x80, s5  }
0x44: {  	[tilespmem:s22], [sflag:$0x4] =	stream.linear.gather [hbm4b:s6+s4], $0x400, $0x38;
	[tilespmem:$0x1D018] =	vst v63  }
0x45: {  	p0 =	sne.s32 s5, $0x780;
	_ =	swait.ge [sflag:s21], $0x400  }
.Ltmp0:
0x46: {  	[sflag:s21] =	ssyncset.done $0x0;
	(pc) =	sbr.rel @p0 .LBB2_2-.Ltmp0, $4  }
0x47: {  	[sflag:s21] =	ssyncadd.s32 $0xFFFFFC00  }
0x48: {  	[spmem:s0] =	stream.linear.scatter [tilespmem:s22], [sflag:$0x4], $0x400, $0x38;
	[tilespmem:$0x1D018] =	vst v63  }
0x49: {  	_ =	swait.ge [sflag:s21], $0x400  }
0x4a: {  	s5 =	smov.u32 s31;
	s0 =	sadd.s32 $0x400, s0;
	[sflag:s21] =	ssyncset.done $0x0  }
0x4b: {  	s3 =	sadd.s32 s3, s14;
	[sflag:s21] =	ssyncadd.s32 $0xFFFFFC00  }
0x4c: {  	[tilespmem:s22], [sflag:$0x4] =	stream.linear.gather [hbm4b:s3+s4], $0x400, $0x38;
	[tilespmem:$0x1D018] =	vst v63  }
0x4d: {  	_ =	swait.ge [sflag:s21], $0x400  }
0x4e: {  	[sflag:s21] =	ssyncset.done $0x0  }
0x4f: {  	[sflag:s21] =	ssyncadd.s32 $0xFFFFFC00  }
0x50: {  	[spmem:s0] =	stream.linear.scatter [tilespmem:s22], [sflag:$0x4], $0x400, $0x38;
	[tilespmem:$0x1D018] =	vst v63  }
0x51: {  	_ =	swait.ge [sflag:s21], $0x400  }
0x52: {  	[sflag:s21] =	ssyncset.done $0x0  }
0x53: {  	[sflag:s21] =	ssyncadd.s32 $0xFFFFFC00  }
0x54: {  	s7 =	sadd.s32 $0x0, s17;
	[bflag:$0x0] =	sbarrier.arrive $0xFFFF  }
0x55: {  	[tilespmem:s4], [sflag:$0x4] =	stream.linear.gather [hbm4b:s7+s4], $0x208, $0x38;
	[tilespmem:$0x1D018] =	vst v63  }
0x56: {  	_ =	swait.ge [sflag:s21], $0x208  }
0x57: {  	[sflag:s21] =	ssyncset.done $0x0  }
0x58: {  	[sflag:s21] =	ssyncadd.s32 $0xFFFFFDF8  }
0x59: {  	[tilespmem:s23], [sflag:$0x1] =	stream.indirect.gather [spmem:s2], $0x1, s4, s23, $0xb8;
	[tilespmem:$0x1D018] =	vst v63  }
0x5a: {  	_ =	swait.ge [sflag:s24], $0x208  }
0x5b: {  	[sflag:s24] =	ssyncset.done $0x0  }
0x5c: {  	[sflag:s24] =	ssyncadd.s32 $0xFFFFFDF8  }
0x5d: {  	[tilespmem:s20], [sflag:$0x2] =	stream.indirect.gather [spmem:s1], $0x20, s23, s23, $0xb8;
	[tilespmem:$0x1D018] =	vst v63  }
0x5e: {  	s8 =	sadd.s32 $0x0, s19  }
0x5f: {  	[tilespmem:s4], [sflag:$0x4] =	stream.linear.gather [hbm4b:s8+s4], $0x208, $0x38;
	[tilespmem:$0x1D018] =	vst v63  }
0x60: {  	_ =	swait.ge [sflag:s21], $0x208  }
0x61: {  	[sflag:s21] =	ssyncset.done $0x0  }
0x62: {  	[sflag:s21] =	ssyncadd.s32 $0xFFFFFDF8  }
0x63: {  	[tilespmem:s25], [sflag:$0x1] =	stream.indirect.gather [spmem:s2], $0x1, s4, s23, $0xb8;
	[tilespmem:$0x1D018] =	vst v63  }
0x64: {  	_ =	swait.ge [sflag:s24], $0x208  }
0x65: {  	[sflag:s24] =	ssyncset.done $0x0  }
0x66: {  	[sflag:s24] =	ssyncadd.s32 $0xFFFFFDF8  }
0x67: {  	[tilespmem:s26], [sflag:$0x3] =	stream.indirect.gather [spmem:s1], $0x20, s25, s23, $0xb8;
	[tilespmem:$0x1D018] =	vst v63  }
0x68: {  	_ =	swait.ge [sflag:s28], $0x4100  }
0x69: {  	[sflag:s28] =	ssyncset.done $0x0  }
0x6a: {  	[sflag:s28] =	ssyncadd.s32 $0xFFFFBF00  }
0x6b: {  	[hbm4b:s16+s4] =	stream.linear.scatter [tilespmem:s20], [sflag:$0x4], $0x4100, $0x38;
	[tilespmem:$0x1D018] =	vst v63  }
0x6c: {  	_ =	swait.ge [sflag:s21], $0x4100  }
0x6d: {  	[sflag:s21] =	ssyncset.done $0x0  }
0x6e: {  	[sflag:s21] =	ssyncadd.s32 $0xFFFFBF00  }
0x6f: {  	_ =	swait.ge [sflag:s29], $0x4100  }
0x70: {  	[sflag:s29] =	ssyncset.done $0x0  }
0x71: {  	[sflag:s29] =	ssyncadd.s32 $0xFFFFBF00  }
0x72: {  	[hbm4b:s18+s4] =	stream.linear.scatter [tilespmem:s26], [sflag:$0x4], $0x4100, $0x38;
	[tilespmem:$0x1D018] =	vst v63  }
0x73: {  	s5 =	simm.s32 $0x104;
	s31 =	sadd.s32 $0x1040, s18;
	_ =	swait.ge [sflag:s21], $0x4100  }
0x74: {  	s3 =	simm.s32 $0x82;
	s0 =	sadd.s32 $0x1040, s16;
	[sflag:s21] =	ssyncset.done $0x0  }
.LBB2_4:
0x75: {  	s7 =	sadd.s32 s3, s17  }
0x76: {  	[sflag:s21] =	ssyncadd.s32 $0xFFFFBF00;
	s8 =	smov.u32 s5;
	s6 =	sadd.s32 $0x82, s5  }
0x77: {  	[tilespmem:s4], [sflag:$0x4] =	stream.linear.gather [hbm4b:s7+s4], $0x208, $0x38;
	[tilespmem:$0x1D018] =	vst v63  }
0x78: {  	p0 =	sne.s32 s5, $0xD34;
	_ =	swait.ge [sflag:s21], $0x208  }
0x79: {  	[sflag:s21] =	ssyncset.done $0x0  }
0x7a: {  	[sflag:s21] =	ssyncadd.s32 $0xFFFFFDF8  }
0x7b: {  	[tilespmem:s23], [sflag:$0x1] =	stream.indirect.gather [spmem:s2], $0x1, s4, s23, $0xb8;
	[tilespmem:$0x1D018] =	vst v63  }
0x7c: {  	_ =	swait.ge [sflag:s24], $0x208  }
0x7d: {  	[sflag:s24] =	ssyncset.done $0x0  }
0x7e: {  	[sflag:s24] =	ssyncadd.s32 $0xFFFFFDF8  }
0x7f: {  	[tilespmem:s20], [sflag:$0x2] =	stream.indirect.gather [spmem:s1], $0x20, s23, s23, $0xb8;
	[tilespmem:$0x1D018] =	vst v63  }
0x80: {  	s5 =	sadd.s32 s3, s19;
	s3 =	smov.u32 s8  }
0x81: {  	[tilespmem:s4], [sflag:$0x4] =	stream.linear.gather [hbm4b:s5+s4], $0x208, $0x38;
	[tilespmem:$0x1D018] =	vst v63  }
0x82: {  	_ =	swait.ge [sflag:s21], $0x208  }
0x83: {  	[sflag:s21] =	ssyncset.done $0x0  }
0x84: {  	[sflag:s21] =	ssyncadd.s32 $0xFFFFFDF8  }
0x85: {  	[tilespmem:s25], [sflag:$0x1] =	stream.indirect.gather [spmem:s2], $0x1, s4, s23, $0xb8;
	[tilespmem:$0x1D018] =	vst v63  }
0x86: {  	_ =	swait.ge [sflag:s24], $0x208  }
0x87: {  	[sflag:s24] =	ssyncset.done $0x0  }
0x88: {  	[sflag:s24] =	ssyncadd.s32 $0xFFFFFDF8  }
0x89: {  	[tilespmem:s26], [sflag:$0x3] =	stream.indirect.gather [spmem:s1], $0x20, s25, s23, $0xb8;
	[tilespmem:$0x1D018] =	vst v63  }
0x8a: {  	_ =	swait.ge [sflag:s28], $0x4100  }
0x8b: {  	[sflag:s28] =	ssyncset.done $0x0  }
0x8c: {  	[sflag:s28] =	ssyncadd.s32 $0xFFFFBF00  }
0x8d: {  	[hbm4b:s0+s4] =	stream.linear.scatter [tilespmem:s20], [sflag:$0x4], $0x4100, $0x38;
	[tilespmem:$0x1D018] =	vst v63  }
0x8e: {  	_ =	swait.ge [sflag:s21], $0x4100  }
0x8f: {  	[sflag:s21] =	ssyncset.done $0x0  }
0x90: {  	[sflag:s21] =	ssyncadd.s32 $0xFFFFBF00  }
0x91: {  	_ =	swait.ge [sflag:s29], $0x4100  }
.Ltmp1:
0x92: {  	[sflag:s29] =	ssyncset.done $0x0;
	(pc) =	sbr.rel @p0 .LBB2_4-.Ltmp1, $4  }
0x93: {  	[sflag:s29] =	ssyncadd.s32 $0xFFFFBF00  }
0x94: {  	[hbm4b:s31+s4] =	stream.linear.scatter [tilespmem:s26], [sflag:$0x4], $0x4100, $0x38;
	[tilespmem:$0x1D018] =	vst v63  }
0x95: {  	s5 =	smov.u32 s6;
	_ =	swait.ge [sflag:s21], $0x4100  }
0x96: {  	s0 =	sadd.s32 $0x1040, s0;
	s31 =	sadd.s32 $0x1040, s31;
	[sflag:s21] =	ssyncset.done $0x0  }
0x97: {  	s5 =	sadd.s32 s3, s17;
	[sflag:s21] =	ssyncadd.s32 $0xFFFFBF00  }
0x98: {  	[tilespmem:s4], [sflag:$0x4] =	stream.linear.gather [hbm4b:s5+s4], $0x208, $0x38;
	[tilespmem:$0x1D018] =	vst v63  }
0x99: {  	_ =	swait.ge [sflag:s21], $0x208  }
0x9a: {  	[sflag:s21] =	ssyncset.done $0x0  }
0x9b: {  	[sflag:s21] =	ssyncadd.s32 $0xFFFFFDF8  }
0x9c: {  	[tilespmem:s23], [sflag:$0x1] =	stream.indirect.gather [spmem:s2], $0x1, s4, s23, $0xb8;
	[tilespmem:$0x1D018] =	vst v63  }
0x9d: {  	_ =	swait.ge [sflag:s24], $0x208  }
0x9e: {  	[sflag:s24] =	ssyncset.done $0x0  }
0x9f: {  	[sflag:s24] =	ssyncadd.s32 $0xFFFFFDF8  }
0xa0: {  	[tilespmem:s20], [sflag:$0x2] =	stream.indirect.gather [spmem:s1], $0x20, s23, s23, $0xb8;
	[tilespmem:$0x1D018] =	vst v63  }
0xa1: {  	s8 =	sadd.s32 s3, s19  }
0xa2: {  	[tilespmem:s4], [sflag:$0x4] =	stream.linear.gather [hbm4b:s8+s4], $0x208, $0x38;
	[tilespmem:$0x1D018] =	vst v63  }
0xa3: {  	_ =	swait.ge [sflag:s21], $0x208  }
0xa4: {  	[sflag:s21] =	ssyncset.done $0x0  }
0xa5: {  	[sflag:s21] =	ssyncadd.s32 $0xFFFFFDF8  }
0xa6: {  	[tilespmem:s25], [sflag:$0x1] =	stream.indirect.gather [spmem:s2], $0x1, s4, s23, $0xb8;
	[tilespmem:$0x1D018] =	vst v63  }
0xa7: {  	_ =	swait.ge [sflag:s24], $0x208  }
0xa8: {  	[sflag:s24] =	ssyncset.done $0x0  }
0xa9: {  	[sflag:s24] =	ssyncadd.s32 $0xFFFFFDF8  }
0xaa: {  	[tilespmem:s26], [sflag:$0x3] =	stream.indirect.gather [spmem:s1], $0x20, s25, s23, $0xb8;
	[tilespmem:$0x1D018] =	vst v63  }
0xab: {  	_ =	swait.ge [sflag:s28], $0x4100  }
0xac: {  	[sflag:s28] =	ssyncset.done $0x0  }
0xad: {  	[sflag:s28] =	ssyncadd.s32 $0xFFFFBF00  }
0xae: {  	[hbm4b:s0+s4] =	stream.linear.scatter [tilespmem:s20], [sflag:$0x4], $0x4100, $0x38;
	[tilespmem:$0x1D018] =	vst v63  }
0xaf: {  	_ =	swait.ge [sflag:s21], $0x4100  }
0xb0: {  	[sflag:s21] =	ssyncset.done $0x0  }
0xb1: {  	[sflag:s21] =	ssyncadd.s32 $0xFFFFBF00  }
0xb2: {  	_ =	swait.ge [sflag:s29], $0x4100  }
0xb3: {  	[sflag:s29] =	ssyncset.done $0x0  }
0xb4: {  	[sflag:s29] =	ssyncadd.s32 $0xFFFFBF00  }
0xb5: {  	[hbm4b:s31+s4] =	stream.linear.scatter [tilespmem:s26], [sflag:$0x4], $0x4100, $0x38;
	[tilespmem:$0x1D018] =	vst v63  }
0xb6: {  	_ =	swait.ge [sflag:s21], $0x4100  }
0xb7: {  	s30 =	sadd.s32 $0x1, s30;
	s31 =	rddreg [dreg:$0x4]  }
0xb8: {  	p0 =	sne.s32 s30, s31  }
.Ltmp2:
0xb9: {  	_ = 	snop;
	(pc) =	sbr.rel @p0 .LBB2_1-.Ltmp2, $3  }
0xba: {  	_ =	sdelay $0x1  }
0xbb: {  	[sflag:s21] =	ssyncset.done $0x0  }
0xbc: {  	[sflag:s21] =	ssyncadd.s32 $0xFFFFBF00  }
0xbd: {  	_ =	sfence.sel $0x180000  }
0xbe: {  	[bflag:$0x0] =	sbarrier.arrive $0xFFFF  }
0xbf: {  	_ =	strace $0x90000056  }
0xc0: {  	s0 =	stileid.u32;
	[bflag:$0x2] =	sbarrier.arrive $0xFFFF  }
0xc1: {  	p0 =	sne.s32 s0, $0x0;
	s0 =	rddreg [dreg:$0x3]  }
0xc2: {  	s0 =	sadd.s32 @!p0 $0x100000, s0  }
0xc3: {  	[sflag:s0] =	ssyncadd.tile.s32 @!p0 $0x1;
	_ =	shalt  }
.Lfunc_end2:
_tile_overlayer_lowered:
.L_overlay_start_2:
0xc4: {  	(tag) =	ssettag $0x2  }
0xc5: {  	s0 =	rddreg [dreg:$0x0];
	s2 =	stileid.u32  }
0xc6: {  	s1 =	rddreg [dreg:$0x1];
	p0 =	sne.s32 s2, $0x0  }
0xc7: {  	s3 =	rddreg [dreg:$0x2];
	[bflag:$0x3] =	sbarrier.arrive $0xFFFF;
	s2 =	simm.s32 @!p0 $0x1C04  }
0xc8: {  	[timem:s3], [sflag:s2] =	dma.local @!p0 [hbm:s0], s1  }
0xc9: {  	s0 =	simm.s32 @!p0 $0x4  }
0xca: {  	_ =	swait.ge @!p0 [sflag:s0], s1  }
0xcb: {  	s1 =	ssub.s32 @!p0 $0x0, s1;
	[sflag:s0] =	ssyncset.done @!p0 $0x0  }
0xcc: {  	[sflag:s0] =	ssyncadd.s32 @!p0 s1  }
0xcd: {  	[bflag:$0x3] =	sbarrier.arrive $0xFFFF  }
0xce: {  	_ =	shalt  }

// kernel: sc_double_gather_w32_sp.15.cloned.1.call-start
scs
__scs_entry_jumppad:
0x0: {  	(pc) =	sbr.rel $0x88, $3  }
0x1: {  	(tag) =	ssettag $0x0;
	lr =	simm.s32 $0x1  }
0x2: {  	[smem:$0x3F8B] =	sst lr;
	_ =	strace $0xD0000000  }
0x3: {  	_ = 	snop  }
0x4: {  	_ = 	snop  }
0x5: {  	_ = 	snop  }
0x6: {  	_ = 	snop  }
0x7: {  	_ = 	snop  }
__scs_overlays_trampoline_lowered:
0x8: {  	[smem:$0x3F9A] =	sst s0  }
0x9: {  	[smem:$0x3F9B] =	sst s1  }
0xa: {  	[smem:$0x3F9C] =	sst s2  }
0xb: {  	[smem:$0x3F9D] =	sst s3  }
0xc: {  	[smem:$0x3F9E] =	sst s4  }
0xd: {  	[smem:$0x3F9F] =	sst s5  }
0xe: {  	[smem:$0x3FA0] =	sst s6  }
0xf: {  	[smem:$0x3FA1] =	sst s7  }
0x10: {  	[smem:$0x3FA2] =	sst s8  }
0x11: {  	[smem:$0x3FA3] =	sst s9;
	s0 =	simm.s32 @!p0 $0x0  }
0x12: {  	s1 =	sld [smem:$0x3F89];
	s0 =	simm.s32 @p0 $0x1  }
0x13: {  	[smem:$0x3FA4] =	sst s0;
	s0 =	simm.s32 @!p1 $0x0  }
0x14: {  	s2 =	sld [smem:$0x3F88];
	s0 =	simm.s32 @p1 $0x1  }
0x15: {  	[smem:$0x3FA5] =	sst s0;
	s0 =	simm.s32 @!p2 $0x0  }
0x16: {  	s3 =	sld [smem:$0x3FDB];
	s0 =	simm.s32 @p2 $0x1  }
0x17: {  	s4 =	simm.s32 $0x1BF5;
	[smem:$0x3FA7] =	sst s0  }
0x18: {  	s0 =	sld [smem:$0x3F8A];
	_ =	swait.ge [sflag:s4], $0x0  }
0x19: {  	s7 =	sld [smem:$0x3F8B]  }
0x1a: {  	s8 =	sadd.s32 $0xFFFFE003, lr  }
0x1b: {  	s9 =	sadd.s32 $0xFFFFFEF7, lr;
	s5 =	simm.s32 $0xFFFFFFFF;
	p2 =	slt.u32 s8, $0xFFFFF086  }
0x1c: {  	p1 =	slt.u32 s9, $0xF7A;
	s5 =	simm.s32 @!p2 $0x0  }
0x1d: {  	s5 =	simm.s32 @p1 $0x1;
	p0 =	seq.s32 s7, s2  }
0x1e: {  	s7 =	smul.u32 @!p0 $0xF7A, s2;
	p2 =	seq.s32 @!p0 s5, $0x0  }
0x1f: {  	s9 =	smul.u32 $0xF7A, s1;
	s8 =	simm.s32 @!p0 $0x1BF5;
	p2 =	por !p2, p0  }
0x20: {  	[sflag:s8] =	ssyncset.s32 @!p0 $0xFFFFF086;
	s6 =	sadd.s32 @!p0 s3, s7;
	s7 =	simm.s32 @!p0 $0x108  }
0x21: {  	s3 =	sadd.s32 s3, s9;
	s6 =	sadd.s32 @!p0 $0x88, s6;
	s7 =	simm.s32 @p2 $0x1082  }
0x22: {  	[simem:s7], [sflag:s8] =	dma.local @!p0 [hbm:s6], $0xF7A  }
0x23: {  	s9 =	sor.u32 $0xD0000000, s2;
	s6 =	simm.s32 $0x108;
	_ =	swait.ge @!p0 [sflag:s8], $0x0  }
0x24: {  	s3 =	sadd.s32 $0x88, s3;
	s6 =	simm.s32 @!p1 $0x1082;
	[sflag:s4] =	ssyncset.s32 $0xFFFFF086  }
0x25: {  	[simem:s6], [sflag:s4] =	dma.local [hbm:s3], $0xF7A  }
0x26: {  	[smem:$0x3F8B] =	sst s1;
	(tag) =	ssettag s2;
	_ =	strace s9  }
0x27: {  	s1 =	sld [smem:$0x3F9B]  }
0x28: {  	s2 =	sld [smem:$0x3F9C]  }
0x29: {  	s4 =	sld [smem:$0x3F9E]  }
0x2a: {  	p0 =	seq.s32 s5, $0x0;
	s5 =	sld [smem:$0x3F9F]  }
0x2b: {  	s6 =	sld [smem:$0x3FA0]  }
0x2c: {  	s7 =	sld [smem:$0x3FA1]  }
0x2d: {  	s3 =	simm.s32 $0x108;
	s8 =	sld [smem:$0x3FA2]  }
0x2e: {  	s3 =	simm.s32 @!p0 $0x1082;
	s9 =	sld [smem:$0x3FA3]  }
0x2f: {  	lr =	sadd.s32 s0, s3;
	s0 =	sld [smem:$0x3F9A]  }
0x30: {  	s3 =	sld [smem:$0x3F9D]  }
0x31: {  	[smem:$0x3FA6] =	sst s10  }
0x32: {  	s10 =	sld [smem:$0x3FA4];
	_ =	sdelay $0x3  }
0x33: {  	p0 =	seq.s32 s10, $0x1;
	s10 =	sld [smem:$0x3FA6];
	_ =	sdelay $0x3  }
0x34: {  	[smem:$0x3FA6] =	sst s10  }
0x35: {  	s10 =	sld [smem:$0x3FA5];
	_ =	sdelay $0x3  }
0x36: {  	p1 =	seq.s32 s10, $0x1;
	s10 =	sld [smem:$0x3FA6];
	_ =	sdelay $0x3  }
0x37: {  	[smem:$0x3FA6] =	sst s10  }
0x38: {  	s10 =	sld [smem:$0x3FA7]  }
0x39: {  	_ = 	snop;
	(pc) =	sbr.ind lr, $3  }
0x3a: {  	_ = 	snop  }
0x3b: {  	_ = 	snop  }
0x3c: {  	p2 =	seq.s32 s10, $0x1;
	s10 =	sld [smem:$0x3FA6]  }
0x3d: {  	_ =	shalt  }
0x3e: {  	_ =	shalt  }
0x3f: {  	_ =	shalt  }
0x40: {  	_ =	shalt  }
0x41: {  	_ =	shalt  }
0x42: {  	_ =	shalt  }
0x43: {  	_ =	shalt  }
0x44: {  	_ =	shalt  }
0x45: {  	_ =	shalt  }
0x46: {  	_ =	shalt  }
0x47: {  	_ =	shalt  }
0x48: {  	_ =	shalt  }
0x49: {  	_ =	shalt  }
0x4a: {  	_ =	shalt  }
0x4b: {  	_ =	shalt  }
0x4c: {  	_ =	shalt  }
0x4d: {  	_ =	shalt  }
0x4e: {  	_ =	shalt  }
0x4f: {  	_ =	shalt  }
0x50: {  	_ =	shalt  }
0x51: {  	_ =	shalt  }
0x52: {  	_ =	shalt  }
0x53: {  	_ =	shalt  }
0x54: {  	_ =	shalt  }
0x55: {  	_ =	shalt  }
0x56: {  	_ =	shalt  }
0x57: {  	_ =	shalt  }
0x58: {  	_ =	shalt  }
0x59: {  	_ =	shalt  }
0x5a: {  	_ =	shalt  }
0x5b: {  	_ =	shalt  }
0x5c: {  	_ =	shalt  }
0x5d: {  	_ =	shalt  }
0x5e: {  	_ =	shalt  }
0x5f: {  	_ =	shalt  }
0x60: {  	_ =	shalt  }
0x61: {  	_ =	shalt  }
0x62: {  	_ =	shalt  }
0x63: {  	_ =	shalt  }
0x64: {  	_ =	shalt  }
0x65: {  	_ =	shalt  }
0x66: {  	_ =	shalt  }
0x67: {  	_ =	shalt  }
0x68: {  	_ =	shalt  }
0x69: {  	_ =	shalt  }
0x6a: {  	_ =	shalt  }
0x6b: {  	_ =	shalt  }
0x6c: {  	_ =	shalt  }
0x6d: {  	_ =	shalt  }
0x6e: {  	_ =	shalt  }
0x6f: {  	_ =	shalt  }
0x70: {  	_ =	shalt  }
0x71: {  	_ =	shalt  }
0x72: {  	_ =	shalt  }
0x73: {  	_ =	shalt  }
0x74: {  	_ =	shalt  }
0x75: {  	_ =	shalt  }
0x76: {  	_ =	shalt  }
0x77: {  	_ =	shalt  }
0x78: {  	_ =	shalt  }
0x79: {  	_ =	shalt  }
0x7a: {  	_ =	shalt  }
0x7b: {  	_ =	shalt  }
0x7c: {  	_ =	shalt  }
0x7d: {  	_ =	shalt  }
0x7e: {  	_ =	shalt  }
0x7f: {  	_ =	shalt  }
0x80: {  	_ =	shalt  }
0x81: {  	_ =	shalt  }
0x82: {  	_ =	shalt  }
0x83: {  	_ =	shalt  }
0x84: {  	_ =	shalt  }
0x85: {  	_ =	shalt  }
0x86: {  	_ =	shalt  }
0x87: {  	_ =	shalt  }
.Lfunc_end0:
.L_simem_size_0:
called_computation.7_lowered:
.L_overlay_start_0:
0x88: {  	s2 =	sld [smem:$0x3FD9]  }
0x89: {  	s3 =	sld [smem:$0x3FFE];
	_ =	sdelay $0x1  }
0x8a: {  	s1 =	srdreg.scid  }
0x8b: {  	s0 =	sand.u32 $0x1, s1  }
0x8c: {  	s16 =	sshll.u32 s0, $0xA;
	s2 =	sadd.s32 s3, s2  }
0x8d: {  	s2 =	sadd.s32 s2, s16  }
0x8e: {  	[smem:$0x3FB2] =	sst s2  }
0x8f: {  	_ = 	snop  }
0x90: {  	(tm) =	ssettm $0x1  }
0x91: {  	s17 =	sld [smem:$0x3FFB];
	_ =	sdelay $0x3  }
0x92: {  	_ =	strace s17  }
0x93: {  	s2 =	sld [smem:$0x3FFC];
	_ =	sdelay $0x3  }
0x94: {  	_ =	strace s2  }
0x95: {  	s2 =	sld [smem:$0x3FFD];
	_ =	sdelay $0x3  }
0x96: {  	_ =	strace s2  }
0x97: {  	_ =	strace $0x8FFFFFFF  }
0x98: {  	s18 =	sld [smem:$0x3FDB];
	_ =	sdelay $0x1  }
0x99: {  	s19 =	simm.s32 $_scs_section_size  }
0x9a: {  	s4 =	simm.s32 $_size__tile_overlayer_lowered;
	s5 =	simm.s32 $_tile_overlayer_lowered  }
0x9b: {  	s22 =	simm.s32 $0x1BFF;
	s21 =	sshll.u32 s5, $0x1;
	s2 =	sadd.s32 s19, s18  }
0x9c: {  	s6 =	simm.s32 $0x0;
	s20 =	sshll.u32 s4, $0x1;
	s4 =	sadd.s32 s21, s2  }
0x9d: {  	[timem:s6], [sflag:s22] =	dma.local [hbm:s4], s20  }
0x9e: {  	_ =	swait.ge [sflag:s22], s20  }
0x9f: {  	s3 =	ssub.s32 $0x0, s20;
	[sflag:s22] =	ssyncset.done $0x0  }
0xa0: {  	[sflag:s22] =	ssyncadd.s32 s3;
	_ =	sdelay $0x1  }
0xa1: {  	s23 =	simm.s32 $0x1B8B  }
0xa2: {  	_ =	swait.ge [sflag:s23], $0x1  }
0xa3: {  	[sflag:s23] =	ssyncset.done $0x0  }
0xa4: {  	s25 =	simm.s32 $0x1B8E;
	s24 =	sld [smem:$0x3FFE];
	[sflag:s23] =	ssyncadd.s32 $0xFFFFFFFF  }
0xa5: {  	s26 =	simm.s32 $execute0_lowered;
	[smem:$0x3FD2] =	sst s25  }
0xa6: {  	s4 =	sshll.u32 s26, $0x1;
	_ =	strace $0x8000005B;
	[dreg:$0x1] =	wrdreg $0xFFFFFFFF  }
0xa7: {  	s28 =	simm.s32 $_size_execute0_lowered;
	s2 =	sadd.s32 s2, s4;
	[dreg:$0x0] =	wrdreg $0x0  }
0xa8: {  	s4 =	sshll.u32 s28, $0x1;
	[dreg:$0x2] =	wrdreg s2  }
0xa9: {  	[dreg:$0x3] =	wrdreg s4  }
0xaa: {  	[dreg:$0x4] =	wrdreg $0xC0  }
0xab: {  	_ =	task [dreg:s6], $0x5FFFF  }
0xac: {  	[dreg:$0x1] =	wrdreg $0xFFFFFFFF  }
0xad: {  	[dreg:$0x0] =	wrdreg $0x60  }
0xae: {  	[dreg:$0x2] =	wrdreg s24  }
0xaf: {  	[dreg:$0x3] =	wrdreg $0x57F00  }
0xb0: {  	[dreg:$0x4] =	wrdreg $0x9  }
0xb1: {  	_ =	task.clear_ibuf [dreg:s6], $0x5FFFF;
	_ =	strace $0x9000005B  }
0xb2: {  	s29 =	simm.s32 $0x9;
	_ =	strace $0x8000005D  }
0xb3: {  	_ =	swait.ge [sflag:s29], $0x1  }
0xb4: {  	[sflag:s29] =	ssyncadd.s32 $0xFFFFFFFF  }
0xb5: {  	_ =	strace $0x9000005D  }
0xb6: {  	_ =	sfence  }
0xb7: {  	s30 =	sld [smem:$0x0];
	_ =	sdelay $0x2  }
0xb8: {  	s31 =	sshll.u32 s1, $0xD;
	s1 =	sshrl.u32 s1, $0x2  }
0xb9: {  	s3 =	sand.u32 $0x4000, s31;
	s1 =	sadd.s32 s1, s30  }
0xba: {  	s0 =	sor.u32 s3, s0;
	s1 =	sshll.u32 s1, $0x11  }
0xbb: {  	s0 =	sor.u32 s1, s0  }
0xbc: {  	s0 =	sadd.s32 $0x8F2B, s0  }
0xbd: {  	[sflag:s0] =	ssyncadd.remote.s32 $0x1  }
0xbe: {  	_ =	sfence.sel $0xFFFF  }
0xbf: {  	[dreg:$0x0] =	wrdreg $0xFFFFFFFF;
	(pc) =	sbr.abs _section_cstart, $3  }
0xc0: {  	[dreg:$0x1] =	wrdreg $0xFFFFFFFF  }
0xc1: {  	_ =	task.clear_ibuf [dreg:s6], $0x2FFFF;
	_ =	strace $0x9FFFFFFF  }
0xc2: {  	(tm) =	ssettm $0x7FFFFFFF  }
0xc3: {  	_ =	shalt  }
tec
execute0_lowered:
.L_overlay_start_1:
0x0: {  	(tag) =	ssettag $0x1  }
0x1: {  	s5 =	rddreg [dreg:$0x0]  }
0x2: {  	s2 =	rddreg [dreg:$0x1]  }
0x3: {  	s0 =	rddreg [dreg:$0x2]  }
0x4: {  	s3 =	simm.s32 $0x0;
	s1 =	stileid.u32;
	s7 =	srdreg.scid  }
0x5: {  	s15 =	simm.s32 $0x1;
	s16 =	simm.s32 $0x2A0;
	s17 =	simm.s32 $0x2DF0  }
0x6: {  	s18 =	simm.s32 $0x2;
	s19 =	simm.s32 $0x3;
	s6 =	smul.u32 $0x3100, s1  }
0x7: {  	s20 =	simm.s32 $0x0;
	[smem:$0x7FF] =	sst s3;
	s8 =	smul.u32 $0x62000, s1  }
0x8: {  	s4 =	sadd.s32 $0x4E00, s5;
	s7 =	sand.u32 $0x1, s7;
	s10 =	smul.u32 $0x52B00, s1  }
0x9: {  	s11 =	sadd.s32 $0xE800, s5;
	s13 =	smul.u32 $0x14AC0, s1;
	s14 =	sadd.s32 $0x2ED600, s5  }
0xa: {  	_ =	strace $0x8000005C;
	s9 =	ssub.s32 $0x2, s7;
	s24 =	smul.u32 $0xA560, s7  }
0xb: {  	s25 =	smul.u32 $0x29580, s7;
	s6 =	sadd.s32 s6, s5;
	s12 =	sshrl.u32 s9, $0x1  }
0xc: {  	s26 =	sshrl.u32 s8, $0x2;
	s28 =	sadd.s32 s10, s14;
	s23 =	ssub.s32 s9, s12  }
0xd: {  	s6 =	sadd.s32 $0x37E00, s6;
	s9 =	sadd.s32 s24, s13;
	s7 =	sadd.s32 s26, s2  }
0xe: {  	s8 =	sadd.s32 s25, s28;
	s12 =	simm.s32 $0x3F0;
	s13 =	simm.s32 $0x4  }
0xf: {  	s5 =	smax.u32 s23, $0x1;
	s29 =	sadd.s32 $0x150, s9;
	s9 =	sshrl.u32 s9, $0x3  }
0x10: {  	s30 =	sshll.u32 s29, $0x2;
	s31 =	sshrl.u32 s29, $0x3;
	s9 =	sadd.s32 s9, s11  }
0x11: {  	s10 =	sadd.s32 s30, s14;
	s11 =	sadd.s32 s31, s11;
	s14 =	simm.s32 $0x150  }
.LBB2_1:
0x12: {  	s21 =	sadd.s32 $0x0, s6  }
0x13: {  	[tilespmem:s12], [sflag:$0x4] =	stream.linear.gather [hbm4b:s21+s3], $0x1C00, $0x38;
	[tilespmem:$0x1DFF0] =	vst v63  }
0x14: {  	_ =	swait.ge [sflag:s13], $0x1C00  }
0x15: {  	[sflag:s13] =	ssyncset.done $0x0  }
0x16: {  	[sflag:s13] =	ssyncadd.s32 $0xFFFFE400  }
0x17: {  	[spmem:s7] =	stream.linear.scatter [tilespmem:s12], [sflag:$0x4], $0x1C00, $0x38;
	[tilespmem:$0x1DFF0] =	vst v63  }
0x18: {  	s22 =	simm.s32 $0x380;
	_ =	swait.ge [sflag:s13], $0x1C00  }
0x19: {  	s23 =	simm.s32 $0x700;
	s21 =	sadd.s32 $0x1C00, s7;
	[sflag:s13] =	ssyncset.done $0x0  }
.LBB2_2:
0x1a: {  	s24 =	sadd.s32 s22, s6  }
0x1b: {  	[sflag:s13] =	ssyncadd.s32 $0xFFFFE400;
	s22 =	smov.u32 s23;
	s25 =	sadd.s32 $0x380, s23  }
0x1c: {  	[tilespmem:s12], [sflag:$0x4] =	stream.linear.gather [hbm4b:s24+s3], $0x1C00, $0x38;
	[tilespmem:$0x1DFF0] =	vst v63  }
0x1d: {  	p0 =	sne.s32 s23, $0x2D80;
	_ =	swait.ge [sflag:s13], $0x1C00  }
.Ltmp0:
0x1e: {  	[sflag:s13] =	ssyncset.done $0x0;
	(pc) =	sbr.rel @p0 .LBB2_2-.Ltmp0, $4  }
0x1f: {  	[sflag:s13] =	ssyncadd.s32 $0xFFFFE400  }
0x20: {  	[spmem:s21] =	stream.linear.scatter [tilespmem:s12], [sflag:$0x4], $0x1C00, $0x38;
	[tilespmem:$0x1DFF0] =	vst v63  }
0x21: {  	_ =	swait.ge [sflag:s13], $0x1C00  }
0x22: {  	s23 =	smov.u32 s25;
	s21 =	sadd.s32 $0x1C00, s21;
	[sflag:s13] =	ssyncset.done $0x0  }
0x23: {  	s22 =	sadd.s32 s22, s6;
	[sflag:s13] =	ssyncadd.s32 $0xFFFFE400  }
0x24: {  	[tilespmem:s12], [sflag:$0x4] =	stream.linear.gather [hbm4b:s22+s3], $0x1C00, $0x38;
	[tilespmem:$0x1DFF0] =	vst v63  }
0x25: {  	_ =	swait.ge [sflag:s13], $0x1C00  }
0x26: {  	[sflag:s13] =	ssyncset.done $0x0  }
0x27: {  	[sflag:s13] =	ssyncadd.s32 $0xFFFFE400  }
0x28: {  	[spmem:s21] =	stream.linear.scatter [tilespmem:s12], [sflag:$0x4], $0x1C00, $0x38;
	[tilespmem:$0x1DFF0] =	vst v63  }
0x29: {  	_ =	swait.ge [sflag:s13], $0x1C00  }
0x2a: {  	[sflag:s13] =	ssyncset.done $0x0  }
0x2b: {  	[sflag:s13] =	ssyncadd.s32 $0xFFFFE400  }
0x2c: {  	s30 =	sadd.s32 $0x0, s9;
	[bflag:$0x0] =	sbarrier.arrive $0xFFFF  }
0x2d: {  	[tilespmem:s3], [sflag:$0x4] =	stream.linear.gather [hbm4b:s30+s3], $0x150, $0x38;
	[tilespmem:$0x1DFF0] =	vst v63  }
0x2e: {  	_ =	swait.ge [sflag:s13], $0x150  }
0x2f: {  	[sflag:s13] =	ssyncset.done $0x0  }
0x30: {  	[sflag:s13] =	ssyncadd.s32 $0xFFFFFEB0  }
0x31: {  	[tilespmem:s14], [sflag:$0x1] =	stream.indirect.gather [hbm4b:s4+s14], $0x1, s3, s14, $0xb8;
	[tilespmem:$0x1DFF0] =	vst v63  }
0x32: {  	_ =	swait.ge [sflag:s15], $0x150  }
0x33: {  	[sflag:s15] =	ssyncset.done $0x0  }
0x34: {  	[sflag:s15] =	ssyncadd.s32 $0xFFFFFEB0  }
0x35: {  	[tilespmem:s12], [sflag:$0x2] =	stream.indirect.gather [spmem:s2], $0x20, s14, s14, $0xb8;
	[tilespmem:$0x1DFF0] =	vst v63  }
0x36: {  	s31 =	sadd.s32 $0x0, s11  }
0x37: {  	[tilespmem:s3], [sflag:$0x4] =	stream.linear.gather [hbm4b:s31+s3], $0x150, $0x38;
	[tilespmem:$0x1DFF0] =	vst v63  }
0x38: {  	_ =	swait.ge [sflag:s13], $0x150  }
0x39: {  	[sflag:s13] =	ssyncset.done $0x0  }
0x3a: {  	[sflag:s13] =	ssyncadd.s32 $0xFFFFFEB0  }
0x3b: {  	[tilespmem:s16], [sflag:$0x1] =	stream.indirect.gather [hbm4b:s4+s14], $0x1, s3, s14, $0xb8;
	[tilespmem:$0x1DFF0] =	vst v63  }
0x3c: {  	_ =	swait.ge [sflag:s15], $0x150  }
0x3d: {  	[sflag:s15] =	ssyncset.done $0x0  }
0x3e: {  	[sflag:s15] =	ssyncadd.s32 $0xFFFFFEB0  }
0x3f: {  	[tilespmem:s17], [sflag:$0x3] =	stream.indirect.gather [spmem:s2], $0x20, s16, s14, $0xb8;
	[tilespmem:$0x1DFF0] =	vst v63  }
0x40: {  	_ =	swait.ge [sflag:s18], $0x2A00  }
0x41: {  	[sflag:s18] =	ssyncset.done $0x0  }
0x42: {  	[sflag:s18] =	ssyncadd.s32 $0xFFFFD600  }
0x43: {  	[hbm4b:s8+s3] =	stream.linear.scatter [tilespmem:s12], [sflag:$0x4], $0x2A00, $0x38;
	[tilespmem:$0x1DFF0] =	vst v63  }
0x44: {  	_ =	swait.ge [sflag:s13], $0x2A00  }
0x45: {  	[sflag:s13] =	ssyncset.done $0x0  }
0x46: {  	[sflag:s13] =	ssyncadd.s32 $0xFFFFD600  }
0x47: {  	_ =	swait.ge [sflag:s19], $0x2A00  }
0x48: {  	[sflag:s19] =	ssyncset.done $0x0  }
0x49: {  	[sflag:s19] =	ssyncadd.s32 $0xFFFFD600  }
0x4a: {  	[hbm4b:s10+s3] =	stream.linear.scatter [tilespmem:s17], [sflag:$0x4], $0x2A00, $0x38;
	[tilespmem:$0x1DFF0] =	vst v63  }
0x4b: {  	s23 =	simm.s32 $0x54;
	s25 =	simm.s32 $0xA8;
	_ =	swait.ge [sflag:s13], $0x2A00  }
0x4c: {  	s22 =	sadd.s32 $0xA80, s8;
	s21 =	sadd.s32 $0xA80, s10;
	[sflag:s13] =	ssyncset.done $0x0  }
.LBB2_4:
0x4d: {  	s26 =	sadd.s32 s23, s9  }
0x4e: {  	[sflag:s13] =	ssyncadd.s32 $0xFFFFD600;
	s28 =	smov.u32 s25;
	s24 =	sadd.s32 $0x54, s25  }
0x4f: {  	[tilespmem:s3], [sflag:$0x4] =	stream.linear.gather [hbm4b:s26+s3], $0x150, $0x38;
	[tilespmem:$0x1DFF0] =	vst v63  }
0x50: {  	p0 =	sne.s32 s25, $0x1458;
	_ =	swait.ge [sflag:s13], $0x150  }
0x51: {  	[sflag:s13] =	ssyncset.done $0x0  }
0x52: {  	[sflag:s13] =	ssyncadd.s32 $0xFFFFFEB0  }
0x53: {  	[tilespmem:s14], [sflag:$0x1] =	stream.indirect.gather [hbm4b:s4+s14], $0x1, s3, s14, $0xb8;
	[tilespmem:$0x1DFF0] =	vst v63  }
0x54: {  	_ =	swait.ge [sflag:s15], $0x150  }
0x55: {  	[sflag:s15] =	ssyncset.done $0x0  }
0x56: {  	[sflag:s15] =	ssyncadd.s32 $0xFFFFFEB0  }
0x57: {  	[tilespmem:s12], [sflag:$0x2] =	stream.indirect.gather [spmem:s2], $0x20, s14, s14, $0xb8;
	[tilespmem:$0x1DFF0] =	vst v63  }
0x58: {  	s25 =	sadd.s32 s23, s11;
	s23 =	smov.u32 s28  }
0x59: {  	[tilespmem:s3], [sflag:$0x4] =	stream.linear.gather [hbm4b:s25+s3], $0x150, $0x38;
	[tilespmem:$0x1DFF0] =	vst v63  }
0x5a: {  	_ =	swait.ge [sflag:s13], $0x150  }
0x5b: {  	[sflag:s13] =	ssyncset.done $0x0  }
0x5c: {  	[sflag:s13] =	ssyncadd.s32 $0xFFFFFEB0  }
0x5d: {  	[tilespmem:s16], [sflag:$0x1] =	stream.indirect.gather [hbm4b:s4+s14], $0x1, s3, s14, $0xb8;
	[tilespmem:$0x1DFF0] =	vst v63  }
0x5e: {  	_ =	swait.ge [sflag:s15], $0x150  }
0x5f: {  	[sflag:s15] =	ssyncset.done $0x0  }
0x60: {  	[sflag:s15] =	ssyncadd.s32 $0xFFFFFEB0  }
0x61: {  	[tilespmem:s17], [sflag:$0x3] =	stream.indirect.gather [spmem:s2], $0x20, s16, s14, $0xb8;
	[tilespmem:$0x1DFF0] =	vst v63  }
0x62: {  	_ =	swait.ge [sflag:s18], $0x2A00  }
0x63: {  	[sflag:s18] =	ssyncset.done $0x0  }
0x64: {  	[sflag:s18] =	ssyncadd.s32 $0xFFFFD600  }
0x65: {  	[hbm4b:s22+s3] =	stream.linear.scatter [tilespmem:s12], [sflag:$0x4], $0x2A00, $0x38;
	[tilespmem:$0x1DFF0] =	vst v63  }
0x66: {  	_ =	swait.ge [sflag:s13], $0x2A00  }
0x67: {  	[sflag:s13] =	ssyncset.done $0x0  }
0x68: {  	[sflag:s13] =	ssyncadd.s32 $0xFFFFD600  }
0x69: {  	_ =	swait.ge [sflag:s19], $0x2A00  }
.Ltmp1:
0x6a: {  	[sflag:s19] =	ssyncset.done $0x0;
	(pc) =	sbr.rel @p0 .LBB2_4-.Ltmp1, $4  }
0x6b: {  	[sflag:s19] =	ssyncadd.s32 $0xFFFFD600  }
0x6c: {  	[hbm4b:s21+s3] =	stream.linear.scatter [tilespmem:s17], [sflag:$0x4], $0x2A00, $0x38;
	[tilespmem:$0x1DFF0] =	vst v63  }
0x6d: {  	s25 =	smov.u32 s24;
	_ =	swait.ge [sflag:s13], $0x2A00  }
0x6e: {  	s22 =	sadd.s32 $0xA80, s22;
	s21 =	sadd.s32 $0xA80, s21;
	[sflag:s13] =	ssyncset.done $0x0  }
0x6f: {  	s24 =	sadd.s32 s23, s9;
	[sflag:s13] =	ssyncadd.s32 $0xFFFFD600  }
0x70: {  	[tilespmem:s3], [sflag:$0x4] =	stream.linear.gather [hbm4b:s24+s3], $0x150, $0x38;
	[tilespmem:$0x1DFF0] =	vst v63  }
0x71: {  	_ =	swait.ge [sflag:s13], $0x150  }
0x72: {  	[sflag:s13] =	ssyncset.done $0x0  }
0x73: {  	[sflag:s13] =	ssyncadd.s32 $0xFFFFFEB0  }
0x74: {  	[tilespmem:s14], [sflag:$0x1] =	stream.indirect.gather [hbm4b:s4+s14], $0x1, s3, s14, $0xb8;
	[tilespmem:$0x1DFF0] =	vst v63  }
0x75: {  	_ =	swait.ge [sflag:s15], $0x150  }
0x76: {  	[sflag:s15] =	ssyncset.done $0x0  }
0x77: {  	[sflag:s15] =	ssyncadd.s32 $0xFFFFFEB0  }
0x78: {  	[tilespmem:s12], [sflag:$0x2] =	stream.indirect.gather [spmem:s2], $0x20, s14, s14, $0xb8;
	[tilespmem:$0x1DFF0] =	vst v63  }
0x79: {  	s31 =	sadd.s32 s23, s11  }
0x7a: {  	[tilespmem:s3], [sflag:$0x4] =	stream.linear.gather [hbm4b:s31+s3], $0x150, $0x38;
	[tilespmem:$0x1DFF0] =	vst v63  }
0x7b: {  	_ =	swait.ge [sflag:s13], $0x150  }
0x7c: {  	[sflag:s13] =	ssyncset.done $0x0  }
0x7d: {  	[sflag:s13] =	ssyncadd.s32 $0xFFFFFEB0  }
0x7e: {  	[tilespmem:s16], [sflag:$0x1] =	stream.indirect.gather [hbm4b:s4+s14], $0x1, s3, s14, $0xb8;
	[tilespmem:$0x1DFF0] =	vst v63  }
0x7f: {  	_ =	swait.ge [sflag:s15], $0x150  }
0x80: {  	[sflag:s15] =	ssyncset.done $0x0  }
0x81: {  	[sflag:s15] =	ssyncadd.s32 $0xFFFFFEB0  }
0x82: {  	[tilespmem:s17], [sflag:$0x3] =	stream.indirect.gather [spmem:s2], $0x20, s16, s14, $0xb8;
	[tilespmem:$0x1DFF0] =	vst v63  }
0x83: {  	_ =	swait.ge [sflag:s18], $0x2A00  }
0x84: {  	[sflag:s18] =	ssyncset.done $0x0  }
0x85: {  	[sflag:s18] =	ssyncadd.s32 $0xFFFFD600  }
0x86: {  	[hbm4b:s22+s3] =	stream.linear.scatter [tilespmem:s12], [sflag:$0x4], $0x2A00, $0x38;
	[tilespmem:$0x1DFF0] =	vst v63  }
0x87: {  	_ =	swait.ge [sflag:s13], $0x2A00  }
0x88: {  	[sflag:s13] =	ssyncset.done $0x0  }
0x89: {  	[sflag:s13] =	ssyncadd.s32 $0xFFFFD600  }
0x8a: {  	s20 =	sadd.s32 $0x1, s20;
	_ =	swait.ge [sflag:s19], $0x2A00  }
0x8b: {  	p0 =	sne.s32 s20, s5;
	[sflag:s19] =	ssyncset.done $0x0  }
.Ltmp2:
0x8c: {  	[sflag:s19] =	ssyncadd.s32 $0xFFFFD600;
	(pc) =	sbr.rel @p0 .LBB2_1-.Ltmp2, $4  }
0x8d: {  	[hbm4b:s21+s3] =	stream.linear.scatter [tilespmem:s17], [sflag:$0x4], $0x2A00, $0x38;
	[tilespmem:$0x1DFF0] =	vst v63  }
0x8e: {  	_ =	swait.ge [sflag:s13], $0x2A00  }
0x8f: {  	[sflag:s13] =	ssyncset.done $0x0  }
0x90: {  	[sflag:s13] =	ssyncadd.s32 $0xFFFFD600  }
0x91: {  	_ =	sfence.sel $0x180000  }
0x92: {  	[bflag:$0x0] =	sbarrier.arrive $0xFFFF  }
0x93: {  	p0 =	sne.s32 s1, $0x0;
	_ =	strace $0x9000005C  }
0x94: {  	s0 =	sadd.s32 @!p0 $0x100000, s0;
	[bflag:$0x2] =	sbarrier.arrive $0xFFFF  }
0x95: {  	[sflag:s0] =	ssyncadd.tile.s32 @!p0 $0x1;
	_ =	shalt  }
.Lfunc_end2:
_tile_overlayer_lowered:
.L_overlay_start_2:
0x96: {  	(tag) =	ssettag $0x2  }
0x97: {  	s0 =	rddreg [dreg:$0x0];
	s2 =	stileid.u32  }
0x98: {  	s1 =	rddreg [dreg:$0x1];
	p0 =	sne.s32 s2, $0x0  }
0x99: {  	s3 =	rddreg [dreg:$0x2];
	[bflag:$0x3] =	sbarrier.arrive $0xFFFF;
	s2 =	simm.s32 @!p0 $0x1C04  }
0x9a: {  	[timem:s3], [sflag:s2] =	dma.local @!p0 [hbm:s0], s1  }
0x9b: {  	s0 =	simm.s32 @!p0 $0x4  }
0x9c: {  	_ =	swait.ge @!p0 [sflag:s0], s1  }
0x9d: {  	s1 =	ssub.s32 @!p0 $0x0, s1;
	[sflag:s0] =	ssyncset.done @!p0 $0x0  }
0x9e: {  	[sflag:s0] =	ssyncadd.s32 @!p0 s1  }
0x9f: {  	[bflag:$0x3] =	sbarrier.arrive $0xFFFF  }
0xa0: {  	_ =	shalt  }

// kernel: sc_double_gather_w32_sp.6.cloned.1.call-start
scs
__scs_entry_jumppad:
0x0: {  	(pc) =	sbr.rel $0x88, $3  }
0x1: {  	(tag) =	ssettag $0x0;
	lr =	simm.s32 $0x1  }
0x2: {  	[smem:$0x3F8B] =	sst lr;
	_ =	strace $0xD0000000  }
0x3: {  	_ = 	snop  }
0x4: {  	_ = 	snop  }
0x5: {  	_ = 	snop  }
0x6: {  	_ = 	snop  }
0x7: {  	_ = 	snop  }
__scs_overlays_trampoline_lowered:
0x8: {  	[smem:$0x3F9A] =	sst s0  }
0x9: {  	[smem:$0x3F9B] =	sst s1  }
0xa: {  	[smem:$0x3F9C] =	sst s2  }
0xb: {  	[smem:$0x3F9D] =	sst s3  }
0xc: {  	[smem:$0x3F9E] =	sst s4  }
0xd: {  	[smem:$0x3F9F] =	sst s5  }
0xe: {  	[smem:$0x3FA0] =	sst s6  }
0xf: {  	[smem:$0x3FA1] =	sst s7  }
0x10: {  	[smem:$0x3FA2] =	sst s8  }
0x11: {  	[smem:$0x3FA3] =	sst s9;
	s0 =	simm.s32 @!p0 $0x0  }
0x12: {  	s1 =	sld [smem:$0x3F89];
	s0 =	simm.s32 @p0 $0x1  }
0x13: {  	[smem:$0x3FA4] =	sst s0;
	s0 =	simm.s32 @!p1 $0x0  }
0x14: {  	s2 =	sld [smem:$0x3F88];
	s0 =	simm.s32 @p1 $0x1  }
0x15: {  	[smem:$0x3FA5] =	sst s0;
	s0 =	simm.s32 @!p2 $0x0  }
0x16: {  	s3 =	sld [smem:$0x3FDB];
	s0 =	simm.s32 @p2 $0x1  }
0x17: {  	s4 =	simm.s32 $0x1BF5;
	[smem:$0x3FA7] =	sst s0  }
0x18: {  	s0 =	sld [smem:$0x3F8A];
	_ =	swait.ge [sflag:s4], $0x0  }
0x19: {  	s7 =	sld [smem:$0x3F8B]  }
0x1a: {  	s8 =	sadd.s32 $0xFFFFE003, lr  }
0x1b: {  	s9 =	sadd.s32 $0xFFFFFEF7, lr;
	s5 =	simm.s32 $0xFFFFFFFF;
	p2 =	slt.u32 s8, $0xFFFFF086  }
0x1c: {  	p1 =	slt.u32 s9, $0xF7A;
	s5 =	simm.s32 @!p2 $0x0  }
0x1d: {  	s5 =	simm.s32 @p1 $0x1;
	p0 =	seq.s32 s7, s2  }
0x1e: {  	s7 =	smul.u32 @!p0 $0xF7A, s2;
	p2 =	seq.s32 @!p0 s5, $0x0  }
0x1f: {  	s9 =	smul.u32 $0xF7A, s1;
	s8 =	simm.s32 @!p0 $0x1BF5;
	p2 =	por !p2, p0  }
0x20: {  	[sflag:s8] =	ssyncset.s32 @!p0 $0xFFFFF086;
	s6 =	sadd.s32 @!p0 s3, s7;
	s7 =	simm.s32 @!p0 $0x108  }
0x21: {  	s3 =	sadd.s32 s3, s9;
	s6 =	sadd.s32 @!p0 $0x88, s6;
	s7 =	simm.s32 @p2 $0x1082  }
0x22: {  	[simem:s7], [sflag:s8] =	dma.local @!p0 [hbm:s6], $0xF7A  }
0x23: {  	s9 =	sor.u32 $0xD0000000, s2;
	s6 =	simm.s32 $0x108;
	_ =	swait.ge @!p0 [sflag:s8], $0x0  }
0x24: {  	s3 =	sadd.s32 $0x88, s3;
	s6 =	simm.s32 @!p1 $0x1082;
	[sflag:s4] =	ssyncset.s32 $0xFFFFF086  }
0x25: {  	[simem:s6], [sflag:s4] =	dma.local [hbm:s3], $0xF7A  }
0x26: {  	[smem:$0x3F8B] =	sst s1;
	(tag) =	ssettag s2;
	_ =	strace s9  }
0x27: {  	s1 =	sld [smem:$0x3F9B]  }
0x28: {  	s2 =	sld [smem:$0x3F9C]  }
0x29: {  	s4 =	sld [smem:$0x3F9E]  }
0x2a: {  	p0 =	seq.s32 s5, $0x0;
	s5 =	sld [smem:$0x3F9F]  }
0x2b: {  	s6 =	sld [smem:$0x3FA0]  }
0x2c: {  	s7 =	sld [smem:$0x3FA1]  }
0x2d: {  	s3 =	simm.s32 $0x108;
	s8 =	sld [smem:$0x3FA2]  }
0x2e: {  	s3 =	simm.s32 @!p0 $0x1082;
	s9 =	sld [smem:$0x3FA3]  }
0x2f: {  	lr =	sadd.s32 s0, s3;
	s0 =	sld [smem:$0x3F9A]  }
0x30: {  	s3 =	sld [smem:$0x3F9D]  }
0x31: {  	[smem:$0x3FA6] =	sst s10  }
0x32: {  	s10 =	sld [smem:$0x3FA4];
	_ =	sdelay $0x3  }
0x33: {  	p0 =	seq.s32 s10, $0x1;
	s10 =	sld [smem:$0x3FA6];
	_ =	sdelay $0x3  }
0x34: {  	[smem:$0x3FA6] =	sst s10  }
0x35: {  	s10 =	sld [smem:$0x3FA5];
	_ =	sdelay $0x3  }
0x36: {  	p1 =	seq.s32 s10, $0x1;
	s10 =	sld [smem:$0x3FA6];
	_ =	sdelay $0x3  }
0x37: {  	[smem:$0x3FA6] =	sst s10  }
0x38: {  	s10 =	sld [smem:$0x3FA7]  }
0x39: {  	_ = 	snop;
	(pc) =	sbr.ind lr, $3  }
0x3a: {  	_ = 	snop  }
0x3b: {  	_ = 	snop  }
0x3c: {  	p2 =	seq.s32 s10, $0x1;
	s10 =	sld [smem:$0x3FA6]  }
0x3d: {  	_ =	shalt  }
0x3e: {  	_ =	shalt  }
0x3f: {  	_ =	shalt  }
0x40: {  	_ =	shalt  }
0x41: {  	_ =	shalt  }
0x42: {  	_ =	shalt  }
0x43: {  	_ =	shalt  }
0x44: {  	_ =	shalt  }
0x45: {  	_ =	shalt  }
0x46: {  	_ =	shalt  }
0x47: {  	_ =	shalt  }
0x48: {  	_ =	shalt  }
0x49: {  	_ =	shalt  }
0x4a: {  	_ =	shalt  }
0x4b: {  	_ =	shalt  }
0x4c: {  	_ =	shalt  }
0x4d: {  	_ =	shalt  }
0x4e: {  	_ =	shalt  }
0x4f: {  	_ =	shalt  }
0x50: {  	_ =	shalt  }
0x51: {  	_ =	shalt  }
0x52: {  	_ =	shalt  }
0x53: {  	_ =	shalt  }
0x54: {  	_ =	shalt  }
0x55: {  	_ =	shalt  }
0x56: {  	_ =	shalt  }
0x57: {  	_ =	shalt  }
0x58: {  	_ =	shalt  }
0x59: {  	_ =	shalt  }
0x5a: {  	_ =	shalt  }
0x5b: {  	_ =	shalt  }
0x5c: {  	_ =	shalt  }
0x5d: {  	_ =	shalt  }
0x5e: {  	_ =	shalt  }
0x5f: {  	_ =	shalt  }
0x60: {  	_ =	shalt  }
0x61: {  	_ =	shalt  }
0x62: {  	_ =	shalt  }
0x63: {  	_ =	shalt  }
0x64: {  	_ =	shalt  }
0x65: {  	_ =	shalt  }
0x66: {  	_ =	shalt  }
0x67: {  	_ =	shalt  }
0x68: {  	_ =	shalt  }
0x69: {  	_ =	shalt  }
0x6a: {  	_ =	shalt  }
0x6b: {  	_ =	shalt  }
0x6c: {  	_ =	shalt  }
0x6d: {  	_ =	shalt  }
0x6e: {  	_ =	shalt  }
0x6f: {  	_ =	shalt  }
0x70: {  	_ =	shalt  }
0x71: {  	_ =	shalt  }
0x72: {  	_ =	shalt  }
0x73: {  	_ =	shalt  }
0x74: {  	_ =	shalt  }
0x75: {  	_ =	shalt  }
0x76: {  	_ =	shalt  }
0x77: {  	_ =	shalt  }
0x78: {  	_ =	shalt  }
0x79: {  	_ =	shalt  }
0x7a: {  	_ =	shalt  }
0x7b: {  	_ =	shalt  }
0x7c: {  	_ =	shalt  }
0x7d: {  	_ =	shalt  }
0x7e: {  	_ =	shalt  }
0x7f: {  	_ =	shalt  }
0x80: {  	_ =	shalt  }
0x81: {  	_ =	shalt  }
0x82: {  	_ =	shalt  }
0x83: {  	_ =	shalt  }
0x84: {  	_ =	shalt  }
0x85: {  	_ =	shalt  }
0x86: {  	_ =	shalt  }
0x87: {  	_ =	shalt  }
.Lfunc_end0:
.L_simem_size_0:
called_computation.3_lowered:
.L_overlay_start_0:
0x88: {  	s2 =	sld [smem:$0x3FD9]  }
0x89: {  	s3 =	sld [smem:$0x3FFE];
	_ =	sdelay $0x1  }
0x8a: {  	s1 =	srdreg.scid  }
0x8b: {  	s0 =	sand.u32 $0x1, s1  }
0x8c: {  	s17 =	sshll.u32 s0, $0xA;
	s2 =	sadd.s32 s3, s2  }
0x8d: {  	s2 =	sadd.s32 s2, s17  }
0x8e: {  	[smem:$0x3FB2] =	sst s2  }
0x8f: {  	_ = 	snop  }
0x90: {  	(tm) =	ssettm $0x1  }
0x91: {  	s18 =	sld [smem:$0x3FFB];
	_ =	sdelay $0x3  }
0x92: {  	_ =	strace s18  }
0x93: {  	s2 =	sld [smem:$0x3FFC];
	_ =	sdelay $0x3  }
0x94: {  	_ =	strace s2  }
0x95: {  	s2 =	sld [smem:$0x3FFD];
	_ =	sdelay $0x3  }
0x96: {  	_ =	strace s2  }
0x97: {  	_ =	strace $0x8FFFFFFF  }
0x98: {  	s19 =	sld [smem:$0x3FDB];
	_ =	sdelay $0x1  }
0x99: {  	s20 =	simm.s32 $_scs_section_size  }
0x9a: {  	s4 =	simm.s32 $_size__tile_overlayer_lowered;
	s5 =	simm.s32 $_tile_overlayer_lowered  }
0x9b: {  	s6 =	simm.s32 $0x1BFF;
	s21 =	sshll.u32 s5, $0x1;
	s3 =	sadd.s32 s20, s19  }
0x9c: {  	s22 =	simm.s32 $0x0;
	s4 =	sshll.u32 s4, $0x1;
	s5 =	sadd.s32 s21, s3  }
0x9d: {  	[timem:s22], [sflag:s6] =	dma.local [hbm:s5], s4  }
0x9e: {  	_ =	swait.ge [sflag:s6], s4  }
0x9f: {  	s4 =	ssub.s32 $0x0, s4;
	[sflag:s6] =	ssyncset.done $0x0  }
0xa0: {  	[sflag:s6] =	ssyncadd.s32 s4;
	_ =	sdelay $0x1  }
0xa1: {  	s23 =	simm.s32 $0x1B8B  }
0xa2: {  	_ =	swait.ge [sflag:s23], $0x1  }
0xa3: {  	[sflag:s23] =	ssyncset.done $0x0  }
0xa4: {  	[sflag:s23] =	ssyncadd.s32 $0xFFFFFFFF  }
0xa5: {  	s4 =	sld [smem:$0x0]  }
0xa6: {  	s5 =	sand.u32 $0xFFFFFFFE, s1  }
0xa7: {  	p0 =	sne.s32 s1, s5  }
0xa8: {  	s5 =	sshll.u32 @p0 s5, $0xE  }
0xa9: {  	s5 =	sadd.s32 @p0 $0x11B8D, s5;
	s6 =	sshll.u32 @p0 s4, $0x11  }
0xaa: {  	s5 =	sor.u32 @p0 s6, s5  }
0xab: {  	[sflag:s5] =	ssyncadd.remote.s32 @p0 $0x1;
	_ =	sdelay $0x1  }
0xac: {  	s5 =	simm.s32 @p0 $0x1B8D  }
0xad: {  	_ =	swait.eq @p0 [sflag:s5], $0x1  }
0xae: {  	[sflag:s5] =	ssyncadd.s32 @p0 $0xFFFFFFFF  }
0xaf: {  	s6 =	sshll.u32 @!p0 s1, $0xE  }
0xb0: {  	s6 =	sor.u32 @!p0 $0x4000, s6;
	s5 =	simm.s32 @!p0 $0x1B8D  }
0xb1: {  	s4 =	sshll.u32 @!p0 s4, $0x11;
	s6 =	sadd.s32 @!p0 $0x11B8D, s6;
	_ =	swait.eq @!p0 [sflag:s5], $0x1  }
0xb2: {  	s4 =	sor.u32 @!p0 s4, s6;
	[sflag:s5] =	ssyncadd.s32 @!p0 $0xFFFFFFFF  }
0xb3: {  	s25 =	simm.s32 $0x1B8E;
	s24 =	sld [smem:$0x3FFE];
	[sflag:s4] =	ssyncadd.remote.s32 @!p0 $0x1  }
0xb4: {  	s26 =	simm.s32 $execute0_lowered;
	[smem:$0x3FD2] =	sst s25  }
0xb5: {  	s5 =	sshll.u32 s26, $0x1;
	_ =	strace $0x8000004C;
	[dreg:$0x1] =	wrdreg $0xFFFFFFFF  }
0xb6: {  	s28 =	simm.s32 $_size_execute0_lowered;
	s3 =	sadd.s32 s3, s5;
	[dreg:$0x0] =	wrdreg $0x0  }
0xb7: {  	s5 =	sshll.u32 s28, $0x1;
	[dreg:$0x2] =	wrdreg s3  }
0xb8: {  	[dreg:$0x3] =	wrdreg s5  }
0xb9: {  	[dreg:$0x4] =	wrdreg $0xC0  }
0xba: {  	_ =	task [dreg:s22], $0x5FFFF  }
0xbb: {  	[dreg:$0x1] =	wrdreg $0xFFFFFFFF  }
0xbc: {  	[dreg:$0x0] =	wrdreg $0x60  }
0xbd: {  	[dreg:$0x2] =	wrdreg s24  }
0xbe: {  	[dreg:$0x3] =	wrdreg $0x57F00  }
0xbf: {  	[dreg:$0x4] =	wrdreg $0xA  }
0xc0: {  	_ =	task.clear_ibuf [dreg:s22], $0x5FFFF;
	_ =	strace $0x9000004C  }
0xc1: {  	s29 =	simm.s32 $0xA;
	_ =	strace $0x8000004E  }
0xc2: {  	_ =	swait.ge [sflag:s29], $0x1  }
0xc3: {  	[sflag:s29] =	ssyncadd.s32 $0xFFFFFFFF  }
0xc4: {  	_ =	strace $0x9000004E  }
0xc5: {  	_ =	sfence  }
0xc6: {  	s30 =	sld [smem:$0x0];
	_ =	sdelay $0x2  }
0xc7: {  	s31 =	sshll.u32 s1, $0xD;
	s1 =	sshrl.u32 s1, $0x2  }
0xc8: {  	s4 =	sand.u32 $0x4000, s31;
	s1 =	sadd.s32 s1, s30  }
0xc9: {  	s0 =	sor.u32 s4, s0;
	s1 =	sshll.u32 s1, $0x11  }
0xca: {  	s0 =	sor.u32 s1, s0  }
0xcb: {  	s0 =	sadd.s32 $0x8F2B, s0  }
0xcc: {  	[sflag:s0] =	ssyncadd.remote.s32 $0x1  }
0xcd: {  	_ =	sfence.sel $0xFFFF  }
0xce: {  	[dreg:$0x0] =	wrdreg $0xFFFFFFFF;
	(pc) =	sbr.abs _section_cstart, $3  }
0xcf: {  	[dreg:$0x1] =	wrdreg $0xFFFFFFFF  }
0xd0: {  	_ =	task.clear_ibuf [dreg:s22], $0x2FFFF;
	_ =	strace $0x9FFFFFFF  }
0xd1: {  	(tm) =	ssettm $0x7FFFFFFF  }
tec
execute0_lowered:
.L_overlay_start_1:
0x0: {  	(tag) =	ssettag $0x1  }
0x1: {  	s5 =	rddreg [dreg:$0x0]  }
0x2: {  	s2 =	rddreg [dreg:$0x1]  }
0x3: {  	s0 =	rddreg [dreg:$0x2]  }
0x4: {  	s3 =	simm.s32 $0x0;
	s1 =	stileid.u32;
	s7 =	srdreg.scid  }
0x5: {  	s15 =	simm.s32 $0x1;
	s16 =	simm.s32 $0x2A0;
	s17 =	simm.s32 $0x2DF0  }
0x6: {  	s18 =	simm.s32 $0x2;
	s19 =	simm.s32 $0x3;
	s6 =	smul.u32 $0x3100, s1  }
0x7: {  	s20 =	simm.s32 $0x0;
	[smem:$0x7FF] =	sst s3;
	s8 =	smul.u32 $0x62000, s1  }
0x8: {  	s4 =	sadd.s32 $0x4E00, s5;
	s7 =	sand.u32 $0x1, s7;
	s10 =	smul.u32 $0x52B00, s1  }
0x9: {  	s11 =	sadd.s32 $0xE800, s5;
	s13 =	smul.u32 $0x14AC0, s1;
	s14 =	sadd.s32 $0x70E00, s5  }
0xa: {  	_ =	strace $0x8000004D;
	s9 =	ssub.s32 $0x2, s7;
	s24 =	smul.u32 $0xA560, s7  }
0xb: {  	s25 =	smul.u32 $0x29580, s7;
	s6 =	sadd.s32 s6, s5;
	s12 =	sshrl.u32 s9, $0x1  }
0xc: {  	s26 =	sshrl.u32 s8, $0x2;
	s28 =	sadd.s32 s10, s14;
	s23 =	ssub.s32 s9, s12  }
0xd: {  	s6 =	sadd.s32 $0x37E00, s6;
	s9 =	sadd.s32 s24, s13;
	s7 =	sadd.s32 s26, s2  }
0xe: {  	s8 =	sadd.s32 s25, s28;
	s12 =	simm.s32 $0x3F0;
	s13 =	simm.s32 $0x4  }
0xf: {  	s5 =	smax.u32 s23, $0x1;
	s29 =	sadd.s32 $0x150, s9;
	s9 =	sshrl.u32 s9, $0x3  }
0x10: {  	s30 =	sshll.u32 s29, $0x2;
	s31 =	sshrl.u32 s29, $0x3;
	s9 =	sadd.s32 s9, s11  }
0x11: {  	s10 =	sadd.s32 s30, s14;
	s11 =	sadd.s32 s31, s11;
	s14 =	simm.s32 $0x150  }
.LBB2_1:
0x12: {  	s21 =	sadd.s32 $0x0, s6  }
0x13: {  	[tilespmem:s12], [sflag:$0x4] =	stream.linear.gather [hbm4b:s21+s3], $0x1C00, $0x38;
	[tilespmem:$0x1DFF0] =	vst v63  }
0x14: {  	_ =	swait.ge [sflag:s13], $0x1C00  }
0x15: {  	[sflag:s13] =	ssyncset.done $0x0  }
0x16: {  	[sflag:s13] =	ssyncadd.s32 $0xFFFFE400  }
0x17: {  	[spmem:s7] =	stream.linear.scatter [tilespmem:s12], [sflag:$0x4], $0x1C00, $0x38;
	[tilespmem:$0x1DFF0] =	vst v63  }
0x18: {  	s22 =	simm.s32 $0x380;
	_ =	swait.ge [sflag:s13], $0x1C00  }
0x19: {  	s23 =	simm.s32 $0x700;
	s21 =	sadd.s32 $0x1C00, s7;
	[sflag:s13] =	ssyncset.done $0x0  }
.LBB2_2:
0x1a: {  	s24 =	sadd.s32 s22, s6  }
0x1b: {  	[sflag:s13] =	ssyncadd.s32 $0xFFFFE400;
	s22 =	smov.u32 s23;
	s25 =	sadd.s32 $0x380, s23  }
0x1c: {  	[tilespmem:s12], [sflag:$0x4] =	stream.linear.gather [hbm4b:s24+s3], $0x1C00, $0x38;
	[tilespmem:$0x1DFF0] =	vst v63  }
0x1d: {  	p0 =	sne.s32 s23, $0x2D80;
	_ =	swait.ge [sflag:s13], $0x1C00  }
.Ltmp0:
0x1e: {  	[sflag:s13] =	ssyncset.done $0x0;
	(pc) =	sbr.rel @p0 .LBB2_2-.Ltmp0, $4  }
0x1f: {  	[sflag:s13] =	ssyncadd.s32 $0xFFFFE400  }
0x20: {  	[spmem:s21] =	stream.linear.scatter [tilespmem:s12], [sflag:$0x4], $0x1C00, $0x38;
	[tilespmem:$0x1DFF0] =	vst v63  }
0x21: {  	_ =	swait.ge [sflag:s13], $0x1C00  }
0x22: {  	s23 =	smov.u32 s25;
	s21 =	sadd.s32 $0x1C00, s21;
	[sflag:s13] =	ssyncset.done $0x0  }
0x23: {  	s22 =	sadd.s32 s22, s6;
	[sflag:s13] =	ssyncadd.s32 $0xFFFFE400  }
0x24: {  	[tilespmem:s12], [sflag:$0x4] =	stream.linear.gather [hbm4b:s22+s3], $0x1C00, $0x38;
	[tilespmem:$0x1DFF0] =	vst v63  }
0x25: {  	_ =	swait.ge [sflag:s13], $0x1C00  }
0x26: {  	[sflag:s13] =	ssyncset.done $0x0  }
0x27: {  	[sflag:s13] =	ssyncadd.s32 $0xFFFFE400  }
0x28: {  	[spmem:s21] =	stream.linear.scatter [tilespmem:s12], [sflag:$0x4], $0x1C00, $0x38;
	[tilespmem:$0x1DFF0] =	vst v63  }
0x29: {  	_ =	swait.ge [sflag:s13], $0x1C00  }
0x2a: {  	[sflag:s13] =	ssyncset.done $0x0  }
0x2b: {  	[sflag:s13] =	ssyncadd.s32 $0xFFFFE400  }
0x2c: {  	s30 =	sadd.s32 $0x0, s9;
	[bflag:$0x0] =	sbarrier.arrive $0xFFFF  }
0x2d: {  	[tilespmem:s3], [sflag:$0x4] =	stream.linear.gather [hbm4b:s30+s3], $0x150, $0x38;
	[tilespmem:$0x1DFF0] =	vst v63  }
0x2e: {  	_ =	swait.ge [sflag:s13], $0x150  }
0x2f: {  	[sflag:s13] =	ssyncset.done $0x0  }
0x30: {  	[sflag:s13] =	ssyncadd.s32 $0xFFFFFEB0  }
0x31: {  	[tilespmem:s14], [sflag:$0x1] =	stream.indirect.gather [hbm4b:s4+s14], $0x1, s3, s14, $0xb8;
	[tilespmem:$0x1DFF0] =	vst v63  }
0x32: {  	_ =	swait.ge [sflag:s15], $0x150  }
0x33: {  	[sflag:s15] =	ssyncset.done $0x0  }
0x34: {  	[sflag:s15] =	ssyncadd.s32 $0xFFFFFEB0  }
0x35: {  	[tilespmem:s12], [sflag:$0x2] =	stream.indirect.gather [spmem:s2], $0x20, s14, s14, $0xb8;
	[tilespmem:$0x1DFF0] =	vst v63  }
0x36: {  	s31 =	sadd.s32 $0x0, s11  }
0x37: {  	[tilespmem:s3], [sflag:$0x4] =	stream.linear.gather [hbm4b:s31+s3], $0x150, $0x38;
	[tilespmem:$0x1DFF0] =	vst v63  }
0x38: {  	_ =	swait.ge [sflag:s13], $0x150  }
0x39: {  	[sflag:s13] =	ssyncset.done $0x0  }
0x3a: {  	[sflag:s13] =	ssyncadd.s32 $0xFFFFFEB0  }
0x3b: {  	[tilespmem:s16], [sflag:$0x1] =	stream.indirect.gather [hbm4b:s4+s14], $0x1, s3, s14, $0xb8;
	[tilespmem:$0x1DFF0] =	vst v63  }
0x3c: {  	_ =	swait.ge [sflag:s15], $0x150  }
0x3d: {  	[sflag:s15] =	ssyncset.done $0x0  }
0x3e: {  	[sflag:s15] =	ssyncadd.s32 $0xFFFFFEB0  }
0x3f: {  	[tilespmem:s17], [sflag:$0x3] =	stream.indirect.gather [spmem:s2], $0x20, s16, s14, $0xb8;
	[tilespmem:$0x1DFF0] =	vst v63  }
0x40: {  	_ =	swait.ge [sflag:s18], $0x2A00  }
0x41: {  	[sflag:s18] =	ssyncset.done $0x0  }
0x42: {  	[sflag:s18] =	ssyncadd.s32 $0xFFFFD600  }
0x43: {  	[hbm4b:s8+s3] =	stream.linear.scatter [tilespmem:s12], [sflag:$0x4], $0x2A00, $0x38;
	[tilespmem:$0x1DFF0] =	vst v63  }
0x44: {  	_ =	swait.ge [sflag:s13], $0x2A00  }
0x45: {  	[sflag:s13] =	ssyncset.done $0x0  }
0x46: {  	[sflag:s13] =	ssyncadd.s32 $0xFFFFD600  }
0x47: {  	_ =	swait.ge [sflag:s19], $0x2A00  }
0x48: {  	[sflag:s19] =	ssyncset.done $0x0  }
0x49: {  	[sflag:s19] =	ssyncadd.s32 $0xFFFFD600  }
0x4a: {  	[hbm4b:s10+s3] =	stream.linear.scatter [tilespmem:s17], [sflag:$0x4], $0x2A00, $0x38;
	[tilespmem:$0x1DFF0] =	vst v63  }
0x4b: {  	s23 =	simm.s32 $0x54;
	s25 =	simm.s32 $0xA8;
	_ =	swait.ge [sflag:s13], $0x2A00  }
0x4c: {  	s22 =	sadd.s32 $0xA80, s8;
	s21 =	sadd.s32 $0xA80, s10;
	[sflag:s13] =	ssyncset.done $0x0  }
.LBB2_4:
0x4d: {  	s26 =	sadd.s32 s23, s9  }
0x4e: {  	[sflag:s13] =	ssyncadd.s32 $0xFFFFD600;
	s28 =	smov.u32 s25;
	s24 =	sadd.s32 $0x54, s25  }
0x4f: {  	[tilespmem:s3], [sflag:$0x4] =	stream.linear.gather [hbm4b:s26+s3], $0x150, $0x38;
	[tilespmem:$0x1DFF0] =	vst v63  }
0x50: {  	p0 =	sne.s32 s25, $0x1458;
	_ =	swait.ge [sflag:s13], $0x150  }
0x51: {  	[sflag:s13] =	ssyncset.done $0x0  }
0x52: {  	[sflag:s13] =	ssyncadd.s32 $0xFFFFFEB0  }
0x53: {  	[tilespmem:s14], [sflag:$0x1] =	stream.indirect.gather [hbm4b:s4+s14], $0x1, s3, s14, $0xb8;
	[tilespmem:$0x1DFF0] =	vst v63  }
0x54: {  	_ =	swait.ge [sflag:s15], $0x150  }
0x55: {  	[sflag:s15] =	ssyncset.done $0x0  }
0x56: {  	[sflag:s15] =	ssyncadd.s32 $0xFFFFFEB0  }
0x57: {  	[tilespmem:s12], [sflag:$0x2] =	stream.indirect.gather [spmem:s2], $0x20, s14, s14, $0xb8;
	[tilespmem:$0x1DFF0] =	vst v63  }
0x58: {  	s25 =	sadd.s32 s23, s11;
	s23 =	smov.u32 s28  }
0x59: {  	[tilespmem:s3], [sflag:$0x4] =	stream.linear.gather [hbm4b:s25+s3], $0x150, $0x38;
	[tilespmem:$0x1DFF0] =	vst v63  }
0x5a: {  	_ =	swait.ge [sflag:s13], $0x150  }
0x5b: {  	[sflag:s13] =	ssyncset.done $0x0  }
0x5c: {  	[sflag:s13] =	ssyncadd.s32 $0xFFFFFEB0  }
0x5d: {  	[tilespmem:s16], [sflag:$0x1] =	stream.indirect.gather [hbm4b:s4+s14], $0x1, s3, s14, $0xb8;
	[tilespmem:$0x1DFF0] =	vst v63  }
0x5e: {  	_ =	swait.ge [sflag:s15], $0x150  }
0x5f: {  	[sflag:s15] =	ssyncset.done $0x0  }
0x60: {  	[sflag:s15] =	ssyncadd.s32 $0xFFFFFEB0  }
0x61: {  	[tilespmem:s17], [sflag:$0x3] =	stream.indirect.gather [spmem:s2], $0x20, s16, s14, $0xb8;
	[tilespmem:$0x1DFF0] =	vst v63  }
0x62: {  	_ =	swait.ge [sflag:s18], $0x2A00  }
0x63: {  	[sflag:s18] =	ssyncset.done $0x0  }
0x64: {  	[sflag:s18] =	ssyncadd.s32 $0xFFFFD600  }
0x65: {  	[hbm4b:s22+s3] =	stream.linear.scatter [tilespmem:s12], [sflag:$0x4], $0x2A00, $0x38;
	[tilespmem:$0x1DFF0] =	vst v63  }
0x66: {  	_ =	swait.ge [sflag:s13], $0x2A00  }
0x67: {  	[sflag:s13] =	ssyncset.done $0x0  }
0x68: {  	[sflag:s13] =	ssyncadd.s32 $0xFFFFD600  }
0x69: {  	_ =	swait.ge [sflag:s19], $0x2A00  }
.Ltmp1:
0x6a: {  	[sflag:s19] =	ssyncset.done $0x0;
	(pc) =	sbr.rel @p0 .LBB2_4-.Ltmp1, $4  }
0x6b: {  	[sflag:s19] =	ssyncadd.s32 $0xFFFFD600  }
0x6c: {  	[hbm4b:s21+s3] =	stream.linear.scatter [tilespmem:s17], [sflag:$0x4], $0x2A00, $0x38;
	[tilespmem:$0x1DFF0] =	vst v63  }
0x6d: {  	s25 =	smov.u32 s24;
	_ =	swait.ge [sflag:s13], $0x2A00  }
0x6e: {  	s22 =	sadd.s32 $0xA80, s22;
	s21 =	sadd.s32 $0xA80, s21;
	[sflag:s13] =	ssyncset.done $0x0  }
0x6f: {  	s24 =	sadd.s32 s23, s9;
	[sflag:s13] =	ssyncadd.s32 $0xFFFFD600  }
0x70: {  	[tilespmem:s3], [sflag:$0x4] =	stream.linear.gather [hbm4b:s24+s3], $0x150, $0x38;
	[tilespmem:$0x1DFF0] =	vst v63  }
0x71: {  	_ =	swait.ge [sflag:s13], $0x150  }
0x72: {  	[sflag:s13] =	ssyncset.done $0x0  }
0x73: {  	[sflag:s13] =	ssyncadd.s32 $0xFFFFFEB0  }
0x74: {  	[tilespmem:s14], [sflag:$0x1] =	stream.indirect.gather [hbm4b:s4+s14], $0x1, s3, s14, $0xb8;
	[tilespmem:$0x1DFF0] =	vst v63  }
0x75: {  	_ =	swait.ge [sflag:s15], $0x150  }
0x76: {  	[sflag:s15] =	ssyncset.done $0x0  }
0x77: {  	[sflag:s15] =	ssyncadd.s32 $0xFFFFFEB0  }
0x78: {  	[tilespmem:s12], [sflag:$0x2] =	stream.indirect.gather [spmem:s2], $0x20, s14, s14, $0xb8;
	[tilespmem:$0x1DFF0] =	vst v63  }
0x79: {  	s31 =	sadd.s32 s23, s11  }
0x7a: {  	[tilespmem:s3], [sflag:$0x4] =	stream.linear.gather [hbm4b:s31+s3], $0x150, $0x38;
	[tilespmem:$0x1DFF0] =	vst v63  }
0x7b: {  	_ =	swait.ge [sflag:s13], $0x150  }
0x7c: {  	[sflag:s13] =	ssyncset.done $0x0  }
0x7d: {  	[sflag:s13] =	ssyncadd.s32 $0xFFFFFEB0  }
0x7e: {  	[tilespmem:s16], [sflag:$0x1] =	stream.indirect.gather [hbm4b:s4+s14], $0x1, s3, s14, $0xb8;
	[tilespmem:$0x1DFF0] =	vst v63  }
0x7f: {  	_ =	swait.ge [sflag:s15], $0x150  }
0x80: {  	[sflag:s15] =	ssyncset.done $0x0  }
0x81: {  	[sflag:s15] =	ssyncadd.s32 $0xFFFFFEB0  }
0x82: {  	[tilespmem:s17], [sflag:$0x3] =	stream.indirect.gather [spmem:s2], $0x20, s16, s14, $0xb8;
	[tilespmem:$0x1DFF0] =	vst v63  }
0x83: {  	_ =	swait.ge [sflag:s18], $0x2A00  }
0x84: {  	[sflag:s18] =	ssyncset.done $0x0  }
0x85: {  	[sflag:s18] =	ssyncadd.s32 $0xFFFFD600  }
0x86: {  	[hbm4b:s22+s3] =	stream.linear.scatter [tilespmem:s12], [sflag:$0x4], $0x2A00, $0x38;
	[tilespmem:$0x1DFF0] =	vst v63  }
0x87: {  	_ =	swait.ge [sflag:s13], $0x2A00  }
0x88: {  	[sflag:s13] =	ssyncset.done $0x0  }
0x89: {  	[sflag:s13] =	ssyncadd.s32 $0xFFFFD600  }
0x8a: {  	s20 =	sadd.s32 $0x1, s20;
	_ =	swait.ge [sflag:s19], $0x2A00  }
0x8b: {  	p0 =	sne.s32 s20, s5;
	[sflag:s19] =	ssyncset.done $0x0  }
.Ltmp2:
0x8c: {  	[sflag:s19] =	ssyncadd.s32 $0xFFFFD600;
	(pc) =	sbr.rel @p0 .LBB2_1-.Ltmp2, $4  }
0x8d: {  	[hbm4b:s21+s3] =	stream.linear.scatter [tilespmem:s17], [sflag:$0x4], $0x2A00, $0x38;
	[tilespmem:$0x1DFF0] =	vst v63  }
0x8e: {  	_ =	swait.ge [sflag:s13], $0x2A00  }
0x8f: {  	[sflag:s13] =	ssyncset.done $0x0  }
0x90: {  	[sflag:s13] =	ssyncadd.s32 $0xFFFFD600  }
0x91: {  	_ =	sfence.sel $0x180000  }
0x92: {  	[bflag:$0x0] =	sbarrier.arrive $0xFFFF  }
0x93: {  	p0 =	sne.s32 s1, $0x0;
	_ =	strace $0x9000004D  }
0x94: {  	s0 =	sadd.s32 @!p0 $0x100000, s0;
	[bflag:$0x2] =	sbarrier.arrive $0xFFFF  }
0x95: {  	[sflag:s0] =	ssyncadd.tile.s32 @!p0 $0x1;
	_ =	shalt  }
.Lfunc_end2:
_tile_overlayer_lowered:
.L_overlay_start_2:
0x96: {  	(tag) =	ssettag $0x2  }
0x97: {  	s0 =	rddreg [dreg:$0x0];
	s2 =	stileid.u32  }
0x98: {  	s1 =	rddreg [dreg:$0x1];
	p0 =	sne.s32 s2, $0x0  }
0x99: {  	s3 =	rddreg [dreg:$0x2];
	[bflag:$0x3] =	sbarrier.arrive $0xFFFF;
	s2 =	simm.s32 @!p0 $0x1C04  }
0x9a: {  	[timem:s3], [sflag:s2] =	dma.local @!p0 [hbm:s0], s1  }
0x9b: {  	s0 =	simm.s32 @!p0 $0x4  }
0x9c: {  	_ =	swait.ge @!p0 [sflag:s0], s1  }
0x9d: {  	s1 =	ssub.s32 @!p0 $0x0, s1;
	[sflag:s0] =	ssyncset.done @!p0 $0x0  }
0x9e: {  	[sflag:s0] =	ssyncadd.s32 @!p0 s1  }
0x9f: {  	[bflag:$0x3] =	sbarrier.arrive $0xFFFF  }
0xa0: {  	_ =	shalt  }

// kernel: sc_double_gather_w32_sp.9.cloned.1.call-start
scs
__scs_entry_jumppad:
0x0: {  	(pc) =	sbr.rel $0x88, $3  }
0x1: {  	(tag) =	ssettag $0x0;
	lr =	simm.s32 $0x1  }
0x2: {  	[smem:$0x3F8B] =	sst lr;
	_ =	strace $0xD0000000  }
0x3: {  	_ = 	snop  }
0x4: {  	_ = 	snop  }
0x5: {  	_ = 	snop  }
0x6: {  	_ = 	snop  }
0x7: {  	_ = 	snop  }
__scs_overlays_trampoline_lowered:
0x8: {  	[smem:$0x3F9A] =	sst s0  }
0x9: {  	[smem:$0x3F9B] =	sst s1  }
0xa: {  	[smem:$0x3F9C] =	sst s2  }
0xb: {  	[smem:$0x3F9D] =	sst s3  }
0xc: {  	[smem:$0x3F9E] =	sst s4  }
0xd: {  	[smem:$0x3F9F] =	sst s5  }
0xe: {  	[smem:$0x3FA0] =	sst s6  }
0xf: {  	[smem:$0x3FA1] =	sst s7  }
0x10: {  	[smem:$0x3FA2] =	sst s8  }
0x11: {  	[smem:$0x3FA3] =	sst s9;
	s0 =	simm.s32 @!p0 $0x0  }
0x12: {  	s1 =	sld [smem:$0x3F89];
	s0 =	simm.s32 @p0 $0x1  }
0x13: {  	[smem:$0x3FA4] =	sst s0;
	s0 =	simm.s32 @!p1 $0x0  }
0x14: {  	s2 =	sld [smem:$0x3F88];
	s0 =	simm.s32 @p1 $0x1  }
0x15: {  	[smem:$0x3FA5] =	sst s0;
	s0 =	simm.s32 @!p2 $0x0  }
0x16: {  	s3 =	sld [smem:$0x3FDB];
	s0 =	simm.s32 @p2 $0x1  }
0x17: {  	s4 =	simm.s32 $0x1BF5;
	[smem:$0x3FA7] =	sst s0  }
0x18: {  	s0 =	sld [smem:$0x3F8A];
	_ =	swait.ge [sflag:s4], $0x0  }
0x19: {  	s7 =	sld [smem:$0x3F8B]  }
0x1a: {  	s8 =	sadd.s32 $0xFFFFE003, lr  }
0x1b: {  	s9 =	sadd.s32 $0xFFFFFEF7, lr;
	s5 =	simm.s32 $0xFFFFFFFF;
	p2 =	slt.u32 s8, $0xFFFFF086  }
0x1c: {  	p1 =	slt.u32 s9, $0xF7A;
	s5 =	simm.s32 @!p2 $0x0  }
0x1d: {  	s5 =	simm.s32 @p1 $0x1;
	p0 =	seq.s32 s7, s2  }
0x1e: {  	s7 =	smul.u32 @!p0 $0xF7A, s2;
	p2 =	seq.s32 @!p0 s5, $0x0  }
0x1f: {  	s9 =	smul.u32 $0xF7A, s1;
	s8 =	simm.s32 @!p0 $0x1BF5;
	p2 =	por !p2, p0  }
0x20: {  	[sflag:s8] =	ssyncset.s32 @!p0 $0xFFFFF086;
	s6 =	sadd.s32 @!p0 s3, s7;
	s7 =	simm.s32 @!p0 $0x108  }
0x21: {  	s3 =	sadd.s32 s3, s9;
	s6 =	sadd.s32 @!p0 $0x88, s6;
	s7 =	simm.s32 @p2 $0x1082  }
0x22: {  	[simem:s7], [sflag:s8] =	dma.local @!p0 [hbm:s6], $0xF7A  }
0x23: {  	s9 =	sor.u32 $0xD0000000, s2;
	s6 =	simm.s32 $0x108;
	_ =	swait.ge @!p0 [sflag:s8], $0x0  }
0x24: {  	s3 =	sadd.s32 $0x88, s3;
	s6 =	simm.s32 @!p1 $0x1082;
	[sflag:s4] =	ssyncset.s32 $0xFFFFF086  }
0x25: {  	[simem:s6], [sflag:s4] =	dma.local [hbm:s3], $0xF7A  }
0x26: {  	[smem:$0x3F8B] =	sst s1;
	(tag) =	ssettag s2;
	_ =	strace s9  }
0x27: {  	s1 =	sld [smem:$0x3F9B]  }
0x28: {  	s2 =	sld [smem:$0x3F9C]  }
0x29: {  	s4 =	sld [smem:$0x3F9E]  }
0x2a: {  	p0 =	seq.s32 s5, $0x0;
	s5 =	sld [smem:$0x3F9F]  }
0x2b: {  	s6 =	sld [smem:$0x3FA0]  }
0x2c: {  	s7 =	sld [smem:$0x3FA1]  }
0x2d: {  	s3 =	simm.s32 $0x108;
	s8 =	sld [smem:$0x3FA2]  }
0x2e: {  	s3 =	simm.s32 @!p0 $0x1082;
	s9 =	sld [smem:$0x3FA3]  }
0x2f: {  	lr =	sadd.s32 s0, s3;
	s0 =	sld [smem:$0x3F9A]  }
0x30: {  	s3 =	sld [smem:$0x3F9D]  }
0x31: {  	[smem:$0x3FA6] =	sst s10  }
0x32: {  	s10 =	sld [smem:$0x3FA4];
	_ =	sdelay $0x3  }
0x33: {  	p0 =	seq.s32 s10, $0x1;
	s10 =	sld [smem:$0x3FA6];
	_ =	sdelay $0x3  }
0x34: {  	[smem:$0x3FA6] =	sst s10  }
0x35: {  	s10 =	sld [smem:$0x3FA5];
	_ =	sdelay $0x3  }
0x36: {  	p1 =	seq.s32 s10, $0x1;
	s10 =	sld [smem:$0x3FA6];
	_ =	sdelay $0x3  }
0x37: {  	[smem:$0x3FA6] =	sst s10  }
0x38: {  	s10 =	sld [smem:$0x3FA7]  }
0x39: {  	_ = 	snop;
	(pc) =	sbr.ind lr, $3  }
0x3a: {  	_ = 	snop  }
0x3b: {  	_ = 	snop  }
0x3c: {  	p2 =	seq.s32 s10, $0x1;
	s10 =	sld [smem:$0x3FA6]  }
0x3d: {  	_ =	shalt  }
0x3e: {  	_ =	shalt  }
0x3f: {  	_ =	shalt  }
0x40: {  	_ =	shalt  }
0x41: {  	_ =	shalt  }
0x42: {  	_ =	shalt  }
0x43: {  	_ =	shalt  }
0x44: {  	_ =	shalt  }
0x45: {  	_ =	shalt  }
0x46: {  	_ =	shalt  }
0x47: {  	_ =	shalt  }
0x48: {  	_ =	shalt  }
0x49: {  	_ =	shalt  }
0x4a: {  	_ =	shalt  }
0x4b: {  	_ =	shalt  }
0x4c: {  	_ =	shalt  }
0x4d: {  	_ =	shalt  }
0x4e: {  	_ =	shalt  }
0x4f: {  	_ =	shalt  }
0x50: {  	_ =	shalt  }
0x51: {  	_ =	shalt  }
0x52: {  	_ =	shalt  }
0x53: {  	_ =	shalt  }
0x54: {  	_ =	shalt  }
0x55: {  	_ =	shalt  }
0x56: {  	_ =	shalt  }
0x57: {  	_ =	shalt  }
0x58: {  	_ =	shalt  }
0x59: {  	_ =	shalt  }
0x5a: {  	_ =	shalt  }
0x5b: {  	_ =	shalt  }
0x5c: {  	_ =	shalt  }
0x5d: {  	_ =	shalt  }
0x5e: {  	_ =	shalt  }
0x5f: {  	_ =	shalt  }
0x60: {  	_ =	shalt  }
0x61: {  	_ =	shalt  }
0x62: {  	_ =	shalt  }
0x63: {  	_ =	shalt  }
0x64: {  	_ =	shalt  }
0x65: {  	_ =	shalt  }
0x66: {  	_ =	shalt  }
0x67: {  	_ =	shalt  }
0x68: {  	_ =	shalt  }
0x69: {  	_ =	shalt  }
0x6a: {  	_ =	shalt  }
0x6b: {  	_ =	shalt  }
0x6c: {  	_ =	shalt  }
0x6d: {  	_ =	shalt  }
0x6e: {  	_ =	shalt  }
0x6f: {  	_ =	shalt  }
0x70: {  	_ =	shalt  }
0x71: {  	_ =	shalt  }
0x72: {  	_ =	shalt  }
0x73: {  	_ =	shalt  }
0x74: {  	_ =	shalt  }
0x75: {  	_ =	shalt  }
0x76: {  	_ =	shalt  }
0x77: {  	_ =	shalt  }
0x78: {  	_ =	shalt  }
0x79: {  	_ =	shalt  }
0x7a: {  	_ =	shalt  }
0x7b: {  	_ =	shalt  }
0x7c: {  	_ =	shalt  }
0x7d: {  	_ =	shalt  }
0x7e: {  	_ =	shalt  }
0x7f: {  	_ =	shalt  }
0x80: {  	_ =	shalt  }
0x81: {  	_ =	shalt  }
0x82: {  	_ =	shalt  }
0x83: {  	_ =	shalt  }
0x84: {  	_ =	shalt  }
0x85: {  	_ =	shalt  }
0x86: {  	_ =	shalt  }
0x87: {  	_ =	shalt  }
.Lfunc_end0:
.L_simem_size_0:
called_computation.4_lowered:
.L_overlay_start_0:
0x88: {  	s2 =	sld [smem:$0x3FD9]  }
0x89: {  	s3 =	sld [smem:$0x3FFE];
	_ =	sdelay $0x1  }
0x8a: {  	s1 =	srdreg.scid  }
0x8b: {  	s0 =	sand.u32 $0x1, s1  }
0x8c: {  	s15 =	sshll.u32 s0, $0xA;
	s2 =	sadd.s32 s3, s2  }
0x8d: {  	s2 =	sadd.s32 s2, s15  }
0x8e: {  	[smem:$0x3FB2] =	sst s2  }
0x8f: {  	_ = 	snop  }
0x90: {  	s2 =	sld [smem:$0x3FD0];
	_ =	sdelay $0x2  }
0x91: {  	s16 =	simm.s32 $0xB;
	s4 =	simm.s32 $0x10  }
0x92: {  	[smem:s4], [sflag:s16] =	dma.local [hbm:s2], $0x1  }
0x93: {  	_ =	swait.eq [sflag:s16], $0x1  }
0x94: {  	[sflag:s16] =	ssyncset.done $0x0  }
0x95: {  	[sflag:s16] =	ssyncadd.s32 $0xFFFFFFFF  }
0x96: {  	s17 =	sld [smem:$0x10];
	(tm) =	ssettm $0x1  }
0x97: {  	s18 =	sld [smem:$0x3FFB];
	_ =	sdelay $0x3  }
0x98: {  	_ =	strace s18  }
0x99: {  	s2 =	sld [smem:$0x3FFC];
	_ =	sdelay $0x3  }
0x9a: {  	_ =	strace s2  }
0x9b: {  	s2 =	sld [smem:$0x3FFD];
	_ =	sdelay $0x3  }
0x9c: {  	_ =	strace s2  }
0x9d: {  	_ =	strace $0x8FFFFFFF  }
0x9e: {  	s19 =	sld [smem:$0x3FDB];
	_ =	sdelay $0x1  }
0x9f: {  	s20 =	simm.s32 $_scs_section_size  }
0xa0: {  	s5 =	simm.s32 $_size__tile_overlayer_lowered;
	s6 =	simm.s32 $_tile_overlayer_lowered  }
0xa1: {  	s7 =	simm.s32 $0x1BFF;
	s21 =	sshll.u32 s6, $0x1;
	s4 =	sadd.s32 s20, s19  }
0xa2: {  	s22 =	simm.s32 $0x0;
	s5 =	sshll.u32 s5, $0x1;
	s6 =	sadd.s32 s21, s4  }
0xa3: {  	[timem:s22], [sflag:s7] =	dma.local [hbm:s6], s5  }
0xa4: {  	_ =	swait.ge [sflag:s7], s5  }
0xa5: {  	s5 =	ssub.s32 $0x0, s5;
	[sflag:s7] =	ssyncset.done $0x0  }
0xa6: {  	[sflag:s7] =	ssyncadd.s32 s5;
	_ =	sdelay $0x1  }
0xa7: {  	s23 =	simm.s32 $0x1B8B  }
0xa8: {  	_ =	swait.ge [sflag:s23], $0x1  }
0xa9: {  	[sflag:s23] =	ssyncset.done $0x0  }
0xaa: {  	[sflag:s23] =	ssyncadd.s32 $0xFFFFFFFF  }
0xab: {  	s5 =	sld [smem:$0x0]  }
0xac: {  	s6 =	sand.u32 $0xFFFFFFFE, s1  }
0xad: {  	p0 =	sne.s32 s1, s6  }
0xae: {  	s6 =	sshll.u32 @p0 s6, $0xE  }
0xaf: {  	s6 =	sadd.s32 @p0 $0x11B8D, s6;
	s7 =	sshll.u32 @p0 s5, $0x11  }
0xb0: {  	s6 =	sor.u32 @p0 s7, s6  }
0xb1: {  	[sflag:s6] =	ssyncadd.remote.s32 @p0 $0x1;
	_ =	sdelay $0x1  }
0xb2: {  	s6 =	simm.s32 @p0 $0x1B8D  }
0xb3: {  	_ =	swait.eq @p0 [sflag:s6], $0x1  }
0xb4: {  	[sflag:s6] =	ssyncadd.s32 @p0 $0xFFFFFFFF  }
0xb5: {  	s7 =	sshll.u32 @!p0 s1, $0xE  }
0xb6: {  	s7 =	sor.u32 @!p0 $0x4000, s7;
	s6 =	simm.s32 @!p0 $0x1B8D  }
0xb7: {  	s5 =	sshll.u32 @!p0 s5, $0x11;
	s7 =	sadd.s32 @!p0 $0x11B8D, s7;
	_ =	swait.eq @!p0 [sflag:s6], $0x1  }
0xb8: {  	s5 =	sor.u32 @!p0 s5, s7;
	[sflag:s6] =	ssyncadd.s32 @!p0 $0xFFFFFFFF  }
0xb9: {  	s25 =	simm.s32 $0x1B8E;
	s24 =	sld [smem:$0x3FFE];
	[sflag:s5] =	ssyncadd.remote.s32 @!p0 $0x1  }
0xba: {  	s26 =	simm.s32 $execute0_lowered;
	[smem:$0x3FD2] =	sst s25  }
0xbb: {  	s6 =	sshll.u32 s26, $0x1;
	_ =	strace $0x80000052;
	[dreg:$0x1] =	wrdreg $0xFFFFFFFF  }
0xbc: {  	s28 =	simm.s32 $_size_execute0_lowered;
	s4 =	sadd.s32 s4, s6;
	[dreg:$0x0] =	wrdreg $0x0  }
0xbd: {  	s6 =	sshll.u32 s28, $0x1;
	[dreg:$0x2] =	wrdreg s4  }
0xbe: {  	[dreg:$0x3] =	wrdreg s6  }
0xbf: {  	[dreg:$0x4] =	wrdreg $0xC0  }
0xc0: {  	_ =	task [dreg:s22], $0x5FFFF  }
0xc1: {  	[dreg:$0x1] =	wrdreg $0xFFFFFFFF  }
0xc2: {  	[dreg:$0x0] =	wrdreg $0x60  }
0xc3: {  	[dreg:$0x2] =	wrdreg s24  }
0xc4: {  	[dreg:$0x3] =	wrdreg s17  }
0xc5: {  	[dreg:$0x4] =	wrdreg $0x53C00  }
0xc6: {  	[dreg:$0x5] =	wrdreg $0xA  }
0xc7: {  	_ =	task.clear_ibuf [dreg:s22], $0x6FFFF;
	_ =	strace $0x90000052  }
0xc8: {  	s29 =	simm.s32 $0xA;
	_ =	strace $0x80000054  }
0xc9: {  	_ =	swait.ge [sflag:s29], $0x1  }
0xca: {  	[sflag:s29] =	ssyncadd.s32 $0xFFFFFFFF  }
0xcb: {  	_ =	strace $0x90000054  }
0xcc: {  	_ =	sfence  }
0xcd: {  	s30 =	sld [smem:$0x0];
	_ =	sdelay $0x2  }
0xce: {  	s31 =	sshll.u32 s1, $0xD;
	s1 =	sshrl.u32 s1, $0x2  }
0xcf: {  	s4 =	sand.u32 $0x4000, s31;
	s1 =	sadd.s32 s1, s30  }
0xd0: {  	s0 =	sor.u32 s4, s0;
	s1 =	sshll.u32 s1, $0x11  }
0xd1: {  	s0 =	sor.u32 s1, s0  }
0xd2: {  	s0 =	sadd.s32 $0x8F2B, s0  }
0xd3: {  	[sflag:s0] =	ssyncadd.remote.s32 $0x1  }
0xd4: {  	_ =	sfence.sel $0xFFFF  }
0xd5: {  	[dreg:$0x0] =	wrdreg $0xFFFFFFFF;
	(pc) =	sbr.abs _section_cstart, $3  }
0xd6: {  	[dreg:$0x1] =	wrdreg $0xFFFFFFFF  }
0xd7: {  	_ =	task.clear_ibuf [dreg:s22], $0x2FFFF;
	_ =	strace $0x9FFFFFFF  }
0xd8: {  	(tm) =	ssettm $0x7FFFFFFF  }
0xd9: {  	_ =	shalt  }
tec
execute0_lowered:
.L_overlay_start_1:
0x0: {  	(tag) =	ssettag $0x1  }
0x1: {  	s5 =	rddreg [dreg:$0x0]  }
0x2: {  	s11 =	rddreg [dreg:$0x1]  }
0x3: {  	s2 =	rddreg [dreg:$0x2]  }
0x4: {  	s0 =	rddreg [dreg:$0x3];
	s3 =	simm.s32 $0x0;
	s1 =	stileid.u32  }
0x5: {  	s4 =	srdreg.scid;
	s15 =	simm.s32 $0x1;
	s16 =	simm.s32 $0x280  }
0x6: {  	s17 =	simm.s32 $0x2BC0;
	s18 =	simm.s32 $0x2;
	s6 =	smul.u32 $0x3100, s1  }
0x7: {  	s19 =	simm.s32 $0x3;
	s20 =	simm.s32 $0x0;
	s8 =	smul.u32 $0x62000, s1  }
0x8: {  	[smem:$0x7FF] =	sst s3;
	s7 =	sand.u32 $0x1, s4;
	s10 =	smul.u32 $0x10400, s1  }
0x9: {  	s4 =	sadd.s32 $0x4E00, s5;
	s13 =	smul.u32 $0x4100, s1;
	s14 =	sadd.s32 $0x134E00, s5  }
0xa: {  	_ =	strace $0x80000053;
	s9 =	ssub.s32 $0x2, s7;
	s24 =	smul.u32 $0x2080, s7  }
0xb: {  	s25 =	smul.u32 $0x8200, s7;
	s6 =	sadd.s32 s6, s5;
	s12 =	sshrl.u32 s9, $0x1  }
0xc: {  	s26 =	sshrl.u32 s8, $0x2;
	s28 =	sadd.s32 s10, s14;
	s23 =	ssub.s32 s9, s12  }
0xd: {  	s6 =	sadd.s32 $0x37E00, s6;
	s9 =	sadd.s32 s24, s13;
	s7 =	sadd.s32 s26, s2  }
0xe: {  	s8 =	sadd.s32 s25, s28;
	s12 =	simm.s32 $0x3C0;
	s13 =	simm.s32 $0x4  }
0xf: {  	s5 =	smax.u32 s23, $0x1;
	s29 =	sadd.s32 $0x140, s9;
	s9 =	sshrl.u32 s9, $0x3  }
0x10: {  	s30 =	sshll.u32 s29, $0x2;
	s31 =	sshrl.u32 s29, $0x3;
	s9 =	sadd.s32 s9, s11  }
0x11: {  	s10 =	sadd.s32 s30, s14;
	s11 =	sadd.s32 s31, s11;
	s14 =	simm.s32 $0x140  }
.LBB2_1:
0x12: {  	s21 =	sadd.s32 $0x0, s6  }
0x13: {  	[tilespmem:s12], [sflag:$0x4] =	stream.linear.gather [hbm4b:s21+s3], $0x1C00, $0x38;
	[tilespmem:$0x1DBC0] =	vst v63  }
0x14: {  	_ =	swait.ge [sflag:s13], $0x1C00  }
0x15: {  	[sflag:s13] =	ssyncset.done $0x0  }
0x16: {  	[sflag:s13] =	ssyncadd.s32 $0xFFFFE400  }
0x17: {  	[spmem:s7] =	stream.linear.scatter [tilespmem:s12], [sflag:$0x4], $0x1C00, $0x38;
	[tilespmem:$0x1DBC0] =	vst v63  }
0x18: {  	s22 =	simm.s32 $0x380;
	_ =	swait.ge [sflag:s13], $0x1C00  }
0x19: {  	s23 =	simm.s32 $0x700;
	s21 =	sadd.s32 $0x1C00, s7;
	[sflag:s13] =	ssyncset.done $0x0  }
.LBB2_2:
0x1a: {  	s24 =	sadd.s32 s22, s6  }
0x1b: {  	[sflag:s13] =	ssyncadd.s32 $0xFFFFE400;
	s22 =	smov.u32 s23;
	s25 =	sadd.s32 $0x380, s23  }
0x1c: {  	[tilespmem:s12], [sflag:$0x4] =	stream.linear.gather [hbm4b:s24+s3], $0x1C00, $0x38;
	[tilespmem:$0x1DBC0] =	vst v63  }
0x1d: {  	p0 =	sne.s32 s23, $0x2D80;
	_ =	swait.ge [sflag:s13], $0x1C00  }
.Ltmp0:
0x1e: {  	[sflag:s13] =	ssyncset.done $0x0;
	(pc) =	sbr.rel @p0 .LBB2_2-.Ltmp0, $4  }
0x1f: {  	[sflag:s13] =	ssyncadd.s32 $0xFFFFE400  }
0x20: {  	[spmem:s21] =	stream.linear.scatter [tilespmem:s12], [sflag:$0x4], $0x1C00, $0x38;
	[tilespmem:$0x1DBC0] =	vst v63  }
0x21: {  	_ =	swait.ge [sflag:s13], $0x1C00  }
0x22: {  	s23 =	smov.u32 s25;
	s21 =	sadd.s32 $0x1C00, s21;
	[sflag:s13] =	ssyncset.done $0x0  }
0x23: {  	s22 =	sadd.s32 s22, s6;
	[sflag:s13] =	ssyncadd.s32 $0xFFFFE400  }
0x24: {  	[tilespmem:s12], [sflag:$0x4] =	stream.linear.gather [hbm4b:s22+s3], $0x1C00, $0x38;
	[tilespmem:$0x1DBC0] =	vst v63  }
0x25: {  	_ =	swait.ge [sflag:s13], $0x1C00  }
0x26: {  	[sflag:s13] =	ssyncset.done $0x0  }
0x27: {  	[sflag:s13] =	ssyncadd.s32 $0xFFFFE400  }
0x28: {  	[spmem:s21] =	stream.linear.scatter [tilespmem:s12], [sflag:$0x4], $0x1C00, $0x38;
	[tilespmem:$0x1DBC0] =	vst v63  }
0x29: {  	_ =	swait.ge [sflag:s13], $0x1C00  }
0x2a: {  	[sflag:s13] =	ssyncset.done $0x0  }
0x2b: {  	[sflag:s13] =	ssyncadd.s32 $0xFFFFE400  }
0x2c: {  	s30 =	sadd.s32 $0x0, s9;
	[bflag:$0x0] =	sbarrier.arrive $0xFFFF  }
0x2d: {  	[tilespmem:s3], [sflag:$0x4] =	stream.linear.gather [hbm4b:s30+s3], $0x140, $0x38;
	[tilespmem:$0x1DBC0] =	vst v63  }
0x2e: {  	_ =	swait.ge [sflag:s13], $0x140  }
0x2f: {  	[sflag:s13] =	ssyncset.done $0x0  }
0x30: {  	[sflag:s13] =	ssyncadd.s32 $0xFFFFFEC0  }
0x31: {  	[tilespmem:s14], [sflag:$0x1] =	stream.indirect.gather [hbm4b:s4+s14], $0x1, s3, s14, $0xb8;
	[tilespmem:$0x1DBC0] =	vst v63  }
0x32: {  	_ =	swait.ge [sflag:s15], $0x140  }
0x33: {  	[sflag:s15] =	ssyncset.done $0x0  }
0x34: {  	[sflag:s15] =	ssyncadd.s32 $0xFFFFFEC0  }
0x35: {  	[tilespmem:s12], [sflag:$0x2] =	stream.indirect.gather [spmem:s2], $0x20, s14, s14, $0xb8;
	[tilespmem:$0x1DBC0] =	vst v63  }
0x36: {  	s31 =	sadd.s32 $0x0, s11  }
0x37: {  	[tilespmem:s3], [sflag:$0x4] =	stream.linear.gather [hbm4b:s31+s3], $0x140, $0x38;
	[tilespmem:$0x1DBC0] =	vst v63  }
0x38: {  	_ =	swait.ge [sflag:s13], $0x140  }
0x39: {  	[sflag:s13] =	ssyncset.done $0x0  }
0x3a: {  	[sflag:s13] =	ssyncadd.s32 $0xFFFFFEC0  }
0x3b: {  	[tilespmem:s16], [sflag:$0x1] =	stream.indirect.gather [hbm4b:s4+s14], $0x1, s3, s14, $0xb8;
	[tilespmem:$0x1DBC0] =	vst v63  }
0x3c: {  	_ =	swait.ge [sflag:s15], $0x140  }
0x3d: {  	[sflag:s15] =	ssyncset.done $0x0  }
0x3e: {  	[sflag:s15] =	ssyncadd.s32 $0xFFFFFEC0  }
0x3f: {  	[tilespmem:s17], [sflag:$0x3] =	stream.indirect.gather [spmem:s2], $0x20, s16, s14, $0xb8;
	[tilespmem:$0x1DBC0] =	vst v63  }
0x40: {  	_ =	swait.ge [sflag:s18], $0x2800  }
0x41: {  	[sflag:s18] =	ssyncset.done $0x0  }
0x42: {  	[sflag:s18] =	ssyncadd.s32 $0xFFFFD800  }
0x43: {  	[hbm4b:s8+s3] =	stream.linear.scatter [tilespmem:s12], [sflag:$0x4], $0x2800, $0x38;
	[tilespmem:$0x1DBC0] =	vst v63  }
0x44: {  	_ =	swait.ge [sflag:s13], $0x2800  }
0x45: {  	[sflag:s13] =	ssyncset.done $0x0  }
0x46: {  	[sflag:s13] =	ssyncadd.s32 $0xFFFFD800  }
0x47: {  	_ =	swait.ge [sflag:s19], $0x2800  }
0x48: {  	[sflag:s19] =	ssyncset.done $0x0  }
0x49: {  	[sflag:s19] =	ssyncadd.s32 $0xFFFFD800  }
0x4a: {  	[hbm4b:s10+s3] =	stream.linear.scatter [tilespmem:s17], [sflag:$0x4], $0x2800, $0x38;
	[tilespmem:$0x1DBC0] =	vst v63  }
0x4b: {  	s23 =	simm.s32 $0x50;
	s25 =	simm.s32 $0xA0;
	_ =	swait.ge [sflag:s13], $0x2800  }
0x4c: {  	s22 =	sadd.s32 $0xA00, s8;
	s21 =	sadd.s32 $0xA00, s10;
	[sflag:s13] =	ssyncset.done $0x0  }
.LBB2_4:
0x4d: {  	s26 =	sadd.s32 s23, s9  }
0x4e: {  	[sflag:s13] =	ssyncadd.s32 $0xFFFFD800;
	s28 =	smov.u32 s25;
	s24 =	sadd.s32 $0x50, s25  }
0x4f: {  	[tilespmem:s3], [sflag:$0x4] =	stream.linear.gather [hbm4b:s26+s3], $0x140, $0x38;
	[tilespmem:$0x1DBC0] =	vst v63  }
0x50: {  	p0 =	sne.s32 s25, $0x3C0;
	_ =	swait.ge [sflag:s13], $0x140  }
0x51: {  	[sflag:s13] =	ssyncset.done $0x0  }
0x52: {  	[sflag:s13] =	ssyncadd.s32 $0xFFFFFEC0  }
0x53: {  	[tilespmem:s14], [sflag:$0x1] =	stream.indirect.gather [hbm4b:s4+s14], $0x1, s3, s14, $0xb8;
	[tilespmem:$0x1DBC0] =	vst v63  }
0x54: {  	_ =	swait.ge [sflag:s15], $0x140  }
0x55: {  	[sflag:s15] =	ssyncset.done $0x0  }
0x56: {  	[sflag:s15] =	ssyncadd.s32 $0xFFFFFEC0  }
0x57: {  	[tilespmem:s12], [sflag:$0x2] =	stream.indirect.gather [spmem:s2], $0x20, s14, s14, $0xb8;
	[tilespmem:$0x1DBC0] =	vst v63  }
0x58: {  	s25 =	sadd.s32 s23, s11;
	s23 =	smov.u32 s28  }
0x59: {  	[tilespmem:s3], [sflag:$0x4] =	stream.linear.gather [hbm4b:s25+s3], $0x140, $0x38;
	[tilespmem:$0x1DBC0] =	vst v63  }
0x5a: {  	_ =	swait.ge [sflag:s13], $0x140  }
0x5b: {  	[sflag:s13] =	ssyncset.done $0x0  }
0x5c: {  	[sflag:s13] =	ssyncadd.s32 $0xFFFFFEC0  }
0x5d: {  	[tilespmem:s16], [sflag:$0x1] =	stream.indirect.gather [hbm4b:s4+s14], $0x1, s3, s14, $0xb8;
	[tilespmem:$0x1DBC0] =	vst v63  }
0x5e: {  	_ =	swait.ge [sflag:s15], $0x140  }
0x5f: {  	[sflag:s15] =	ssyncset.done $0x0  }
0x60: {  	[sflag:s15] =	ssyncadd.s32 $0xFFFFFEC0  }
0x61: {  	[tilespmem:s17], [sflag:$0x3] =	stream.indirect.gather [spmem:s2], $0x20, s16, s14, $0xb8;
	[tilespmem:$0x1DBC0] =	vst v63  }
0x62: {  	_ =	swait.ge [sflag:s18], $0x2800  }
0x63: {  	[sflag:s18] =	ssyncset.done $0x0  }
0x64: {  	[sflag:s18] =	ssyncadd.s32 $0xFFFFD800  }
0x65: {  	[hbm4b:s22+s3] =	stream.linear.scatter [tilespmem:s12], [sflag:$0x4], $0x2800, $0x38;
	[tilespmem:$0x1DBC0] =	vst v63  }
0x66: {  	_ =	swait.ge [sflag:s13], $0x2800  }
0x67: {  	[sflag:s13] =	ssyncset.done $0x0  }
0x68: {  	[sflag:s13] =	ssyncadd.s32 $0xFFFFD800  }
0x69: {  	_ =	swait.ge [sflag:s19], $0x2800  }
.Ltmp1:
0x6a: {  	[sflag:s19] =	ssyncset.done $0x0;
	(pc) =	sbr.rel @p0 .LBB2_4-.Ltmp1, $4  }
0x6b: {  	[sflag:s19] =	ssyncadd.s32 $0xFFFFD800  }
0x6c: {  	[hbm4b:s21+s3] =	stream.linear.scatter [tilespmem:s17], [sflag:$0x4], $0x2800, $0x38;
	[tilespmem:$0x1DBC0] =	vst v63  }
0x6d: {  	s25 =	smov.u32 s24;
	_ =	swait.ge [sflag:s13], $0x2800  }
0x6e: {  	s22 =	sadd.s32 $0xA00, s22;
	s21 =	sadd.s32 $0xA00, s21;
	[sflag:s13] =	ssyncset.done $0x0  }
0x6f: {  	s24 =	sadd.s32 s23, s9;
	[sflag:s13] =	ssyncadd.s32 $0xFFFFD800  }
0x70: {  	[tilespmem:s3], [sflag:$0x4] =	stream.linear.gather [hbm4b:s24+s3], $0x140, $0x38;
	[tilespmem:$0x1DBC0] =	vst v63  }
0x71: {  	_ =	swait.ge [sflag:s13], $0x140  }
0x72: {  	[sflag:s13] =	ssyncset.done $0x0  }
0x73: {  	[sflag:s13] =	ssyncadd.s32 $0xFFFFFEC0  }
0x74: {  	[tilespmem:s14], [sflag:$0x1] =	stream.indirect.gather [hbm4b:s4+s14], $0x1, s3, s14, $0xb8;
	[tilespmem:$0x1DBC0] =	vst v63  }
0x75: {  	_ =	swait.ge [sflag:s15], $0x140  }
0x76: {  	[sflag:s15] =	ssyncset.done $0x0  }
0x77: {  	[sflag:s15] =	ssyncadd.s32 $0xFFFFFEC0  }
0x78: {  	[tilespmem:s12], [sflag:$0x2] =	stream.indirect.gather [spmem:s2], $0x20, s14, s14, $0xb8;
	[tilespmem:$0x1DBC0] =	vst v63  }
0x79: {  	s31 =	sadd.s32 s23, s11  }
0x7a: {  	[tilespmem:s3], [sflag:$0x4] =	stream.linear.gather [hbm4b:s31+s3], $0x140, $0x38;
	[tilespmem:$0x1DBC0] =	vst v63  }
0x7b: {  	_ =	swait.ge [sflag:s13], $0x140  }
0x7c: {  	[sflag:s13] =	ssyncset.done $0x0  }
0x7d: {  	[sflag:s13] =	ssyncadd.s32 $0xFFFFFEC0  }
0x7e: {  	[tilespmem:s16], [sflag:$0x1] =	stream.indirect.gather [hbm4b:s4+s14], $0x1, s3, s14, $0xb8;
	[tilespmem:$0x1DBC0] =	vst v63  }
0x7f: {  	_ =	swait.ge [sflag:s15], $0x140  }
0x80: {  	[sflag:s15] =	ssyncset.done $0x0  }
0x81: {  	[sflag:s15] =	ssyncadd.s32 $0xFFFFFEC0  }
0x82: {  	[tilespmem:s17], [sflag:$0x3] =	stream.indirect.gather [spmem:s2], $0x20, s16, s14, $0xb8;
	[tilespmem:$0x1DBC0] =	vst v63  }
0x83: {  	_ =	swait.ge [sflag:s18], $0x2800  }
0x84: {  	[sflag:s18] =	ssyncset.done $0x0  }
0x85: {  	[sflag:s18] =	ssyncadd.s32 $0xFFFFD800  }
0x86: {  	[hbm4b:s22+s3] =	stream.linear.scatter [tilespmem:s12], [sflag:$0x4], $0x2800, $0x38;
	[tilespmem:$0x1DBC0] =	vst v63  }
0x87: {  	_ =	swait.ge [sflag:s13], $0x2800  }
0x88: {  	[sflag:s13] =	ssyncset.done $0x0  }
0x89: {  	[sflag:s13] =	ssyncadd.s32 $0xFFFFD800  }
0x8a: {  	s20 =	sadd.s32 $0x1, s20;
	_ =	swait.ge [sflag:s19], $0x2800  }
0x8b: {  	p0 =	sne.s32 s20, s5;
	[sflag:s19] =	ssyncset.done $0x0  }
.Ltmp2:
0x8c: {  	[sflag:s19] =	ssyncadd.s32 $0xFFFFD800;
	(pc) =	sbr.rel @p0 .LBB2_1-.Ltmp2, $4  }
0x8d: {  	[hbm4b:s21+s3] =	stream.linear.scatter [tilespmem:s17], [sflag:$0x4], $0x2800, $0x38;
	[tilespmem:$0x1DBC0] =	vst v63  }
0x8e: {  	_ =	swait.ge [sflag:s13], $0x2800  }
0x8f: {  	[sflag:s13] =	ssyncset.done $0x0  }
0x90: {  	[sflag:s13] =	ssyncadd.s32 $0xFFFFD800  }
0x91: {  	_ =	sfence.sel $0x180000  }
0x92: {  	[bflag:$0x0] =	sbarrier.arrive $0xFFFF  }
0x93: {  	p0 =	sne.s32 s1, $0x0;
	_ =	strace $0x90000053  }
0x94: {  	s0 =	sadd.s32 @!p0 $0x100000, s0;
	[bflag:$0x2] =	sbarrier.arrive $0xFFFF  }
0x95: {  	[sflag:s0] =	ssyncadd.tile.s32 @!p0 $0x1;
	_ =	shalt  }
.Lfunc_end2:
_tile_overlayer_lowered:
.L_overlay_start_2:
0x96: {  	(tag) =	ssettag $0x2  }
0x97: {  	s0 =	rddreg [dreg:$0x0];
	s2 =	stileid.u32  }
0x98: {  	s1 =	rddreg [dreg:$0x1];
	p0 =	sne.s32 s2, $0x0  }
0x99: {  	s3 =	rddreg [dreg:$0x2];
	[bflag:$0x3] =	sbarrier.arrive $0xFFFF;
	s2 =	simm.s32 @!p0 $0x1C04  }
0x9a: {  	[timem:s3], [sflag:s2] =	dma.local @!p0 [hbm:s0], s1  }
0x9b: {  	s0 =	simm.s32 @!p0 $0x4  }
0x9c: {  	_ =	swait.ge @!p0 [sflag:s0], s1  }
0x9d: {  	s1 =	ssub.s32 @!p0 $0x0, s1;
	[sflag:s0] =	ssyncset.done @!p0 $0x0  }
0x9e: {  	[sflag:s0] =	ssyncadd.s32 @!p0 s1  }
0x9f: {  	[bflag:$0x3] =	sbarrier.arrive $0xFFFF  }
0xa0: {  	_ =	shalt  }

// kernel: sc_double_gather_w96_hbm.3.cloned.1.call-start
scs
__scs_entry_jumppad:
0x0: {  	(pc) =	sbr.rel $0x88, $3  }
0x1: {  	(tag) =	ssettag $0x0;
	lr =	simm.s32 $0x1  }
0x2: {  	[smem:$0x3F8B] =	sst lr;
	_ =	strace $0xD0000000  }
0x3: {  	_ = 	snop  }
0x4: {  	_ = 	snop  }
0x5: {  	_ = 	snop  }
0x6: {  	_ = 	snop  }
0x7: {  	_ = 	snop  }
__scs_overlays_trampoline_lowered:
0x8: {  	[smem:$0x3F9A] =	sst s0  }
0x9: {  	[smem:$0x3F9B] =	sst s1  }
0xa: {  	[smem:$0x3F9C] =	sst s2  }
0xb: {  	[smem:$0x3F9D] =	sst s3  }
0xc: {  	[smem:$0x3F9E] =	sst s4  }
0xd: {  	[smem:$0x3F9F] =	sst s5  }
0xe: {  	[smem:$0x3FA0] =	sst s6  }
0xf: {  	[smem:$0x3FA1] =	sst s7  }
0x10: {  	[smem:$0x3FA2] =	sst s8  }
0x11: {  	[smem:$0x3FA3] =	sst s9;
	s0 =	simm.s32 @!p0 $0x0  }
0x12: {  	s1 =	sld [smem:$0x3F89];
	s0 =	simm.s32 @p0 $0x1  }
0x13: {  	[smem:$0x3FA4] =	sst s0;
	s0 =	simm.s32 @!p1 $0x0  }
0x14: {  	s2 =	sld [smem:$0x3F88];
	s0 =	simm.s32 @p1 $0x1  }
0x15: {  	[smem:$0x3FA5] =	sst s0;
	s0 =	simm.s32 @!p2 $0x0  }
0x16: {  	s3 =	sld [smem:$0x3FDB];
	s0 =	simm.s32 @p2 $0x1  }
0x17: {  	s4 =	simm.s32 $0x1BF5;
	[smem:$0x3FA7] =	sst s0  }
0x18: {  	s0 =	sld [smem:$0x3F8A];
	_ =	swait.ge [sflag:s4], $0x0  }
0x19: {  	s7 =	sld [smem:$0x3F8B]  }
0x1a: {  	s8 =	sadd.s32 $0xFFFFE003, lr  }
0x1b: {  	s9 =	sadd.s32 $0xFFFFFEF7, lr;
	s5 =	simm.s32 $0xFFFFFFFF;
	p2 =	slt.u32 s8, $0xFFFFF086  }
0x1c: {  	p1 =	slt.u32 s9, $0xF7A;
	s5 =	simm.s32 @!p2 $0x0  }
0x1d: {  	s5 =	simm.s32 @p1 $0x1;
	p0 =	seq.s32 s7, s2  }
0x1e: {  	s7 =	smul.u32 @!p0 $0xF7A, s2;
	p2 =	seq.s32 @!p0 s5, $0x0  }
0x1f: {  	s9 =	smul.u32 $0xF7A, s1;
	s8 =	simm.s32 @!p0 $0x1BF5;
	p2 =	por !p2, p0  }
0x20: {  	[sflag:s8] =	ssyncset.s32 @!p0 $0xFFFFF086;
	s6 =	sadd.s32 @!p0 s3, s7;
	s7 =	simm.s32 @!p0 $0x108  }
0x21: {  	s3 =	sadd.s32 s3, s9;
	s6 =	sadd.s32 @!p0 $0x88, s6;
	s7 =	simm.s32 @p2 $0x1082  }
0x22: {  	[simem:s7], [sflag:s8] =	dma.local @!p0 [hbm:s6], $0xF7A  }
0x23: {  	s9 =	sor.u32 $0xD0000000, s2;
	s6 =	simm.s32 $0x108;
	_ =	swait.ge @!p0 [sflag:s8], $0x0  }
0x24: {  	s3 =	sadd.s32 $0x88, s3;
	s6 =	simm.s32 @!p1 $0x1082;
	[sflag:s4] =	ssyncset.s32 $0xFFFFF086  }
0x25: {  	[simem:s6], [sflag:s4] =	dma.local [hbm:s3], $0xF7A  }
0x26: {  	[smem:$0x3F8B] =	sst s1;
	(tag) =	ssettag s2;
	_ =	strace s9  }
0x27: {  	s1 =	sld [smem:$0x3F9B]  }
0x28: {  	s2 =	sld [smem:$0x3F9C]  }
0x29: {  	s4 =	sld [smem:$0x3F9E]  }
0x2a: {  	p0 =	seq.s32 s5, $0x0;
	s5 =	sld [smem:$0x3F9F]  }
0x2b: {  	s6 =	sld [smem:$0x3FA0]  }
0x2c: {  	s7 =	sld [smem:$0x3FA1]  }
0x2d: {  	s3 =	simm.s32 $0x108;
	s8 =	sld [smem:$0x3FA2]  }
0x2e: {  	s3 =	simm.s32 @!p0 $0x1082;
	s9 =	sld [smem:$0x3FA3]  }
0x2f: {  	lr =	sadd.s32 s0, s3;
	s0 =	sld [smem:$0x3F9A]  }
0x30: {  	s3 =	sld [smem:$0x3F9D]  }
0x31: {  	[smem:$0x3FA6] =	sst s10  }
0x32: {  	s10 =	sld [smem:$0x3FA4];
	_ =	sdelay $0x3  }
0x33: {  	p0 =	seq.s32 s10, $0x1;
	s10 =	sld [smem:$0x3FA6];
	_ =	sdelay $0x3  }
0x34: {  	[smem:$0x3FA6] =	sst s10  }
0x35: {  	s10 =	sld [smem:$0x3FA5];
	_ =	sdelay $0x3  }
0x36: {  	p1 =	seq.s32 s10, $0x1;
	s10 =	sld [smem:$0x3FA6];
	_ =	sdelay $0x3  }
0x37: {  	[smem:$0x3FA6] =	sst s10  }
0x38: {  	s10 =	sld [smem:$0x3FA7]  }
0x39: {  	_ = 	snop;
	(pc) =	sbr.ind lr, $3  }
0x3a: {  	_ = 	snop  }
0x3b: {  	_ = 	snop  }
0x3c: {  	p2 =	seq.s32 s10, $0x1;
	s10 =	sld [smem:$0x3FA6]  }
0x3d: {  	_ =	shalt  }
0x3e: {  	_ =	shalt  }
0x3f: {  	_ =	shalt  }
0x40: {  	_ =	shalt  }
0x41: {  	_ =	shalt  }
0x42: {  	_ =	shalt  }
0x43: {  	_ =	shalt  }
0x44: {  	_ =	shalt  }
0x45: {  	_ =	shalt  }
0x46: {  	_ =	shalt  }
0x47: {  	_ =	shalt  }
0x48: {  	_ =	shalt  }
0x49: {  	_ =	shalt  }
0x4a: {  	_ =	shalt  }
0x4b: {  	_ =	shalt  }
0x4c: {  	_ =	shalt  }
0x4d: {  	_ =	shalt  }
0x4e: {  	_ =	shalt  }
0x4f: {  	_ =	shalt  }
0x50: {  	_ =	shalt  }
0x51: {  	_ =	shalt  }
0x52: {  	_ =	shalt  }
0x53: {  	_ =	shalt  }
0x54: {  	_ =	shalt  }
0x55: {  	_ =	shalt  }
0x56: {  	_ =	shalt  }
0x57: {  	_ =	shalt  }
0x58: {  	_ =	shalt  }
0x59: {  	_ =	shalt  }
0x5a: {  	_ =	shalt  }
0x5b: {  	_ =	shalt  }
0x5c: {  	_ =	shalt  }
0x5d: {  	_ =	shalt  }
0x5e: {  	_ =	shalt  }
0x5f: {  	_ =	shalt  }
0x60: {  	_ =	shalt  }
0x61: {  	_ =	shalt  }
0x62: {  	_ =	shalt  }
0x63: {  	_ =	shalt  }
0x64: {  	_ =	shalt  }
0x65: {  	_ =	shalt  }
0x66: {  	_ =	shalt  }
0x67: {  	_ =	shalt  }
0x68: {  	_ =	shalt  }
0x69: {  	_ =	shalt  }
0x6a: {  	_ =	shalt  }
0x6b: {  	_ =	shalt  }
0x6c: {  	_ =	shalt  }
0x6d: {  	_ =	shalt  }
0x6e: {  	_ =	shalt  }
0x6f: {  	_ =	shalt  }
0x70: {  	_ =	shalt  }
0x71: {  	_ =	shalt  }
0x72: {  	_ =	shalt  }
0x73: {  	_ =	shalt  }
0x74: {  	_ =	shalt  }
0x75: {  	_ =	shalt  }
0x76: {  	_ =	shalt  }
0x77: {  	_ =	shalt  }
0x78: {  	_ =	shalt  }
0x79: {  	_ =	shalt  }
0x7a: {  	_ =	shalt  }
0x7b: {  	_ =	shalt  }
0x7c: {  	_ =	shalt  }
0x7d: {  	_ =	shalt  }
0x7e: {  	_ =	shalt  }
0x7f: {  	_ =	shalt  }
0x80: {  	_ =	shalt  }
0x81: {  	_ =	shalt  }
0x82: {  	_ =	shalt  }
0x83: {  	_ =	shalt  }
0x84: {  	_ =	shalt  }
0x85: {  	_ =	shalt  }
0x86: {  	_ =	shalt  }
0x87: {  	_ =	shalt  }
.Lfunc_end0:
.L_simem_size_0:
called_computation.6_lowered:
.L_overlay_start_0:
0x88: {  	s2 =	sld [smem:$0x3FD9]  }
0x89: {  	s3 =	sld [smem:$0x3FFE];
	_ =	sdelay $0x1  }
0x8a: {  	s1 =	srdreg.scid  }
0x8b: {  	s0 =	sand.u32 $0x1, s1  }
0x8c: {  	s14 =	sshll.u32 s0, $0xA;
	s2 =	sadd.s32 s3, s2  }
0x8d: {  	s2 =	sadd.s32 s2, s14  }
0x8e: {  	[smem:$0x3FB2] =	sst s2  }
0x8f: {  	_ = 	snop  }
0x90: {  	s2 =	sld [smem:$0x3FD0];
	_ =	sdelay $0x2  }
0x91: {  	s15 =	simm.s32 $0xB;
	s4 =	simm.s32 $0x10  }
0x92: {  	[smem:s4], [sflag:s15] =	dma.local [hbm:s2], $0x1  }
0x93: {  	_ =	swait.eq [sflag:s15], $0x1  }
0x94: {  	[sflag:s15] =	ssyncset.done $0x0  }
0x95: {  	[sflag:s15] =	ssyncadd.s32 $0xFFFFFFFF  }
0x96: {  	s16 =	sld [smem:$0x10];
	(tm) =	ssettm $0x1  }
0x97: {  	s17 =	sld [smem:$0x3FFB];
	_ =	sdelay $0x3  }
0x98: {  	_ =	strace s17  }
0x99: {  	s3 =	sld [smem:$0x3FFC];
	_ =	sdelay $0x3  }
0x9a: {  	_ =	strace s3  }
0x9b: {  	s3 =	sld [smem:$0x3FFD];
	_ =	sdelay $0x3  }
0x9c: {  	_ =	strace s3  }
0x9d: {  	_ =	strace $0x8FFFFFFF  }
0x9e: {  	s18 =	sld [smem:$0x3FDB];
	_ =	sdelay $0x1  }
0x9f: {  	s19 =	simm.s32 $_scs_section_size  }
0xa0: {  	s5 =	simm.s32 $_size__tile_overlayer_lowered;
	s6 =	simm.s32 $_tile_overlayer_lowered  }
0xa1: {  	s22 =	simm.s32 $0x1BFF;
	s21 =	sshll.u32 s6, $0x1;
	s3 =	sadd.s32 s19, s18  }
0xa2: {  	s7 =	simm.s32 $0x0;
	s20 =	sshll.u32 s5, $0x1;
	s5 =	sadd.s32 s21, s3  }
0xa3: {  	[timem:s7], [sflag:s22] =	dma.local [hbm:s5], s20  }
0xa4: {  	_ =	swait.ge [sflag:s22], s20  }
0xa5: {  	s4 =	ssub.s32 $0x0, s20;
	[sflag:s22] =	ssyncset.done $0x0  }
0xa6: {  	[sflag:s22] =	ssyncadd.s32 s4;
	_ =	sdelay $0x1  }
0xa7: {  	s23 =	simm.s32 $0x1B8B  }
0xa8: {  	_ =	swait.ge [sflag:s23], $0x1  }
0xa9: {  	[sflag:s23] =	ssyncset.done $0x0  }
0xaa: {  	s25 =	simm.s32 $0x1B8E;
	s24 =	sld [smem:$0x3FFE];
	[sflag:s23] =	ssyncadd.s32 $0xFFFFFFFF  }
0xab: {  	s26 =	simm.s32 $execute0_lowered;
	[smem:$0x3FD2] =	sst s25  }
0xac: {  	s5 =	sshll.u32 s26, $0x1;
	_ =	strace $0x80000058;
	[dreg:$0x1] =	wrdreg $0xFFFFFFFF  }
0xad: {  	s28 =	simm.s32 $_size_execute0_lowered;
	s3 =	sadd.s32 s3, s5;
	[dreg:$0x0] =	wrdreg $0x0  }
0xae: {  	s5 =	sshll.u32 s28, $0x1;
	[dreg:$0x2] =	wrdreg s3  }
0xaf: {  	[dreg:$0x3] =	wrdreg s5  }
0xb0: {  	[dreg:$0x4] =	wrdreg $0xC0  }
0xb1: {  	_ =	task [dreg:s7], $0x5FFFF  }
0xb2: {  	[dreg:$0x1] =	wrdreg $0xFFFFFFFF  }
0xb3: {  	[dreg:$0x0] =	wrdreg $0x60  }
0xb4: {  	[dreg:$0x2] =	wrdreg s24  }
0xb5: {  	[dreg:$0x3] =	wrdreg s16  }
0xb6: {  	[dreg:$0x4] =	wrdreg $0x9  }
0xb7: {  	_ =	task.clear_ibuf [dreg:s7], $0x5FFFF;
	_ =	strace $0x90000058  }
0xb8: {  	s29 =	simm.s32 $0x9;
	_ =	strace $0x8000005A  }
0xb9: {  	_ =	swait.ge [sflag:s29], $0x1  }
0xba: {  	[sflag:s29] =	ssyncadd.s32 $0xFFFFFFFF  }
0xbb: {  	_ =	strace $0x9000005A  }
0xbc: {  	_ =	sfence  }
0xbd: {  	s30 =	sld [smem:$0x0];
	_ =	sdelay $0x2  }
0xbe: {  	s31 =	sshll.u32 s1, $0xD;
	s1 =	sshrl.u32 s1, $0x2  }
0xbf: {  	s3 =	sand.u32 $0x4000, s31;
	s1 =	sadd.s32 s1, s30  }
0xc0: {  	s0 =	sor.u32 s3, s0;
	s1 =	sshll.u32 s1, $0x11  }
0xc1: {  	s0 =	sor.u32 s1, s0  }
0xc2: {  	s0 =	sadd.s32 $0x8F2B, s0  }
0xc3: {  	[sflag:s0] =	ssyncadd.remote.s32 $0x1  }
0xc4: {  	_ =	sfence.sel $0xFFFF  }
0xc5: {  	[dreg:$0x0] =	wrdreg $0xFFFFFFFF;
	(pc) =	sbr.abs _section_cstart, $3  }
0xc6: {  	[dreg:$0x1] =	wrdreg $0xFFFFFFFF  }
0xc7: {  	_ =	task.clear_ibuf [dreg:s7], $0x2FFFF;
	_ =	strace $0x9FFFFFFF  }
0xc8: {  	(tm) =	ssettm $0x7FFFFFFF  }
0xc9: {  	_ =	shalt  }
tec
execute0_lowered:
.L_overlay_start_1:
0x0: {  	(tag) =	ssettag $0x1  }
0x1: {  	s1 =	srdreg.scid;
	s0 =	stileid.u32  }
0x2: {  	s20 =	sand.u32 $0x1, s1;
	s31 =	sshll.u32 s0, $0x1  }
0x3: {  	s14 =	rddreg [dreg:$0x0];
	s15 =	sor.u32 s20, s31  }
0x4: {  	s18 =	rddreg [dreg:$0x1];
	s19 =	smul.u32 $0x620, s15  }
0x5: {  	s2 =	simm.s32 $0x0;
	s1 =	rddreg [dreg:$0x2]  }
0x6: {  	[smem:$0x7FF] =	sst s2;
	s3 =	sshrl.u32 s19, $0x3  }
0x7: {  	_ =	strace $0x80000059;
	s4 =	sadd.s32 s18, s3;
	s3 =	simm.s32 $0x4  }
0x8: {  	[tilespmem:s2], [sflag:$0x4] =	stream.linear.gather [hbm4b:s4+s2], $0x188, $0x38;
	[tilespmem:$0x12A98] =	vst v63  }
0x9: {  	_ =	swait.ge [sflag:s3], $0x188  }
0xa: {  	s6 =	simm.s32 $0x188;
	[sflag:s3] =	ssyncset.done $0x0  }
0xb: {  	s7 =	simm.s32 $0x1;
	s5 =	sadd.s32 $0x68E00, s14;
	[sflag:s3] =	ssyncadd.s32 $0xFFFFFE78  }
0xc: {  	[tilespmem:s6], [sflag:$0x1] =	stream.indirect.gather [hbm4b:s5+s6], $0x1, s2, s6, $0xb8;
	[tilespmem:$0x12A98] =	vst v63  }
0xd: {  	_ =	swait.ge [sflag:s7], $0x188  }
0xe: {  	s9 =	simm.s32 $0x498;
	s16 =	sadd.s32 $0x188, s19;
	[sflag:s7] =	ssyncset.done $0x0  }
0xf: {  	s8 =	sadd.s32 $0x134E00, s14;
	s10 =	sshrl.u32 s16, $0x3;
	[sflag:s7] =	ssyncadd.s32 $0xFFFFFE78  }
0x10: {  	[tilespmem:s9], [sflag:$0x2] =	stream.indirect.gather [hbm4b:s8+s6], $0x60, s6, s6, $0xb8;
	[tilespmem:$0x12A98] =	vst v63  }
0x11: {  	s10 =	sadd.s32 s18, s10  }
0x12: {  	[tilespmem:s2], [sflag:$0x4] =	stream.linear.gather [hbm4b:s10+s2], $0x188, $0x38;
	[tilespmem:$0x12A98] =	vst v63  }
0x13: {  	_ =	swait.ge [sflag:s3], $0x188  }
0x14: {  	[sflag:s3] =	ssyncset.done $0x0  }
0x15: {  	s11 =	simm.s32 $0x310;
	[sflag:s3] =	ssyncadd.s32 $0xFFFFFE78  }
0x16: {  	[tilespmem:s11], [sflag:$0x1] =	stream.indirect.gather [hbm4b:s5+s6], $0x1, s2, s6, $0xb8;
	[tilespmem:$0x12A98] =	vst v63  }
0x17: {  	_ =	swait.ge [sflag:s7], $0x188  }
0x18: {  	[sflag:s7] =	ssyncset.done $0x0  }
0x19: {  	s12 =	simm.s32 $0x9798;
	s13 =	simm.s32 $0x2;
	[sflag:s7] =	ssyncadd.s32 $0xFFFFFE78  }
0x1a: {  	[tilespmem:s12], [sflag:$0x3] =	stream.indirect.gather [hbm4b:s8+s6], $0x60, s11, s6, $0xb8;
	[tilespmem:$0x12A98] =	vst v63  }
0x1b: {  	s15 =	smul.u32 $0x4980, s15;
	_ =	swait.ge [sflag:s13], $0x9300  }
0x1c: {  	s17 =	sadd.s32 $0x196600, s14;
	[sflag:s13] =	ssyncset.done $0x0  }
0x1d: {  	s14 =	sadd.s32 s17, s15;
	[sflag:s13] =	ssyncadd.s32 $0xFFFF6D00  }
0x1e: {  	[hbm4b:s14+s2] =	stream.linear.scatter [tilespmem:s9], [sflag:$0x4], $0x9300, $0x38;
	[tilespmem:$0x12A98] =	vst v63  }
0x1f: {  	_ =	swait.ge [sflag:s3], $0x9300  }
0x20: {  	[sflag:s3] =	ssyncset.done $0x0  }
0x21: {  	s15 =	simm.s32 $0x3;
	[sflag:s3] =	ssyncadd.s32 $0xFFFF6D00  }
0x22: {  	s16 =	smul.u32 $0xC, s16;
	_ =	swait.ge [sflag:s15], $0x9300  }
0x23: {  	[sflag:s15] =	ssyncset.done $0x0  }
0x24: {  	s16 =	sadd.s32 s17, s16;
	[sflag:s15] =	ssyncadd.s32 $0xFFFF6D00  }
0x25: {  	[hbm4b:s16+s2] =	stream.linear.scatter [tilespmem:s12], [sflag:$0x4], $0x9300, $0x38;
	[tilespmem:$0x12A98] =	vst v63  }
0x26: {  	_ =	swait.ge [sflag:s3], $0x9300  }
0x27: {  	[sflag:s3] =	ssyncset.done $0x0  }
0x28: {  	s17 =	sadd.s32 $0x62, s4;
	[sflag:s3] =	ssyncadd.s32 $0xFFFF6D00  }
0x29: {  	[tilespmem:s2], [sflag:$0x4] =	stream.linear.gather [hbm4b:s17+s2], $0x188, $0x38;
	[tilespmem:$0x12A98] =	vst v63  }
0x2a: {  	_ =	swait.ge [sflag:s3], $0x188  }
0x2b: {  	[sflag:s3] =	ssyncset.done $0x0  }
0x2c: {  	[sflag:s3] =	ssyncadd.s32 $0xFFFFFE78  }
0x2d: {  	[tilespmem:s6], [sflag:$0x1] =	stream.indirect.gather [hbm4b:s5+s6], $0x1, s2, s6, $0xb8;
	[tilespmem:$0x12A98] =	vst v63  }
0x2e: {  	_ =	swait.ge [sflag:s7], $0x188  }
0x2f: {  	s19 =	sadd.s32 $0x498, s19;
	[sflag:s7] =	ssyncset.done $0x0  }
0x30: {  	s19 =	sshrl.u32 s19, $0x3;
	[sflag:s7] =	ssyncadd.s32 $0xFFFFFE78  }
0x31: {  	[tilespmem:s9], [sflag:$0x2] =	stream.indirect.gather [hbm4b:s8+s6], $0x60, s6, s6, $0xb8;
	[tilespmem:$0x12A98] =	vst v63  }
0x32: {  	s18 =	sadd.s32 s18, s19  }
0x33: {  	[tilespmem:s2], [sflag:$0x4] =	stream.linear.gather [hbm4b:s18+s2], $0x188, $0x38;
	[tilespmem:$0x12A98] =	vst v63  }
0x34: {  	_ =	swait.ge [sflag:s3], $0x188  }
0x35: {  	[sflag:s3] =	ssyncset.done $0x0  }
0x36: {  	[sflag:s3] =	ssyncadd.s32 $0xFFFFFE78  }
0x37: {  	[tilespmem:s11], [sflag:$0x1] =	stream.indirect.gather [hbm4b:s5+s6], $0x1, s2, s6, $0xb8;
	[tilespmem:$0x12A98] =	vst v63  }
0x38: {  	_ =	swait.ge [sflag:s7], $0x188  }
0x39: {  	[sflag:s7] =	ssyncset.done $0x0  }
0x3a: {  	[sflag:s7] =	ssyncadd.s32 $0xFFFFFE78  }
0x3b: {  	[tilespmem:s12], [sflag:$0x3] =	stream.indirect.gather [hbm4b:s8+s6], $0x60, s11, s6, $0xb8;
	[tilespmem:$0x12A98] =	vst v63  }
0x3c: {  	_ =	swait.ge [sflag:s13], $0x9300  }
0x3d: {  	[sflag:s13] =	ssyncset.done $0x0  }
0x3e: {  	s20 =	ssub.s32 $0x2, s20;
	s19 =	sadd.s32 $0x24C0, s14;
	[sflag:s13] =	ssyncadd.s32 $0xFFFF6D00  }
0x3f: {  	[hbm4b:s19+s2] =	stream.linear.scatter [tilespmem:s9], [sflag:$0x4], $0x9300, $0x38;
	[tilespmem:$0x12A98] =	vst v63  }
0x40: {  	s21 =	sshrl.u32 s20, $0x1;
	_ =	swait.ge [sflag:s3], $0x9300  }
0x41: {  	s20 =	ssub.s32 s20, s21;
	[sflag:s3] =	ssyncset.done $0x0  }
0x42: {  	s21 =	smax.u32 s20, $0x1;
	[sflag:s3] =	ssyncadd.s32 $0xFFFF6D00  }
0x43: {  	p0 =	sne.s32 s21, $0x1;
	_ =	swait.ge [sflag:s15], $0x9300  }
.Ltmp0:
0x44: {  	[sflag:s15] =	ssyncset.done $0x0;
	(pc) =	sbr.rel @!p0 .LBB2_2-.Ltmp0, $4  }
0x45: {  	s20 =	sadd.s32 $0x3720, s14;
	[sflag:s15] =	ssyncadd.s32 $0xFFFF6D00  }
0x46: {  	[hbm4b:s20+s2] =	stream.linear.scatter [tilespmem:s12], [sflag:$0x4], $0x9300, $0x38;
	[tilespmem:$0x12A98] =	vst v63  }
0x47: {  	_ =	swait.ge [sflag:s3], $0x9300  }
0x48: {  	s21 =	sadd.s32 $0xFFFFFFFF, s21;
	[sflag:s3] =	ssyncset.done $0x0  }
.LBB2_1:
0x49: {  	p0 =	sne.s32 s21, $0x1;
	s21 =	sadd.s32 $0xFFFFFFFF, s21;
	[sflag:s3] =	ssyncadd.s32 $0xFFFF6D00  }
0x4a: {  	[tilespmem:s2], [sflag:$0x4] =	stream.linear.gather [hbm4b:s4+s2], $0x188, $0x38;
	[tilespmem:$0x12A98] =	vst v63  }
0x4b: {  	_ =	swait.ge [sflag:s3], $0x188  }
0x4c: {  	[sflag:s3] =	ssyncset.done $0x0  }
0x4d: {  	[sflag:s3] =	ssyncadd.s32 $0xFFFFFE78  }
0x4e: {  	[tilespmem:s6], [sflag:$0x1] =	stream.indirect.gather [hbm4b:s5+s6], $0x1, s2, s6, $0xb8;
	[tilespmem:$0x12A98] =	vst v63  }
0x4f: {  	_ =	swait.ge [sflag:s7], $0x188  }
0x50: {  	[sflag:s7] =	ssyncset.done $0x0  }
0x51: {  	[sflag:s7] =	ssyncadd.s32 $0xFFFFFE78  }
0x52: {  	[tilespmem:s9], [sflag:$0x2] =	stream.indirect.gather [hbm4b:s8+s6], $0x60, s6, s6, $0xb8;
	[tilespmem:$0x12A98] =	vst v63  }
0x53: {  	_ = 	snop  }
0x54: {  	[tilespmem:s2], [sflag:$0x4] =	stream.linear.gather [hbm4b:s10+s2], $0x188, $0x38;
	[tilespmem:$0x12A98] =	vst v63  }
0x55: {  	_ =	swait.ge [sflag:s3], $0x188  }
0x56: {  	[sflag:s3] =	ssyncset.done $0x0  }
0x57: {  	[sflag:s3] =	ssyncadd.s32 $0xFFFFFE78  }
0x58: {  	[tilespmem:s11], [sflag:$0x1] =	stream.indirect.gather [hbm4b:s5+s6], $0x1, s2, s6, $0xb8;
	[tilespmem:$0x12A98] =	vst v63  }
0x59: {  	_ =	swait.ge [sflag:s7], $0x188  }
0x5a: {  	[sflag:s7] =	ssyncset.done $0x0  }
0x5b: {  	[sflag:s7] =	ssyncadd.s32 $0xFFFFFE78  }
0x5c: {  	[tilespmem:s12], [sflag:$0x3] =	stream.indirect.gather [hbm4b:s8+s6], $0x60, s11, s6, $0xb8;
	[tilespmem:$0x12A98] =	vst v63  }
0x5d: {  	_ =	swait.ge [sflag:s13], $0x9300  }
0x5e: {  	[sflag:s13] =	ssyncset.done $0x0  }
0x5f: {  	[sflag:s13] =	ssyncadd.s32 $0xFFFF6D00  }
0x60: {  	[hbm4b:s14+s2] =	stream.linear.scatter [tilespmem:s9], [sflag:$0x4], $0x9300, $0x38;
	[tilespmem:$0x12A98] =	vst v63  }
0x61: {  	_ =	swait.ge [sflag:s3], $0x9300  }
0x62: {  	[sflag:s3] =	ssyncset.done $0x0  }
0x63: {  	[sflag:s3] =	ssyncadd.s32 $0xFFFF6D00  }
0x64: {  	_ =	swait.ge [sflag:s15], $0x9300  }
0x65: {  	[sflag:s15] =	ssyncset.done $0x0  }
0x66: {  	[sflag:s15] =	ssyncadd.s32 $0xFFFF6D00  }
0x67: {  	[hbm4b:s16+s2] =	stream.linear.scatter [tilespmem:s12], [sflag:$0x4], $0x9300, $0x38;
	[tilespmem:$0x12A98] =	vst v63  }
0x68: {  	_ =	swait.ge [sflag:s3], $0x9300  }
0x69: {  	[sflag:s3] =	ssyncset.done $0x0  }
0x6a: {  	[sflag:s3] =	ssyncadd.s32 $0xFFFF6D00  }
0x6b: {  	[tilespmem:s2], [sflag:$0x4] =	stream.linear.gather [hbm4b:s17+s2], $0x188, $0x38;
	[tilespmem:$0x12A98] =	vst v63  }
0x6c: {  	_ =	swait.ge [sflag:s3], $0x188  }
0x6d: {  	[sflag:s3] =	ssyncset.done $0x0  }
0x6e: {  	[sflag:s3] =	ssyncadd.s32 $0xFFFFFE78  }
0x6f: {  	[tilespmem:s6], [sflag:$0x1] =	stream.indirect.gather [hbm4b:s5+s6], $0x1, s2, s6, $0xb8;
	[tilespmem:$0x12A98] =	vst v63  }
0x70: {  	_ =	swait.ge [sflag:s7], $0x188  }
0x71: {  	[sflag:s7] =	ssyncset.done $0x0  }
0x72: {  	[sflag:s7] =	ssyncadd.s32 $0xFFFFFE78  }
0x73: {  	[tilespmem:s9], [sflag:$0x2] =	stream.indirect.gather [hbm4b:s8+s6], $0x60, s6, s6, $0xb8;
	[tilespmem:$0x12A98] =	vst v63  }
0x74: {  	_ = 	snop  }
0x75: {  	[tilespmem:s2], [sflag:$0x4] =	stream.linear.gather [hbm4b:s18+s2], $0x188, $0x38;
	[tilespmem:$0x12A98] =	vst v63  }
0x76: {  	_ =	swait.ge [sflag:s3], $0x188  }
0x77: {  	[sflag:s3] =	ssyncset.done $0x0  }
0x78: {  	[sflag:s3] =	ssyncadd.s32 $0xFFFFFE78  }
0x79: {  	[tilespmem:s11], [sflag:$0x1] =	stream.indirect.gather [hbm4b:s5+s6], $0x1, s2, s6, $0xb8;
	[tilespmem:$0x12A98] =	vst v63  }
0x7a: {  	_ =	swait.ge [sflag:s7], $0x188  }
0x7b: {  	[sflag:s7] =	ssyncset.done $0x0  }
0x7c: {  	[sflag:s7] =	ssyncadd.s32 $0xFFFFFE78  }
0x7d: {  	[tilespmem:s12], [sflag:$0x3] =	stream.indirect.gather [hbm4b:s8+s6], $0x60, s11, s6, $0xb8;
	[tilespmem:$0x12A98] =	vst v63  }
0x7e: {  	_ =	swait.ge [sflag:s13], $0x9300  }
0x7f: {  	[sflag:s13] =	ssyncset.done $0x0  }
0x80: {  	[sflag:s13] =	ssyncadd.s32 $0xFFFF6D00  }
0x81: {  	[hbm4b:s19+s2] =	stream.linear.scatter [tilespmem:s9], [sflag:$0x4], $0x9300, $0x38;
	[tilespmem:$0x12A98] =	vst v63  }
0x82: {  	_ =	swait.ge [sflag:s3], $0x9300  }
0x83: {  	[sflag:s3] =	ssyncset.done $0x0  }
0x84: {  	[sflag:s3] =	ssyncadd.s32 $0xFFFF6D00  }
0x85: {  	_ =	swait.ge [sflag:s15], $0x9300  }
.Ltmp1:
0x86: {  	[sflag:s15] =	ssyncset.done $0x0;
	(pc) =	sbr.rel @p0 .LBB2_1-.Ltmp1, $4  }
0x87: {  	[sflag:s15] =	ssyncadd.s32 $0xFFFF6D00  }
0x88: {  	[hbm4b:s20+s2] =	stream.linear.scatter [tilespmem:s12], [sflag:$0x4], $0x9300, $0x38;
	[tilespmem:$0x12A98] =	vst v63  }
0x89: {  	_ =	swait.ge [sflag:s3], $0x9300  }
0x8a: {  	[sflag:s3] =	ssyncset.done $0x0  }
.LBB2_2:
0x8b: {  	[sflag:s3] =	ssyncadd.s32 $0xFFFF6D00  }
0x8c: {  	_ =	sfence.sel $0x180000  }
0x8d: {  	[bflag:$0x0] =	sbarrier.arrive $0xFFFF  }
0x8e: {  	p0 =	sne.s32 s0, $0x0;
	_ =	strace $0x90000059  }
0x8f: {  	s0 =	sadd.s32 @!p0 $0x100000, s1;
	[bflag:$0x2] =	sbarrier.arrive $0xFFFF  }
0x90: {  	[sflag:s0] =	ssyncadd.tile.s32 @!p0 $0x1;
	_ =	shalt  }
.Lfunc_end2:
_tile_overlayer_lowered:
.L_overlay_start_2:
0x91: {  	(tag) =	ssettag $0x2  }
0x92: {  	s0 =	rddreg [dreg:$0x0];
	s2 =	stileid.u32  }
0x93: {  	s1 =	rddreg [dreg:$0x1];
	p0 =	sne.s32 s2, $0x0  }
0x94: {  	s3 =	rddreg [dreg:$0x2];
	[bflag:$0x3] =	sbarrier.arrive $0xFFFF;
	s2 =	simm.s32 @!p0 $0x1C04  }
0x95: {  	[timem:s3], [sflag:s2] =	dma.local @!p0 [hbm:s0], s1  }
0x96: {  	s0 =	simm.s32 @!p0 $0x4  }
0x97: {  	_ =	swait.ge @!p0 [sflag:s0], s1  }
0x98: {  	s1 =	ssub.s32 @!p0 $0x0, s1;
	[sflag:s0] =	ssyncset.done @!p0 $0x0  }
0x99: {  	[sflag:s0] =	ssyncadd.s32 @!p0 s1  }
0x9a: {  	[bflag:$0x3] =	sbarrier.arrive $0xFFFF  }
0x9b: {  	_ =	shalt  }

// kernel: scatter_offload_async_start.1
scs
__scs_entry_jumppad:
0x0: {  	(pc) =	sbr.rel $0x88, $3  }
0x1: {  	(tag) =	ssettag $0x0;
	lr =	simm.s32 $0x1  }
0x2: {  	[smem:$0x3F8B] =	sst lr;
	_ =	strace $0xD0000000  }
0x3: {  	_ = 	snop  }
0x4: {  	_ = 	snop  }
0x5: {  	_ = 	snop  }
0x6: {  	_ = 	snop  }
0x7: {  	_ = 	snop  }
__scs_overlays_trampoline_lowered:
0x8: {  	[smem:$0x3F9A] =	sst s0  }
0x9: {  	[smem:$0x3F9B] =	sst s1  }
0xa: {  	[smem:$0x3F9C] =	sst s2  }
0xb: {  	[smem:$0x3F9D] =	sst s3  }
0xc: {  	[smem:$0x3F9E] =	sst s4  }
0xd: {  	[smem:$0x3F9F] =	sst s5  }
0xe: {  	[smem:$0x3FA0] =	sst s6  }
0xf: {  	[smem:$0x3FA1] =	sst s7  }
0x10: {  	[smem:$0x3FA2] =	sst s8  }
0x11: {  	[smem:$0x3FA3] =	sst s9;
	s0 =	simm.s32 @!p0 $0x0  }
0x12: {  	s1 =	sld [smem:$0x3F89];
	s0 =	simm.s32 @p0 $0x1  }
0x13: {  	[smem:$0x3FA4] =	sst s0;
	s0 =	simm.s32 @!p1 $0x0  }
0x14: {  	s2 =	sld [smem:$0x3F88];
	s0 =	simm.s32 @p1 $0x1  }
0x15: {  	[smem:$0x3FA5] =	sst s0;
	s0 =	simm.s32 @!p2 $0x0  }
0x16: {  	s3 =	sld [smem:$0x3FDB];
	s0 =	simm.s32 @p2 $0x1  }
0x17: {  	s4 =	simm.s32 $0x1BF5;
	[smem:$0x3FA7] =	sst s0  }
0x18: {  	s0 =	sld [smem:$0x3F8A];
	_ =	swait.ge [sflag:s4], $0x0  }
0x19: {  	s7 =	sld [smem:$0x3F8B]  }
0x1a: {  	s8 =	sadd.s32 $0xFFFFE003, lr  }
0x1b: {  	s9 =	sadd.s32 $0xFFFFFEF7, lr;
	s5 =	simm.s32 $0xFFFFFFFF;
	p2 =	slt.u32 s8, $0xFFFFF086  }
0x1c: {  	p1 =	slt.u32 s9, $0xF7A;
	s5 =	simm.s32 @!p2 $0x0  }
0x1d: {  	s5 =	simm.s32 @p1 $0x1;
	p0 =	seq.s32 s7, s2  }
0x1e: {  	s7 =	smul.u32 @!p0 $0xF7A, s2;
	p2 =	seq.s32 @!p0 s5, $0x0  }
0x1f: {  	s9 =	smul.u32 $0xF7A, s1;
	s8 =	simm.s32 @!p0 $0x1BF5;
	p2 =	por !p2, p0  }
0x20: {  	[sflag:s8] =	ssyncset.s32 @!p0 $0xFFFFF086;
	s6 =	sadd.s32 @!p0 s3, s7;
	s7 =	simm.s32 @!p0 $0x108  }
0x21: {  	s3 =	sadd.s32 s3, s9;
	s6 =	sadd.s32 @!p0 $0x88, s6;
	s7 =	simm.s32 @p2 $0x1082  }
0x22: {  	[simem:s7], [sflag:s8] =	dma.local @!p0 [hbm:s6], $0xF7A  }
0x23: {  	s9 =	sor.u32 $0xD0000000, s2;
	s6 =	simm.s32 $0x108;
	_ =	swait.ge @!p0 [sflag:s8], $0x0  }
0x24: {  	s3 =	sadd.s32 $0x88, s3;
	s6 =	simm.s32 @!p1 $0x1082;
	[sflag:s4] =	ssyncset.s32 $0xFFFFF086  }
0x25: {  	[simem:s6], [sflag:s4] =	dma.local [hbm:s3], $0xF7A  }
0x26: {  	[smem:$0x3F8B] =	sst s1;
	(tag) =	ssettag s2;
	_ =	strace s9  }
0x27: {  	s1 =	sld [smem:$0x3F9B]  }
0x28: {  	s2 =	sld [smem:$0x3F9C]  }
0x29: {  	s4 =	sld [smem:$0x3F9E]  }
0x2a: {  	p0 =	seq.s32 s5, $0x0;
	s5 =	sld [smem:$0x3F9F]  }
0x2b: {  	s6 =	sld [smem:$0x3FA0]  }
0x2c: {  	s7 =	sld [smem:$0x3FA1]  }
0x2d: {  	s3 =	simm.s32 $0x108;
	s8 =	sld [smem:$0x3FA2]  }
0x2e: {  	s3 =	simm.s32 @!p0 $0x1082;
	s9 =	sld [smem:$0x3FA3]  }
0x2f: {  	lr =	sadd.s32 s0, s3;
	s0 =	sld [smem:$0x3F9A]  }
0x30: {  	s3 =	sld [smem:$0x3F9D]  }
0x31: {  	[smem:$0x3FA6] =	sst s10  }
0x32: {  	s10 =	sld [smem:$0x3FA4];
	_ =	sdelay $0x3  }
0x33: {  	p0 =	seq.s32 s10, $0x1;
	s10 =	sld [smem:$0x3FA6];
	_ =	sdelay $0x3  }
0x34: {  	[smem:$0x3FA6] =	sst s10  }
0x35: {  	s10 =	sld [smem:$0x3FA5];
	_ =	sdelay $0x3  }
0x36: {  	p1 =	seq.s32 s10, $0x1;
	s10 =	sld [smem:$0x3FA6];
	_ =	sdelay $0x3  }
0x37: {  	[smem:$0x3FA6] =	sst s10  }
0x38: {  	s10 =	sld [smem:$0x3FA7]  }
0x39: {  	_ = 	snop;
	(pc) =	sbr.ind lr, $3  }
0x3a: {  	_ = 	snop  }
0x3b: {  	_ = 	snop  }
0x3c: {  	p2 =	seq.s32 s10, $0x1;
	s10 =	sld [smem:$0x3FA6]  }
0x3d: {  	_ =	shalt  }
0x3e: {  	_ =	shalt  }
0x3f: {  	_ =	shalt  }
0x40: {  	_ =	shalt  }
0x41: {  	_ =	shalt  }
0x42: {  	_ =	shalt  }
0x43: {  	_ =	shalt  }
0x44: {  	_ =	shalt  }
0x45: {  	_ =	shalt  }
0x46: {  	_ =	shalt  }
0x47: {  	_ =	shalt  }
0x48: {  	_ =	shalt  }
0x49: {  	_ =	shalt  }
0x4a: {  	_ =	shalt  }
0x4b: {  	_ =	shalt  }
0x4c: {  	_ =	shalt  }
0x4d: {  	_ =	shalt  }
0x4e: {  	_ =	shalt  }
0x4f: {  	_ =	shalt  }
0x50: {  	_ =	shalt  }
0x51: {  	_ =	shalt  }
0x52: {  	_ =	shalt  }
0x53: {  	_ =	shalt  }
0x54: {  	_ =	shalt  }
0x55: {  	_ =	shalt  }
0x56: {  	_ =	shalt  }
0x57: {  	_ =	shalt  }
0x58: {  	_ =	shalt  }
0x59: {  	_ =	shalt  }
0x5a: {  	_ =	shalt  }
0x5b: {  	_ =	shalt  }
0x5c: {  	_ =	shalt  }
0x5d: {  	_ =	shalt  }
0x5e: {  	_ =	shalt  }
0x5f: {  	_ =	shalt  }
0x60: {  	_ =	shalt  }
0x61: {  	_ =	shalt  }
0x62: {  	_ =	shalt  }
0x63: {  	_ =	shalt  }
0x64: {  	_ =	shalt  }
0x65: {  	_ =	shalt  }
0x66: {  	_ =	shalt  }
0x67: {  	_ =	shalt  }
0x68: {  	_ =	shalt  }
0x69: {  	_ =	shalt  }
0x6a: {  	_ =	shalt  }
0x6b: {  	_ =	shalt  }
0x6c: {  	_ =	shalt  }
0x6d: {  	_ =	shalt  }
0x6e: {  	_ =	shalt  }
0x6f: {  	_ =	shalt  }
0x70: {  	_ =	shalt  }
0x71: {  	_ =	shalt  }
0x72: {  	_ =	shalt  }
0x73: {  	_ =	shalt  }
0x74: {  	_ =	shalt  }
0x75: {  	_ =	shalt  }
0x76: {  	_ =	shalt  }
0x77: {  	_ =	shalt  }
0x78: {  	_ =	shalt  }
0x79: {  	_ =	shalt  }
0x7a: {  	_ =	shalt  }
0x7b: {  	_ =	shalt  }
0x7c: {  	_ =	shalt  }
0x7d: {  	_ =	shalt  }
0x7e: {  	_ =	shalt  }
0x7f: {  	_ =	shalt  }
0x80: {  	_ =	shalt  }
0x81: {  	_ =	shalt  }
0x82: {  	_ =	shalt  }
0x83: {  	_ =	shalt  }
0x84: {  	_ =	shalt  }
0x85: {  	_ =	shalt  }
0x86: {  	_ =	shalt  }
0x87: {  	_ =	shalt  }
.Lfunc_end0:
.L_simem_size_0:
called_computation.1_lowered:
.L_overlay_start_0:
0x88: {  	s0 =	sld [smem:$0x3FD9]  }
0x89: {  	s1 =	sld [smem:$0x3FFE];
	_ =	sdelay $0x3  }
0x8a: {  	s0 =	sadd.s32 s1, s0  }
0x8b: {  	[smem:$0x3FB2] =	sst s0  }
0x8c: {  	_ = 	snop  }
0x8d: {  	(tm) =	ssettm $0x1  }
0x8e: {  	s15 =	sld [smem:$0x3FFB];
	_ =	sdelay $0x3  }
0x8f: {  	_ =	strace s15  }
0x90: {  	s0 =	sld [smem:$0x3FFC];
	_ =	sdelay $0x3  }
0x91: {  	_ =	strace s0  }
0x92: {  	s0 =	sld [smem:$0x3FFD];
	_ =	sdelay $0x3  }
0x93: {  	_ =	strace s0  }
0x94: {  	_ =	strace $0x8FFFFFFF  }
0x95: {  	s16 =	sld [smem:$0x3FDB];
	_ =	sdelay $0x1  }
0x96: {  	s17 =	simm.s32 $_scs_section_size  }
0x97: {  	s2 =	simm.s32 $_size__tile_overlayer_lowered;
	s3 =	simm.s32 $_tile_overlayer_lowered  }
0x98: {  	s20 =	simm.s32 $0x1BFF;
	s19 =	sshll.u32 s3, $0x1;
	s0 =	sadd.s32 s17, s16  }
0x99: {  	s4 =	simm.s32 $0x0;
	s18 =	sshll.u32 s2, $0x1;
	s2 =	sadd.s32 s19, s0  }
0x9a: {  	[timem:s4], [sflag:s20] =	dma.local [hbm:s2], s18  }
0x9b: {  	_ =	swait.ge [sflag:s20], s18  }
0x9c: {  	s1 =	ssub.s32 $0x0, s18;
	[sflag:s20] =	ssyncset.done $0x0  }
0x9d: {  	[sflag:s20] =	ssyncadd.s32 s1;
	_ =	sdelay $0x1  }
0x9e: {  	s21 =	simm.s32 $0x1B8B  }
0x9f: {  	_ =	swait.ge [sflag:s21], $0x1  }
0xa0: {  	[sflag:s21] =	ssyncset.done $0x0  }
0xa1: {  	s23 =	simm.s32 $0x1B8E;
	s22 =	sld [smem:$0x3FFE];
	[sflag:s21] =	ssyncadd.s32 $0xFFFFFFFF  }
0xa2: {  	s24 =	simm.s32 $execute0_lowered;
	[smem:$0x3FD2] =	sst s23  }
0xa3: {  	s2 =	sshll.u32 s24, $0x1;
	_ =	strace $0x8000004F;
	[dreg:$0x1] =	wrdreg $0xFFFFFFFF  }
0xa4: {  	s25 =	simm.s32 $_size_execute0_lowered;
	s0 =	sadd.s32 s0, s2;
	[dreg:$0x0] =	wrdreg $0x0  }
0xa5: {  	s2 =	sshll.u32 s25, $0x1;
	[dreg:$0x2] =	wrdreg s0  }
0xa6: {  	[dreg:$0x3] =	wrdreg s2  }
0xa7: {  	[dreg:$0x4] =	wrdreg $0xC0  }
0xa8: {  	_ =	task [dreg:s4], $0x5FFFF  }
0xa9: {  	[dreg:$0x1] =	wrdreg $0xFFFFFFFF  }
0xaa: {  	[dreg:$0x0] =	wrdreg $0x60  }
0xab: {  	[dreg:$0x2] =	wrdreg s22  }
0xac: {  	[dreg:$0x3] =	wrdreg $0x9  }
0xad: {  	_ =	task.clear_ibuf [dreg:s4], $0x4FFFF;
	_ =	strace $0x9000004F  }
0xae: {  	s26 =	simm.s32 $0x9;
	_ =	strace $0x80000051  }
0xaf: {  	_ =	swait.ge [sflag:s26], $0x1  }
0xb0: {  	[sflag:s26] =	ssyncadd.s32 $0xFFFFFFFF  }
0xb1: {  	_ =	strace $0x90000051  }
0xb2: {  	_ =	sfence  }
0xb3: {  	s28 =	sld [smem:$0x0];
	_ =	sdelay $0x1  }
0xb4: {  	s29 =	srdreg.scid  }
0xb5: {  	s30 =	sshll.u32 s29, $0xD;
	s31 =	sshrl.u32 s29, $0x2  }
0xb6: {  	s1 =	sand.u32 $0x1, s29;
	s2 =	sand.u32 $0x4000, s30;
	s0 =	sadd.s32 s31, s28  }
0xb7: {  	s1 =	sor.u32 s2, s1;
	s0 =	sshll.u32 s0, $0x11  }
0xb8: {  	s0 =	sor.u32 s0, s1  }
0xb9: {  	s0 =	sadd.s32 $0x8F2B, s0  }
0xba: {  	[sflag:s0] =	ssyncadd.remote.s32 $0x1  }
0xbb: {  	_ =	sfence.sel $0xFFFF  }
0xbc: {  	[dreg:$0x0] =	wrdreg $0xFFFFFFFF;
	(pc) =	sbr.abs _section_cstart, $3  }
0xbd: {  	[dreg:$0x1] =	wrdreg $0xFFFFFFFF  }
0xbe: {  	_ =	task.clear_ibuf [dreg:s4], $0x2FFFF;
	_ =	strace $0x9FFFFFFF  }
0xbf: {  	(tm) =	ssettm $0x7FFFFFFF  }
tec
execute0_lowered:
.L_overlay_start_1:
0x0: {  	(tag) =	ssettag $0x1  }
0x1: {  	s6 =	stileid.u32  }
0x2: {  	s0 =	rddreg [dreg:$0x0];
	_ =	strace $0x80000050;
	s1 =	smin.u32 s6, $0x9  }
0x3: {  	s2 =	simm.s32 $0x1;
	p0 =	slt.u32 s6, $0x9;
	s1 =	sadd.s32 s6, s1  }
0x4: {  	v1 =	vimm.s32 $0xFFFFFFFF;
	[sflag:s2] =	ssyncpa.u1 $0x0;
	s3 =	smul.u32 $0x7D0, s1;
	s1 =	simm.s32 $0xFA0  }
0x5: {  	[tilespmem:$0x10] =	vst v1;
	s1 =	simm.s32 @!p0 $0x7D0  }
0x6: {  	v0 =	vimm.f32 $0.0e+00;
	[tilespmem:$0x20] =	vst v1;
	s1 =	sadd.s32 s1, s3  }
0x7: {  	[tilespmem:$0x30] =	vst v0;
	s4 =	smin.u32 s1, $0xC350  }
0x8: {  	[tilespmem:$0x40] =	vst v0;
	s9 =	ssub.s32 s4, s3  }
0x9: {  	[tilespmem:$0x50] =	vst v0;
	p0 =	sgt.s32 s9, $0x0  }
0xa: {  	s7 =	simm.s32 $0x2;
	[tilespmem:$0x60] =	vst v1;
	s9 =	simm.s32 @!p0 $0x0  }
0xb: {  	s8 =	simm.s32 $0x8;
	s31 =	simm.s32 $0x9;
	[tilespmem:$0x70] =	vst v1;
	s30 =	sand.u32 $0xFFF0, s9  }
0xc: {  	s16 =	simm.s32 $0x0;
	s17 =	simm.s32 $0xF0;
	[tilespmem:$0x80] =	vst v1;
	s1 =	sshrl.u32 s30, $0x4  }
0xd: {  	s18 =	simm.s32 $0xFFFFFFFF;
	s19 =	simm.s32 $0xFFFFF160;
	v1 =	vimm.s32 $0x0;
	[tilespmem:$0xB0] =	vst v0;
	s5 =	smul.u32 $0x1063, s1  }
0xe: {  	s20 =	simm.s32 $0xFFFFFFFE;
	s21 =	simm.s32 $0xF;
	s25 =	simm.s32 $0x0;
	[tilespmem:$0x90] =	vst v1  }
0xf: {  	[tilespmem:$0xA0] =	vst v1;
	[sflag:s7] =	ssyncpa.u1 $0x0;
	s7 =	simm.s32 $0x7;
	s10 =	sshrl.u32 s5, $0x13  }
0x10: {  	s24 =	simm.s32 $0x0;
	[sflag:s7] =	ssyncpa.u1 $0x0;
	s11 =	smul.u32 $0x7D0, s10  }
0x11: {  	s14 =	sshllo.u32 s6, $0x1;
	[sflag:s8] =	ssyncpa.u1 $0x0;
	s23 =	smov.u32 s3  }
.Ltmp0:
0x12: {  	s1 =	sadd.s32 $0x2C00, s0;
	p0 =	sne.s32 s9, s11;
	(pc) =	sbr.rel .LBB2_1-.Ltmp0, $4  }
0x13: {  	s5 =	sadd.s32 $0x59BE00, s0;
	s0 =	sadd.s32 $0x59D800, s0;
	s2 =	simm.s32 @!p0 $0x0  }
0x14: {  	[sflag:s31] =	ssyncpa.u1 $0x0;
	[dreg:$0x2] =	wrdreg s0;
	s9 =	sadd.s32 s10, s2  }
0x15: {  	vm0 =	vmmov $0xffff;
	v2 =	vlaneseq.u32;
	p0 =	por $0x0, $0x0;
	s10 =	sshll.u32 s6, $0x1;
	s11 =	sadd.s32 $0x1, s9  }
0x16: {  	vm1 =	vmxor vm1, vm1;
	vm2 =	vmmov $0x1;
	vm3 =	vcmask $0x3F3C;
	s12 =	sadd.s32 $0x2, s9;
	s13 =	sor.u32 $0x81, s10;
	s15 =	sor.u32 $0x80, s10  }
.LBB2_9:
0x17: {  	p1 =	slt.u32 s24, $0x3  }
0x18: {  	s0 =	simm.s32 @!p1 $0x2  }
0x19: {  	_ =	swait.ge @!p1 [sflag:s0], $0x7D0  }
0x1a: {  	[sflag:s0] =	ssyncset.done @!p1 $0x0  }
0x1b: {  	[sflag:s0] =	ssyncadd.s32 @!p1 $0xFFFFF830;
	s0 =	simm.s32 @!p1 $0x9  }
0x1c: {  	_ =	swait.ge @!p1 [sflag:s0], $0x10  }
0x1d: {  	[sflag:s0] =	ssyncset.done @!p1 $0x0  }
0x1e: {  	[sflag:s0] =	ssyncadd.s32 @!p1 $0xFFFFFFF0;
	p1 =	sne.s32 s24, s12  }
.Ltmp1:
0x1f: {  	s2 =	sadd.s32 $0x7D0, s23;
	(pc) =	sbr.rel @!p1 .LBB2_10-.Ltmp1, $4  }
0x20: {  	s6 =	smov.u32 s3;
	s31 =	sadd.s32 $0x1, s24;
	s17 =	sadd.s32 $0x7D0, s17  }
0x21: {  	s18 =	sadd.s32 $0x1, s18;
	s25 =	smov.u32 s23;
	p2 =	slt.s32 s2, s4  }
0x22: {  	p0 =	por !p0, !p0;
	s19 =	sadd.s32 $0x7D0, s19;
	s6 =	smov.u32 @p2 s2  }
0x23: {  	s20 =	sadd.s32 $0x1, s20;
	s23 =	smov.u32 s6;
	s24 =	smov.u32 s31  }
.LBB2_1:
0x24: {  	p1 =	sge.u32 s24, s9  }
0x25: {  	s0 =	smulhi.u32 @!p1 $0xAAAAAAAB, s24;
	_ =	sdelay $0x1  }
0x26: {  	s0 =	sshrl.u32 @!p1 s0, $0x1  }
0x27: {  	s0 =	smul.u32 @!p1 $0x3, s0;
	_ =	sdelay $0x1  }
0x28: {  	s0 =	ssub.s32 @!p1 s24, s0  }
0x29: {  	s0 =	smul.u32 @!p1 $0x1F40, s0;
	_ =	sdelay $0x1  }
0x2a: {  	s2 =	sshrl.u32 @!p1 s23, $0x3;
	s0 =	sshrl.u32 @!p1 s0, $0x2  }
0x2b: {  	s22 =	sand.u32 @!p1 $0x7, s23;
	s2 =	sadd.s32 @!p1 s5, s2;
	s0 =	sadd.s32 @!p1 $0x100, s0  }
0x2c: {  	[tilespmem:s0], [sflag:$0x7] =	stream.linear.gather @!p1 [hbm4b:s2+s22], $0x7D0, $0x38;
	[tilespmem:$0x4770] =	vst v63  }
0x2d: {  	s0 =	sadd.s32 $0xFFFFFFFF, s24  }
0x2e: {  	p1 =	sge.u32 s0, s9  }
.Ltmp2:
0x2f: {  	_ = 	snop;
	(pc) =	sbr.rel @p1 .LBB2_5-.Ltmp2, $1  }
0x30: {  	_ =	sdelay $0x3  }
0x31: {  	s2 =	smulhi.u32 $0xAAAAAAAB, s0;
	_ =	sdelay $0x1  }
0x32: {  	s2 =	sshrl.u32 s2, $0x1  }
0x33: {  	s2 =	smul.u32 $0x3, s2;
	_ =	sdelay $0x1  }
0x34: {  	s2 =	ssub.s32 s0, s2  }
0x35: {  	s2 =	smul.u32 $0x1F40, s2  }
0x36: {  	_ =	swait.ge [sflag:s7], $0x7D0  }
0x37: {  	[sflag:s7] =	ssyncset.done $0x0;
	s2 =	sshrl.u32 s2, $0x2  }
0x38: {  	[sflag:s7] =	ssyncadd.s32 $0xFFFFF830;
	(ifvalue) =	ssetifvalue $0xFFFFFFFF;
	v3 =	vld.msk [tilespmem:s2+$0x100 ss:$0x1], $0xffff;
	_ =	sdelay $0x2  }
0x39: {  	s30 =	smulhi.u32 $0xAAAAAAAB, s18;
	p1 =	sne.s32 s24, $0x1  }
0x3a: {  	v4 =	vimm.s32 @!p1 $0x0  }
0x3b: {  	s2 =	sshrl.u32 s30, $0x1;
	v4 =	vperm.xlane @!p1 v3, v4  }
0x3c: {  	s22 =	sshll.u32 s24, $0x4;
	s2 =	smul.u32 $0xFFFFA240, s2;
	vm4 =	vlt.u32 v3, $0x8400  }
0x3d: {  	s22 =	sand.u32 $0x10, s22;
	v3 =	vnsel vm4, $0xFFFFFFFE, v3;
	vm4 =	vlt.u32 @!p1 v4, $0x8400  }
0x3e: {  	s2 =	sshra.s32 s2, $0x2;
	[tilespmem:s22+$0x60] =	vst v3;
	v3 =	vnsel @!p1 vm4, $0xFFFFFFFE, v4  }
0x3f: {  	s28 =	sadd.s32 s2, s17;
	[tilespmem:$0x80] =	vst @!p1 v3  }
0x40: {  	v3 =	vld.msk [tilespmem:s28+$0x0 ss:$0x1], $0xffff;
	_ =	sdelay $0x4  }
0x41: {  	(xrf1) =	vunique.msk.u32 $0xffff, v3;
	_ =	sdelay $0xd  }
0x42: {  	v4 =	vimm.s32 $0xFFFFFFFF;
	v5, _, _ =	vpop (xrf1)  }
0x43: {  	vm5 =	vne.s32 v3, v4;
	vm4 =	veq.s32 v5, v2  }
0x44: {  	vm6 =	vlt.u32 v3, $0x8400;
	vm4 =	vmand vm5, vm4  }
0x45: {  	vm4 =	vmand vm6, vm4  }
0x46: {  	v4 =	vnsel vm4, $0xFFFFFFFF, v3  }
0x47: {  	s31 =	sand.u32 $0x1, s0  }
0x48: {  	s0 =	simm.s32 $0x7D0;
	p1 =	seq.s32 s31, $0x1  }
0x49: {  	s0 =	simm.s32 @!p1 $0x0  }
0x4a: {  	s26 =	sadd.s32 $0x2030, s0;
	(ifvalue) =	ssetifvalue $0xFFFFFFFF  }
0x4b: {  	v3 =	vperm.xlane v3, v1;
	[tilespmem:s26], [sflag:$0x8] =	stream.indirect_vreg.gather [hbm4b:s1+s16], $0x1, v4, vm0, $0x4038;
	v4 =	vnsel vm6, $0xFFFFFFFE, v4;
	[tilespmem:$0x4770] =	vst v63  }
0x4c: {  	s2 =	simm.s32 $0x0;
	s22 =	sadd.s32 $0xFFFFFFF0, s28;
	[tilespmem:s28+$0x0] =	vst v4  }
.LBB2_3:
0x4d: {  	v4 =	vld.msk [tilespmem:s22+$0x0 ss:$0x1], $0xffff;
	s2 =	sadd.s32 $0x10, s2;
	v5 =	vmov v3;
	s28 =	smov.u32 s22  }
0x4e: {  	p1 =	slt.u32 s2, $0x7C0;
	_ =	sdelay $0x4  }
0x4f: {  	v3 =	vperm.xlane v4, v1;
	(xrf1) =	vunique.msk.u32 $0xffff, v4;
	_ =	sdelay $0xd  }
0x50: {  	v6, _, _ =	vpop (xrf1)  }
0x51: {  	vm5 =	vne.s32 v4, v5;
	vm4 =	veq.s32 v6, v2  }
0x52: {  	vm6 =	vlt.u32 v4, $0x8400;
	vm4 =	vmand vm5, vm4  }
0x53: {  	vm4 =	vmand vm6, vm4  }
0x54: {  	v4 =	vnsel vm4, $0xFFFFFFFF, v4  }
.Ltmp3:
0x55: {  	v5 =	vnsel vm6, $0xFFFFFFFE, v4;
	(pc) =	sbr.rel @p1 .LBB2_3-.Ltmp3, $3  }
0x56: {  	_ =	sdelay $0x1  }
0x57: {  	s22 =	sadd.s32 $0xFFFFFFF0, s22;
	s26 =	sadd.s32 $0xFFFFFFF0, s26;
	(ifvalue) =	ssetifvalue $0xFFFFFFFF  }
0x58: {  	[tilespmem:s26], [sflag:$0x8] =	stream.indirect_vreg.gather [hbm4b:s1+s16], $0x1, v4, vm0, $0x4038;
	[tilespmem:s28+$0x0] =	vst v5  }
0x59: {  	s2 =	sshrl.u32 s25, $0x3;
	s6 =	rddreg [dreg:$0x2]  }
0x5a: {  	s0 =	sadd.s32 $0x2810, s0;
	s2 =	sadd.s32 s6, s2  }
0x5b: {  	[tilespmem:s0], [sflag:$0x8] =	stream.linear.gather [hbm:s2], $0x7D0, $0x38;
	[tilespmem:$0x4770] =	vst v63  }
.LBB2_5:
0x5c: {  	p1 =	slt.u32 s24, $0x2  }
0x5d: {  	p2 =	sge.u32 @!p1 s24, s12  }
0x5e: {  	p1 =	por p1, p2  }
.Ltmp4:
0x5f: {  	_ = 	snop;
	(pc) =	sbr.rel @p1 .LBB2_9-.Ltmp4, $1  }
0x60: {  	_ =	sdelay $0x3  }
0x61: {  	s0 =	sadd.s32 $0xFFFFFFFE, s24  }
0x62: {  	s2 =	smulhi.u32 $0xAAAAAAAB, s0;
	_ =	sdelay $0x1  }
0x63: {  	s2 =	sshrl.u32 s2, $0x1  }
0x64: {  	s2 =	smul.u32 $0x3, s2;
	_ =	sdelay $0x1  }
0x65: {  	s0 =	ssub.s32 s0, s2  }
0x66: {  	_ =	swait.ge [sflag:s8], $0xFA0;
	s0 =	smul.u32 $0x7D0, s0  }
0x67: {  	p1 =	sne.s32 s24, s11;
	[sflag:s8] =	ssyncset.done $0x0  }
0x68: {  	[sflag:s8] =	ssyncadd.s32 $0xFFFFF060;
	s2 =	sadd.s32 @!p1 $0x8CF, s0  }
0x69: {  	[spmem:s13] =	stream.linear.scatter @!p1 [tilespmem:s2], [sflag:$0x1], $0x1, $0x38;
	[tilespmem:$0x4770] =	vst v63  }
0x6a: {  	s2 =	simm.s32 @!p1 $0x1  }
0x6b: {  	_ =	swait.ge @!p1 [sflag:s2], $0x1  }
0x6c: {  	s22 =	sshll.u32 s24, $0x4;
	[sflag:s2] =	ssyncset.done @!p1 $0x0  }
0x6d: {  	s25 =	sand.u32 $0x10, s22;
	[sflag:s2] =	ssyncadd.s32 @!p1 $0xFFFFFFFF  }
0x6e: {  	s2 =	sxor.u32 $0x10, s25;
	v4 =	vld [tilespmem:s25+$0x10]  }
0x6f: {  	v5 =	vld [tilespmem:s2+$0x60]  }
0x70: {  	v3 =	vld [tilespmem:$0x80];
	_ =	sdelay $0x2  }
0x71: {  	(v2sf) =	vpush v4, $0x0  }
0x72: {  	(v2sf) =	vpush v5, $0x0  }
0x73: {  	(v2sf) =	vpush v3, $0x0;
	_ =	sdelay $0xc  }
0x74: {  	s6 =	spop (v2sf)  }
0x75: {  	s28 =	spop (v2sf)  }
0x76: {  	s26 =	spop (v2sf)  }
0x77: {  	p2 =	seq.s32 s6, s28;
	p3 =	seq.s32 s26, s6  }
0x78: {  	p3 =	por p2, p3  }
0x79: {  	s6 =	sand.u32 $0x1, s24;
	v4 =	vpsel p3, $0xFFFFFFFF, v4  }
0x7a: {  	s28 =	smul.u32 $0x7D0, s6;
	[tilespmem:s25+$0x10] =	vst.msk $0x1, v4  }
0x7b: {  	v4 =	vld [tilespmem:$0x30]  }
0x7c: {  	v5 =	vld [tilespmem:s28+$0x2810]  }
0x7d: {  	v6 =	vld [tilespmem:s25+$0x40];
	_ =	sdelay $0x3  }
0x7e: {  	vm4 =	vmmov vm1;
	v5 =	vadd.f32 v5, v4  }
0x7f: {  	vm5 =	vmmov vm2;
	vm4 =	vmmov @p2 vm2;
	v4 =	vadd.f32 v6, v4  }
0x80: {  	s22 =	sshll.u32 s6, $0x4;
	vm5 =	vmmov @p3 vm1;
	[tilespmem:s28+$0x2810] =	vst.msk vm4, v5  }
0x81: {  	[tilespmem:s22+$0x4750] =	vst.msk vm5, v4  }
0x82: {  	v4 =	vld [tilespmem:s28+$0x2030];
	_ =	sdelay $0x3  }
0x83: {  	v5 =	vimm.f32 $0.0e+00  }
0x84: {  	v4 =	vshift.insert v4, v5, s21  }
0x85: {  	s29 =	sor.u32 $0x40, s2  }
0x86: {  	[tilespmem:s29+$0x0] =	vst.msk $0x1, v4  }
0x87: {  	[tilespmem:s28+$0x203F] =	vst.msk $0x1, v5  }
0x88: {  	v4 =	vld [tilespmem:s0+$0x8C0];
	_ =	sdelay $0x1  }
0x89: {  	s29 =	smulhi.u32 $0xAAAAAAAB, s20;
	s0 =	simm.s32 $0x1  }
0x8a: {  	s0 =	simm.s32 @!p0 $0x0  }
0x8b: {  	s29 =	sshrl.u32 s29, $0x1;
	s0 =	smul.u32 $0x1F40, s0  }
0x8c: {  	s29 =	smul.u32 $0xFFFFA240, s29;
	v4 =	vshift.insert v4, v1, s21  }
0x8d: {  	s0 =	sshrl.u32 s0, $0x2  }
0x8e: {  	s29 =	sshra.s32 s29, $0x2;
	s30 =	sadd.s32 $0x2810, s0;
	[tilespmem:s2+$0x10] =	vst.msk $0x1, v4  }
0x8f: {  	s6 =	sadd.s32 s29, s19;
	v6 =	vld [tilespmem:s30+$0x0]  }
0x90: {  	v7 =	vld [tilespmem:s6+$0x0];
	_ =	sdelay $0x3  }
0x91: {  	v5 =	vadd.f32 v6, v5  }
0x92: {  	vm4 =	vne.s32 v7, $0xFFFFFFFF  }
0x93: {  	(xrf2) =	vadd.seg.scan.f32 vm4, v5;
	_ =	sdelay $0x3  }
0x94: {  	s31 =	sadd.s32 $0x1870, s0;
	v5 =	vperm.xlane v4, v1  }
0x95: {  	v6 =	vld [tilespmem:s31+$0x0]  }
0x96: {  	vm5 =	veq.s32 v7, v3;
	vm6 =	veq.s32 v7, v5  }
0x97: {  	vm7 =	vgt.u32 v7, $0xFFFFFFFD;
	vm6 =	vmor vm6, vm5  }
0x98: {  	vm6 =	vmor vm6, vm7  }
0x99: {  	v9 =	vld [tilespmem:$0xA0];
	v7 =	vsel vm6, $0xFFFFFFFF, v7  }
0x9a: {  	v10 =	vld [tilespmem:$0x90];
	v6 =	vsel vm5, $0x0, v6;
	v8, _, _ =	vpop (xrf2)  }
0x9b: {  	v6 =	vadd.f32 v8, v6  }
0x9c: {  	s0 =	sadd.s32 $0x37B0, s0  }
0x9d: {  	vm4 =	vmand vm4, vm3;
	[tilespmem:s0+$0x0] =	vst v6;
	(ifvalue) =	ssetifvalue $0xFFFFFFFF  }
0x9e: {  	vm6 =	veq.s32 v9, $0x1;
	[hbm4b:s1+s16] =	stream.indirect_vreg.scatter [tilespmem:s0], [sflag:$0x2], $0x1, v7, vm0, $0x4038;
	v7 =	vsel vm4, $0x0, v8;
	[tilespmem:$0x4770] =	vst v63  }
0x9f: {  	s29 =	sadd.s32 $0x4750, s22;
	s22 =	sadd.s32 $0x10, s6;
	s2 =	simm.s32 $0x0;
	vm4 =	vmor vm6, vm5;
	v6 =	vsel vm5, v8, v10;
	v7 =	vshift.insert v7, v0, s21  }
.LBB2_7:
0xa0: {  	v8 =	vld [tilespmem:s22+$0x0];
	s30 =	sadd.s32 $0x10, s30  }
0xa1: {  	s31 =	sadd.s32 $0x10, s31;
	v9 =	vld [tilespmem:s30+$0x0]  }
0xa2: {  	s2 =	sadd.s32 $0x10, s2;
	v10 =	vld [tilespmem:s31+$0x0]  }
0xa3: {  	p2 =	slt.u32 s2, $0x7C0;
	_ =	sdelay $0x2  }
0xa4: {  	v7 =	vadd.f32 v9, v7  }
0xa5: {  	vm5 =	vne.s32 v8, $0xFFFFFFFF  }
0xa6: {  	vm6 =	vmand vm5, vm3;
	(xrf2) =	vadd.seg.scan.f32 vm5, v7;
	_ =	sdelay $0x5  }
0xa7: {  	vm7 =	veq.s32 v8, v5;
	vm5 =	veq.s32 v8, v3  }
0xa8: {  	vm8 =	vgt.u32 v8, $0xFFFFFFFD;
	vm4 =	vmor vm4, vm5;
	vm7 =	vmor vm7, vm5  }
0xa9: {  	vm7 =	vmor vm7, vm8  }
0xaa: {  	v8 =	vsel vm7, $0xFFFFFFFF, v8  }
.Ltmp5:
0xab: {  	v7 =	vsel vm5, $0x0, v10;
	v9, _, _ =	vpop (xrf2);
	(pc) =	sbr.rel @p2 .LBB2_7-.Ltmp5, $4  }
0xac: {  	v6 =	vsel vm5, v9, v6;
	v10 =	vadd.f32 v9, v7;
	v7 =	vsel vm6, $0x0, v9  }
0xad: {  	s0 =	sadd.s32 $0x10, s0;
	v7 =	vshift.insert v7, v0, s21  }
0xae: {  	s22 =	sadd.s32 $0x10, s22;
	[tilespmem:s0+$0x0] =	vst v10;
	(ifvalue) =	ssetifvalue $0xFFFFFFFF  }
0xaf: {  	[hbm4b:s1+s16] =	stream.indirect_vreg.scatter [tilespmem:s0], [sflag:$0x2], $0x1, v8, vm0, $0x4038;
	[tilespmem:$0x4770] =	vst v63  }
0xb0: {  	v3 =	vld [tilespmem:s28+$0x3F70];
	_ =	sdelay $0x4  }
0xb1: {  	v3 =	vshift.insert v3, v0, s21  }
0xb2: {  	s0 =	simm.s32 $0x30  }
0xb3: {  	[tilespmem:s0+$0x0] =	vst.msk $0x1, v3  }
0xb4: {  	v3 =	vsel vm4, $0x1, v1;
	[tilespmem:$0x90] =	vst v6  }
0xb5: {  	s0 =	sadd.s32 @!p1 $0x3F7F, s28;
	[tilespmem:$0xA0] =	vst v3  }
0xb6: {  	[spmem:s14] =	stream.linear.scatter @!p1 [tilespmem:s0], [sflag:$0x1], $0x1, $0x38;
	[tilespmem:$0x4770] =	vst v63  }
0xb7: {  	s0 =	simm.s32 @!p1 $0x1  }
0xb8: {  	v3 =	vmctz.xlane @!p1 vm4;
	_ =	swait.ge @!p1 [sflag:s0], $0x1  }
0xb9: {  	(v2sf) =	vpush @!p1 v4, $0x0  }
0xba: {  	(v2sf) =	vpush @!p1 v3, $0x0;
	_ =	sdelay $0xd  }
0xbb: {  	s2 =	spop @!p1 (v2sf)  }
0xbc: {  	s6 =	spop @!p1 (v2sf)  }
0xbd: {  	p2 =	sne.s32 @!p1 s26, s2;
	p3 =	slt.s32 @!p1 s6, $0xF  }
0xbe: {  	[sflag:s0] =	ssyncset.done @!p1 $0x0;
	p2 =	por p2, p1;
	p3 =	por !p3, p1  }
0xbf: {  	[sflag:s0] =	ssyncadd.s32 @!p1 $0xFFFFFFFF;
	v3 =	vimm.s32 @!p2 $0xFFFFFFFF;
	s6 =	simm.s32 @p3 $0xF  }
0xc0: {  	[tilespmem:$0x80] =	vst @!p2 v3;
	s2 =	sadd.s32 @!p1 $0x90, s6  }
0xc1: {  	[spmem:s10] =	stream.linear.scatter @!p1 [tilespmem:s2], [sflag:$0x1], $0x1, $0x38;
	[tilespmem:$0x4770] =	vst v63  }
0xc2: {  	_ =	swait.ge @!p1 [sflag:s0], $0x1  }
0xc3: {  	[sflag:s0] =	ssyncset.done @!p1 $0x0  }
0xc4: {  	s2 =	simm.s32 @!p1 $0x80;
	[sflag:s0] =	ssyncadd.s32 @!p1 $0xFFFFFFFF  }
0xc5: {  	[spmem:s15] =	stream.linear.scatter @!p1 [tilespmem:s2], [sflag:$0x1], $0x1, $0x38;
	[tilespmem:$0x4770] =	vst v63  }
0xc6: {  	_ =	swait.ge @!p1 [sflag:s0], $0x1  }
0xc7: {  	[sflag:s0] =	ssyncset.done @!p1 $0x0  }
0xc8: {  	[sflag:s0] =	ssyncadd.s32 @!p1 $0xFFFFFFFF;
	(ifvalue) =	ssetifvalue $0xFFFFFFFF;
	v3 =	vld [tilespmem:s25+$0x10];
	_ =	sdelay $0x3  }
.Ltmp6:
0xc9: {  	_ = 	snop;
	(pc) =	sbr.rel .LBB2_9-.Ltmp6, $3  }
0xca: {  	_ =	sdelay $0x1  }
0xcb: {  	(ifvalue) =	ssetifvalue $0xFFFFFFFF  }
0xcc: {  	[hbm4b:s1+s16] =	stream.indirect_vreg.scatter [tilespmem:s29], [sflag:$0x9], $0x1, v3, vm0, $0x4038;
	[tilespmem:$0x4770] =	vst v63  }
.LBB2_10:
0xcd: {  	_ =	sfence.sel $0x180000  }
0xce: {  	s0 =	simm.s32 $0x7;
	[bflag:$0x0] =	sbarrier.arrive $0xFFFF  }
0xcf: {  	s26 =	simm.s32 $0x8;
	[sflag:s0] =	ssyncpa.u1 $0x1  }
0xd0: {  	s28 =	simm.s32 $0x9;
	[sflag:s26] =	ssyncpa.u1 $0x1  }
0xd1: {  	[sflag:s28] =	ssyncpa.u1 $0x1  }
0xd2: {  	_ =	sfence.stream.spmem  }
0xd3: {  	s29 =	simm.s32 $0x3;
	[bflag:$0x0] =	sbarrier.arrive $0xFFFF  }
0xd4: {  	s30 =	simm.s32 $0x4;
	[sflag:s29] =	ssyncpa.u1 $0x1  }
0xd5: {  	s31 =	simm.s32 $0x3C;
	s2 =	stileid.u32;
	[sflag:s30] =	ssyncpa.u1 $0x1  }
0xd6: {  	p0 =	sne.s32 s2, $0x0;
	[sflag:s31] =	ssyncpa.u1 $0x1  }
0xd7: {  	s0 =	simm.s32 @p0 $0x1;
	_ =	sfence @p0  }
0xd8: {  	[sflag:s0] =	ssyncpa.u1 @p0 $0x1;
	s0 =	simm.s32 @p0 $0x2  }
0xd9: {  	[sflag:s0] =	ssyncpa.u1 @p0 $0x1  }
0xda: {  	_ =	strace @p0 $0x90000050  }
0xdb: {  	[bflag:$0x2] =	sbarrier.arrive @p0 $0xFFFF  }
0xdc: {  	_ =	shalt @p0  }
.LBB2_11:
0xdd: {  	_ =	sfence.stream.spmem;
	s0 =	simm.s32 $0x5  }
0xde: {  	s2 =	simm.s32 $0x80;
	s3 =	simm.s32 $0xC0;
	[sflag:s0] =	ssyncpa.u1 $0x0  }
0xdf: {  	[tilespmem:s3], [sflag:$0x5] =	stream.linear.gather [spmem:s2], $0x20, $0x38;
	[tilespmem:$0x4770] =	vst v63  }
0xe0: {  	s2 =	simm.s32 $0x0;
	s3 =	simm.s32 $0xE0  }
0xe1: {  	[tilespmem:s3], [sflag:$0x5] =	stream.linear.gather [spmem:s2], $0x20, $0x38;
	[tilespmem:$0x4770] =	vst v63  }
.Ltmp7:
0xe2: {  	_ = 	snop;
	(pc) =	sbr.rel .LBB2_12-.Ltmp7, $4  }
0xe3: {  	_ =	swait.ge [sflag:s0], $0x40  }
0xe4: {  	[sflag:s0] =	ssyncset.done $0x0  }
0xe5: {  	s31 =	simm.s32 $0x6;
	[sflag:s0] =	ssyncadd.s32 $0xFFFFFFC0  }
0xe6: {  	s4 =	simm.s32 $0x0;
	[sflag:s31] =	ssyncpa.u1 $0x0  }
.LBB2_17:
0xe7: {  	p0 =	sgt.u32 s5, $0x83FF  }
0xe8: {  	s0 =	sshrl.u32 @!p0 s5, $0x3  }
0xe9: {  	s5 =	sand.u32 @!p0 $0x7, s5;
	s6 =	simm.s32 @!p0 $0xB0;
	s0 =	sadd.s32 @!p0 s1, s0  }
0xea: {  	[tilespmem:s6], [sflag:$0x6] =	stream.linear.gather @!p0 [hbm4b:s0+s5], $0x1, $0x38;
	[tilespmem:$0x4770] =	vst v63  }
0xeb: {  	s0 =	simm.s32 @!p0 $0x6  }
0xec: {  	_ =	swait.ge @!p0 [sflag:s0], $0x1  }
0xed: {  	[sflag:s0] =	ssyncset.done @!p0 $0x0  }
0xee: {  	[sflag:s0] =	ssyncadd.s32 @!p0 $0xFFFFFFFF  }
0xef: {  	v2 =	vmov @!p0 s4;
	v1 =	vld.msk @!p0 [tilespmem:$0xB0], $0x1;
	_ =	sdelay $0x3  }
0xf0: {  	s0 =	simm.s32 @!p0 $0xE0  }
0xf1: {  	[tilespmem:v2+s0+$0x0], v1 =	vst.idx.ret.add.f32.msk @!p0 $0x1, v1  }
0xf2: {  	[tilespmem:s2+$0xC0] =	vst.msk $0x1, v0  }
0xf3: {  	v0 =	vld.msk [tilespmem:s4+$0xE0], $0x1;
	_ =	sdelay $0x4  }
0xf4: {  	[tilespmem:s2+$0xE0] =	vst.msk $0x1, v0;
	s2 =	sadd.s32 $0x1, s2  }
.LBB2_19:
0xf5: {  	s4 =	sadd.s32 $0x1, s4  }
0xf6: {  	p0 =	sne.s32 s4, $0x20  }
.Ltmp8:
0xf7: {  	_ = 	snop;
	(pc) =	sbr.rel @!p0 .LBB2_20-.Ltmp8, $1  }
0xf8: {  	_ =	sdelay $0x3  }
.LBB2_12:
0xf9: {  	v0 =	vld.msk [tilespmem:s4+$0xC0], $0x1;
	_ =	sdelay $0x4  }
0xfa: {  	(v2sf) =	vpush v0, $0x0;
	_ =	sdelay $0xe  }
0xfb: {  	s5 =	spop (v2sf)  }
0xfc: {  	p0 =	seq.s32 s5, $0xFFFFFFFF  }
.Ltmp9:
0xfd: {  	_ = 	snop;
	(pc) =	sbr.rel @p0 .LBB2_19-.Ltmp9, $1  }
0xfe: {  	_ =	sdelay $0x3  }
0xff: {  	p0 =	slt.s32 s2, $0x1  }
.Ltmp10:
0x100: {  	_ = 	snop;
	(pc) =	sbr.rel @p0 .LBB2_17-.Ltmp10, $1  }
0x101: {  	_ =	sdelay $0x3  }
0x102: {  	s0 =	simm.s32 $0xC0;
	p0 =	por $0x0, $0x0  }
0x103: {  	v1 =	vld.msk @!p0 [tilespmem:s0+$0x0], $0x1;
	_ =	sdelay $0x4  }
0x104: {  	(v2sf) =	vpush @!p0 v1, $0x0;
	_ =	sdelay $0xd  }
0x105: {  	p2 =	sne.s32 s2, $0x1  }
.Ltmp11:
0x106: {  	s6 =	spop @!p0 (v2sf);
	(pc) =	sbr.rel @!p2 .LBB2_16-.Ltmp11, $4  }
0x107: {  	p1 =	seq.s32 @!p0 s5, s6  }
0x108: {  	s6 =	simm.s32 $0x0;
	p1 =	por !p1, p0  }
0x109: {  	s8 =	simm.s32 $0xFFFFFFFF;
	s6 =	simm.s32 @p1 $0xFFFFFFFF  }
0x10a: {  	s7 =	simm.s32 $0x1;
	s6 =	smov.u32 @p0 s8  }
.LBB2_15:
0x10b: {  	s8 =	smov.u32 s6;
	p0 =	sne.s32 s6, $0xFFFFFFFF  }
0x10c: {  	s0 =	sadd.s32 $0x1, s0;
	s6 =	smov.u32 s7;
	s7 =	sadd.s32 $0x1, s7  }
0x10d: {  	p1 =	sne.s32 s2, s7;
	v1 =	vld.msk @!p0 [tilespmem:s0+$0x0], $0x1;
	_ =	sdelay $0x4  }
0x10e: {  	(v2sf) =	vpush @!p0 v1, $0x0;
	_ =	sdelay $0xe  }
.Ltmp12:
0x10f: {  	s9 =	spop @!p0 (v2sf);
	(pc) =	sbr.rel @p1 .LBB2_15-.Ltmp12, $4  }
0x110: {  	p2 =	seq.s32 @!p0 s5, s9  }
0x111: {  	p2 =	por !p2, p0  }
0x112: {  	s6 =	simm.s32 @p2 $0xFFFFFFFF  }
0x113: {  	s6 =	smov.u32 @p0 s8  }
.LBB2_16:
0x114: {  	p0 =	sne.s32 s6, $0xFFFFFFFF  }
.Ltmp13:
0x115: {  	_ = 	snop;
	(pc) =	sbr.rel @!p0 .LBB2_17-.Ltmp13, $1  }
0x116: {  	_ =	sdelay $0x3  }
0x117: {  	v0 =	vld.msk [tilespmem:s4+$0xE0], $0x1;
	v1 =	vmov s6  }
.Ltmp14:
0x118: {  	_ = 	snop;
	(pc) =	sbr.rel .LBB2_19-.Ltmp14, $2  }
0x119: {  	_ =	sdelay $0x2  }
0x11a: {  	[tilespmem:v1+s3+$0x0], v0 =	vst.idx.ret.add.f32.msk $0x1, v0  }
.LBB2_20:
0x11b: {  	p0 =	slt.s32 s2, $0x1  }
.Ltmp15:
0x11c: {  	_ = 	snop;
	(pc) =	sbr.rel @p0 .LBB2_24-.Ltmp15, $3  }
0x11d: {  	_ =	sdelay $0x1  }
0x11e: {  	s0 =	simm.s32 $0x6  }
0x11f: {  	s3 =	simm.s32 $0x0;
	[sflag:s0] =	ssyncpa.u1 $0x1  }
0x120: {  	s0 =	simm.s32 $0xC0  }
0x121: {  	v0 =	vld.msk [tilespmem:s0+$0x0], $0x1;
	_ =	sdelay $0x4  }
0x122: {  	(v2sf) =	vpush v0, $0x0;
	_ =	sdelay $0xe  }
0x123: {  	s2 =	sadd.s32 $0xFFFFFFFF, s2;
	s4 =	spop (v2sf)  }
0x124: {  	p1 =	sne.s32 s2, $0x0;
	p0 =	sgt.u32 s4, $0x83FF  }
.Ltmp16:
0x125: {  	s5 =	sshrl.u32 @!p0 s4, $0x3;
	(pc) =	sbr.rel @!p1 .LBB2_23-.Ltmp16, $4  }
0x126: {  	s0 =	simm.s32 $0xE0;
	s4 =	sand.u32 @!p0 $0x7, s4;
	s5 =	sadd.s32 @!p0 s1, s5  }
0x127: {  	[hbm4b:s5+s4] =	stream.linear.scatter @!p0 [tilespmem:s0], [sflag:$0x5], $0x1, $0x38;
	[tilespmem:$0x4770] =	vst v63  }
0x128: {  	s5 =	simm.s32 $0x0  }
0x129: {  	s4 =	simm.s32 $0xC1;
	s5 =	simm.s32 @!p0 $0x4  }
.LBB2_22:
0x12a: {  	v0 =	vld.msk [tilespmem:s4+$0x0], $0x1;
	s2 =	sadd.s32 $0xFFFFFFFF, s2;
	s3 =	sadd.s32 s3, s5  }
0x12b: {  	p0 =	sne.s32 s2, $0x0;
	_ =	sdelay $0x3  }
0x12c: {  	(v2sf) =	vpush v0, $0x0;
	_ =	sdelay $0xe  }
.Ltmp17:
0x12d: {  	s6 =	spop (v2sf);
	(pc) =	sbr.rel @p0 .LBB2_22-.Ltmp17, $4  }
0x12e: {  	s5 =	simm.s32 $0x0;
	p1 =	sgt.u32 s6, $0x83FF  }
0x12f: {  	s0 =	sadd.s32 $0x1, s0;
	s5 =	simm.s32 @!p1 $0x4;
	s7 =	sshrl.u32 @!p1 s6, $0x3  }
0x130: {  	s4 =	sadd.s32 $0x1, s4;
	s6 =	sand.u32 @!p1 $0x7, s6;
	s7 =	sadd.s32 @!p1 s1, s7  }
0x131: {  	[hbm4b:s7+s6] =	stream.linear.scatter @!p1 [tilespmem:s0], [sflag:$0x5], $0x1, $0x38;
	[tilespmem:$0x4770] =	vst v63  }
.LBB2_23:
0x132: {  	s0 =	sadd.s32 s3, s5  }
0x133: {  	s3 =	sshrl.u32 s0, $0x2  }
.LBB2_24:
0x134: {  	s0 =	simm.s32 $0x5  }
0x135: {  	_ =	swait.ge [sflag:s0], s3  }
0x136: {  	s1 =	ssub.s32 $0x0, s3;
	[sflag:s0] =	ssyncset.done $0x0  }
0x137: {  	[sflag:s0] =	ssyncadd.s32 s1  }
0x138: {  	[sflag:s0] =	ssyncpa.u1 $0x1  }
0x139: {  	s29 =	simm.s32 $0x1;
	_ =	sfence  }
0x13a: {  	s30 =	simm.s32 $0x2;
	[sflag:s29] =	ssyncpa.u1 $0x1  }
0x13b: {  	[sflag:s30] =	ssyncpa.u1 $0x1  }
0x13c: {  	_ =	strace $0x90000050  }
0x13d: {  	[bflag:$0x2] =	sbarrier.arrive $0xFFFF  }
0x13e: {  	s31 =	rddreg [dreg:$0x1]  }
0x13f: {  	s0 =	sadd.s32 $0x100000, s31  }
0x140: {  	[sflag:s0] =	ssyncadd.tile.s32 $0x1;
	_ =	shalt  }
.Lfunc_end2:
_tile_overlayer_lowered:
.L_overlay_start_2:
0x141: {  	(tag) =	ssettag $0x2  }
0x142: {  	s0 =	rddreg [dreg:$0x0];
	s2 =	stileid.u32  }
0x143: {  	s1 =	rddreg [dreg:$0x1];
	p0 =	sne.s32 s2, $0x0  }
0x144: {  	s3 =	rddreg [dreg:$0x2];
	[bflag:$0x3] =	sbarrier.arrive $0xFFFF;
	s2 =	simm.s32 @!p0 $0x1C01  }
0x145: {  	[timem:s3], [sflag:s2] =	dma.local @!p0 [hbm:s0], s1  }
0x146: {  	s0 =	simm.s32 @!p0 $0x1  }
0x147: {  	_ =	swait.ge @!p0 [sflag:s0], s1  }
0x148: {  	s1 =	ssub.s32 @!p0 $0x0, s1;
	[sflag:s0] =	ssyncset.done @!p0 $0x0  }
0x149: {  	[sflag:s0] =	ssyncadd.s32 @!p0 s1  }
0x14a: {  	[bflag:$0x3] =	sbarrier.arrive $0xFFFF  }
0x14b: {  	_ =	shalt  }

// kernel: scatter_offload_async_start
scs
__scs_entry_jumppad:
0x0: {  	(pc) =	sbr.rel $0x88, $3  }
0x1: {  	(tag) =	ssettag $0x0;
	lr =	simm.s32 $0x1  }
0x2: {  	[smem:$0x3F8B] =	sst lr;
	_ =	strace $0xD0000000  }
0x3: {  	_ = 	snop  }
0x4: {  	_ = 	snop  }
0x5: {  	_ = 	snop  }
0x6: {  	_ = 	snop  }
0x7: {  	_ = 	snop  }
__scs_overlays_trampoline_lowered:
0x8: {  	[smem:$0x3F9A] =	sst s0  }
0x9: {  	[smem:$0x3F9B] =	sst s1  }
0xa: {  	[smem:$0x3F9C] =	sst s2  }
0xb: {  	[smem:$0x3F9D] =	sst s3  }
0xc: {  	[smem:$0x3F9E] =	sst s4  }
0xd: {  	[smem:$0x3F9F] =	sst s5  }
0xe: {  	[smem:$0x3FA0] =	sst s6  }
0xf: {  	[smem:$0x3FA1] =	sst s7  }
0x10: {  	[smem:$0x3FA2] =	sst s8  }
0x11: {  	[smem:$0x3FA3] =	sst s9;
	s0 =	simm.s32 @!p0 $0x0  }
0x12: {  	s1 =	sld [smem:$0x3F89];
	s0 =	simm.s32 @p0 $0x1  }
0x13: {  	[smem:$0x3FA4] =	sst s0;
	s0 =	simm.s32 @!p1 $0x0  }
0x14: {  	s2 =	sld [smem:$0x3F88];
	s0 =	simm.s32 @p1 $0x1  }
0x15: {  	[smem:$0x3FA5] =	sst s0;
	s0 =	simm.s32 @!p2 $0x0  }
0x16: {  	s3 =	sld [smem:$0x3FDB];
	s0 =	simm.s32 @p2 $0x1  }
0x17: {  	s4 =	simm.s32 $0x1BF5;
	[smem:$0x3FA7] =	sst s0  }
0x18: {  	s0 =	sld [smem:$0x3F8A];
	_ =	swait.ge [sflag:s4], $0x0  }
0x19: {  	s7 =	sld [smem:$0x3F8B]  }
0x1a: {  	s8 =	sadd.s32 $0xFFFFE003, lr  }
0x1b: {  	s9 =	sadd.s32 $0xFFFFFEF7, lr;
	s5 =	simm.s32 $0xFFFFFFFF;
	p2 =	slt.u32 s8, $0xFFFFF086  }
0x1c: {  	p1 =	slt.u32 s9, $0xF7A;
	s5 =	simm.s32 @!p2 $0x0  }
0x1d: {  	s5 =	simm.s32 @p1 $0x1;
	p0 =	seq.s32 s7, s2  }
0x1e: {  	s7 =	smul.u32 @!p0 $0xF7A, s2;
	p2 =	seq.s32 @!p0 s5, $0x0  }
0x1f: {  	s9 =	smul.u32 $0xF7A, s1;
	s8 =	simm.s32 @!p0 $0x1BF5;
	p2 =	por !p2, p0  }
0x20: {  	[sflag:s8] =	ssyncset.s32 @!p0 $0xFFFFF086;
	s6 =	sadd.s32 @!p0 s3, s7;
	s7 =	simm.s32 @!p0 $0x108  }
0x21: {  	s3 =	sadd.s32 s3, s9;
	s6 =	sadd.s32 @!p0 $0x88, s6;
	s7 =	simm.s32 @p2 $0x1082  }
0x22: {  	[simem:s7], [sflag:s8] =	dma.local @!p0 [hbm:s6], $0xF7A  }
0x23: {  	s9 =	sor.u32 $0xD0000000, s2;
	s6 =	simm.s32 $0x108;
	_ =	swait.ge @!p0 [sflag:s8], $0x0  }
0x24: {  	s3 =	sadd.s32 $0x88, s3;
	s6 =	simm.s32 @!p1 $0x1082;
	[sflag:s4] =	ssyncset.s32 $0xFFFFF086  }
0x25: {  	[simem:s6], [sflag:s4] =	dma.local [hbm:s3], $0xF7A  }
0x26: {  	[smem:$0x3F8B] =	sst s1;
	(tag) =	ssettag s2;
	_ =	strace s9  }
0x27: {  	s1 =	sld [smem:$0x3F9B]  }
0x28: {  	s2 =	sld [smem:$0x3F9C]  }
0x29: {  	s4 =	sld [smem:$0x3F9E]  }
0x2a: {  	p0 =	seq.s32 s5, $0x0;
	s5 =	sld [smem:$0x3F9F]  }
0x2b: {  	s6 =	sld [smem:$0x3FA0]  }
0x2c: {  	s7 =	sld [smem:$0x3FA1]  }
0x2d: {  	s3 =	simm.s32 $0x108;
	s8 =	sld [smem:$0x3FA2]  }
0x2e: {  	s3 =	simm.s32 @!p0 $0x1082;
	s9 =	sld [smem:$0x3FA3]  }
0x2f: {  	lr =	sadd.s32 s0, s3;
	s0 =	sld [smem:$0x3F9A]  }
0x30: {  	s3 =	sld [smem:$0x3F9D]  }
0x31: {  	[smem:$0x3FA6] =	sst s10  }
0x32: {  	s10 =	sld [smem:$0x3FA4];
	_ =	sdelay $0x3  }
0x33: {  	p0 =	seq.s32 s10, $0x1;
	s10 =	sld [smem:$0x3FA6];
	_ =	sdelay $0x3  }
0x34: {  	[smem:$0x3FA6] =	sst s10  }
0x35: {  	s10 =	sld [smem:$0x3FA5];
	_ =	sdelay $0x3  }
0x36: {  	p1 =	seq.s32 s10, $0x1;
	s10 =	sld [smem:$0x3FA6];
	_ =	sdelay $0x3  }
0x37: {  	[smem:$0x3FA6] =	sst s10  }
0x38: {  	s10 =	sld [smem:$0x3FA7]  }
0x39: {  	_ = 	snop;
	(pc) =	sbr.ind lr, $3  }
0x3a: {  	_ = 	snop  }
0x3b: {  	_ = 	snop  }
0x3c: {  	p2 =	seq.s32 s10, $0x1;
	s10 =	sld [smem:$0x3FA6]  }
0x3d: {  	_ =	shalt  }
0x3e: {  	_ =	shalt  }
0x3f: {  	_ =	shalt  }
0x40: {  	_ =	shalt  }
0x41: {  	_ =	shalt  }
0x42: {  	_ =	shalt  }
0x43: {  	_ =	shalt  }
0x44: {  	_ =	shalt  }
0x45: {  	_ =	shalt  }
0x46: {  	_ =	shalt  }
0x47: {  	_ =	shalt  }
0x48: {  	_ =	shalt  }
0x49: {  	_ =	shalt  }
0x4a: {  	_ =	shalt  }
0x4b: {  	_ =	shalt  }
0x4c: {  	_ =	shalt  }
0x4d: {  	_ =	shalt  }
0x4e: {  	_ =	shalt  }
0x4f: {  	_ =	shalt  }
0x50: {  	_ =	shalt  }
0x51: {  	_ =	shalt  }
0x52: {  	_ =	shalt  }
0x53: {  	_ =	shalt  }
0x54: {  	_ =	shalt  }
0x55: {  	_ =	shalt  }
0x56: {  	_ =	shalt  }
0x57: {  	_ =	shalt  }
0x58: {  	_ =	shalt  }
0x59: {  	_ =	shalt  }
0x5a: {  	_ =	shalt  }
0x5b: {  	_ =	shalt  }
0x5c: {  	_ =	shalt  }
0x5d: {  	_ =	shalt  }
0x5e: {  	_ =	shalt  }
0x5f: {  	_ =	shalt  }
0x60: {  	_ =	shalt  }
0x61: {  	_ =	shalt  }
0x62: {  	_ =	shalt  }
0x63: {  	_ =	shalt  }
0x64: {  	_ =	shalt  }
0x65: {  	_ =	shalt  }
0x66: {  	_ =	shalt  }
0x67: {  	_ =	shalt  }
0x68: {  	_ =	shalt  }
0x69: {  	_ =	shalt  }
0x6a: {  	_ =	shalt  }
0x6b: {  	_ =	shalt  }
0x6c: {  	_ =	shalt  }
0x6d: {  	_ =	shalt  }
0x6e: {  	_ =	shalt  }
0x6f: {  	_ =	shalt  }
0x70: {  	_ =	shalt  }
0x71: {  	_ =	shalt  }
0x72: {  	_ =	shalt  }
0x73: {  	_ =	shalt  }
0x74: {  	_ =	shalt  }
0x75: {  	_ =	shalt  }
0x76: {  	_ =	shalt  }
0x77: {  	_ =	shalt  }
0x78: {  	_ =	shalt  }
0x79: {  	_ =	shalt  }
0x7a: {  	_ =	shalt  }
0x7b: {  	_ =	shalt  }
0x7c: {  	_ =	shalt  }
0x7d: {  	_ =	shalt  }
0x7e: {  	_ =	shalt  }
0x7f: {  	_ =	shalt  }
0x80: {  	_ =	shalt  }
0x81: {  	_ =	shalt  }
0x82: {  	_ =	shalt  }
0x83: {  	_ =	shalt  }
0x84: {  	_ =	shalt  }
0x85: {  	_ =	shalt  }
0x86: {  	_ =	shalt  }
0x87: {  	_ =	shalt  }
.Lfunc_end0:
.L_simem_size_0:
called_computation_lowered:
.L_overlay_start_0:
0x88: {  	s0 =	sld [smem:$0x3FD9]  }
0x89: {  	s1 =	sld [smem:$0x3FFE];
	_ =	sdelay $0x3  }
0x8a: {  	s0 =	sadd.s32 s1, s0  }
0x8b: {  	[smem:$0x3FB2] =	sst s0  }
0x8c: {  	_ = 	snop  }
0x8d: {  	(tm) =	ssettm $0x1  }
0x8e: {  	s15 =	sld [smem:$0x3FFB];
	_ =	sdelay $0x3  }
0x8f: {  	_ =	strace s15  }
0x90: {  	s0 =	sld [smem:$0x3FFC];
	_ =	sdelay $0x3  }
0x91: {  	_ =	strace s0  }
0x92: {  	s0 =	sld [smem:$0x3FFD];
	_ =	sdelay $0x3  }
0x93: {  	_ =	strace s0  }
0x94: {  	_ =	strace $0x8FFFFFFF  }
0x95: {  	s16 =	sld [smem:$0x3FDB];
	_ =	sdelay $0x1  }
0x96: {  	s17 =	simm.s32 $_scs_section_size  }
0x97: {  	s2 =	simm.s32 $_size__tile_overlayer_lowered;
	s3 =	simm.s32 $_tile_overlayer_lowered  }
0x98: {  	s20 =	simm.s32 $0x1BFF;
	s19 =	sshll.u32 s3, $0x1;
	s0 =	sadd.s32 s17, s16  }
0x99: {  	s4 =	simm.s32 $0x0;
	s18 =	sshll.u32 s2, $0x1;
	s2 =	sadd.s32 s19, s0  }
0x9a: {  	[timem:s4], [sflag:s20] =	dma.local [hbm:s2], s18  }
0x9b: {  	_ =	swait.ge [sflag:s20], s18  }
0x9c: {  	s1 =	ssub.s32 $0x0, s18;
	[sflag:s20] =	ssyncset.done $0x0  }
0x9d: {  	[sflag:s20] =	ssyncadd.s32 s1;
	_ =	sdelay $0x1  }
0x9e: {  	s21 =	simm.s32 $0x1B8B  }
0x9f: {  	_ =	swait.ge [sflag:s21], $0x1  }
0xa0: {  	[sflag:s21] =	ssyncset.done $0x0  }
0xa1: {  	s23 =	simm.s32 $0x1B8E;
	s22 =	sld [smem:$0x3FFE];
	[sflag:s21] =	ssyncadd.s32 $0xFFFFFFFF  }
0xa2: {  	s24 =	simm.s32 $execute0_lowered;
	[smem:$0x3FD2] =	sst s23  }
0xa3: {  	s2 =	sshll.u32 s24, $0x1;
	_ =	strace $0x80000049;
	[dreg:$0x1] =	wrdreg $0xFFFFFFFF  }
0xa4: {  	s25 =	simm.s32 $_size_execute0_lowered;
	s0 =	sadd.s32 s0, s2;
	[dreg:$0x0] =	wrdreg $0x0  }
0xa5: {  	s2 =	sshll.u32 s25, $0x1;
	[dreg:$0x2] =	wrdreg s0  }
0xa6: {  	[dreg:$0x3] =	wrdreg s2  }
0xa7: {  	[dreg:$0x4] =	wrdreg $0xC0  }
0xa8: {  	_ =	task [dreg:s4], $0x5FFFF  }
0xa9: {  	[dreg:$0x1] =	wrdreg $0xFFFFFFFF  }
0xaa: {  	[dreg:$0x0] =	wrdreg $0x60  }
0xab: {  	[dreg:$0x2] =	wrdreg s22  }
0xac: {  	[dreg:$0x3] =	wrdreg $0x9  }
0xad: {  	_ =	task.clear_ibuf [dreg:s4], $0x4FFFF;
	_ =	strace $0x90000049  }
0xae: {  	s26 =	simm.s32 $0x9;
	_ =	strace $0x8000004B  }
0xaf: {  	_ =	swait.ge [sflag:s26], $0x1  }
0xb0: {  	[sflag:s26] =	ssyncadd.s32 $0xFFFFFFFF  }
0xb1: {  	_ =	strace $0x9000004B  }
0xb2: {  	_ =	sfence  }
0xb3: {  	s28 =	sld [smem:$0x0];
	_ =	sdelay $0x1  }
0xb4: {  	s29 =	srdreg.scid  }
0xb5: {  	s30 =	sshll.u32 s29, $0xD;
	s31 =	sshrl.u32 s29, $0x2  }
0xb6: {  	s1 =	sand.u32 $0x1, s29;
	s2 =	sand.u32 $0x4000, s30;
	s0 =	sadd.s32 s31, s28  }
0xb7: {  	s1 =	sor.u32 s2, s1;
	s0 =	sshll.u32 s0, $0x11  }
0xb8: {  	s0 =	sor.u32 s0, s1  }
0xb9: {  	s0 =	sadd.s32 $0x8F2B, s0  }
0xba: {  	[sflag:s0] =	ssyncadd.remote.s32 $0x1  }
0xbb: {  	_ =	sfence.sel $0xFFFF  }
0xbc: {  	[dreg:$0x0] =	wrdreg $0xFFFFFFFF;
	(pc) =	sbr.abs _section_cstart, $3  }
0xbd: {  	[dreg:$0x1] =	wrdreg $0xFFFFFFFF  }
0xbe: {  	_ =	task.clear_ibuf [dreg:s4], $0x2FFFF;
	_ =	strace $0x9FFFFFFF  }
0xbf: {  	(tm) =	ssettm $0x7FFFFFFF  }
tec
execute0_lowered:
.L_overlay_start_1:
0x0: {  	(tag) =	ssettag $0x1  }
0x1: {  	s0 =	rddreg [dreg:$0x0];
	s11 =	stileid.u32  }
0x2: {  	_ =	strace $0x8000004A;
	s2 =	simm.s32 $0x1;
	s1 =	smin.u32 s11, $0x9  }
0x3: {  	v1 =	vimm.s32 $0xFFFFFFFF;
	[sflag:s2] =	ssyncpa.u1 $0x0;
	s1 =	sadd.s32 s11, s1  }
0x4: {  	p0 =	slt.u32 s11, $0x9;
	[tilespmem:$0x10] =	vst v1;
	s3 =	smul.u32 $0x7D0, s1;
	s1 =	simm.s32 $0xFA0  }
0x5: {  	v0 =	vimm.s32 $0x7FFFFFFF;
	[tilespmem:$0x20] =	vst v1;
	s1 =	simm.s32 @!p0 $0x7D0  }
0x6: {  	[tilespmem:$0x30] =	vst v0;
	s1 =	sadd.s32 s1, s3  }
0x7: {  	[tilespmem:$0x40] =	vst v0;
	s4 =	smin.u32 s1, $0xC350  }
0x8: {  	[tilespmem:$0x50] =	vst v0;
	s6 =	ssub.s32 s4, s3  }
0x9: {  	s7 =	simm.s32 $0x2;
	[tilespmem:$0x60] =	vst v1;
	p0 =	sgt.s32 s6, $0x0  }
0xa: {  	s8 =	simm.s32 $0x8;
	s29 =	simm.s32 $0x9;
	[tilespmem:$0x70] =	vst v1;
	s6 =	simm.s32 @!p0 $0x0  }
0xb: {  	s16 =	simm.s32 $0x0;
	s17 =	simm.s32 $0xF0;
	[tilespmem:$0x80] =	vst v1;
	s28 =	sand.u32 $0xFFF0, s6  }
0xc: {  	s18 =	simm.s32 $0xFFFFFFFF;
	s19 =	simm.s32 $0xFFFFF160;
	v1 =	vimm.s32 $0x0;
	[tilespmem:$0xB0] =	vst v0;
	s1 =	sshrl.u32 s28, $0x4  }
0xd: {  	s20 =	simm.s32 $0xFFFFFFFE;
	s21 =	simm.s32 $0xF;
	[tilespmem:$0x90] =	vst v1;
	s5 =	smul.u32 $0x1063, s1  }
0xe: {  	s25 =	simm.s32 $0x0;
	[tilespmem:$0xA0] =	vst v1;
	[sflag:s7] =	ssyncpa.u1 $0x0;
	s7 =	simm.s32 $0x7  }
0xf: {  	s24 =	simm.s32 $0x0;
	[sflag:s7] =	ssyncpa.u1 $0x0;
	s9 =	sshrl.u32 s5, $0x13  }
0x10: {  	s14 =	sshllo.u32 s11, $0x1;
	[sflag:s8] =	ssyncpa.u1 $0x0;
	s10 =	smul.u32 $0x7D0, s9  }
0x11: {  	s23 =	smov.u32 s3;
	[sflag:s29] =	ssyncpa.u1 $0x0;
	s1 =	sadd.s32 $0x3400, s0  }
.Ltmp0:
0x12: {  	s5 =	sadd.s32 $0xCE00, s0;
	p0 =	sne.s32 s6, s10;
	(pc) =	sbr.rel .LBB2_1-.Ltmp0, $4  }
0x13: {  	s0 =	sadd.s32 $0x1A00, s0;
	s10 =	sshll.u32 s11, $0x1;
	s2 =	simm.s32 @!p0 $0x0  }
0x14: {  	[dreg:$0x2] =	wrdreg s0;
	s31 =	sor.u32 $0x81, s10;
	s9 =	sadd.s32 s9, s2  }
0x15: {  	vm0 =	vmmov $0xffff;
	v2 =	vlaneseq.u32;
	s15 =	sor.u32 $0x80, s10;
	[dreg:$0x4] =	wrdreg s31;
	s30 =	sadd.s32 $0x1, s9  }
0x16: {  	vm1 =	vmxor vm1, vm1;
	vm2 =	vmmov $0x1;
	vm3 =	vcmask $0x3F3C;
	p0 =	por $0x0, $0x0;
	s12 =	sadd.s32 $0x2, s9;
	[dreg:$0x3] =	wrdreg s30  }
.LBB2_9:
0x17: {  	p1 =	slt.u32 s24, $0x3  }
0x18: {  	s0 =	simm.s32 @!p1 $0x2  }
0x19: {  	_ =	swait.ge @!p1 [sflag:s0], $0x7D0  }
0x1a: {  	[sflag:s0] =	ssyncset.done @!p1 $0x0  }
0x1b: {  	[sflag:s0] =	ssyncadd.s32 @!p1 $0xFFFFF830;
	s0 =	simm.s32 @!p1 $0x9  }
0x1c: {  	_ =	swait.ge @!p1 [sflag:s0], $0x10  }
0x1d: {  	[sflag:s0] =	ssyncset.done @!p1 $0x0  }
0x1e: {  	[sflag:s0] =	ssyncadd.s32 @!p1 $0xFFFFFFF0;
	p1 =	sne.s32 s24, s12  }
.Ltmp1:
0x1f: {  	s2 =	sadd.s32 $0x7D0, s23;
	(pc) =	sbr.rel @!p1 .LBB2_10-.Ltmp1, $4  }
0x20: {  	s6 =	smov.u32 s3;
	s31 =	sadd.s32 $0x1, s24;
	s17 =	sadd.s32 $0x7D0, s17  }
0x21: {  	s18 =	sadd.s32 $0x1, s18;
	s25 =	smov.u32 s23;
	p2 =	slt.s32 s2, s4  }
0x22: {  	p0 =	por !p0, !p0;
	s19 =	sadd.s32 $0x7D0, s19;
	s6 =	smov.u32 @p2 s2  }
0x23: {  	s20 =	sadd.s32 $0x1, s20;
	s23 =	smov.u32 s6;
	s24 =	smov.u32 s31  }
.LBB2_1:
0x24: {  	p1 =	sge.u32 s24, s9  }
0x25: {  	s0 =	smulhi.u32 @!p1 $0xAAAAAAAB, s24;
	_ =	sdelay $0x1  }
0x26: {  	s0 =	sshrl.u32 @!p1 s0, $0x1  }
0x27: {  	s0 =	smul.u32 @!p1 $0x3, s0;
	_ =	sdelay $0x1  }
0x28: {  	s0 =	ssub.s32 @!p1 s24, s0  }
0x29: {  	s0 =	smul.u32 @!p1 $0x1F40, s0;
	_ =	sdelay $0x1  }
0x2a: {  	s2 =	sshrl.u32 @!p1 s23, $0x3;
	s0 =	sshrl.u32 @!p1 s0, $0x2  }
0x2b: {  	s6 =	sand.u32 @!p1 $0x7, s23;
	s2 =	sadd.s32 @!p1 s5, s2;
	s0 =	sadd.s32 @!p1 $0x100, s0  }
0x2c: {  	[tilespmem:s0], [sflag:$0x7] =	stream.linear.gather @!p1 [hbm4b:s2+s6], $0x7D0, $0x38;
	[tilespmem:$0x4770] =	vst v63  }
0x2d: {  	s0 =	sadd.s32 $0xFFFFFFFF, s24  }
0x2e: {  	p1 =	sge.u32 s0, s9  }
.Ltmp2:
0x2f: {  	_ = 	snop;
	(pc) =	sbr.rel @p1 .LBB2_5-.Ltmp2, $1  }
0x30: {  	_ =	sdelay $0x3  }
0x31: {  	s2 =	smulhi.u32 $0xAAAAAAAB, s0;
	_ =	sdelay $0x1  }
0x32: {  	s2 =	sshrl.u32 s2, $0x1  }
0x33: {  	s2 =	smul.u32 $0x3, s2;
	_ =	sdelay $0x1  }
0x34: {  	s2 =	ssub.s32 s0, s2  }
0x35: {  	s2 =	smul.u32 $0x1F40, s2  }
0x36: {  	_ =	swait.ge [sflag:s7], $0x7D0  }
0x37: {  	[sflag:s7] =	ssyncset.done $0x0;
	s2 =	sshrl.u32 s2, $0x2  }
0x38: {  	[sflag:s7] =	ssyncadd.s32 $0xFFFFF830;
	(ifvalue) =	ssetifvalue $0xFFFFFFFF;
	v3 =	vld.msk [tilespmem:s2+$0x100 ss:$0x1], $0xffff;
	_ =	sdelay $0x2  }
0x39: {  	s30 =	smulhi.u32 $0xAAAAAAAB, s18;
	p1 =	sne.s32 s24, $0x1  }
0x3a: {  	v4 =	vimm.s32 @!p1 $0x0  }
0x3b: {  	s2 =	sshrl.u32 s30, $0x1;
	v4 =	vperm.xlane @!p1 v3, v4  }
0x3c: {  	s6 =	sshll.u32 s24, $0x4;
	s2 =	smul.u32 $0xFFFFA240, s2;
	vm4 =	vlt.u32 v3, $0x8000  }
0x3d: {  	s6 =	sand.u32 $0x10, s6;
	v3 =	vnsel vm4, $0xFFFFFFFE, v3;
	vm4 =	vlt.u32 @!p1 v4, $0x8000  }
0x3e: {  	s2 =	sshra.s32 s2, $0x2;
	[tilespmem:s6+$0x60] =	vst v3;
	v3 =	vnsel @!p1 vm4, $0xFFFFFFFE, v4  }
0x3f: {  	s26 =	sadd.s32 s2, s17;
	[tilespmem:$0x80] =	vst @!p1 v3  }
0x40: {  	v3 =	vld.msk [tilespmem:s26+$0x0 ss:$0x1], $0xffff;
	_ =	sdelay $0x4  }
0x41: {  	(xrf1) =	vunique.msk.u32 $0xffff, v3;
	_ =	sdelay $0xd  }
0x42: {  	v4 =	vimm.s32 $0xFFFFFFFF;
	v5, _, _ =	vpop (xrf1)  }
0x43: {  	vm5 =	vne.s32 v3, v4;
	vm4 =	veq.s32 v5, v2  }
0x44: {  	vm6 =	vlt.u32 v3, $0x8000;
	vm4 =	vmand vm5, vm4  }
0x45: {  	vm4 =	vmand vm6, vm4  }
0x46: {  	v4 =	vnsel vm4, $0xFFFFFFFF, v3  }
0x47: {  	s31 =	sand.u32 $0x1, s0  }
0x48: {  	s0 =	simm.s32 $0x7D0;
	p1 =	seq.s32 s31, $0x1  }
0x49: {  	s0 =	simm.s32 @!p1 $0x0  }
0x4a: {  	s2 =	sadd.s32 $0x2030, s0;
	(ifvalue) =	ssetifvalue $0xFFFFFFFF  }
0x4b: {  	v3 =	vperm.xlane v3, v1;
	[tilespmem:s2], [sflag:$0x8] =	stream.indirect_vreg.gather [hbm4b:s1+s16], $0x1, v4, vm0, $0x4038;
	v4 =	vnsel vm6, $0xFFFFFFFE, v4;
	[tilespmem:$0x4770] =	vst v63  }
0x4c: {  	s22 =	sadd.s32 $0xFFFFFFF0, s26;
	s6 =	simm.s32 $0x0;
	[tilespmem:s26+$0x0] =	vst v4  }
.LBB2_3:
0x4d: {  	v4 =	vld.msk [tilespmem:s22+$0x0 ss:$0x1], $0xffff;
	s6 =	sadd.s32 $0x10, s6;
	v5 =	vmov v3;
	s26 =	smov.u32 s22  }
0x4e: {  	p1 =	slt.u32 s6, $0x7C0;
	_ =	sdelay $0x4  }
0x4f: {  	v3 =	vperm.xlane v4, v1;
	(xrf1) =	vunique.msk.u32 $0xffff, v4;
	_ =	sdelay $0xd  }
0x50: {  	v6, _, _ =	vpop (xrf1)  }
0x51: {  	vm5 =	vne.s32 v4, v5;
	vm4 =	veq.s32 v6, v2  }
0x52: {  	vm6 =	vlt.u32 v4, $0x8000;
	vm4 =	vmand vm5, vm4  }
0x53: {  	vm4 =	vmand vm6, vm4  }
0x54: {  	v4 =	vnsel vm4, $0xFFFFFFFF, v4  }
.Ltmp3:
0x55: {  	v5 =	vnsel vm6, $0xFFFFFFFE, v4;
	(pc) =	sbr.rel @p1 .LBB2_3-.Ltmp3, $3  }
0x56: {  	_ =	sdelay $0x1  }
0x57: {  	s22 =	sadd.s32 $0xFFFFFFF0, s22;
	s2 =	sadd.s32 $0xFFFFFFF0, s2;
	(ifvalue) =	ssetifvalue $0xFFFFFFFF  }
0x58: {  	[tilespmem:s2], [sflag:$0x8] =	stream.indirect_vreg.gather [hbm4b:s1+s16], $0x1, v4, vm0, $0x4038;
	[tilespmem:s26+$0x0] =	vst v5  }
0x59: {  	s2 =	sshrl.u32 s25, $0x3;
	s6 =	rddreg [dreg:$0x2]  }
0x5a: {  	s0 =	sadd.s32 $0x2810, s0;
	s2 =	sadd.s32 s6, s2  }
0x5b: {  	[tilespmem:s0], [sflag:$0x8] =	stream.linear.gather [hbm:s2], $0x7D0, $0x38;
	[tilespmem:$0x4770] =	vst v63  }
.LBB2_5:
0x5c: {  	p1 =	slt.u32 s24, $0x2  }
0x5d: {  	p2 =	sge.u32 @!p1 s24, s12  }
0x5e: {  	p1 =	por p1, p2  }
.Ltmp4:
0x5f: {  	_ = 	snop;
	(pc) =	sbr.rel @p1 .LBB2_9-.Ltmp4, $1  }
0x60: {  	_ =	sdelay $0x3  }
0x61: {  	s0 =	sadd.s32 $0xFFFFFFFE, s24  }
0x62: {  	s2 =	smulhi.u32 $0xAAAAAAAB, s0;
	_ =	sdelay $0x1  }
0x63: {  	s2 =	sshrl.u32 s2, $0x1  }
0x64: {  	s2 =	smul.u32 $0x3, s2;
	_ =	sdelay $0x1  }
0x65: {  	_ =	swait.ge [sflag:s8], $0xFA0;
	s0 =	ssub.s32 s0, s2  }
0x66: {  	s6 =	rddreg [dreg:$0x3];
	s0 =	smul.u32 $0x7D0, s0  }
0x67: {  	[sflag:s8] =	ssyncset.done $0x0;
	p1 =	sne.s32 s24, s6  }
0x68: {  	[sflag:s8] =	ssyncadd.s32 $0xFFFFF060;
	s6 =	rddreg [dreg:$0x4];
	s2 =	sadd.s32 @!p1 $0x8CF, s0  }
0x69: {  	[spmem:s6] =	stream.linear.scatter @!p1 [tilespmem:s2], [sflag:$0x1], $0x1, $0x38;
	[tilespmem:$0x4770] =	vst v63  }
0x6a: {  	s2 =	simm.s32 @!p1 $0x1  }
0x6b: {  	_ =	swait.ge @!p1 [sflag:s2], $0x1  }
0x6c: {  	s11 =	sshll.u32 s24, $0x4;
	[sflag:s2] =	ssyncset.done @!p1 $0x0  }
0x6d: {  	s25 =	sand.u32 $0x10, s11;
	[sflag:s2] =	ssyncadd.s32 @!p1 $0xFFFFFFFF  }
0x6e: {  	s2 =	sxor.u32 $0x10, s25;
	v4 =	vld [tilespmem:s25+$0x10]  }
0x6f: {  	v5 =	vld [tilespmem:s2+$0x60]  }
0x70: {  	v3 =	vld [tilespmem:$0x80];
	_ =	sdelay $0x2  }
0x71: {  	(v2sf) =	vpush v4, $0x0  }
0x72: {  	(v2sf) =	vpush v5, $0x0  }
0x73: {  	(v2sf) =	vpush v3, $0x0;
	_ =	sdelay $0xc  }
0x74: {  	s13 =	spop (v2sf)  }
0x75: {  	s22 =	spop (v2sf)  }
0x76: {  	s26 =	spop (v2sf)  }
0x77: {  	p2 =	seq.s32 s13, s22;
	p3 =	seq.s32 s26, s13  }
0x78: {  	p3 =	por p2, p3  }
0x79: {  	s22 =	sand.u32 $0x1, s24;
	v4 =	vpsel p3, $0xFFFFFFFF, v4  }
0x7a: {  	s28 =	smul.u32 $0x7D0, s22;
	[tilespmem:s25+$0x10] =	vst.msk $0x1, v4  }
0x7b: {  	v4 =	vld [tilespmem:$0x30]  }
0x7c: {  	v5 =	vld [tilespmem:s28+$0x2810]  }
0x7d: {  	v6 =	vld [tilespmem:s25+$0x40];
	_ =	sdelay $0x3  }
0x7e: {  	vm4 =	vmmov vm1;
	vm6 =	vmmov vm2;
	vm5 =	vlt.s32 v4, v5  }
0x7f: {  	vm4 =	vmmov @p2 vm2;
	v5 =	vsel vm5, v4, v5;
	vm5 =	vlt.s32 v4, v6  }
0x80: {  	s6 =	sshll.u32 s22, $0x4;
	vm6 =	vmmov @p3 vm1;
	v4 =	vsel vm5, v4, v6;
	[tilespmem:s28+$0x2810] =	vst.msk vm4, v5  }
0x81: {  	[tilespmem:s6+$0x4750] =	vst.msk vm6, v4  }
0x82: {  	v4 =	vld [tilespmem:s28+$0x2030];
	_ =	sdelay $0x4  }
0x83: {  	v4 =	vshift.insert v4, v1, s21  }
0x84: {  	s11 =	sor.u32 $0x40, s2  }
0x85: {  	v5 =	vimm.s32 $0x7FFFFFFF;
	[tilespmem:s11+$0x0] =	vst.msk $0x1, v4  }
0x86: {  	[tilespmem:s28+$0x203F] =	vst.msk $0x1, v5  }
0x87: {  	v4 =	vld [tilespmem:s0+$0x8C0];
	_ =	sdelay $0x1  }
0x88: {  	s0 =	simm.s32 $0x1  }
0x89: {  	s13 =	smulhi.u32 $0xAAAAAAAB, s20;
	s0 =	simm.s32 @!p0 $0x0  }
0x8a: {  	s0 =	smul.u32 $0x1F40, s0  }
0x8b: {  	s22 =	sshrl.u32 s13, $0x1;
	v4 =	vshift.insert v4, v1, s21  }
0x8c: {  	s22 =	smul.u32 $0xFFFFA240, s22;
	s0 =	sshrl.u32 s0, $0x2  }
0x8d: {  	s11 =	sadd.s32 $0x2810, s0;
	[tilespmem:s2+$0x10] =	vst.msk $0x1, v4  }
0x8e: {  	s22 =	sshra.s32 s22, $0x2;
	v6 =	vld [tilespmem:s11+$0x0]  }
0x8f: {  	s2 =	sadd.s32 s22, s19  }
0x90: {  	v7 =	vld [tilespmem:s2+$0x0];
	_ =	sdelay $0x2  }
0x91: {  	vm4 =	vlt.s32 v6, v5  }
0x92: {  	v5 =	vsel vm4, v6, v5  }
0x93: {  	vm4 =	vne.s32 v7, $0xFFFFFFFF;
	v5 =	vxor.u32 $0x80000000, v5  }
0x94: {  	(xrf0) =	vmin.seg.scan.u32 vm4, v5  }
0x95: {  	s13 =	sadd.s32 $0x1870, s0  }
0x96: {  	v8 =	vld [tilespmem:s13+$0x0]  }
0x97: {  	v6 =	vld [tilespmem:$0xA0];
	_ =	sdelay $0x2  }
0x98: {  	v5 =	vperm.xlane v4, v1;
	v9, _, _ =	vpop (xrf0)  }
0x99: {  	vm6 =	veq.s32 v7, v3;
	v9 =	vxor.u32 $0x80000000, v9  }
0x9a: {  	vm8 =	veq.s32 v7, v5;
	vm5 =	veq.s32 v6, $0x1;
	vm7 =	vlt.s32 v9, v8  }
0x9b: {  	vm8 =	vmor vm8, vm6;
	v6 =	vsel vm7, v9, v8;
	vm7 =	vgt.u32 v7, $0xFFFFFFFD  }
0x9c: {  	v10 =	vld [tilespmem:$0x90];
	vm9 =	vmand vm4, vm3;
	vm4 =	vmor vm5, vm6;
	vm5 =	vmor vm8, vm7  }
0x9d: {  	v8 =	vsel vm5, $0xFFFFFFFF, v7;
	_ =	sdelay $0x1  }
0x9e: {  	s31 =	simm.s32 $0x0;
	s29 =	sadd.s32 $0x4750, s6  }
0x9f: {  	s30 =	sadd.s32 $0x37B0, s0;
	s0 =	sadd.s32 $0x10, s11;
	s6 =	sadd.s32 $0x10, s13;
	v11 =	vsel vm9, $0x7FFFFFFF, v9;
	v6 =	vsel vm6, v9, v6  }
0xa0: {  	s22 =	sadd.s32 $0x10, s30;
	s2 =	sadd.s32 $0x10, s2;
	[tilespmem:s30+$0x0] =	vst v6;
	v6 =	vsel vm6, v9, v10;
	v7 =	vshift.insert v11, v0, s21;
	(ifvalue) =	ssetifvalue $0xFFFFFFFF  }
.LBB2_7:
0xa1: {  	[hbm4b:s1+s16] =	stream.indirect_vreg.scatter [tilespmem:s30], [sflag:$0x2], $0x1, v8, vm0, $0x4038;
	[tilespmem:$0x4770] =	vst v63  }
0xa2: {  	s31 =	sadd.s32 $0x10, s31;
	s30 =	smov.u32 s22;
	v8 =	vld [tilespmem:s0+$0x0]  }
0xa3: {  	p2 =	slt.u32 s31, $0x7C0  }
0xa4: {  	v9 =	vld [tilespmem:s2+$0x0];
	_ =	sdelay $0x2  }
0xa5: {  	vm5 =	vlt.s32 v8, v7  }
0xa6: {  	v7 =	vsel vm5, v8, v7  }
0xa7: {  	vm5 =	vne.s32 v9, $0xFFFFFFFF;
	v7 =	vxor.u32 $0x80000000, v7  }
0xa8: {  	(xrf0) =	vmin.seg.scan.u32 vm5, v7;
	_ =	sdelay $0x2  }
0xa9: {  	v7 =	vld [tilespmem:s6+$0x0];
	_ =	sdelay $0x1  }
0xaa: {  	vm6 =	veq.s32 v9, v3;
	vm7 =	veq.s32 v9, v5  }
0xab: {  	vm8 =	vgt.u32 v9, $0xFFFFFFFD;
	vm4 =	vmor vm4, vm6;
	vm7 =	vmor vm7, vm6;
	v8, _, _ =	vpop (xrf0)  }
0xac: {  	vm5 =	vmand vm5, vm3;
	vm7 =	vmor vm7, vm8;
	v10 =	vxor.u32 $0x80000000, v8  }
.Ltmp5:
0xad: {  	v8 =	vsel vm7, $0xFFFFFFFF, v9;
	vm7 =	vlt.s32 v10, v7;
	v9 =	vsel vm5, $0x7FFFFFFF, v10;
	(pc) =	sbr.rel @p2 .LBB2_7-.Ltmp5, $4  }
0xae: {  	v6 =	vsel vm6, v10, v6;
	v11 =	vsel vm7, v10, v7;
	v7 =	vshift.insert v9, v0, s21  }
0xaf: {  	v9 =	vsel vm6, v10, v11  }
0xb0: {  	s0 =	sadd.s32 $0x10, s0;
	s2 =	sadd.s32 $0x10, s2;
	[tilespmem:s22+$0x0] =	vst v9  }
0xb1: {  	s6 =	sadd.s32 $0x10, s6;
	s22 =	sadd.s32 $0x10, s22;
	(ifvalue) =	ssetifvalue $0xFFFFFFFF  }
0xb2: {  	_ =	sdelay $0x3  }
0xb3: {  	[hbm4b:s1+s16] =	stream.indirect_vreg.scatter [tilespmem:s30], [sflag:$0x2], $0x1, v8, vm0, $0x4038;
	[tilespmem:$0x4770] =	vst v63  }
0xb4: {  	v3 =	vld [tilespmem:s28+$0x3F70];
	_ =	sdelay $0x4  }
0xb5: {  	v3 =	vshift.insert v3, v1, s21  }
0xb6: {  	s0 =	simm.s32 $0x30  }
0xb7: {  	[tilespmem:s0+$0x0] =	vst.msk $0x1, v3  }
0xb8: {  	v3 =	vsel vm4, $0x1, v1;
	[tilespmem:$0x90] =	vst v6  }
0xb9: {  	s0 =	sadd.s32 @!p1 $0x3F7F, s28;
	[tilespmem:$0xA0] =	vst v3  }
0xba: {  	[spmem:s14] =	stream.linear.scatter @!p1 [tilespmem:s0], [sflag:$0x1], $0x1, $0x38;
	[tilespmem:$0x4770] =	vst v63  }
0xbb: {  	s0 =	simm.s32 @!p1 $0x1  }
0xbc: {  	v3 =	vmctz.xlane @!p1 vm4;
	_ =	swait.ge @!p1 [sflag:s0], $0x1  }
0xbd: {  	(v2sf) =	vpush @!p1 v4, $0x0  }
0xbe: {  	(v2sf) =	vpush @!p1 v3, $0x0;
	_ =	sdelay $0xd  }
0xbf: {  	s2 =	spop @!p1 (v2sf)  }
0xc0: {  	s6 =	spop @!p1 (v2sf)  }
0xc1: {  	p2 =	sne.s32 @!p1 s26, s2;
	p3 =	slt.s32 @!p1 s6, $0xF  }
0xc2: {  	[sflag:s0] =	ssyncset.done @!p1 $0x0;
	p2 =	por p2, p1;
	p3 =	por !p3, p1  }
0xc3: {  	[sflag:s0] =	ssyncadd.s32 @!p1 $0xFFFFFFFF;
	v3 =	vimm.s32 @!p2 $0xFFFFFFFF;
	s6 =	simm.s32 @p3 $0xF  }
0xc4: {  	[tilespmem:$0x80] =	vst @!p2 v3;
	s2 =	sadd.s32 @!p1 $0x90, s6  }
0xc5: {  	[spmem:s10] =	stream.linear.scatter @!p1 [tilespmem:s2], [sflag:$0x1], $0x1, $0x38;
	[tilespmem:$0x4770] =	vst v63  }
0xc6: {  	_ =	swait.ge @!p1 [sflag:s0], $0x1  }
0xc7: {  	[sflag:s0] =	ssyncset.done @!p1 $0x0  }
0xc8: {  	s2 =	simm.s32 @!p1 $0x80;
	[sflag:s0] =	ssyncadd.s32 @!p1 $0xFFFFFFFF  }
0xc9: {  	[spmem:s15] =	stream.linear.scatter @!p1 [tilespmem:s2], [sflag:$0x1], $0x1, $0x38;
	[tilespmem:$0x4770] =	vst v63  }
0xca: {  	_ =	swait.ge @!p1 [sflag:s0], $0x1  }
0xcb: {  	[sflag:s0] =	ssyncset.done @!p1 $0x0  }
0xcc: {  	[sflag:s0] =	ssyncadd.s32 @!p1 $0xFFFFFFFF;
	(ifvalue) =	ssetifvalue $0xFFFFFFFF;
	v3 =	vld [tilespmem:s25+$0x10];
	_ =	sdelay $0x3  }
.Ltmp6:
0xcd: {  	_ = 	snop;
	(pc) =	sbr.rel .LBB2_9-.Ltmp6, $3  }
0xce: {  	_ =	sdelay $0x1  }
0xcf: {  	(ifvalue) =	ssetifvalue $0xFFFFFFFF  }
0xd0: {  	[hbm4b:s1+s16] =	stream.indirect_vreg.scatter [tilespmem:s29], [sflag:$0x9], $0x1, v3, vm0, $0x4038;
	[tilespmem:$0x4770] =	vst v63  }
.LBB2_10:
0xd1: {  	_ =	sfence.sel $0x180000  }
0xd2: {  	s0 =	simm.s32 $0x7;
	[bflag:$0x0] =	sbarrier.arrive $0xFFFF  }
0xd3: {  	s26 =	simm.s32 $0x8;
	[sflag:s0] =	ssyncpa.u1 $0x1  }
0xd4: {  	s28 =	simm.s32 $0x9;
	[sflag:s26] =	ssyncpa.u1 $0x1  }
0xd5: {  	[sflag:s28] =	ssyncpa.u1 $0x1  }
0xd6: {  	_ =	sfence.stream.spmem  }
0xd7: {  	s29 =	simm.s32 $0x3;
	[bflag:$0x0] =	sbarrier.arrive $0xFFFF  }
0xd8: {  	s30 =	simm.s32 $0x4;
	[sflag:s29] =	ssyncpa.u1 $0x1  }
0xd9: {  	s31 =	simm.s32 $0x3C;
	s2 =	stileid.u32;
	[sflag:s30] =	ssyncpa.u1 $0x1  }
0xda: {  	p0 =	sne.s32 s2, $0x0;
	[sflag:s31] =	ssyncpa.u1 $0x1  }
0xdb: {  	s0 =	simm.s32 @p0 $0x1;
	_ =	sfence @p0  }
0xdc: {  	[sflag:s0] =	ssyncpa.u1 @p0 $0x1;
	s0 =	simm.s32 @p0 $0x2  }
0xdd: {  	[sflag:s0] =	ssyncpa.u1 @p0 $0x1  }
0xde: {  	_ =	strace @p0 $0x9000004A  }
0xdf: {  	[bflag:$0x2] =	sbarrier.arrive @p0 $0xFFFF  }
0xe0: {  	_ =	shalt @p0  }
.LBB2_11:
0xe1: {  	_ =	sfence.stream.spmem;
	s0 =	simm.s32 $0x5  }
0xe2: {  	s2 =	simm.s32 $0x80;
	s3 =	simm.s32 $0xC0;
	[sflag:s0] =	ssyncpa.u1 $0x0  }
0xe3: {  	[tilespmem:s3], [sflag:$0x5] =	stream.linear.gather [spmem:s2], $0x20, $0x38;
	[tilespmem:$0x4770] =	vst v63  }
0xe4: {  	s30 =	simm.s32 $0xE0;
	s2 =	simm.s32 $0x0  }
0xe5: {  	[tilespmem:s30], [sflag:$0x5] =	stream.linear.gather [spmem:s2], $0x20, $0x38;
	[tilespmem:$0x4770] =	vst v63  }
.Ltmp7:
0xe6: {  	_ = 	snop;
	(pc) =	sbr.rel .LBB2_12-.Ltmp7, $4  }
0xe7: {  	_ =	swait.ge [sflag:s0], $0x40  }
0xe8: {  	[sflag:s0] =	ssyncset.done $0x0  }
0xe9: {  	s31 =	simm.s32 $0x6;
	[sflag:s0] =	ssyncadd.s32 $0xFFFFFFC0  }
0xea: {  	s3 =	simm.s32 $0x0;
	[sflag:s31] =	ssyncpa.u1 $0x0  }
.LBB2_17:
0xeb: {  	p0 =	sgt.u32 s4, $0x7FFF  }
0xec: {  	s0 =	sshrl.u32 @!p0 s4, $0x3  }
0xed: {  	s4 =	sand.u32 @!p0 $0x7, s4;
	s5 =	simm.s32 @!p0 $0xB0;
	s0 =	sadd.s32 @!p0 s1, s0  }
0xee: {  	[tilespmem:s5], [sflag:$0x6] =	stream.linear.gather @!p0 [hbm4b:s0+s4], $0x1, $0x38;
	[tilespmem:$0x4770] =	vst v63  }
0xef: {  	s0 =	simm.s32 @!p0 $0x6  }
0xf0: {  	_ =	swait.ge @!p0 [sflag:s0], $0x1  }
0xf1: {  	[sflag:s0] =	ssyncset.done @!p0 $0x0  }
0xf2: {  	[sflag:s0] =	ssyncadd.s32 @!p0 $0xFFFFFFFF  }
0xf3: {  	v1 =	vld.msk @!p0 [tilespmem:$0xB0], $0x1  }
0xf4: {  	v2 =	vld.msk @!p0 [tilespmem:s3+$0xE0], $0x1;
	_ =	sdelay $0x4  }
0xf5: {  	vm0 =	vlt.s32 @!p0 v2, v1  }
0xf6: {  	v1 =	vsel @!p0 vm0, v2, v1  }
0xf7: {  	[tilespmem:s3+$0xE0] =	vst.msk @!p0 $0x1, v1  }
0xf8: {  	[tilespmem:s2+$0xC0] =	vst.msk $0x1, v0  }
0xf9: {  	v0 =	vld.msk [tilespmem:s3+$0xE0], $0x1;
	_ =	sdelay $0x4  }
0xfa: {  	[tilespmem:s2+$0xE0] =	vst.msk $0x1, v0;
	s2 =	sadd.s32 $0x1, s2  }
.LBB2_19:
0xfb: {  	s3 =	sadd.s32 $0x1, s3  }
0xfc: {  	p0 =	sne.s32 s3, $0x20  }
.Ltmp8:
0xfd: {  	_ = 	snop;
	(pc) =	sbr.rel @!p0 .LBB2_20-.Ltmp8, $1  }
0xfe: {  	_ =	sdelay $0x3  }
.LBB2_12:
0xff: {  	v0 =	vld.msk [tilespmem:s3+$0xC0], $0x1;
	_ =	sdelay $0x4  }
0x100: {  	(v2sf) =	vpush v0, $0x0;
	_ =	sdelay $0xe  }
0x101: {  	s4 =	spop (v2sf)  }
0x102: {  	p0 =	seq.s32 s4, $0xFFFFFFFF  }
.Ltmp9:
0x103: {  	_ = 	snop;
	(pc) =	sbr.rel @p0 .LBB2_19-.Ltmp9, $1  }
0x104: {  	_ =	sdelay $0x3  }
0x105: {  	p0 =	slt.s32 s2, $0x1  }
.Ltmp10:
0x106: {  	_ = 	snop;
	(pc) =	sbr.rel @p0 .LBB2_17-.Ltmp10, $1  }
0x107: {  	_ =	sdelay $0x3  }
0x108: {  	s0 =	simm.s32 $0xC0;
	p0 =	por $0x0, $0x0  }
0x109: {  	v1 =	vld.msk @!p0 [tilespmem:s0+$0x0], $0x1;
	_ =	sdelay $0x4  }
0x10a: {  	(v2sf) =	vpush @!p0 v1, $0x0;
	_ =	sdelay $0xd  }
0x10b: {  	p2 =	sne.s32 s2, $0x1  }
.Ltmp11:
0x10c: {  	s5 =	spop @!p0 (v2sf);
	(pc) =	sbr.rel @!p2 .LBB2_16-.Ltmp11, $4  }
0x10d: {  	p1 =	seq.s32 @!p0 s4, s5  }
0x10e: {  	s5 =	simm.s32 $0x0;
	p1 =	por !p1, p0  }
0x10f: {  	s7 =	simm.s32 $0xFFFFFFFF;
	s5 =	simm.s32 @p1 $0xFFFFFFFF  }
0x110: {  	s6 =	simm.s32 $0x1;
	s5 =	smov.u32 @p0 s7  }
.LBB2_15:
0x111: {  	s7 =	smov.u32 s5;
	p0 =	sne.s32 s5, $0xFFFFFFFF  }
0x112: {  	s0 =	sadd.s32 $0x1, s0;
	s5 =	smov.u32 s6;
	s6 =	sadd.s32 $0x1, s6  }
0x113: {  	p1 =	sne.s32 s2, s6;
	v1 =	vld.msk @!p0 [tilespmem:s0+$0x0], $0x1;
	_ =	sdelay $0x4  }
0x114: {  	(v2sf) =	vpush @!p0 v1, $0x0;
	_ =	sdelay $0xe  }
.Ltmp12:
0x115: {  	s8 =	spop @!p0 (v2sf);
	(pc) =	sbr.rel @p1 .LBB2_15-.Ltmp12, $4  }
0x116: {  	p2 =	seq.s32 @!p0 s4, s8  }
0x117: {  	p2 =	por !p2, p0  }
0x118: {  	s5 =	simm.s32 @p2 $0xFFFFFFFF  }
0x119: {  	s5 =	smov.u32 @p0 s7  }
.LBB2_16:
0x11a: {  	p0 =	sne.s32 s5, $0xFFFFFFFF  }
.Ltmp13:
0x11b: {  	_ = 	snop;
	(pc) =	sbr.rel @!p0 .LBB2_17-.Ltmp13, $1  }
0x11c: {  	_ =	sdelay $0x3  }
0x11d: {  	v0 =	vld.msk [tilespmem:s3+$0xE0], $0x1  }
0x11e: {  	v1 =	vld.msk [tilespmem:s5+$0xE0], $0x1;
	_ =	sdelay $0x2  }
.Ltmp14:
0x11f: {  	_ = 	snop;
	(pc) =	sbr.rel .LBB2_19-.Ltmp14, $4  }
0x120: {  	_ = 	snop  }
0x121: {  	vm0 =	vlt.s32 v1, v0  }
0x122: {  	v0 =	vsel vm0, v1, v0  }
0x123: {  	[tilespmem:s5+$0xE0] =	vst.msk $0x1, v0  }
.LBB2_20:
0x124: {  	p0 =	slt.s32 s2, $0x1  }
.Ltmp15:
0x125: {  	_ = 	snop;
	(pc) =	sbr.rel @p0 .LBB2_24-.Ltmp15, $3  }
0x126: {  	_ =	sdelay $0x1  }
0x127: {  	s0 =	simm.s32 $0x6  }
0x128: {  	s3 =	simm.s32 $0x0;
	[sflag:s0] =	ssyncpa.u1 $0x1  }
0x129: {  	s0 =	simm.s32 $0xC0  }
0x12a: {  	v0 =	vld.msk [tilespmem:s0+$0x0], $0x1;
	_ =	sdelay $0x4  }
0x12b: {  	(v2sf) =	vpush v0, $0x0;
	_ =	sdelay $0xe  }
0x12c: {  	s2 =	sadd.s32 $0xFFFFFFFF, s2;
	s4 =	spop (v2sf)  }
0x12d: {  	p1 =	sne.s32 s2, $0x0;
	p0 =	sgt.u32 s4, $0x7FFF  }
.Ltmp16:
0x12e: {  	s5 =	sshrl.u32 @!p0 s4, $0x3;
	(pc) =	sbr.rel @!p1 .LBB2_23-.Ltmp16, $4  }
0x12f: {  	s0 =	simm.s32 $0xE0;
	s4 =	sand.u32 @!p0 $0x7, s4;
	s5 =	sadd.s32 @!p0 s1, s5  }
0x130: {  	[hbm4b:s5+s4] =	stream.linear.scatter @!p0 [tilespmem:s0], [sflag:$0x5], $0x1, $0x38;
	[tilespmem:$0x4770] =	vst v63  }
0x131: {  	s5 =	simm.s32 $0x0  }
0x132: {  	s4 =	simm.s32 $0xC1;
	s5 =	simm.s32 @!p0 $0x4  }
.LBB2_22:
0x133: {  	v0 =	vld.msk [tilespmem:s4+$0x0], $0x1;
	s2 =	sadd.s32 $0xFFFFFFFF, s2;
	s3 =	sadd.s32 s3, s5  }
0x134: {  	p0 =	sne.s32 s2, $0x0;
	_ =	sdelay $0x3  }
0x135: {  	(v2sf) =	vpush v0, $0x0;
	_ =	sdelay $0xe  }
.Ltmp17:
0x136: {  	s6 =	spop (v2sf);
	(pc) =	sbr.rel @p0 .LBB2_22-.Ltmp17, $4  }
0x137: {  	s5 =	simm.s32 $0x0;
	p1 =	sgt.u32 s6, $0x7FFF  }
0x138: {  	s0 =	sadd.s32 $0x1, s0;
	s5 =	simm.s32 @!p1 $0x4;
	s7 =	sshrl.u32 @!p1 s6, $0x3  }
0x139: {  	s4 =	sadd.s32 $0x1, s4;
	s6 =	sand.u32 @!p1 $0x7, s6;
	s7 =	sadd.s32 @!p1 s1, s7  }
0x13a: {  	[hbm4b:s7+s6] =	stream.linear.scatter @!p1 [tilespmem:s0], [sflag:$0x5], $0x1, $0x38;
	[tilespmem:$0x4770] =	vst v63  }
.LBB2_23:
0x13b: {  	s0 =	sadd.s32 s3, s5  }
0x13c: {  	s3 =	sshrl.u32 s0, $0x2  }
.LBB2_24:
0x13d: {  	s0 =	simm.s32 $0x5  }
0x13e: {  	_ =	swait.ge [sflag:s0], s3  }
0x13f: {  	s1 =	ssub.s32 $0x0, s3;
	[sflag:s0] =	ssyncset.done $0x0  }
0x140: {  	[sflag:s0] =	ssyncadd.s32 s1  }
0x141: {  	[sflag:s0] =	ssyncpa.u1 $0x1  }
0x142: {  	s29 =	simm.s32 $0x1;
	_ =	sfence  }
0x143: {  	s30 =	simm.s32 $0x2;
	[sflag:s29] =	ssyncpa.u1 $0x1  }
0x144: {  	[sflag:s30] =	ssyncpa.u1 $0x1  }
0x145: {  	_ =	strace $0x9000004A  }
0x146: {  	[bflag:$0x2] =	sbarrier.arrive $0xFFFF  }
0x147: {  	s31 =	rddreg [dreg:$0x1]  }
0x148: {  	s0 =	sadd.s32 $0x100000, s31  }
0x149: {  	[sflag:s0] =	ssyncadd.tile.s32 $0x1;
	_ =	shalt  }
.Lfunc_end2:
_tile_overlayer_lowered:
.L_overlay_start_2:
0x14a: {  	(tag) =	ssettag $0x2  }
0x14b: {  	s0 =	rddreg [dreg:$0x0];
	s2 =	stileid.u32  }
0x14c: {  	s1 =	rddreg [dreg:$0x1];
	p0 =	sne.s32 s2, $0x0  }
0x14d: {  	s3 =	rddreg [dreg:$0x2];
	[bflag:$0x3] =	sbarrier.arrive $0xFFFF;
	s2 =	simm.s32 @!p0 $0x1C01  }
0x14e: {  	[timem:s3], [sflag:s2] =	dma.local @!p0 [hbm:s0], s1  }
0x14f: {  	s0 =	simm.s32 @!p0 $0x1  }
0x150: {  	_ =	swait.ge @!p0 [sflag:s0], s1  }
0x151: {  	s1 =	ssub.s32 @!p0 $0x0, s1;
	[sflag:s0] =	ssyncset.done @!p0 $0x0  }
0x152: {  	[sflag:s0] =	ssyncadd.s32 @!p0 s1  }
0x153: {  	[bflag:$0x3] =	sbarrier.arrive $0xFFFF  }
0x154: {  	_ =	shalt  }

</sc_bundles>
